<compile_context>
chip_gen: v7x
topology: tpu7x:2x2x1
jax: 0.10.2.dev20260603
libtpu: 0.0.44.dev20260713+nightly
codegen_flags: <defaults>
</compile_context>

<pallas_src>
import jax
import jax.numpy as jnp
from jax import lax
from jax.experimental import pallas as pl
from jax.experimental.pallas import tpu as pltpu
from jax.experimental.pallas import tpu_sc as plsc

N_DATA = 100000
N_DIM = 128
BSZ = 256
K = 2048
T = 0.07
M = 0.5
EPS = 1e-12

RB = 2048
NBLK = 49
NPAD = RB * NBLK
SLAB = NPAD // 128
NW = 32
BPW = BSZ // NW
NCH = 24
PADW = NCH * 128


def _mm_body(xz_ref, mem_ref, f_ref, base_ref):
    a = mem_ref[...]
    d = lax.dot_general(xz_ref[...], a.astype(jnp.bfloat16),
                        (((1,), (1,)), ((), ())),
                        preferred_element_type=jnp.float32)
    def rne(v32):
        return (v32 + 0x7FFF + ((v32 >> 16) & 1)) & jnp.uint32(0xFFFF0000)

    xb = rne(lax.bitcast_convert_type(d[:BSZ], jnp.uint32))
    zb = rne(lax.bitcast_convert_type(d[BSZ:], jnp.uint32))
    packed = lax.bitcast_convert_type((xb >> 16) | zb, jnp.int32)
    f_ref[0] = packed
    base_ref[...] = a


def _logits_all(memory, xz):
    return pl.pallas_call(
        _mm_body,
        grid=(NBLK,),
        in_specs=[
            pl.BlockSpec((2 * BSZ, N_DIM), lambda i: (0, 0)),
            pl.BlockSpec((RB, N_DIM), lambda i: (i, 0)),
        ],
        out_specs=[
            pl.BlockSpec((1, BSZ, RB), lambda i: (i, 0, 0)),
            pl.BlockSpec((RB, N_DIM), lambda i: (i, 0)),
        ],
        out_shape=[
            jax.ShapeDtypeStruct((NBLK, BSZ, RB), jnp.int32),
            jax.ShapeDtypeStruct((N_DATA, N_DIM), jnp.float32),
        ],
    )(xz, memory)


def _sc_gather(ftp_hbm, g_hbm, y_hbm, mem_hbm, lxz_hbm, my_hbm,
               row_v, g_v, y_v, my_v, rsem, ssem):
    wid = lax.axis_index("s") * 2 + lax.axis_index("c")
    b0 = wid * BPW
    pltpu.sync_copy(y_hbm.at[pl.ds(b0, BPW)], y_v)
    row_cp = pltpu.async_copy(mem_hbm.at[y_v], my_v, rsem)

    @pl.loop(0, BPW)
    def _per_b(lb):
        b = b0 + lb
        cp1 = pltpu.async_copy(
            ftp_hbm.at[:, b, pl.ds(0, RB // 2)],
            row_v.at[:, pl.ds(0, RB // 2)], ssem)
        cp2 = pltpu.async_copy(
            ftp_hbm.at[:, b, pl.ds(RB // 2, RB // 2)],
            row_v.at[:, pl.ds(RB // 2, RB // 2)], ssem)
        pltpu.sync_copy(g_hbm.at[b], g_v)
        cp1.wait()
        cp2.wait()
        for t in range(NCH):
            for s in range(8):
                g16 = g_v[t, pl.ds(s * 16, 16)]
                ir = lax.shift_right_logical(g16, 11)
                ic = lax.bitwise_and(g16, 2047)
                g_v[t, pl.ds(s * 16, 16)] = plsc.load_gather(row_v, [ir, ic])
        pltpu.sync_copy(g_v, lxz_hbm.at[b])

    row_cp.wait()
    pltpu.sync_copy(my_v, my_hbm.at[pl.ds(b0, BPW)])


def _sc_gather_call(ftp, g2, y32, memory):
    mesh = plsc.VectorSubcoreMesh(core_axis_name="c", subcore_axis_name="s")
    return pl.kernel(
        _sc_gather,
        out_type=(
            jax.ShapeDtypeStruct((BSZ, NCH, 128), jnp.int32),
            jax.ShapeDtypeStruct((BSZ, N_DIM), jnp.float32),
        ),
        mesh=mesh,
        scratch_types=[
            pltpu.VMEM((NBLK, RB), jnp.int32),
            pltpu.VMEM((NCH, 128), jnp.int32),
            pltpu.VMEM((BPW,), jnp.int32),
            pltpu.VMEM((BPW, N_DIM), jnp.float32),
            pltpu.SemaphoreType.DMA,
            pltpu.SemaphoreType.DMA,
        ],
        compiler_params=pltpu.CompilerParams(needs_layout_passes=False),
    )(ftp, g2, y32, memory)


def _upd_body(y_ref, w_ref, base_ref, my_ref, x_ref, out_ref, u_ref, sem):
    del base_ref
    u = my_ref[...] * M + x_ref[...] * (1.0 - M)
    nrm = jnp.sqrt(jnp.sum(u * u, axis=1, keepdims=True))
    u_ref[...] = u / jnp.maximum(nrm, EPS)

    def issue(b, _):
        pltpu.make_async_copy(
            u_ref.at[pl.ds(w_ref[b], 1)], out_ref.at[pl.ds(y_ref[b], 1)],
            sem).start()
        return 0

    lax.fori_loop(0, BSZ, issue, 0)

    def drain(b, _):
        pltpu.make_async_copy(
            u_ref.at[pl.ds(0, 1)], out_ref.at[pl.ds(0, 1)], sem).wait()
        return 0

    lax.fori_loop(0, BSZ, drain, 0)


def _update_call(y32, wv, base, my, x):
    return pl.pallas_call(
        _upd_body,
        in_specs=[
            pl.BlockSpec(memory_space=pltpu.SMEM),
            pl.BlockSpec(memory_space=pltpu.SMEM),
            pl.BlockSpec(memory_space=pltpu.HBM),
            pl.BlockSpec(memory_space=pltpu.VMEM),
            pl.BlockSpec(memory_space=pltpu.VMEM),
        ],
        out_specs=pl.BlockSpec(memory_space=pltpu.HBM),
        out_shape=jax.ShapeDtypeStruct((N_DATA, N_DIM), jnp.float32),
        scratch_shapes=[
            pltpu.VMEM((BSZ, N_DIM), jnp.float32),
            pltpu.SemaphoreType.DMA,
        ],
        input_output_aliases={2: 0},
    )(y32, wv, base, my, x)


def kernel(x, z, y, memory, idx):
    y32 = y.astype(jnp.int32)
    g = jnp.concatenate([y32[:, None], idx.astype(jnp.int32)], axis=1)
    g = jnp.pad(g, ((0, 0), (0, PADW - (K + 1))))
    g2 = g.reshape(BSZ, NCH, 128)
    xz = (jnp.concatenate([x, z], axis=0) / T).astype(jnp.bfloat16)
    ftp, base = _logits_all(memory, xz)
    lxz, my = _sc_gather_call(ftp, g2, y32, memory)
    lxz = lxz.reshape(BSZ, PADW)
    lx = lax.bitcast_convert_type(lxz << 16, jnp.float32)[:, :K + 1]
    lz = lax.bitcast_convert_type(lxz & (-65536), jnp.float32)[:, :K + 1]
    eq = y32[:, None] == y32[None, :]
    wv = jnp.max(
        jnp.where(eq, jnp.arange(BSZ, dtype=jnp.int32)[None, :], -1), axis=1)
    new_memory = _update_call(y32, wv, base, my, x)
    return lx, lz, new_memory

# --- scband reference (transcript-rebuilt; emitter-appended) ---
"""Pipeline reference for scband-mem-ops-76321568850160 (READ-ONLY COPY).

The authoritative reference and input builder live on the scoring server;
editing this copy changes nothing except your own understanding.
"""

import jax, jax.numpy as jnp
import numpy as np

N_DATA = 100000
N_DIM = 128
BSZ = 256
K = 2048
T = 0.07
M = 0.5
EPS = 1e-12

def _l2_normalize(w):
    nrm = jnp.sqrt(jnp.sum(w * w, axis=1, keepdims=True))
    return w / jnp.maximum(nrm, EPS)

def setup_inputs(seed: int = 0) -> dict:
    key = jax.random.key(seed)
    k1, k2, k3, k4, k5 = jax.random.split(key, 5)
    x = jax.random.normal(k1, (BSZ, N_DIM), dtype=jnp.float32)
    z = jax.random.normal(k2, (BSZ, N_DIM), dtype=jnp.float32)
    y = jax.random.randint(k3, (BSZ,), 0, N_DATA, dtype=jnp.int64) if jax.config.jax_enable_x64 else jax.random.randint(k3, (BSZ,), 0, N_DATA, dtype=jnp.int32)
    memory = _l2_normalize(jax.random.normal(k4, (N_DATA, N_DIM), dtype=jnp.float32))
    # AliasMethod over uniform weights == uniform sampling of negative indices
    idx = jax.random.randint(k5, (BSZ, K), 0, N_DATA, dtype=jnp.int32)
    return {"x": x, "z": z, "y": y, "memory": memory, "idx": idx}

def _compute_logit(feat, w):
    # feat: [bsz, n_dim], w: [bsz, K+1, n_dim]
    out = jnp.matmul(w, feat[:, :, None])  # bmm -> [bsz, K+1, 1]
    out = out / T
    return jnp.squeeze(out, axis=2)

def reference(x, z, y, memory, idx):
    bsz = x.shape[0]
    n_dim = x.shape[1]
    mI = jnp.take(memory, y, axis=0)                       # [bsz, n_dim]
    w = jnp.take(memory, idx.reshape(-1), axis=0)          # [bsz*K, n_dim]
    w = w.reshape(bsz, K, n_dim)
    mcat = jnp.concatenate([mI[:, None, :], w], axis=1)    # [bsz, K+1, n_dim]
    lx = _compute_logit(x, mcat)
    lz = _compute_logit(z, mcat)
    # memory update (no-grad in torch): gather, EMA, renormalize, scatter-overwrite
    xd = jax.lax.stop_gradient(x)
    w_pos = jnp.take(memory, y, axis=0)
    w_pos = w_pos * M + xd * (1.0 - M)
    updated = _l2_normalize(w_pos)
    new_memory = memory.at[y].set(updated)
    return (lx, lz, new_memory)

if __name__ == "__main__":
    import jax
    _d = setup_inputs()
    print(jax.jit(kernel)(*tuple(_d.values())))

</pallas_src>

<mosaic_0001>
#map = affine_map<(d0, d1) -> (0, 0, 0)>
#map1 = affine_map<(d0, d1) -> (0)>
#map2 = affine_map<(d0, d1) -> (0, 0)>
module attributes {stable_mosaic.version = 14 : i64} {
  func.func @_sc_gather(%arg0: i32, %arg1: i32, %arg2: memref<49x256x2048xi32, #tpu.memory_space<hbm>>, %arg3: memref<256x24x128xi32, #tpu.memory_space<hbm>>, %arg4: memref<256xi32, #tpu.memory_space<hbm>>, %arg5: memref<100000x128xf32, #tpu.memory_space<hbm>>, %arg6: memref<256x24x128xi32, #tpu.memory_space<hbm>>, %arg7: memref<256x128xf32, #tpu.memory_space<hbm>>, %arg8: memref<49x2048xi32, #tpu.memory_space<vmem>>, %arg9: memref<24x128xi32, #tpu.memory_space<vmem>>, %arg10: memref<8xi32, #tpu.memory_space<vmem>>, %arg11: memref<8x128xf32, #tpu.memory_space<vmem>>, %arg12: memref<!tpu.dma_semaphore, #tpu.memory_space<semaphore_mem>>, %arg13: memref<!tpu.dma_semaphore, #tpu.memory_space<semaphore_mem>>) attributes {dimension_semantics = [#tpu.dimension_semantics<core_parallel>, #tpu.dimension_semantics<subcore_parallel>], iteration_bounds = array<i64: 2, 16>, scalar_prefetch = 0 : i64, scratch_operands = 6 : i64, tpu.core_type = #tpu.core_type<sc_vector_subcore>, window_params = [{transform_indices = #map}, {transform_indices = #map}, {transform_indices = #map1}, {transform_indices = #map2}, {transform_indices = #map}, {transform_indices = #map2}]} {
    %mul3A = arith.constant 2 : i32
    %mul3A_0 = arith.muli %arg1, %mul3A : i32
    %add3A = arith.addi %mul3A_0, %arg0 : i32
    %mul3A_1 = arith.constant 8 : i32
    %mul3A_2 = arith.muli %add3A, %mul3A_1 : i32
    "tpu.region"() ({
      %run_scoped3A = tpu.sem_alloc : memref<!tpu.dma_semaphore, #tpu.memory_space<semaphore_mem>>
      %dma_start3A_11 = tpu.memref_slice %arg4[%mul3A_2] : memref<256xi32, #tpu.memory_space<hbm>> -> memref<8xi32, #tpu.memory_space<hbm>>
      %dma_start3A_12 = tpu.memref_slice %arg4[%mul3A_2] : memref<256xi32, #tpu.memory_space<hbm>> -> memref<8xi32, #tpu.memory_space<hbm>>
      tpu.enqueue_dma source(%dma_start3A_12 : memref<8xi32, #tpu.memory_space<hbm>>) target(%arg10 : memref<8xi32, #tpu.memory_space<vmem>>) target_semaphore(%run_scoped3A : memref<!tpu.dma_semaphore, #tpu.memory_space<semaphore_mem>>)
      %dma_wait3A_13 = tpu.memref_slice %arg4[%mul3A_2] : memref<256xi32, #tpu.memory_space<hbm>> -> memref<8xi32, #tpu.memory_space<hbm>>
      %dma_wait3A_14 = tpu.memref_slice %arg4[%mul3A_2] : memref<256xi32, #tpu.memory_space<hbm>> -> memref<8xi32, #tpu.memory_space<hbm>>
      tpu.wait_dma2 semaphore(%run_scoped3A : memref<!tpu.dma_semaphore, #tpu.memory_space<semaphore_mem>>) src(%dma_wait3A_14 : memref<8xi32, #tpu.memory_space<hbm>>) dst(%arg10 : memref<8xi32, #tpu.memory_space<vmem>>)
      tpu.yield
    }) : () -> ()
    %dma_start3A = arith.constant 0 : i32
    %dma_start3A_3 = arith.constant 0 : i32
    %dma_start3A_4 = tpu.memref_slice %arg5[%dma_start3A, %dma_start3A_3] : memref<100000x128xf32, #tpu.memory_space<hbm>> -> memref<100000x128xf32, #tpu.memory_space<hbm>>
    tpu.enqueue_indirect_dma source(%dma_start3A_4 : memref<100000x128xf32, #tpu.memory_space<hbm>>) target(%arg11 : memref<8x128xf32, #tpu.memory_space<vmem>>) offsets(%arg10 : memref<8xi32, #tpu.memory_space<vmem>>) semaphore(%arg12 : memref<!tpu.dma_semaphore, #tpu.memory_space<semaphore_mem>>)
    %scan3A = arith.constant 0 : i32
    %scan3A_5 = arith.constant 8 : i32
    %scan3A_6 = arith.addi %scan3A, %scan3A_5 : i32
    %scan3A_7 = arith.constant 1 : i32
    scf.for %scan3A_11 = %scan3A to %scan3A_6 step %scan3A_7  : i32 {
      %mul3A_12 = arith.constant 1 : i32
      %mul3A_13 = arith.muli %scan3A_11, %mul3A_12 : i32
      %add3A_14 = arith.constant 0 : i32
      %add3A_15 = arith.addi %add3A_14, %mul3A_13 : i32
      %add3A_16 = arith.addi %mul3A_2, %add3A_15 : i32
      %dma_start3A_17 = arith.constant 0 : i32
      %dma_start3A_18 = arith.constant 0 : i32
      %dma_start3A_19 = tpu.memref_slice %arg8[%dma_start3A_17, %dma_start3A_18] : memref<49x2048xi32, #tpu.memory_space<vmem>> -> memref<49x1024xi32, #tpu.memory_space<vmem>>
      %dma_start3A_20 = arith.constant 0 : i32
      %dma_start3A_21 = arith.constant 0 : i32
      %dma_start3A_22 = tpu.memref_slice %arg2[%dma_start3A_20, %add3A_16, %dma_start3A_21] : memref<49x256x2048xi32, #tpu.memory_space<hbm>> -> memref<49x1x1024xi32, #tpu.memory_space<hbm>>
      %dma_start3A_23 = tpu.memref_squeeze %dma_start3A_22 : memref<49x1x1024xi32, #tpu.memory_space<hbm>> -> memref<49x1024xi32, #tpu.memory_space<hbm>>
      %dma_start3A_24 = arith.constant 0 : i32
      %dma_start3A_25 = arith.constant 0 : i32
      %dma_start3A_26 = tpu.memref_slice %arg8[%dma_start3A_24, %dma_start3A_25] : memref<49x2048xi32, #tpu.memory_space<vmem>> -> memref<49x1024xi32, #tpu.memory_space<vmem>>
      %dma_start3A_27 = arith.constant 0 : i32
      %dma_start3A_28 = arith.constant 0 : i32
      %dma_start3A_29 = tpu.memref_slice %arg2[%dma_start3A_27, %add3A_16, %dma_start3A_28] : memref<49x256x2048xi32, #tpu.memory_space<hbm>> -> memref<49x1x1024xi32, #tpu.memory_space<hbm>>
      %dma_start3A_30 = tpu.memref_squeeze %dma_start3A_29 : memref<49x1x1024xi32, #tpu.memory_space<hbm>> -> memref<49x1024xi32, #tpu.memory_space<hbm>>
      tpu.enqueue_dma source(%dma_start3A_30 : memref<49x1024xi32, #tpu.memory_space<hbm>>) target(%dma_start3A_26 : memref<49x1024xi32, #tpu.memory_space<vmem>>) target_semaphore(%arg13 : memref<!tpu.dma_semaphore, #tpu.memory_space<semaphore_mem>>)
      %dma_start3A_31 = arith.constant 0 : i32
      %dma_start3A_32 = arith.constant 1024 : i32
      %dma_start3A_33 = tpu.memref_slice %arg8[%dma_start3A_31, %dma_start3A_32] : memref<49x2048xi32, #tpu.memory_space<vmem>> -> memref<49x1024xi32, #tpu.memory_space<vmem>>
      %dma_start3A_34 = arith.constant 0 : i32
      %dma_start3A_35 = arith.constant 1024 : i32
      %dma_start3A_36 = tpu.memref_slice %arg2[%dma_start3A_34, %add3A_16, %dma_start3A_35] : memref<49x256x2048xi32, #tpu.memory_space<hbm>> -> memref<49x1x1024xi32, #tpu.memory_space<hbm>>
      %dma_start3A_37 = tpu.memref_squeeze %dma_start3A_36 : memref<49x1x1024xi32, #tpu.memory_space<hbm>> -> memref<49x1024xi32, #tpu.memory_space<hbm>>
      %dma_start3A_38 = arith.constant 0 : i32
      %dma_start3A_39 = arith.constant 1024 : i32
      %dma_start3A_40 = tpu.memref_slice %arg8[%dma_start3A_38, %dma_start3A_39] : memref<49x2048xi32, #tpu.memory_space<vmem>> -> memref<49x1024xi32, #tpu.memory_space<vmem>>
      %dma_start3A_41 = arith.constant 0 : i32
      %dma_start3A_42 = arith.constant 1024 : i32
      %dma_start3A_43 = tpu.memref_slice %arg2[%dma_start3A_41, %add3A_16, %dma_start3A_42] : memref<49x256x2048xi32, #tpu.memory_space<hbm>> -> memref<49x1x1024xi32, #tpu.memory_space<hbm>>
      %dma_start3A_44 = tpu.memref_squeeze %dma_start3A_43 : memref<49x1x1024xi32, #tpu.memory_space<hbm>> -> memref<49x1024xi32, #tpu.memory_space<hbm>>
      tpu.enqueue_dma source(%dma_start3A_44 : memref<49x1024xi32, #tpu.memory_space<hbm>>) target(%dma_start3A_40 : memref<49x1024xi32, #tpu.memory_space<vmem>>) target_semaphore(%arg13 : memref<!tpu.dma_semaphore, #tpu.memory_space<semaphore_mem>>)
      "tpu.region"() ({
        %run_scoped3A = tpu.sem_alloc : memref<!tpu.dma_semaphore, #tpu.memory_space<semaphore_mem>>
        %dma_start3A_2948 = arith.constant 0 : i32
        %dma_start3A_2949 = arith.constant 0 : i32
        %dma_start3A_2950 = tpu.memref_slice %arg3[%add3A_16, %dma_start3A_2948, %dma_start3A_2949] : memref<256x24x128xi32, #tpu.memory_space<hbm>> -> memref<1x24x128xi32, #tpu.memory_space<hbm>>
        %dma_start3A_2951 = tpu.memref_squeeze %dma_start3A_2950 : memref<1x24x128xi32, #tpu.memory_space<hbm>> -> memref<24x128xi32, #tpu.memory_space<hbm>>
        %dma_start3A_2952 = arith.constant 0 : i32
        %dma_start3A_2953 = arith.constant 0 : i32
        %dma_start3A_2954 = tpu.memref_slice %arg3[%add3A_16, %dma_start3A_2952, %dma_start3A_2953] : memref<256x24x128xi32, #tpu.memory_space<hbm>> -> memref<1x24x128xi32, #tpu.memory_space<hbm>>
        %dma_start3A_2955 = tpu.memref_squeeze %dma_start3A_2954 : memref<1x24x128xi32, #tpu.memory_space<hbm>> -> memref<24x128xi32, #tpu.memory_space<hbm>>
        tpu.enqueue_dma source(%dma_start3A_2955 : memref<24x128xi32, #tpu.memory_space<hbm>>) target(%arg9 : memref<24x128xi32, #tpu.memory_space<vmem>>) target_semaphore(%run_scoped3A : memref<!tpu.dma_semaphore, #tpu.memory_space<semaphore_mem>>)
        %dma_wait3A_2956 = arith.constant 0 : i32
        %dma_wait3A_2957 = arith.constant 0 : i32
        %dma_wait3A_2958 = tpu.memref_slice %arg3[%add3A_16, %dma_wait3A_2956, %dma_wait3A_2957] : memref<256x24x128xi32, #tpu.memory_space<hbm>> -> memref<1x24x128xi32, #tpu.memory_space<hbm>>
        %dma_wait3A_2959 = tpu.memref_squeeze %dma_wait3A_2958 : memref<1x24x128xi32, #tpu.memory_space<hbm>> -> memref<24x128xi32, #tpu.memory_space<hbm>>
        %dma_wait3A_2960 = arith.constant 0 : i32
        %dma_wait3A_2961 = arith.constant 0 : i32
        %dma_wait3A_2962 = tpu.memref_slice %arg3[%add3A_16, %dma_wait3A_2960, %dma_wait3A_2961] : memref<256x24x128xi32, #tpu.memory_space<hbm>> -> memref<1x24x128xi32, #tpu.memory_space<hbm>>
        %dma_wait3A_2963 = tpu.memref_squeeze %dma_wait3A_2962 : memref<1x24x128xi32, #tpu.memory_space<hbm>> -> memref<24x128xi32, #tpu.memory_space<hbm>>
        tpu.wait_dma2 semaphore(%run_scoped3A : memref<!tpu.dma_semaphore, #tpu.memory_space<semaphore_mem>>) src(%dma_wait3A_2963 : memref<24x128xi32, #tpu.memory_space<hbm>>) dst(%arg9 : memref<24x128xi32, #tpu.memory_space<vmem>>)
        tpu.yield
      }) : () -> ()
      %dma_wait3A_45 = arith.constant 0 : i32
      %dma_wait3A_46 = arith.constant 0 : i32
      %dma_wait3A_47 = tpu.memref_slice %arg8[%dma_wait3A_45, %dma_wait3A_46] : memref<49x2048xi32, #tpu.memory_space<vmem>> -> memref<49x1024xi32, #tpu.memory_space<vmem>>
      %dma_wait3A_48 = arith.constant 0 : i32
      %dma_wait3A_49 = arith.constant 0 : i32
      %dma_wait3A_50 = tpu.memref_slice %arg2[%dma_wait3A_48, %add3A_16, %dma_wait3A_49] : memref<49x256x2048xi32, #tpu.memory_space<hbm>> -> memref<49x1x1024xi32, #tpu.memory_space<hbm>>
      %dma_wait3A_51 = tpu.memref_squeeze %dma_wait3A_50 : memref<49x1x1024xi32, #tpu.memory_space<hbm>> -> memref<49x1024xi32, #tpu.memory_space<hbm>>
      %dma_wait3A_52 = arith.constant 0 : i32
      %dma_wait3A_53 = arith.constant 0 : i32
      %dma_wait3A_54 = tpu.memref_slice %arg8[%dma_wait3A_52, %dma_wait3A_53] : memref<49x2048xi32, #tpu.memory_space<vmem>> -> memref<49x1024xi32, #tpu.memory_space<vmem>>
      %dma_wait3A_55 = arith.constant 0 : i32
      %dma_wait3A_56 = arith.constant 0 : i32
      %dma_wait3A_57 = tpu.memref_slice %arg2[%dma_wait3A_55, %add3A_16, %dma_wait3A_56] : memref<49x256x2048xi32, #tpu.memory_space<hbm>> -> memref<49x1x1024xi32, #tpu.memory_space<hbm>>
      %dma_wait3A_58 = tpu.memref_squeeze %dma_wait3A_57 : memref<49x1x1024xi32, #tpu.memory_space<hbm>> -> memref<49x1024xi32, #tpu.memory_space<hbm>>
      tpu.wait_dma2 semaphore(%arg13 : memref<!tpu.dma_semaphore, #tpu.memory_space<semaphore_mem>>) src(%dma_wait3A_58 : memref<49x1024xi32, #tpu.memory_space<hbm>>) dst(%dma_wait3A_54 : memref<49x1024xi32, #tpu.memory_space<vmem>>)
      %dma_wait3A_59 = arith.constant 0 : i32
      %dma_wait3A_60 = arith.constant 1024 : i32
      %dma_wait3A_61 = tpu.memref_slice %arg8[%dma_wait3A_59, %dma_wait3A_60] : memref<49x2048xi32, #tpu.memory_space<vmem>> -> memref<49x1024xi32, #tpu.memory_space<vmem>>
      %dma_wait3A_62 = arith.constant 0 : i32
      %dma_wait3A_63 = arith.constant 1024 : i32
      %dma_wait3A_64 = tpu.memref_slice %arg2[%dma_wait3A_62, %add3A_16, %dma_wait3A_63] : memref<49x256x2048xi32, #tpu.memory_space<hbm>> -> memref<49x1x1024xi32, #tpu.memory_space<hbm>>
      %dma_wait3A_65 = tpu.memref_squeeze %dma_wait3A_64 : memref<49x1x1024xi32, #tpu.memory_space<hbm>> -> memref<49x1024xi32, #tpu.memory_space<hbm>>
      %dma_wait3A_66 = arith.constant 0 : i32
      %dma_wait3A_67 = arith.constant 1024 : i32
      %dma_wait3A_68 = tpu.memref_slice %arg8[%dma_wait3A_66, %dma_wait3A_67] : memref<49x2048xi32, #tpu.memory_space<vmem>> -> memref<49x1024xi32, #tpu.memory_space<vmem>>
      %dma_wait3A_69 = arith.constant 0 : i32
      %dma_wait3A_70 = arith.constant 1024 : i32
      %dma_wait3A_71 = tpu.memref_slice %arg2[%dma_wait3A_69, %add3A_16, %dma_wait3A_70] : memref<49x256x2048xi32, #tpu.memory_space<hbm>> -> memref<49x1x1024xi32, #tpu.memory_space<hbm>>
      %dma_wait3A_72 = tpu.memref_squeeze %dma_wait3A_71 : memref<49x1x1024xi32, #tpu.memory_space<hbm>> -> memref<49x1024xi32, #tpu.memory_space<hbm>>
      tpu.wait_dma2 semaphore(%arg13 : memref<!tpu.dma_semaphore, #tpu.memory_space<semaphore_mem>>) src(%dma_wait3A_72 : memref<49x1024xi32, #tpu.memory_space<hbm>>) dst(%dma_wait3A_68 : memref<49x1024xi32, #tpu.memory_space<vmem>>)
      %get3A = arith.constant 0 : i32
      %get3A_73 = arith.index_cast %get3A : i32 to index
      %get3A_74 = arith.constant 0 : index
      %get3A_75 = tpu.vector_load %arg9[%get3A_73, %get3A_74] {strides = array<i32>} : memref<24x128xi32, #tpu.memory_space<vmem>>, vector<16xi32>,
      %shift_right_logical3A = arith.constant 11 : i32
      %shift_right_logical3A_76 = vector.broadcast %shift_right_logical3A : i32 to vector<16xi32>
      %shift_right_logical3A_77 = arith.shrui %get3A_75, %shift_right_logical3A_76 : vector<16xi32>
      %and3A = arith.constant 2047 : i32
      %and3A_78 = vector.broadcast %and3A : i32 to vector<16xi32>
      %and3A_79 = arith.andi %get3A_75, %and3A_78 : vector<16xi32>
      %gather3A = tpu.vector_load_idx %arg8[%shift_right_logical3A_77, %and3A_79] : memref<49x2048xi32, #tpu.memory_space<vmem>>[vector<16xi32>, vector<16xi32>], vector<16xi32>,
      %swap3A = arith.constant 0 : i32
      %swap3A_80 = arith.index_cast %swap3A : i32 to index
      %swap3A_81 = arith.constant 0 : index
      %swap3A_82 = tpu.vector_load %arg9[%swap3A_80, %swap3A_81] {strides = array<i32>} : memref<24x128xi32, #tpu.memory_space<vmem>>, vector<16xi32>,
      tpu.vector_store %arg9[%swap3A_80, %swap3A_81], %gather3A {strides = array<i32>} : memref<24x128xi32, #tpu.memory_space<vmem>>, vector<16xi32>,
      %get3A_83 = arith.constant 0 : i32
      %get3A_84 = arith.index_cast %get3A_83 : i32 to index
      %get3A_85 = arith.constant 16 : index
      %get3A_86 = tpu.vector_load %arg9[%get3A_84, %get3A_85] {strides = array<i32>} : memref<24x128xi32, #tpu.memory_space<vmem>>, vector<16xi32>,
      %shift_right_logical3A_87 = arith.constant 11 : i32
      %shift_right_logical3A_88 = vector.broadcast %shift_right_logical3A_87 : i32 to vector<16xi32>
      %shift_right_logical3A_89 = arith.shrui %get3A_86, %shift_right_logical3A_88 : vector<16xi32>
      %and3A_90 = arith.constant 2047 : i32
      %and3A_91 = vector.broadcast %and3A_90 : i32 to vector<16xi32>
      %and3A_92 = arith.andi %get3A_86, %and3A_91 : vector<16xi32>
      %gather3A_93 = tpu.vector_load_idx %arg8[%shift_right_logical3A_89, %and3A_92] : memref<49x2048xi32, #tpu.memory_space<vmem>>[vector<16xi32>, vector<16xi32>], vector<16xi32>,
      %swap3A_94 = arith.constant 0 : i32
      %swap3A_95 = arith.index_cast %swap3A_94 : i32 to index
      %swap3A_96 = arith.constant 16 : index
      %swap3A_97 = tpu.vector_load %arg9[%swap3A_95, %swap3A_96] {strides = array<i32>} : memref<24x128xi32, #tpu.memory_space<vmem>>, vector<16xi32>,
      tpu.vector_store %arg9[%swap3A_95, %swap3A_96], %gather3A_93 {strides = array<i32>} : memref<24x128xi32, #tpu.memory_space<vmem>>, vector<16xi32>,
      %get3A_98 = arith.constant 0 : i32
      %get3A_99 = arith.index_cast %get3A_98 : i32 to index
      %get3A_100 = arith.constant 32 : index
      %get3A_101 = tpu.vector_load %arg9[%get3A_99, %get3A_100] {strides = array<i32>} : memref<24x128xi32, #tpu.memory_space<vmem>>, vector<16xi32>,
      %shift_right_logical3A_102 = arith.constant 11 : i32
      %shift_right_logical3A_103 = vector.broadcast %shift_right_logical3A_102 : i32 to vector<16xi32>
      %shift_right_logical3A_104 = arith.shrui %get3A_101, %shift_right_logical3A_103 : vector<16xi32>
      %and3A_105 = arith.constant 2047 : i32
      %and3A_106 = vector.broadcast %and3A_105 : i32 to vector<16xi32>
      %and3A_107 = arith.andi %get3A_101, %and3A_106 : vector<16xi32>
      %gather3A_108 = tpu.vector_load_idx %arg8[%shift_right_logical3A_104, %and3A_107] : memref<49x2048xi32, #tpu.memory_space<vmem>>[vector<16xi32>, vector<16xi32>], vector<16xi32>,
      %swap3A_109 = arith.constant 0 : i32
      %swap3A_110 = arith.index_cast %swap3A_109 : i32 to index
      %swap3A_111 = arith.constant 32 : index
      %swap3A_112 = tpu.vector_load %arg9[%swap3A_110, %swap3A_111] {strides = array<i32>} : memref<24x128xi32, #tpu.memory_space<vmem>>, vector<16xi32>,
      tpu.vector_store %arg9[%swap3A_110, %swap3A_111], %gather3A_108 {strides = array<i32>} : memref<24x128xi32, #tpu.memory_space<vmem>>, vector<16xi32>,
      %get3A_113 = arith.constant 0 : i32
      %get3A_114 = arith.index_cast %get3A_113 : i32 to index
      %get3A_115 = arith.constant 48 : index
      %get3A_116 = tpu.vector_load %arg9[%get3A_114, %get3A_115] {strides = array<i32>} : memref<24x128xi32, #tpu.memory_space<vmem>>, vector<16xi32>,
      %shift_right_logical3A_117 = arith.constant 11 : i32
      %shift_right_logical3A_118 = vector.broadcast %shift_right_logical3A_117 : i32 to vector<16xi32>
      %shift_right_logical3A_119 = arith.shrui %get3A_116, %shift_right_logical3A_118 : vector<16xi32>
      %and3A_120 = arith.constant 2047 : i32
      %and3A_121 = vector.broadcast %and3A_120 : i32 to vector<16xi32>
      %and3A_122 = arith.andi %get3A_116, %and3A_121 : vector<16xi32>
      %gather3A_123 = tpu.vector_load_idx %arg8[%shift_right_logical3A_119, %and3A_122] : memref<49x2048xi32, #tpu.memory_space<vmem>>[vector<16xi32>, vector<16xi32>], vector<16xi32>,
      %swap3A_124 = arith.constant 0 : i32
      %swap3A_125 = arith.index_cast %swap3A_124 : i32 to index
      %swap3A_126 = arith.constant 48 : index
      %swap3A_127 = tpu.vector_load %arg9[%swap3A_125, %swap3A_126] {strides = array<i32>} : memref<24x128xi32, #tpu.memory_space<vmem>>, vector<16xi32>,
      tpu.vector_store %arg9[%swap3A_125, %swap3A_126], %gather3A_123 {strides = array<i32>} : memref<24x128xi32, #tpu.memory_space<vmem>>, vector<16xi32>,
      %get3A_128 = arith.constant 0 : i32
      %get3A_129 = arith.index_cast %get3A_128 : i32 to index
      %get3A_130 = arith.constant 64 : index
      %get3A_131 = tpu.vector_load %arg9[%get3A_129, %get3A_130] {strides = array<i32>} : memref<24x128xi32, #tpu.memory_space<vmem>>, vector<16xi32>,
      %shift_right_logical3A_132 = arith.constant 11 : i32
      %shift_right_logical3A_133 = vector.broadcast %shift_right_logical3A_132 : i32 to vector<16xi32>
      %shift_right_logical3A_134 = arith.shrui %get3A_131, %shift_right_logical3A_133 : vector<16xi32>
      %and3A_135 = arith.constant 2047 : i32
      %and3A_136 = vector.broadcast %and3A_135 : i32 to vector<16xi32>
      %and3A_137 = arith.andi %get3A_131, %and3A_136 : vector<16xi32>
      %gather3A_138 = tpu.vector_load_idx %arg8[%shift_right_logical3A_134, %and3A_137] : memref<49x2048xi32, #tpu.memory_space<vmem>>[vector<16xi32>, vector<16xi32>], vector<16xi32>,
      %swap3A_139 = arith.constant 0 : i32
      %swap3A_140 = arith.index_cast %swap3A_139 : i32 to index
      %swap3A_141 = arith.constant 64 : index
      %swap3A_142 = tpu.vector_load %arg9[%swap3A_140, %swap3A_141] {strides = array<i32>} : memref<24x128xi32, #tpu.memory_space<vmem>>, vector<16xi32>,
      tpu.vector_store %arg9[%swap3A_140, %swap3A_141], %gather3A_138 {strides = array<i32>} : memref<24x128xi32, #tpu.memory_space<vmem>>, vector<16xi32>,
      %get3A_143 = arith.constant 0 : i32
      %get3A_144 = arith.index_cast %get3A_143 : i32 to index
      %get3A_145 = arith.constant 80 : index
      %get3A_146 = tpu.vector_load %arg9[%get3A_144, %get3A_145] {strides = array<i32>} : memref<24x128xi32, #tpu.memory_space<vmem>>, vector<16xi32>,
      %shift_right_logical3A_147 = arith.constant 11 : i32
      %shift_right_logical3A_148 = vector.broadcast %shift_right_logical3A_147 : i32 to vector<16xi32>
      %shift_right_logical3A_149 = arith.shrui %get3A_146, %shift_right_logical3A_148 : vector<16xi32>
      %and3A_150 = arith.constant 2047 : i32
      %and3A_151 = vector.broadcast %and3A_150 : i32 to vector<16xi32>
      %and3A_152 = arith.andi %get3A_146, %and3A_151 : vector<16xi32>
      %gather3A_153 = tpu.vector_load_idx %arg8[%shift_right_logical3A_149, %and3A_152] : memref<49x2048xi32, #tpu.memory_space<vmem>>[vector<16xi32>, vector<16xi32>], vector<16xi32>,
      %swap3A_154 = arith.constant 0 : i32
      %swap3A_155 = arith.index_cast %swap3A_154 : i32 to index
      %swap3A_156 = arith.constant 80 : index
      %swap3A_157 = tpu.vector_load %arg9[%swap3A_155, %swap3A_156] {strides = array<i32>} : memref<24x128xi32, #tpu.memory_space<vmem>>, vector<16xi32>,
      tpu.vector_store %arg9[%swap3A_155, %swap3A_156], %gather3A_153 {strides = array<i32>} : memref<24x128xi32, #tpu.memory_space<vmem>>, vector<16xi32>,
      %get3A_158 = arith.constant 0 : i32
      %get3A_159 = arith.index_cast %get3A_158 : i32 to index
      %get3A_160 = arith.constant 96 : index
      %get3A_161 = tpu.vector_load %arg9[%get3A_159, %get3A_160] {strides = array<i32>} : memref<24x128xi32, #tpu.memory_space<vmem>>, vector<16xi32>,
      %shift_right_logical3A_162 = arith.constant 11 : i32
      %shift_right_logical3A_163 = vector.broadcast %shift_right_logical3A_162 : i32 to vector<16xi32>
      %shift_right_logical3A_164 = arith.shrui %get3A_161, %shift_right_logical3A_163 : vector<16xi32>
      %and3A_165 = arith.constant 2047 : i32
      %and3A_166 = vector.broadcast %and3A_165 : i32 to vector<16xi32>
      %and3A_167 = arith.andi %get3A_161, %and3A_166 : vector<16xi32>
      %gather3A_168 = tpu.vector_load_idx %arg8[%shift_right_logical3A_164, %and3A_167] : memref<49x2048xi32, #tpu.memory_space<vmem>>[vector<16xi32>, vector<16xi32>], vector<16xi32>,
      %swap3A_169 = arith.constant 0 : i32
      %swap3A_170 = arith.index_cast %swap3A_169 : i32 to index
      %swap3A_171 = arith.constant 96 : index
      %swap3A_172 = tpu.vector_load %arg9[%swap3A_170, %swap3A_171] {strides = array<i32>} : memref<24x128xi32, #tpu.memory_space<vmem>>, vector<16xi32>,
      tpu.vector_store %arg9[%swap3A_170, %swap3A_171], %gather3A_168 {strides = array<i32>} : memref<24x128xi32, #tpu.memory_space<vmem>>, vector<16xi32>,
      %get3A_173 = arith.constant 0 : i32
      %get3A_174 = arith.index_cast %get3A_173 : i32 to index
      %get3A_175 = arith.constant 112 : index
      %get3A_176 = tpu.vector_load %arg9[%get3A_174, %get3A_175] {strides = array<i32>} : memref<24x128xi32, #tpu.memory_space<vmem>>, vector<16xi32>,
      %shift_right_logical3A_177 = arith.constant 11 : i32
      %shift_right_logical3A_178 = vector.broadcast %shift_right_logical3A_177 : i32 to vector<16xi32>
      %shift_right_logical3A_179 = arith.shrui %get3A_176, %shift_right_logical3A_178 : vector<16xi32>
      %and3A_180 = arith.constant 2047 : i32
      %and3A_181 = vector.broadcast %and3A_180 : i32 to vector<16xi32>
      %and3A_182 = arith.andi %get3A_176, %and3A_181 : vector<16xi32>
      %gather3A_183 = tpu.vector_load_idx %arg8[%shift_right_logical3A_179, %and3A_182] : memref<49x2048xi32, #tpu.memory_space<vmem>>[vector<16xi32>, vector<16xi32>], vector<16xi32>,
      %swap3A_184 = arith.constant 0 : i32
      %swap3A_185 = arith.index_cast %swap3A_184 : i32 to index
      %swap3A_186 = arith.constant 112 : index
      %swap3A_187 = tpu.vector_load %arg9[%swap3A_185, %swap3A_186] {strides = array<i32>} : memref<24x128xi32, #tpu.memory_space<vmem>>, vector<16xi32>,
      tpu.vector_store %arg9[%swap3A_185, %swap3A_186], %gather3A_183 {strides = array<i32>} : memref<24x128xi32, #tpu.memory_space<vmem>>, vector<16xi32>,
      %get3A_188 = arith.constant 1 : i32
      %get3A_189 = arith.index_cast %get3A_188 : i32 to index
      %get3A_190 = arith.constant 0 : index
      %get3A_191 = tpu.vector_load %arg9[%get3A_189, %get3A_190] {strides = array<i32>} : memref<24x128xi32, #tpu.memory_space<vmem>>, vector<16xi32>,
      %shift_right_logical3A_192 = arith.constant 11 : i32
      %shift_right_logical3A_193 = vector.broadcast %shift_right_logical3A_192 : i32 to vector<16xi32>
      %shift_right_logical3A_194 = arith.shrui %get3A_191, %shift_right_logical3A_193 : vector<16xi32>
      %and3A_195 = arith.constant 2047 : i32
      %and3A_196 = vector.broadcast %and3A_195 : i32 to vector<16xi32>
      %and3A_197 = arith.andi %get3A_191, %and3A_196 : vector<16xi32>
      %gather3A_198 = tpu.vector_load_idx %arg8[%shift_right_logical3A_194, %and3A_197] : memref<49x2048xi32, #tpu.memory_space<vmem>>[vector<16xi32>, vector<16xi32>], vector<16xi32>,
      %swap3A_199 = arith.constant 1 : i32
      %swap3A_200 = arith.index_cast %swap3A_199 : i32 to index
      %swap3A_201 = arith.constant 0 : index
      %swap3A_202 = tpu.vector_load %arg9[%swap3A_200, %swap3A_201] {strides = array<i32>} : memref<24x128xi32, #tpu.memory_space<vmem>>, vector<16xi32>,
      tpu.vector_store %arg9[%swap3A_200, %swap3A_201], %gather3A_198 {strides = array<i32>} : memref<24x128xi32, #tpu.memory_space<vmem>>, vector<16xi32>,
      %get3A_203 = arith.constant 1 : i32
      %get3A_204 = arith.index_cast %get3A_203 : i32 to index
      %get3A_205 = arith.constant 16 : index
      %get3A_206 = tpu.vector_load %arg9[%get3A_204, %get3A_205] {strides = array<i32>} : memref<24x128xi32, #tpu.memory_space<vmem>>, vector<16xi32>,
      %shift_right_logical3A_207 = arith.constant 11 : i32
      %shift_right_logical3A_208 = vector.broadcast %shift_right_logical3A_207 : i32 to vector<16xi32>
      %shift_right_logical3A_209 = arith.shrui %get3A_206, %shift_right_logical3A_208 : vector<16xi32>
      %and3A_210 = arith.constant 2047 : i32
      %and3A_211 = vector.broadcast %and3A_210 : i32 to vector<16xi32>
      %and3A_212 = arith.andi %get3A_206, %and3A_211 : vector<16xi32>
      %gather3A_213 = tpu.vector_load_idx %arg8[%shift_right_logical3A_209, %and3A_212] : memref<49x2048xi32, #tpu.memory_space<vmem>>[vector<16xi32>, vector<16xi32>], vector<16xi32>,
      %swap3A_214 = arith.constant 1 : i32
      %swap3A_215 = arith.index_cast %swap3A_214 : i32 to index
      %swap3A_216 = arith.constant 16 : index
      %swap3A_217 = tpu.vector_load %arg9[%swap3A_215, %swap3A_216] {strides = array<i32>} : memref<24x128xi32, #tpu.memory_space<vmem>>, vector<16xi32>,
      tpu.vector_store %arg9[%swap3A_215, %swap3A_216], %gather3A_213 {strides = array<i32>} : memref<24x128xi32, #tpu.memory_space<vmem>>, vector<16xi32>,
      %get3A_218 = arith.constant 1 : i32
      %get3A_219 = arith.index_cast %get3A_218 : i32 to index
      %get3A_220 = arith.constant 32 : index
      %get3A_221 = tpu.vector_load %arg9[%get3A_219, %get3A_220] {strides = array<i32>} : memref<24x128xi32, #tpu.memory_space<vmem>>, vector<16xi32>,
      %shift_right_logical3A_222 = arith.constant 11 : i32
      %shift_right_logical3A_223 = vector.broadcast %shift_right_logical3A_222 : i32 to vector<16xi32>
      %shift_right_logical3A_224 = arith.shrui %get3A_221, %shift_right_logical3A_223 : vector<16xi32>
      %and3A_225 = arith.constant 2047 : i32
      %and3A_226 = vector.broadcast %and3A_225 : i32 to vector<16xi32>
      %and3A_227 = arith.andi %get3A_221, %and3A_226 : vector<16xi32>
      %gather3A_228 = tpu.vector_load_idx %arg8[%shift_right_logical3A_224, %and3A_227] : memref<49x2048xi32, #tpu.memory_space<vmem>>[vector<16xi32>, vector<16xi32>], vector<16xi32>,
      %swap3A_229 = arith.constant 1 : i32
      %swap3A_230 = arith.index_cast %swap3A_229 : i32 to index
      %swap3A_231 = arith.constant 32 : index
      %swap3A_232 = tpu.vector_load %arg9[%swap3A_230, %swap3A_231] {strides = array<i32>} : memref<24x128xi32, #tpu.memory_space<vmem>>, vector<16xi32>,
      tpu.vector_store %arg9[%swap3A_230, %swap3A_231], %gather3A_228 {strides = array<i32>} : memref<24x128xi32, #tpu.memory_space<vmem>>, vector<16xi32>,
      %get3A_233 = arith.constant 1 : i32
      %get3A_234 = arith.index_cast %get3A_233 : i32 to index
      %get3A_235 = arith.constant 48 : index
      %get3A_236 = tpu.vector_load %arg9[%get3A_234, %get3A_235] {strides = array<i32>} : memref<24x128xi32, #tpu.memory_space<vmem>>, vector<16xi32>,
      %shift_right_logical3A_237 = arith.constant 11 : i32
      %shift_right_logical3A_238 = vector.broadcast %shift_right_logical3A_237 : i32 to vector<16xi32>
      %shift_right_logical3A_239 = arith.shrui %get3A_236, %shift_right_logical3A_238 : vector<16xi32>
      %and3A_240 = arith.constant 2047 : i32
      %and3A_241 = vector.broadcast %and3A_240 : i32 to vector<16xi32>
      %and3A_242 = arith.andi %get3A_236, %and3A_241 : vector<16xi32>
      %gather3A_243 = tpu.vector_load_idx %arg8[%shift_right_logical3A_239, %and3A_242] : memref<49x2048xi32, #tpu.memory_space<vmem>>[vector<16xi32>, vector<16xi32>], vector<16xi32>,
      %swap3A_244 = arith.constant 1 : i32
      %swap3A_245 = arith.index_cast %swap3A_244 : i32 to index
      %swap3A_246 = arith.constant 48 : index
      %swap3A_247 = tpu.vector_load %arg9[%swap3A_245, %swap3A_246] {strides = array<i32>} : memref<24x128xi32, #tpu.memory_space<vmem>>, vector<16xi32>,
      tpu.vector_store %arg9[%swap3A_245, %swap3A_246], %gather3A_243 {strides = array<i32>} : memref<24x128xi32, #tpu.memory_space<vmem>>, vector<16xi32>,
      %get3A_248 = arith.constant 1 : i32
      %get3A_249 = arith.index_cast %get3A_248 : i32 to index
      %get3A_250 = arith.constant 64 : index
      %get3A_251 = tpu.vector_load %arg9[%get3A_249, %get3A_250] {strides = array<i32>} : memref<24x128xi32, #tpu.memory_space<vmem>>, vector<16xi32>,
      %shift_right_logical3A_252 = arith.constant 11 : i32
      %shift_right_logical3A_253 = vector.broadcast %shift_right_logical3A_252 : i32 to vector<16xi32>
      %shift_right_logical3A_254 = arith.shrui %get3A_251, %shift_right_logical3A_253 : vector<16xi32>
      %and3A_255 = arith.constant 2047 : i32
      %and3A_256 = vector.broadcast %and3A_255 : i32 to vector<16xi32>
      %and3A_257 = arith.andi %get3A_251, %and3A_256 : vector<16xi32>
      %gather3A_258 = tpu.vector_load_idx %arg8[%shift_right_logical3A_254, %and3A_257] : memref<49x2048xi32, #tpu.memory_space<vmem>>[vector<16xi32>, vector<16xi32>], vector<16xi32>,
      %swap3A_259 = arith.constant 1 : i32
      %swap3A_260 = arith.index_cast %swap3A_259 : i32 to index
      %swap3A_261 = arith.constant 64 : index
      %swap3A_262 = tpu.vector_load %arg9[%swap3A_260, %swap3A_261] {strides = array<i32>} : memref<24x128xi32, #tpu.memory_space<vmem>>, vector<16xi32>,
      tpu.vector_store %arg9[%swap3A_260, %swap3A_261], %gather3A_258 {strides = array<i32>} : memref<24x128xi32, #tpu.memory_space<vmem>>, vector<16xi32>,
      %get3A_263 = arith.constant 1 : i32
      %get3A_264 = arith.index_cast %get3A_263 : i32 to index
      %get3A_265 = arith.constant 80 : index
      %get3A_266 = tpu.vector_load %arg9[%get3A_264, %get3A_265] {strides = array<i32>} : memref<24x128xi32, #tpu.memory_space<vmem>>, vector<16xi32>,
      %shift_right_logical3A_267 = arith.constant 11 : i32
      %shift_right_logical3A_268 = vector.broadcast %shift_right_logical3A_267 : i32 to vector<16xi32>
      %shift_right_logical3A_269 = arith.shrui %get3A_266, %shift_right_logical3A_268 : vector<16xi32>
      %and3A_270 = arith.constant 2047 : i32
      %and3A_271 = vector.broadcast %and3A_270 : i32 to vector<16xi32>
      %and3A_272 = arith.andi %get3A_266, %and3A_271 : vector<16xi32>
      %gather3A_273 = tpu.vector_load_idx %arg8[%shift_right_logical3A_269, %and3A_272] : memref<49x2048xi32, #tpu.memory_space<vmem>>[vector<16xi32>, vector<16xi32>], vector<16xi32>,
      %swap3A_274 = arith.constant 1 : i32
      %swap3A_275 = arith.index_cast %swap3A_274 : i32 to index
      %swap3A_276 = arith.constant 80 : index
      %swap3A_277 = tpu.vector_load %arg9[%swap3A_275, %swap3A_276] {strides = array<i32>} : memref<24x128xi32, #tpu.memory_space<vmem>>, vector<16xi32>,
      tpu.vector_store %arg9[%swap3A_275, %swap3A_276], %gather3A_273 {strides = array<i32>} : memref<24x128xi32, #tpu.memory_space<vmem>>, vector<16xi32>,
      %get3A_278 = arith.constant 1 : i32
      %get3A_279 = arith.index_cast %get3A_278 : i32 to index
      %get3A_280 = arith.constant 96 : index
      %get3A_281 = tpu.vector_load %arg9[%get3A_279, %get3A_280] {strides = array<i32>} : memref<24x128xi32, #tpu.memory_space<vmem>>, vector<16xi32>,
      %shift_right_logical3A_282 = arith.constant 11 : i32
      %shift_right_logical3A_283 = vector.broadcast %shift_right_logical3A_282 : i32 to vector<16xi32>
      %shift_right_logical3A_284 = arith.shrui %get3A_281, %shift_right_logical3A_283 : vector<16xi32>
      %and3A_285 = arith.constant 2047 : i32
      %and3A_286 = vector.broadcast %and3A_285 : i32 to vector<16xi32>
      %and3A_287 = arith.andi %get3A_281, %and3A_286 : vector<16xi32>
      %gather3A_288 = tpu.vector_load_idx %arg8[%shift_right_logical3A_284, %and3A_287] : memref<49x2048xi32, #tpu.memory_space<vmem>>[vector<16xi32>, vector<16xi32>], vector<16xi32>,
      %swap3A_289 = arith.constant 1 : i32
      %swap3A_290 = arith.index_cast %swap3A_289 : i32 to index
      %swap3A_291 = arith.constant 96 : index
      %swap3A_292 = tpu.vector_load %arg9[%swap3A_290, %swap3A_291] {strides = array<i32>} : memref<24x128xi32, #tpu.memory_space<vmem>>, vector<16xi32>,
      tpu.vector_store %arg9[%swap3A_290, %swap3A_291], %gather3A_288 {strides = array<i32>} : memref<24x128xi32, #tpu.memory_space<vmem>>, vector<16xi32>,
      %get3A_293 = arith.constant 1 : i32
      %get3A_294 = arith.index_cast %get3A_293 : i32 to index
      %get3A_295 = arith.constant 112 : index
      %get3A_296 = tpu.vector_load %arg9[%get3A_294, %get3A_295] {strides = array<i32>} : memref<24x128xi32, #tpu.memory_space<vmem>>, vector<16xi32>,
      %shift_right_logical3A_297 = arith.constant 11 : i32
      %shift_right_logical3A_298 = vector.broadcast %shift_right_logical3A_297 : i32 to vector<16xi32>
      %shift_right_logical3A_299 = arith.shrui %get3A_296, %shift_right_logical3A_298 : vector<16xi32>
      %and3A_300 = arith.constant 2047 : i32
      %and3A_301 = vector.broadcast %and3A_300 : i32 to vector<16xi32>
      %and3A_302 = arith.andi %get3A_296, %and3A_301 : vector<16xi32>
      %gather3A_303 = tpu.vector_load_idx %arg8[%shift_right_logical3A_299, %and3A_302] : memref<49x2048xi32, #tpu.memory_space<vmem>>[vector<16xi32>, vector<16xi32>], vector<16xi32>,
      %swap3A_304 = arith.constant 1 : i32
      %swap3A_305 = arith.index_cast %swap3A_304 : i32 to index
      %swap3A_306 = arith.constant 112 : index
      %swap3A_307 = tpu.vector_load %arg9[%swap3A_305, %swap3A_306] {strides = array<i32>} : memref<24x128xi32, #tpu.memory_space<vmem>>, vector<16xi32>,
      tpu.vector_store %arg9[%swap3A_305, %swap3A_306], %gather3A_303 {strides = array<i32>} : memref<24x128xi32, #tpu.memory_space<vmem>>, vector<16xi32>,
      %get3A_308 = arith.constant 2 : i32
      %get3A_309 = arith.index_cast %get3A_308 : i32 to index
      %get3A_310 = arith.constant 0 : index
      %get3A_311 = tpu.vector_load %arg9[%get3A_309, %get3A_310] {strides = array<i32>} : memref<24x128xi32, #tpu.memory_space<vmem>>, vector<16xi32>,
      %shift_right_logical3A_312 = arith.constant 11 : i32
      %shift_right_logical3A_313 = vector.broadcast %shift_right_logical3A_312 : i32 to vector<16xi32>
      %shift_right_logical3A_314 = arith.shrui %get3A_311, %shift_right_logical3A_313 : vector<16xi32>
      %and3A_315 = arith.constant 2047 : i32
      %and3A_316 = vector.broadcast %and3A_315 : i32 to vector<16xi32>
      %and3A_317 = arith.andi %get3A_311, %and3A_316 : vector<16xi32>
      %gather3A_318 = tpu.vector_load_idx %arg8[%shift_right_logical3A_314, %and3A_317] : memref<49x2048xi32, #tpu.memory_space<vmem>>[vector<16xi32>, vector<16xi32>], vector<16xi32>,
      %swap3A_319 = arith.constant 2 : i32
      %swap3A_320 = arith.index_cast %swap3A_319 : i32 to index
      %swap3A_321 = arith.constant 0 : index
      %swap3A_322 = tpu.vector_load %arg9[%swap3A_320, %swap3A_321] {strides = array<i32>} : memref<24x128xi32, #tpu.memory_space<vmem>>, vector<16xi32>,
      tpu.vector_store %arg9[%swap3A_320, %swap3A_321], %gather3A_318 {strides = array<i32>} : memref<24x128xi32, #tpu.memory_space<vmem>>, vector<16xi32>,
      %get3A_323 = arith.constant 2 : i32
      %get3A_324 = arith.index_cast %get3A_323 : i32 to index
      %get3A_325 = arith.constant 16 : index
      %get3A_326 = tpu.vector_load %arg9[%get3A_324, %get3A_325] {strides = array<i32>} : memref<24x128xi32, #tpu.memory_space<vmem>>, vector<16xi32>,
      %shift_right_logical3A_327 = arith.constant 11 : i32
      %shift_right_logical3A_328 = vector.broadcast %shift_right_logical3A_327 : i32 to vector<16xi32>
      %shift_right_logical3A_329 = arith.shrui %get3A_326, %shift_right_logical3A_328 : vector<16xi32>
      %and3A_330 = arith.constant 2047 : i32
      %and3A_331 = vector.broadcast %and3A_330 : i32 to vector<16xi32>
      %and3A_332 = arith.andi %get3A_326, %and3A_331 : vector<16xi32>
      %gather3A_333 = tpu.vector_load_idx %arg8[%shift_right_logical3A_329, %and3A_332] : memref<49x2048xi32, #tpu.memory_space<vmem>>[vector<16xi32>, vector<16xi32>], vector<16xi32>,
      %swap3A_334 = arith.constant 2 : i32
      %swap3A_335 = arith.index_cast %swap3A_334 : i32 to index
      %swap3A_336 = arith.constant 16 : index
      %swap3A_337 = tpu.vector_load %arg9[%swap3A_335, %swap3A_336] {strides = array<i32>} : memref<24x128xi32, #tpu.memory_space<vmem>>, vector<16xi32>,
      tpu.vector_store %arg9[%swap3A_335, %swap3A_336], %gather3A_333 {strides = array<i32>} : memref<24x128xi32, #tpu.memory_space<vmem>>, vector<16xi32>,
      %get3A_338 = arith.constant 2 : i32
      %get3A_339 = arith.index_cast %get3A_338 : i32 to index
      %get3A_340 = arith.constant 32 : index
      %get3A_341 = tpu.vector_load %arg9[%get3A_339, %get3A_340] {strides = array<i32>} : memref<24x128xi32, #tpu.memory_space<vmem>>, vector<16xi32>,
      %shift_right_logical3A_342 = arith.constant 11 : i32
      %shift_right_logical3A_343 = vector.broadcast %shift_right_logical3A_342 : i32 to vector<16xi32>
      %shift_right_logical3A_344 = arith.shrui %get3A_341, %shift_right_logical3A_343 : vector<16xi32>
      %and3A_345 = arith.constant 2047 : i32
      %and3A_346 = vector.broadcast %and3A_345 : i32 to vector<16xi32>
      %and3A_347 = arith.andi %get3A_341, %and3A_346 : vector<16xi32>
      %gather3A_348 = tpu.vector_load_idx %arg8[%shift_right_logical3A_344, %and3A_347] : memref<49x2048xi32, #tpu.memory_space<vmem>>[vector<16xi32>, vector<16xi32>], vector<16xi32>,
      %swap3A_349 = arith.constant 2 : i32
      %swap3A_350 = arith.index_cast %swap3A_349 : i32 to index
      %swap3A_351 = arith.constant 32 : index
      %swap3A_352 = tpu.vector_load %arg9[%swap3A_350, %swap3A_351] {strides = array<i32>} : memref<24x128xi32, #tpu.memory_space<vmem>>, vector<16xi32>,
      tpu.vector_store %arg9[%swap3A_350, %swap3A_351], %gather3A_348 {strides = array<i32>} : memref<24x128xi32, #tpu.memory_space<vmem>>, vector<16xi32>,
      %get3A_353 = arith.constant 2 : i32
      %get3A_354 = arith.index_cast %get3A_353 : i32 to index
      %get3A_355 = arith.constant 48 : index
      %get3A_356 = tpu.vector_load %arg9[%get3A_354, %get3A_355] {strides = array<i32>} : memref<24x128xi32, #tpu.memory_space<vmem>>, vector<16xi32>,
      %shift_right_logical3A_357 = arith.constant 11 : i32
      %shift_right_logical3A_358 = vector.broadcast %shift_right_logical3A_357 : i32 to vector<16xi32>
      %shift_right_logical3A_359 = arith.shrui %get3A_356, %shift_right_logical3A_358 : vector<16xi32>
      %and3A_360 = arith.constant 2047 : i32
      %and3A_361 = vector.broadcast %and3A_360 : i32 to vector<16xi32>
      %and3A_362 = arith.andi %get3A_356, %and3A_361 : vector<16xi32>
      %gather3A_363 = tpu.vector_load_idx %arg8[%shift_right_logical3A_359, %and3A_362] : memref<49x2048xi32, #tpu.memory_space<vmem>>[vector<16xi32>, vector<16xi32>], vector<16xi32>,
      %swap3A_364 = arith.constant 2 : i32
      %swap3A_365 = arith.index_cast %swap3A_364 : i32 to index
      %swap3A_366 = arith.constant 48 : index
      %swap3A_367 = tpu.vector_load %arg9[%swap3A_365, %swap3A_366] {strides = array<i32>} : memref<24x128xi32, #tpu.memory_space<vmem>>, vector<16xi32>,
      tpu.vector_store %arg9[%swap3A_365, %swap3A_366], %gather3A_363 {strides = array<i32>} : memref<24x128xi32, #tpu.memory_space<vmem>>, vector<16xi32>,
      %get3A_368 = arith.constant 2 : i32
      %get3A_369 = arith.index_cast %get3A_368 : i32 to index
      %get3A_370 = arith.constant 64 : index
      %get3A_371 = tpu.vector_load %arg9[%get3A_369, %get3A_370] {strides = array<i32>} : memref<24x128xi32, #tpu.memory_space<vmem>>, vector<16xi32>,
      %shift_right_logical3A_372 = arith.constant 11 : i32
      %shift_right_logical3A_373 = vector.broadcast %shift_right_logical3A_372 : i32 to vector<16xi32>
      %shift_right_logical3A_374 = arith.shrui %get3A_371, %shift_right_logical3A_373 : vector<16xi32>
      %and3A_375 = arith.constant 2047 : i32
      %and3A_376 = vector.broadcast %and3A_375 : i32 to vector<16xi32>
      %and3A_377 = arith.andi %get3A_371, %and3A_376 : vector<16xi32>
      %gather3A_378 = tpu.vector_load_idx %arg8[%shift_right_logical3A_374, %and3A_377] : memref<49x2048xi32, #tpu.memory_space<vmem>>[vector<16xi32>, vector<16xi32>], vector<16xi32>,
      %swap3A_379 = arith.constant 2 : i32
      %swap3A_380 = arith.index_cast %swap3A_379 : i32 to index
      %swap3A_381 = arith.constant 64 : index
      %swap3A_382 = tpu.vector_load %arg9[%swap3A_380, %swap3A_381] {strides = array<i32>} : memref<24x128xi32, #tpu.memory_space<vmem>>, vector<16xi32>,
      tpu.vector_store %arg9[%swap3A_380, %swap3A_381], %gather3A_378 {strides = array<i32>} : memref<24x128xi32, #tpu.memory_space<vmem>>, vector<16xi32>,
      %get3A_383 = arith.constant 2 : i32
      %get3A_384 = arith.index_cast %get3A_383 : i32 to index
      %get3A_385 = arith.constant 80 : index
      %get3A_386 = tpu.vector_load %arg9[%get3A_384, %get3A_385] {strides = array<i32>} : memref<24x128xi32, #tpu.memory_space<vmem>>, vector<16xi32>,
      %shift_right_logical3A_387 = arith.constant 11 : i32
      %shift_right_logical3A_388 = vector.broadcast %shift_right_logical3A_387 : i32 to vector<16xi32>
      %shift_right_logical3A_389 = arith.shrui %get3A_386, %shift_right_logical3A_388 : vector<16xi32>
      %and3A_390 = arith.constant 2047 : i32
      %and3A_391 = vector.broadcast %and3A_390 : i32 to vector<16xi32>
      %and3A_392 = arith.andi %get3A_386, %and3A_391 : vector<16xi32>
      %gather3A_393 = tpu.vector_load_idx %arg8[%shift_right_logical3A_389, %and3A_392] : memref<49x2048xi32, #tpu.memory_space<vmem>>[vector<16xi32>, vector<16xi32>], vector<16xi32>,
      %swap3A_394 = arith.constant 2 : i32
      %swap3A_395 = arith.index_cast %swap3A_394 : i32 to index
      %swap3A_396 = arith.constant 80 : index
      %swap3A_397 = tpu.vector_load %arg9[%swap3A_395, %swap3A_396] {strides = array<i32>} : memref<24x128xi32, #tpu.memory_space<vmem>>, vector<16xi32>,
      tpu.vector_store %arg9[%swap3A_395, %swap3A_396], %gather3A_393 {strides = array<i32>} : memref<24x128xi32, #tpu.memory_space<vmem>>, vector<16xi32>,
      %get3A_398 = arith.constant 2 : i32
      %get3A_399 = arith.index_cast %get3A_398 : i32 to index
      %get3A_400 = arith.constant 96 : index
      %get3A_401 = tpu.vector_load %arg9[%get3A_399, %get3A_400] {strides = array<i32>} : memref<24x128xi32, #tpu.memory_space<vmem>>, vector<16xi32>,
      %shift_right_logical3A_402 = arith.constant 11 : i32
      %shift_right_logical3A_403 = vector.broadcast %shift_right_logical3A_402 : i32 to vector<16xi32>
      %shift_right_logical3A_404 = arith.shrui %get3A_401, %shift_right_logical3A_403 : vector<16xi32>
      %and3A_405 = arith.constant 2047 : i32
      %and3A_406 = vector.broadcast %and3A_405 : i32 to vector<16xi32>
      %and3A_407 = arith.andi %get3A_401, %and3A_406 : vector<16xi32>
      %gather3A_408 = tpu.vector_load_idx %arg8[%shift_right_logical3A_404, %and3A_407] : memref<49x2048xi32, #tpu.memory_space<vmem>>[vector<16xi32>, vector<16xi32>], vector<16xi32>,
      %swap3A_409 = arith.constant 2 : i32
      %swap3A_410 = arith.index_cast %swap3A_409 : i32 to index
      %swap3A_411 = arith.constant 96 : index
      %swap3A_412 = tpu.vector_load %arg9[%swap3A_410, %swap3A_411] {strides = array<i32>} : memref<24x128xi32, #tpu.memory_space<vmem>>, vector<16xi32>,
      tpu.vector_store %arg9[%swap3A_410, %swap3A_411], %gather3A_408 {strides = array<i32>} : memref<24x128xi32, #tpu.memory_space<vmem>>, vector<16xi32>,
      %get3A_413 = arith.constant 2 : i32
      %get3A_414 = arith.index_cast %get3A_413 : i32 to index
      %get3A_415 = arith.constant 112 : index
      %get3A_416 = tpu.vector_load %arg9[%get3A_414, %get3A_415] {strides = array<i32>} : memref<24x128xi32, #tpu.memory_space<vmem>>, vector<16xi32>,
      %shift_right_logical3A_417 = arith.constant 11 : i32
      %shift_right_logical3A_418 = vector.broadcast %shift_right_logical3A_417 : i32 to vector<16xi32>
      %shift_right_logical3A_419 = arith.shrui %get3A_416, %shift_right_logical3A_418 : vector<16xi32>
      %and3A_420 = arith.constant 2047 : i32
      %and3A_421 = vector.broadcast %and3A_420 : i32 to vector<16xi32>
      %and3A_422 = arith.andi %get3A_416, %and3A_421 : vector<16xi32>
      %gather3A_423 = tpu.vector_load_idx %arg8[%shift_right_logical3A_419, %and3A_422] : memref<49x2048xi32, #tpu.memory_space<vmem>>[vector<16xi32>, vector<16xi32>], vector<16xi32>,
      %swap3A_424 = arith.constant 2 : i32
      %swap3A_425 = arith.index_cast %swap3A_424 : i32 to index
      %swap3A_426 = arith.constant 112 : index
      %swap3A_427 = tpu.vector_load %arg9[%swap3A_425, %swap3A_426] {strides = array<i32>} : memref<24x128xi32, #tpu.memory_space<vmem>>, vector<16xi32>,
      tpu.vector_store %arg9[%swap3A_425, %swap3A_426], %gather3A_423 {strides = array<i32>} : memref<24x128xi32, #tpu.memory_space<vmem>>, vector<16xi32>,
      %get3A_428 = arith.constant 3 : i32
      %get3A_429 = arith.index_cast %get3A_428 : i32 to index
      %get3A_430 = arith.constant 0 : index
      %get3A_431 = tpu.vector_load %arg9[%get3A_429, %get3A_430] {strides = array<i32>} : memref<24x128xi32, #tpu.memory_space<vmem>>, vector<16xi32>,
      %shift_right_logical3A_432 = arith.constant 11 : i32
      %shift_right_logical3A_433 = vector.broadcast %shift_right_logical3A_432 : i32 to vector<16xi32>
      %shift_right_logical3A_434 = arith.shrui %get3A_431, %shift_right_logical3A_433 : vector<16xi32>
      %and3A_435 = arith.constant 2047 : i32
      %and3A_436 = vector.broadcast %and3A_435 : i32 to vector<16xi32>
      %and3A_437 = arith.andi %get3A_431, %and3A_436 : vector<16xi32>
      %gather3A_438 = tpu.vector_load_idx %arg8[%shift_right_logical3A_434, %and3A_437] : memref<49x2048xi32, #tpu.memory_space<vmem>>[vector<16xi32>, vector<16xi32>], vector<16xi32>,
      %swap3A_439 = arith.constant 3 : i32
      %swap3A_440 = arith.index_cast %swap3A_439 : i32 to index
      %swap3A_441 = arith.constant 0 : index
      %swap3A_442 = tpu.vector_load %arg9[%swap3A_440, %swap3A_441] {strides = array<i32>} : memref<24x128xi32, #tpu.memory_space<vmem>>, vector<16xi32>,
      tpu.vector_store %arg9[%swap3A_440, %swap3A_441], %gather3A_438 {strides = array<i32>} : memref<24x128xi32, #tpu.memory_space<vmem>>, vector<16xi32>,
      %get3A_443 = arith.constant 3 : i32
      %get3A_444 = arith.index_cast %get3A_443 : i32 to index
      %get3A_445 = arith.constant 16 : index
      %get3A_446 = tpu.vector_load %arg9[%get3A_444, %get3A_445] {strides = array<i32>} : memref<24x128xi32, #tpu.memory_space<vmem>>, vector<16xi32>,
      %shift_right_logical3A_447 = arith.constant 11 : i32
      %shift_right_logical3A_448 = vector.broadcast %shift_right_logical3A_447 : i32 to vector<16xi32>
      %shift_right_logical3A_449 = arith.shrui %get3A_446, %shift_right_logical3A_448 : vector<16xi32>
      %and3A_450 = arith.constant 2047 : i32
      %and3A_451 = vector.broadcast %and3A_450 : i32 to vector<16xi32>
      %and3A_452 = arith.andi %get3A_446, %and3A_451 : vector<16xi32>
      %gather3A_453 = tpu.vector_load_idx %arg8[%shift_right_logical3A_449, %and3A_452] : memref<49x2048xi32, #tpu.memory_space<vmem>>[vector<16xi32>, vector<16xi32>], vector<16xi32>,
      %swap3A_454 = arith.constant 3 : i32
      %swap3A_455 = arith.index_cast %swap3A_454 : i32 to index
      %swap3A_456 = arith.constant 16 : index
      %swap3A_457 = tpu.vector_load %arg9[%swap3A_455, %swap3A_456] {strides = array<i32>} : memref<24x128xi32, #tpu.memory_space<vmem>>, vector<16xi32>,
      tpu.vector_store %arg9[%swap3A_455, %swap3A_456], %gather3A_453 {strides = array<i32>} : memref<24x128xi32, #tpu.memory_space<vmem>>, vector<16xi32>,
      %get3A_458 = arith.constant 3 : i32
      %get3A_459 = arith.index_cast %get3A_458 : i32 to index
      %get3A_460 = arith.constant 32 : index
      %get3A_461 = tpu.vector_load %arg9[%get3A_459, %get3A_460] {strides = array<i32>} : memref<24x128xi32, #tpu.memory_space<vmem>>, vector<16xi32>,
      %shift_right_logical3A_462 = arith.constant 11 : i32
      %shift_right_logical3A_463 = vector.broadcast %shift_right_logical3A_462 : i32 to vector<16xi32>
      %shift_right_logical3A_464 = arith.shrui %get3A_461, %shift_right_logical3A_463 : vector<16xi32>
      %and3A_465 = arith.constant 2047 : i32
      %and3A_466 = vector.broadcast %and3A_465 : i32 to vector<16xi32>
      %and3A_467 = arith.andi %get3A_461, %and3A_466 : vector<16xi32>
      %gather3A_468 = tpu.vector_load_idx %arg8[%shift_right_logical3A_464, %and3A_467] : memref<49x2048xi32, #tpu.memory_space<vmem>>[vector<16xi32>, vector<16xi32>], vector<16xi32>,
      %swap3A_469 = arith.constant 3 : i32
      %swap3A_470 = arith.index_cast %swap3A_469 : i32 to index
      %swap3A_471 = arith.constant 32 : index
      %swap3A_472 = tpu.vector_load %arg9[%swap3A_470, %swap3A_471] {strides = array<i32>} : memref<24x128xi32, #tpu.memory_space<vmem>>, vector<16xi32>,
      tpu.vector_store %arg9[%swap3A_470, %swap3A_471], %gather3A_468 {strides = array<i32>} : memref<24x128xi32, #tpu.memory_space<vmem>>, vector<16xi32>,
      %get3A_473 = arith.constant 3 : i32
      %get3A_474 = arith.index_cast %get3A_473 : i32 to index
      %get3A_475 = arith.constant 48 : index
      %get3A_476 = tpu.vector_load %arg9[%get3A_474, %get3A_475] {strides = array<i32>} : memref<24x128xi32, #tpu.memory_space<vmem>>, vector<16xi32>,
      %shift_right_logical3A_477 = arith.constant 11 : i32
      %shift_right_logical3A_478 = vector.broadcast %shift_right_logical3A_477 : i32 to vector<16xi32>
      %shift_right_logical3A_479 = arith.shrui %get3A_476, %shift_right_logical3A_478 : vector<16xi32>
      %and3A_480 = arith.constant 2047 : i32
      %and3A_481 = vector.broadcast %and3A_480 : i32 to vector<16xi32>
      %and3A_482 = arith.andi %get3A_476, %and3A_481 : vector<16xi32>
      %gather3A_483 = tpu.vector_load_idx %arg8[%shift_right_logical3A_479, %and3A_482] : memref<49x2048xi32, #tpu.memory_space<vmem>>[vector<16xi32>, vector<16xi32>], vector<16xi32>,
      %swap3A_484 = arith.constant 3 : i32
      %swap3A_485 = arith.index_cast %swap3A_484 : i32 to index
      %swap3A_486 = arith.constant 48 : index
      %swap3A_487 = tpu.vector_load %arg9[%swap3A_485, %swap3A_486] {strides = array<i32>} : memref<24x128xi32, #tpu.memory_space<vmem>>, vector<16xi32>,
      tpu.vector_store %arg9[%swap3A_485, %swap3A_486], %gather3A_483 {strides = array<i32>} : memref<24x128xi32, #tpu.memory_space<vmem>>, vector<16xi32>,
      %get3A_488 = arith.constant 3 : i32
      %get3A_489 = arith.index_cast %get3A_488 : i32 to index
      %get3A_490 = arith.constant 64 : index
      %get3A_491 = tpu.vector_load %arg9[%get3A_489, %get3A_490] {strides = array<i32>} : memref<24x128xi32, #tpu.memory_space<vmem>>, vector<16xi32>,
      %shift_right_logical3A_492 = arith.constant 11 : i32
      %shift_right_logical3A_493 = vector.broadcast %shift_right_logical3A_492 : i32 to vector<16xi32>
      %shift_right_logical3A_494 = arith.shrui %get3A_491, %shift_right_logical3A_493 : vector<16xi32>
      %and3A_495 = arith.constant 2047 : i32
      %and3A_496 = vector.broadcast %and3A_495 : i32 to vector<16xi32>
      %and3A_497 = arith.andi %get3A_491, %and3A_496 : vector<16xi32>
      %gather3A_498 = tpu.vector_load_idx %arg8[%shift_right_logical3A_494, %and3A_497] : memref<49x2048xi32, #tpu.memory_space<vmem>>[vector<16xi32>, vector<16xi32>], vector<16xi32>,
      %swap3A_499 = arith.constant 3 : i32
      %swap3A_500 = arith.index_cast %swap3A_499 : i32 to index
      %swap3A_501 = arith.constant 64 : index
      %swap3A_502 = tpu.vector_load %arg9[%swap3A_500, %swap3A_501] {strides = array<i32>} : memref<24x128xi32, #tpu.memory_space<vmem>>, vector<16xi32>,
      tpu.vector_store %arg9[%swap3A_500, %swap3A_501], %gather3A_498 {strides = array<i32>} : memref<24x128xi32, #tpu.memory_space<vmem>>, vector<16xi32>,
      %get3A_503 = arith.constant 3 : i32
      %get3A_504 = arith.index_cast %get3A_503 : i32 to index
      %get3A_505 = arith.constant 80 : index
      %get3A_506 = tpu.vector_load %arg9[%get3A_504, %get3A_505] {strides = array<i32>} : memref<24x128xi32, #tpu.memory_space<vmem>>, vector<16xi32>,
      %shift_right_logical3A_507 = arith.constant 11 : i32
      %shift_right_logical3A_508 = vector.broadcast %shift_right_logical3A_507 : i32 to vector<16xi32>
      %shift_right_logical3A_509 = arith.shrui %get3A_506, %shift_right_logical3A_508 : vector<16xi32>
      %and3A_510 = arith.constant 2047 : i32
      %and3A_511 = vector.broadcast %and3A_510 : i32 to vector<16xi32>
      %and3A_512 = arith.andi %get3A_506, %and3A_511 : vector<16xi32>
      %gather3A_513 = tpu.vector_load_idx %arg8[%shift_right_logical3A_509, %and3A_512] : memref<49x2048xi32, #tpu.memory_space<vmem>>[vector<16xi32>, vector<16xi32>], vector<16xi32>,
      %swap3A_514 = arith.constant 3 : i32
      %swap3A_515 = arith.index_cast %swap3A_514 : i32 to index
      %swap3A_516 = arith.constant 80 : index
      %swap3A_517 = tpu.vector_load %arg9[%swap3A_515, %swap3A_516] {strides = array<i32>} : memref<24x128xi32, #tpu.memory_space<vmem>>, vector<16xi32>,
      tpu.vector_store %arg9[%swap3A_515, %swap3A_516], %gather3A_513 {strides = array<i32>} : memref<24x128xi32, #tpu.memory_space<vmem>>, vector<16xi32>,
      %get3A_518 = arith.constant 3 : i32
      %get3A_519 = arith.index_cast %get3A_518 : i32 to index
      %get3A_520 = arith.constant 96 : index
      %get3A_521 = tpu.vector_load %arg9[%get3A_519, %get3A_520] {strides = array<i32>} : memref<24x128xi32, #tpu.memory_space<vmem>>, vector<16xi32>,
      %shift_right_logical3A_522 = arith.constant 11 : i32
      %shift_right_logical3A_523 = vector.broadcast %shift_right_logical3A_522 : i32 to vector<16xi32>
      %shift_right_logical3A_524 = arith.shrui %get3A_521, %shift_right_logical3A_523 : vector<16xi32>
      %and3A_525 = arith.constant 2047 : i32
      %and3A_526 = vector.broadcast %and3A_525 : i32 to vector<16xi32>
      %and3A_527 = arith.andi %get3A_521, %and3A_526 : vector<16xi32>
      %gather3A_528 = tpu.vector_load_idx %arg8[%shift_right_logical3A_524, %and3A_527] : memref<49x2048xi32, #tpu.memory_space<vmem>>[vector<16xi32>, vector<16xi32>], vector<16xi32>,
      %swap3A_529 = arith.constant 3 : i32
      %swap3A_530 = arith.index_cast %swap3A_529 : i32 to index
      %swap3A_531 = arith.constant 96 : index
      %swap3A_532 = tpu.vector_load %arg9[%swap3A_530, %swap3A_531] {strides = array<i32>} : memref<24x128xi32, #tpu.memory_space<vmem>>, vector<16xi32>,
      tpu.vector_store %arg9[%swap3A_530, %swap3A_531], %gather3A_528 {strides = array<i32>} : memref<24x128xi32, #tpu.memory_space<vmem>>, vector<16xi32>,
      %get3A_533 = arith.constant 3 : i32
      %get3A_534 = arith.index_cast %get3A_533 : i32 to index
      %get3A_535 = arith.constant 112 : index
      %get3A_536 = tpu.vector_load %arg9[%get3A_534, %get3A_535] {strides = array<i32>} : memref<24x128xi32, #tpu.memory_space<vmem>>, vector<16xi32>,
      %shift_right_logical3A_537 = arith.constant 11 : i32
      %shift_right_logical3A_538 = vector.broadcast %shift_right_logical3A_537 : i32 to vector<16xi32>
      %shift_right_logical3A_539 = arith.shrui %get3A_536, %shift_right_logical3A_538 : vector<16xi32>
      %and3A_540 = arith.constant 2047 : i32
      %and3A_541 = vector.broadcast %and3A_540 : i32 to vector<16xi32>
      %and3A_542 = arith.andi %get3A_536, %and3A_541 : vector<16xi32>
      %gather3A_543 = tpu.vector_load_idx %arg8[%shift_right_logical3A_539, %and3A_542] : memref<49x2048xi32, #tpu.memory_space<vmem>>[vector<16xi32>, vector<16xi32>], vector<16xi32>,
      %swap3A_544 = arith.constant 3 : i32
      %swap3A_545 = arith.index_cast %swap3A_544 : i32 to index
      %swap3A_546 = arith.constant 112 : index
      %swap3A_547 = tpu.vector_load %arg9[%swap3A_545, %swap3A_546] {strides = array<i32>} : memref<24x128xi32, #tpu.memory_space<vmem>>, vector<16xi32>,
      tpu.vector_store %arg9[%swap3A_545, %swap3A_546], %gather3A_543 {strides = array<i32>} : memref<24x128xi32, #tpu.memory_space<vmem>>, vector<16xi32>,
      %get3A_548 = arith.constant 4 : i32
      %get3A_549 = arith.index_cast %get3A_548 : i32 to index
      %get3A_550 = arith.constant 0 : index
      %get3A_551 = tpu.vector_load %arg9[%get3A_549, %get3A_550] {strides = array<i32>} : memref<24x128xi32, #tpu.memory_space<vmem>>, vector<16xi32>,
      %shift_right_logical3A_552 = arith.constant 11 : i32
      %shift_right_logical3A_553 = vector.broadcast %shift_right_logical3A_552 : i32 to vector<16xi32>
      %shift_right_logical3A_554 = arith.shrui %get3A_551, %shift_right_logical3A_553 : vector<16xi32>
      %and3A_555 = arith.constant 2047 : i32
      %and3A_556 = vector.broadcast %and3A_555 : i32 to vector<16xi32>
      %and3A_557 = arith.andi %get3A_551, %and3A_556 : vector<16xi32>
      %gather3A_558 = tpu.vector_load_idx %arg8[%shift_right_logical3A_554, %and3A_557] : memref<49x2048xi32, #tpu.memory_space<vmem>>[vector<16xi32>, vector<16xi32>], vector<16xi32>,
      %swap3A_559 = arith.constant 4 : i32
      %swap3A_560 = arith.index_cast %swap3A_559 : i32 to index
      %swap3A_561 = arith.constant 0 : index
      %swap3A_562 = tpu.vector_load %arg9[%swap3A_560, %swap3A_561] {strides = array<i32>} : memref<24x128xi32, #tpu.memory_space<vmem>>, vector<16xi32>,
      tpu.vector_store %arg9[%swap3A_560, %swap3A_561], %gather3A_558 {strides = array<i32>} : memref<24x128xi32, #tpu.memory_space<vmem>>, vector<16xi32>,
      %get3A_563 = arith.constant 4 : i32
      %get3A_564 = arith.index_cast %get3A_563 : i32 to index
      %get3A_565 = arith.constant 16 : index
      %get3A_566 = tpu.vector_load %arg9[%get3A_564, %get3A_565] {strides = array<i32>} : memref<24x128xi32, #tpu.memory_space<vmem>>, vector<16xi32>,
      %shift_right_logical3A_567 = arith.constant 11 : i32
      %shift_right_logical3A_568 = vector.broadcast %shift_right_logical3A_567 : i32 to vector<16xi32>
      %shift_right_logical3A_569 = arith.shrui %get3A_566, %shift_right_logical3A_568 : vector<16xi32>
      %and3A_570 = arith.constant 2047 : i32
      %and3A_571 = vector.broadcast %and3A_570 : i32 to vector<16xi32>
      %and3A_572 = arith.andi %get3A_566, %and3A_571 : vector<16xi32>
      %gather3A_573 = tpu.vector_load_idx %arg8[%shift_right_logical3A_569, %and3A_572] : memref<49x2048xi32, #tpu.memory_space<vmem>>[vector<16xi32>, vector<16xi32>], vector<16xi32>,
      %swap3A_574 = arith.constant 4 : i32
      %swap3A_575 = arith.index_cast %swap3A_574 : i32 to index
      %swap3A_576 = arith.constant 16 : index
      %swap3A_577 = tpu.vector_load %arg9[%swap3A_575, %swap3A_576] {strides = array<i32>} : memref<24x128xi32, #tpu.memory_space<vmem>>, vector<16xi32>,
      tpu.vector_store %arg9[%swap3A_575, %swap3A_576], %gather3A_573 {strides = array<i32>} : memref<24x128xi32, #tpu.memory_space<vmem>>, vector<16xi32>,
      %get3A_578 = arith.constant 4 : i32
      %get3A_579 = arith.index_cast %get3A_578 : i32 to index
      %get3A_580 = arith.constant 32 : index
      %get3A_581 = tpu.vector_load %arg9[%get3A_579, %get3A_580] {strides = array<i32>} : memref<24x128xi32, #tpu.memory_space<vmem>>, vector<16xi32>,
      %shift_right_logical3A_582 = arith.constant 11 : i32
      %shift_right_logical3A_583 = vector.broadcast %shift_right_logical3A_582 : i32 to vector<16xi32>
      %shift_right_logical3A_584 = arith.shrui %get3A_581, %shift_right_logical3A_583 : vector<16xi32>
      %and3A_585 = arith.constant 2047 : i32
      %and3A_586 = vector.broadcast %and3A_585 : i32 to vector<16xi32>
      %and3A_587 = arith.andi %get3A_581, %and3A_586 : vector<16xi32>
      %gather3A_588 = tpu.vector_load_idx %arg8[%shift_right_logical3A_584, %and3A_587] : memref<49x2048xi32, #tpu.memory_space<vmem>>[vector<16xi32>, vector<16xi32>], vector<16xi32>,
      %swap3A_589 = arith.constant 4 : i32
      %swap3A_590 = arith.index_cast %swap3A_589 : i32 to index
      %swap3A_591 = arith.constant 32 : index
      %swap3A_592 = tpu.vector_load %arg9[%swap3A_590, %swap3A_591] {strides = array<i32>} : memref<24x128xi32, #tpu.memory_space<vmem>>, vector<16xi32>,
      tpu.vector_store %arg9[%swap3A_590, %swap3A_591], %gather3A_588 {strides = array<i32>} : memref<24x128xi32, #tpu.memory_space<vmem>>, vector<16xi32>,
      %get3A_593 = arith.constant 4 : i32
      %get3A_594 = arith.index_cast %get3A_593 : i32 to index
      %get3A_595 = arith.constant 48 : index
      %get3A_596 = tpu.vector_load %arg9[%get3A_594, %get3A_595] {strides = array<i32>} : memref<24x128xi32, #tpu.memory_space<vmem>>, vector<16xi32>,
      %shift_right_logical3A_597 = arith.constant 11 : i32
      %shift_right_logical3A_598 = vector.broadcast %shift_right_logical3A_597 : i32 to vector<16xi32>
      %shift_right_logical3A_599 = arith.shrui %get3A_596, %shift_right_logical3A_598 : vector<16xi32>
      %and3A_600 = arith.constant 2047 : i32
      %and3A_601 = vector.broadcast %and3A_600 : i32 to vector<16xi32>
      %and3A_602 = arith.andi %get3A_596, %and3A_601 : vector<16xi32>
      %gather3A_603 = tpu.vector_load_idx %arg8[%shift_right_logical3A_599, %and3A_602] : memref<49x2048xi32, #tpu.memory_space<vmem>>[vector<16xi32>, vector<16xi32>], vector<16xi32>,
      %swap3A_604 = arith.constant 4 : i32
      %swap3A_605 = arith.index_cast %swap3A_604 : i32 to index
      %swap3A_606 = arith.constant 48 : index
      %swap3A_607 = tpu.vector_load %arg9[%swap3A_605, %swap3A_606] {strides = array<i32>} : memref<24x128xi32, #tpu.memory_space<vmem>>, vector<16xi32>,
      tpu.vector_store %arg9[%swap3A_605, %swap3A_606], %gather3A_603 {strides = array<i32>} : memref<24x128xi32, #tpu.memory_space<vmem>>, vector<16xi32>,
      %get3A_608 = arith.constant 4 : i32
      %get3A_609 = arith.index_cast %get3A_608 : i32 to index
      %get3A_610 = arith.constant 64 : index
      %get3A_611 = tpu.vector_load %arg9[%get3A_609, %get3A_610] {strides = array<i32>} : memref<24x128xi32, #tpu.memory_space<vmem>>, vector<16xi32>,
      %shift_right_logical3A_612 = arith.constant 11 : i32
      %shift_right_logical3A_613 = vector.broadcast %shift_right_logical3A_612 : i32 to vector<16xi32>
      %shift_right_logical3A_614 = arith.shrui %get3A_611, %shift_right_logical3A_613 : vector<16xi32>
      %and3A_615 = arith.constant 2047 : i32
      %and3A_616 = vector.broadcast %and3A_615 : i32 to vector<16xi32>
      %and3A_617 = arith.andi %get3A_611, %and3A_616 : vector<16xi32>
      %gather3A_618 = tpu.vector_load_idx %arg8[%shift_right_logical3A_614, %and3A_617] : memref<49x2048xi32, #tpu.memory_space<vmem>>[vector<16xi32>, vector<16xi32>], vector<16xi32>,
      %swap3A_619 = arith.constant 4 : i32
      %swap3A_620 = arith.index_cast %swap3A_619 : i32 to index
      %swap3A_621 = arith.constant 64 : index
      %swap3A_622 = tpu.vector_load %arg9[%swap3A_620, %swap3A_621] {strides = array<i32>} : memref<24x128xi32, #tpu.memory_space<vmem>>, vector<16xi32>,
      tpu.vector_store %arg9[%swap3A_620, %swap3A_621], %gather3A_618 {strides = array<i32>} : memref<24x128xi32, #tpu.memory_space<vmem>>, vector<16xi32>,
      %get3A_623 = arith.constant 4 : i32
      %get3A_624 = arith.index_cast %get3A_623 : i32 to index
      %get3A_625 = arith.constant 80 : index
      %get3A_626 = tpu.vector_load %arg9[%get3A_624, %get3A_625] {strides = array<i32>} : memref<24x128xi32, #tpu.memory_space<vmem>>, vector<16xi32>,
      %shift_right_logical3A_627 = arith.constant 11 : i32
      %shift_right_logical3A_628 = vector.broadcast %shift_right_logical3A_627 : i32 to vector<16xi32>
      %shift_right_logical3A_629 = arith.shrui %get3A_626, %shift_right_logical3A_628 : vector<16xi32>
      %and3A_630 = arith.constant 2047 : i32
      %and3A_631 = vector.broadcast %and3A_630 : i32 to vector<16xi32>
      %and3A_632 = arith.andi %get3A_626, %and3A_631 : vector<16xi32>
      %gather3A_633 = tpu.vector_load_idx %arg8[%shift_right_logical3A_629, %and3A_632] : memref<49x2048xi32, #tpu.memory_space<vmem>>[vector<16xi32>, vector<16xi32>], vector<16xi32>,
      %swap3A_634 = arith.constant 4 : i32
      %swap3A_635 = arith.index_cast %swap3A_634 : i32 to index
      %swap3A_636 = arith.constant 80 : index
      %swap3A_637 = tpu.vector_load %arg9[%swap3A_635, %swap3A_636] {strides = array<i32>} : memref<24x128xi32, #tpu.memory_space<vmem>>, vector<16xi32>,
      tpu.vector_store %arg9[%swap3A_635, %swap3A_636], %gather3A_633 {strides = array<i32>} : memref<24x128xi32, #tpu.memory_space<vmem>>, vector<16xi32>,
      %get3A_638 = arith.constant 4 : i32
      %get3A_639 = arith.index_cast %get3A_638 : i32 to index
      %get3A_640 = arith.constant 96 : index
      %get3A_641 = tpu.vector_load %arg9[%get3A_639, %get3A_640] {strides = array<i32>} : memref<24x128xi32, #tpu.memory_space<vmem>>, vector<16xi32>,
      %shift_right_logical3A_642 = arith.constant 11 : i32
      %shift_right_logical3A_643 = vector.broadcast %shift_right_logical3A_642 : i32 to vector<16xi32>
      %shift_right_logical3A_644 = arith.shrui %get3A_641, %shift_right_logical3A_643 : vector<16xi32>
      %and3A_645 = arith.constant 2047 : i32
      %and3A_646 = vector.broadcast %and3A_645 : i32 to vector<16xi32>
      %and3A_647 = arith.andi %get3A_641, %and3A_646 : vector<16xi32>
      %gather3A_648 = tpu.vector_load_idx %arg8[%shift_right_logical3A_644, %and3A_647] : memref<49x2048xi32, #tpu.memory_space<vmem>>[vector<16xi32>, vector<16xi32>], vector<16xi32>,
      %swap3A_649 = arith.constant 4 : i32
      %swap3A_650 = arith.index_cast %swap3A_649 : i32 to index
      %swap3A_651 = arith.constant 96 : index
      %swap3A_652 = tpu.vector_load %arg9[%swap3A_650, %swap3A_651] {strides = array<i32>} : memref<24x128xi32, #tpu.memory_space<vmem>>, vector<16xi32>,
      tpu.vector_store %arg9[%swap3A_650, %swap3A_651], %gather3A_648 {strides = array<i32>} : memref<24x128xi32, #tpu.memory_space<vmem>>, vector<16xi32>,
      %get3A_653 = arith.constant 4 : i32
      %get3A_654 = arith.index_cast %get3A_653 : i32 to index
      %get3A_655 = arith.constant 112 : index
      %get3A_656 = tpu.vector_load %arg9[%get3A_654, %get3A_655] {strides = array<i32>} : memref<24x128xi32, #tpu.memory_space<vmem>>, vector<16xi32>,
      %shift_right_logical3A_657 = arith.constant 11 : i32
      %shift_right_logical3A_658 = vector.broadcast %shift_right_logical3A_657 : i32 to vector<16xi32>
      %shift_right_logical3A_659 = arith.shrui %get3A_656, %shift_right_logical3A_658 : vector<16xi32>
      %and3A_660 = arith.constant 2047 : i32
      %and3A_661 = vector.broadcast %and3A_660 : i32 to vector<16xi32>
      %and3A_662 = arith.andi %get3A_656, %and3A_661 : vector<16xi32>
      %gather3A_663 = tpu.vector_load_idx %arg8[%shift_right_logical3A_659, %and3A_662] : memref<49x2048xi32, #tpu.memory_space<vmem>>[vector<16xi32>, vector<16xi32>], vector<16xi32>,
      %swap3A_664 = arith.constant 4 : i32
      %swap3A_665 = arith.index_cast %swap3A_664 : i32 to index
      %swap3A_666 = arith.constant 112 : index
      %swap3A_667 = tpu.vector_load %arg9[%swap3A_665, %swap3A_666] {strides = array<i32>} : memref<24x128xi32, #tpu.memory_space<vmem>>, vector<16xi32>,
      tpu.vector_store %arg9[%swap3A_665, %swap3A_666], %gather3A_663 {strides = array<i32>} : memref<24x128xi32, #tpu.memory_space<vmem>>, vector<16xi32>,
      %get3A_668 = arith.constant 5 : i32
      %get3A_669 = arith.index_cast %get3A_668 : i32 to index
      %get3A_670 = arith.constant 0 : index
      %get3A_671 = tpu.vector_load %arg9[%get3A_669, %get3A_670] {strides = array<i32>} : memref<24x128xi32, #tpu.memory_space<vmem>>, vector<16xi32>,
      %shift_right_logical3A_672 = arith.constant 11 : i32
      %shift_right_logical3A_673 = vector.broadcast %shift_right_logical3A_672 : i32 to vector<16xi32>
      %shift_right_logical3A_674 = arith.shrui %get3A_671, %shift_right_logical3A_673 : vector<16xi32>
      %and3A_675 = arith.constant 2047 : i32
      %and3A_676 = vector.broadcast %and3A_675 : i32 to vector<16xi32>
      %and3A_677 = arith.andi %get3A_671, %and3A_676 : vector<16xi32>
      %gather3A_678 = tpu.vector_load_idx %arg8[%shift_right_logical3A_674, %and3A_677] : memref<49x2048xi32, #tpu.memory_space<vmem>>[vector<16xi32>, vector<16xi32>], vector<16xi32>,
      %swap3A_679 = arith.constant 5 : i32
      %swap3A_680 = arith.index_cast %swap3A_679 : i32 to index
      %swap3A_681 = arith.constant 0 : index
      %swap3A_682 = tpu.vector_load %arg9[%swap3A_680, %swap3A_681] {strides = array<i32>} : memref<24x128xi32, #tpu.memory_space<vmem>>, vector<16xi32>,
      tpu.vector_store %arg9[%swap3A_680, %swap3A_681], %gather3A_678 {strides = array<i32>} : memref<24x128xi32, #tpu.memory_space<vmem>>, vector<16xi32>,
      %get3A_683 = arith.constant 5 : i32
      %get3A_684 = arith.index_cast %get3A_683 : i32 to index
      %get3A_685 = arith.constant 16 : index
      %get3A_686 = tpu.vector_load %arg9[%get3A_684, %get3A_685] {strides = array<i32>} : memref<24x128xi32, #tpu.memory_space<vmem>>, vector<16xi32>,
      %shift_right_logical3A_687 = arith.constant 11 : i32
      %shift_right_logical3A_688 = vector.broadcast %shift_right_logical3A_687 : i32 to vector<16xi32>
      %shift_right_logical3A_689 = arith.shrui %get3A_686, %shift_right_logical3A_688 : vector<16xi32>
      %and3A_690 = arith.constant 2047 : i32
      %and3A_691 = vector.broadcast %and3A_690 : i32 to vector<16xi32>
      %and3A_692 = arith.andi %get3A_686, %and3A_691 : vector<16xi32>
      %gather3A_693 = tpu.vector_load_idx %arg8[%shift_right_logical3A_689, %and3A_692] : memref<49x2048xi32, #tpu.memory_space<vmem>>[vector<16xi32>, vector<16xi32>], vector<16xi32>,
      %swap3A_694 = arith.constant 5 : i32
      %swap3A_695 = arith.index_cast %swap3A_694 : i32 to index
      %swap3A_696 = arith.constant 16 : index
      %swap3A_697 = tpu.vector_load %arg9[%swap3A_695, %swap3A_696] {strides = array<i32>} : memref<24x128xi32, #tpu.memory_space<vmem>>, vector<16xi32>,
      tpu.vector_store %arg9[%swap3A_695, %swap3A_696], %gather3A_693 {strides = array<i32>} : memref<24x128xi32, #tpu.memory_space<vmem>>, vector<16xi32>,
      %get3A_698 = arith.constant 5 : i32
      %get3A_699 = arith.index_cast %get3A_698 : i32 to index
      %get3A_700 = arith.constant 32 : index
      %get3A_701 = tpu.vector_load %arg9[%get3A_699, %get3A_700] {strides = array<i32>} : memref<24x128xi32, #tpu.memory_space<vmem>>, vector<16xi32>,
      %shift_right_logical3A_702 = arith.constant 11 : i32
      %shift_right_logical3A_703 = vector.broadcast %shift_right_logical3A_702 : i32 to vector<16xi32>
      %shift_right_logical3A_704 = arith.shrui %get3A_701, %shift_right_logical3A_703 : vector<16xi32>
      %and3A_705 = arith.constant 2047 : i32
      %and3A_706 = vector.broadcast %and3A_705 : i32 to vector<16xi32>
      %and3A_707 = arith.andi %get3A_701, %and3A_706 : vector<16xi32>
      %gather3A_708 = tpu.vector_load_idx %arg8[%shift_right_logical3A_704, %and3A_707] : memref<49x2048xi32, #tpu.memory_space<vmem>>[vector<16xi32>, vector<16xi32>], vector<16xi32>,
      %swap3A_709 = arith.constant 5 : i32
      %swap3A_710 = arith.index_cast %swap3A_709 : i32 to index
      %swap3A_711 = arith.constant 32 : index
      %swap3A_712 = tpu.vector_load %arg9[%swap3A_710, %swap3A_711] {strides = array<i32>} : memref<24x128xi32, #tpu.memory_space<vmem>>, vector<16xi32>,
      tpu.vector_store %arg9[%swap3A_710, %swap3A_711], %gather3A_708 {strides = array<i32>} : memref<24x128xi32, #tpu.memory_space<vmem>>, vector<16xi32>,
      %get3A_713 = arith.constant 5 : i32
      %get3A_714 = arith.index_cast %get3A_713 : i32 to index
      %get3A_715 = arith.constant 48 : index
      %get3A_716 = tpu.vector_load %arg9[%get3A_714, %get3A_715] {strides = array<i32>} : memref<24x128xi32, #tpu.memory_space<vmem>>, vector<16xi32>,
      %shift_right_logical3A_717 = arith.constant 11 : i32
      %shift_right_logical3A_718 = vector.broadcast %shift_right_logical3A_717 : i32 to vector<16xi32>
      %shift_right_logical3A_719 = arith.shrui %get3A_716, %shift_right_logical3A_718 : vector<16xi32>
      %and3A_720 = arith.constant 2047 : i32
      %and3A_721 = vector.broadcast %and3A_720 : i32 to vector<16xi32>
      %and3A_722 = arith.andi %get3A_716, %and3A_721 : vector<16xi32>
      %gather3A_723 = tpu.vector_load_idx %arg8[%shift_right_logical3A_719, %and3A_722] : memref<49x2048xi32, #tpu.memory_space<vmem>>[vector<16xi32>, vector<16xi32>], vector<16xi32>,
      %swap3A_724 = arith.constant 5 : i32
      %swap3A_725 = arith.index_cast %swap3A_724 : i32 to index
      %swap3A_726 = arith.constant 48 : index
      %swap3A_727 = tpu.vector_load %arg9[%swap3A_725, %swap3A_726] {strides = array<i32>} : memref<24x128xi32, #tpu.memory_space<vmem>>, vector<16xi32>,
      tpu.vector_store %arg9[%swap3A_725, %swap3A_726], %gather3A_723 {strides = array<i32>} : memref<24x128xi32, #tpu.memory_space<vmem>>, vector<16xi32>,
      %get3A_728 = arith.constant 5 : i32
      %get3A_729 = arith.index_cast %get3A_728 : i32 to index
      %get3A_730 = arith.constant 64 : index
      %get3A_731 = tpu.vector_load %arg9[%get3A_729, %get3A_730] {strides = array<i32>} : memref<24x128xi32, #tpu.memory_space<vmem>>, vector<16xi32>,
      %shift_right_logical3A_732 = arith.constant 11 : i32
      %shift_right_logical3A_733 = vector.broadcast %shift_right_logical3A_732 : i32 to vector<16xi32>
      %shift_right_logical3A_734 = arith.shrui %get3A_731, %shift_right_logical3A_733 : vector<16xi32>
      %and3A_735 = arith.constant 2047 : i32
      %and3A_736 = vector.broadcast %and3A_735 : i32 to vector<16xi32>
      %and3A_737 = arith.andi %get3A_731, %and3A_736 : vector<16xi32>
      %gather3A_738 = tpu.vector_load_idx %arg8[%shift_right_logical3A_734, %and3A_737] : memref<49x2048xi32, #tpu.memory_space<vmem>>[vector<16xi32>, vector<16xi32>], vector<16xi32>,
      %swap3A_739 = arith.constant 5 : i32
      %swap3A_740 = arith.index_cast %swap3A_739 : i32 to index
      %swap3A_741 = arith.constant 64 : index
      %swap3A_742 = tpu.vector_load %arg9[%swap3A_740, %swap3A_741] {strides = array<i32>} : memref<24x128xi32, #tpu.memory_space<vmem>>, vector<16xi32>,
      tpu.vector_store %arg9[%swap3A_740, %swap3A_741], %gather3A_738 {strides = array<i32>} : memref<24x128xi32, #tpu.memory_space<vmem>>, vector<16xi32>,
      %get3A_743 = arith.constant 5 : i32
      %get3A_744 = arith.index_cast %get3A_743 : i32 to index
      %get3A_745 = arith.constant 80 : index
      %get3A_746 = tpu.vector_load %arg9[%get3A_744, %get3A_745] {strides = array<i32>} : memref<24x128xi32, #tpu.memory_space<vmem>>, vector<16xi32>,
      %shift_right_logical3A_747 = arith.constant 11 : i32
      %shift_right_logical3A_748 = vector.broadcast %shift_right_logical3A_747 : i32 to vector<16xi32>
      %shift_right_logical3A_749 = arith.shrui %get3A_746, %shift_right_logical3A_748 : vector<16xi32>
      %and3A_750 = arith.constant 2047 : i32
      %and3A_751 = vector.broadcast %and3A_750 : i32 to vector<16xi32>
      %and3A_752 = arith.andi %get3A_746, %and3A_751 : vector<16xi32>
      %gather3A_753 = tpu.vector_load_idx %arg8[%shift_right_logical3A_749, %and3A_752] : memref<49x2048xi32, #tpu.memory_space<vmem>>[vector<16xi32>, vector<16xi32>], vector<16xi32>,
      %swap3A_754 = arith.constant 5 : i32
      %swap3A_755 = arith.index_cast %swap3A_754 : i32 to index
      %swap3A_756 = arith.constant 80 : index
      %swap3A_757 = tpu.vector_load %arg9[%swap3A_755, %swap3A_756] {strides = array<i32>} : memref<24x128xi32, #tpu.memory_space<vmem>>, vector<16xi32>,
      tpu.vector_store %arg9[%swap3A_755, %swap3A_756], %gather3A_753 {strides = array<i32>} : memref<24x128xi32, #tpu.memory_space<vmem>>, vector<16xi32>,
      %get3A_758 = arith.constant 5 : i32
      %get3A_759 = arith.index_cast %get3A_758 : i32 to index
      %get3A_760 = arith.constant 96 : index
      %get3A_761 = tpu.vector_load %arg9[%get3A_759, %get3A_760] {strides = array<i32>} : memref<24x128xi32, #tpu.memory_space<vmem>>, vector<16xi32>,
      %shift_right_logical3A_762 = arith.constant 11 : i32
      %shift_right_logical3A_763 = vector.broadcast %shift_right_logical3A_762 : i32 to vector<16xi32>
      %shift_right_logical3A_764 = arith.shrui %get3A_761, %shift_right_logical3A_763 : vector<16xi32>
      %and3A_765 = arith.constant 2047 : i32
      %and3A_766 = vector.broadcast %and3A_765 : i32 to vector<16xi32>
      %and3A_767 = arith.andi %get3A_761, %and3A_766 : vector<16xi32>
      %gather3A_768 = tpu.vector_load_idx %arg8[%shift_right_logical3A_764, %and3A_767] : memref<49x2048xi32, #tpu.memory_space<vmem>>[vector<16xi32>, vector<16xi32>], vector<16xi32>,
      %swap3A_769 = arith.constant 5 : i32
      %swap3A_770 = arith.index_cast %swap3A_769 : i32 to index
      %swap3A_771 = arith.constant 96 : index
      %swap3A_772 = tpu.vector_load %arg9[%swap3A_770, %swap3A_771] {strides = array<i32>} : memref<24x128xi32, #tpu.memory_space<vmem>>, vector<16xi32>,
      tpu.vector_store %arg9[%swap3A_770, %swap3A_771], %gather3A_768 {strides = array<i32>} : memref<24x128xi32, #tpu.memory_space<vmem>>, vector<16xi32>,
      %get3A_773 = arith.constant 5 : i32
      %get3A_774 = arith.index_cast %get3A_773 : i32 to index
      %get3A_775 = arith.constant 112 : index
      %get3A_776 = tpu.vector_load %arg9[%get3A_774, %get3A_775] {strides = array<i32>} : memref<24x128xi32, #tpu.memory_space<vmem>>, vector<16xi32>,
      %shift_right_logical3A_777 = arith.constant 11 : i32
      %shift_right_logical3A_778 = vector.broadcast %shift_right_logical3A_777 : i32 to vector<16xi32>
      %shift_right_logical3A_779 = arith.shrui %get3A_776, %shift_right_logical3A_778 : vector<16xi32>
      %and3A_780 = arith.constant 2047 : i32
      %and3A_781 = vector.broadcast %and3A_780 : i32 to vector<16xi32>
      %and3A_782 = arith.andi %get3A_776, %and3A_781 : vector<16xi32>
      %gather3A_783 = tpu.vector_load_idx %arg8[%shift_right_logical3A_779, %and3A_782] : memref<49x2048xi32, #tpu.memory_space<vmem>>[vector<16xi32>, vector<16xi32>], vector<16xi32>,
      %swap3A_784 = arith.constant 5 : i32
      %swap3A_785 = arith.index_cast %swap3A_784 : i32 to index
      %swap3A_786 = arith.constant 112 : index
      %swap3A_787 = tpu.vector_load %arg9[%swap3A_785, %swap3A_786] {strides = array<i32>} : memref<24x128xi32, #tpu.memory_space<vmem>>, vector<16xi32>,
      tpu.vector_store %arg9[%swap3A_785, %swap3A_786], %gather3A_783 {strides = array<i32>} : memref<24x128xi32, #tpu.memory_space<vmem>>, vector<16xi32>,
      %get3A_788 = arith.constant 6 : i32
      %get3A_789 = arith.index_cast %get3A_788 : i32 to index
      %get3A_790 = arith.constant 0 : index
      %get3A_791 = tpu.vector_load %arg9[%get3A_789, %get3A_790] {strides = array<i32>} : memref<24x128xi32, #tpu.memory_space<vmem>>, vector<16xi32>,
      %shift_right_logical3A_792 = arith.constant 11 : i32
      %shift_right_logical3A_793 = vector.broadcast %shift_right_logical3A_792 : i32 to vector<16xi32>
      %shift_right_logical3A_794 = arith.shrui %get3A_791, %shift_right_logical3A_793 : vector<16xi32>
      %and3A_795 = arith.constant 2047 : i32
      %and3A_796 = vector.broadcast %and3A_795 : i32 to vector<16xi32>
      %and3A_797 = arith.andi %get3A_791, %and3A_796 : vector<16xi32>
      %gather3A_798 = tpu.vector_load_idx %arg8[%shift_right_logical3A_794, %and3A_797] : memref<49x2048xi32, #tpu.memory_space<vmem>>[vector<16xi32>, vector<16xi32>], vector<16xi32>,
      %swap3A_799 = arith.constant 6 : i32
      %swap3A_800 = arith.index_cast %swap3A_799 : i32 to index
      %swap3A_801 = arith.constant 0 : index
      %swap3A_802 = tpu.vector_load %arg9[%swap3A_800, %swap3A_801] {strides = array<i32>} : memref<24x128xi32, #tpu.memory_space<vmem>>, vector<16xi32>,
      tpu.vector_store %arg9[%swap3A_800, %swap3A_801], %gather3A_798 {strides = array<i32>} : memref<24x128xi32, #tpu.memory_space<vmem>>, vector<16xi32>,
      %get3A_803 = arith.constant 6 : i32
      %get3A_804 = arith.index_cast %get3A_803 : i32 to index
      %get3A_805 = arith.constant 16 : index
      %get3A_806 = tpu.vector_load %arg9[%get3A_804, %get3A_805] {strides = array<i32>} : memref<24x128xi32, #tpu.memory_space<vmem>>, vector<16xi32>,
      %shift_right_logical3A_807 = arith.constant 11 : i32
      %shift_right_logical3A_808 = vector.broadcast %shift_right_logical3A_807 : i32 to vector<16xi32>
      %shift_right_logical3A_809 = arith.shrui %get3A_806, %shift_right_logical3A_808 : vector<16xi32>
      %and3A_810 = arith.constant 2047 : i32
      %and3A_811 = vector.broadcast %and3A_810 : i32 to vector<16xi32>
      %and3A_812 = arith.andi %get3A_806, %and3A_811 : vector<16xi32>
      %gather3A_813 = tpu.vector_load_idx %arg8[%shift_right_logical3A_809, %and3A_812] : memref<49x2048xi32, #tpu.memory_space<vmem>>[vector<16xi32>, vector<16xi32>], vector<16xi32>,
      %swap3A_814 = arith.constant 6 : i32
      %swap3A_815 = arith.index_cast %swap3A_814 : i32 to index
      %swap3A_816 = arith.constant 16 : index
      %swap3A_817 = tpu.vector_load %arg9[%swap3A_815, %swap3A_816] {strides = array<i32>} : memref<24x128xi32, #tpu.memory_space<vmem>>, vector<16xi32>,
      tpu.vector_store %arg9[%swap3A_815, %swap3A_816], %gather3A_813 {strides = array<i32>} : memref<24x128xi32, #tpu.memory_space<vmem>>, vector<16xi32>,
      %get3A_818 = arith.constant 6 : i32
      %get3A_819 = arith.index_cast %get3A_818 : i32 to index
      %get3A_820 = arith.constant 32 : index
      %get3A_821 = tpu.vector_load %arg9[%get3A_819, %get3A_820] {strides = array<i32>} : memref<24x128xi32, #tpu.memory_space<vmem>>, vector<16xi32>,
      %shift_right_logical3A_822 = arith.constant 11 : i32
      %shift_right_logical3A_823 = vector.broadcast %shift_right_logical3A_822 : i32 to vector<16xi32>
      %shift_right_logical3A_824 = arith.shrui %get3A_821, %shift_right_logical3A_823 : vector<16xi32>
      %and3A_825 = arith.constant 2047 : i32
      %and3A_826 = vector.broadcast %and3A_825 : i32 to vector<16xi32>
      %and3A_827 = arith.andi %get3A_821, %and3A_826 : vector<16xi32>
      %gather3A_828 = tpu.vector_load_idx %arg8[%shift_right_logical3A_824, %and3A_827] : memref<49x2048xi32, #tpu.memory_space<vmem>>[vector<16xi32>, vector<16xi32>], vector<16xi32>,
      %swap3A_829 = arith.constant 6 : i32
      %swap3A_830 = arith.index_cast %swap3A_829 : i32 to index
      %swap3A_831 = arith.constant 32 : index
      %swap3A_832 = tpu.vector_load %arg9[%swap3A_830, %swap3A_831] {strides = array<i32>} : memref<24x128xi32, #tpu.memory_space<vmem>>, vector<16xi32>,
      tpu.vector_store %arg9[%swap3A_830, %swap3A_831], %gather3A_828 {strides = array<i32>} : memref<24x128xi32, #tpu.memory_space<vmem>>, vector<16xi32>,
      %get3A_833 = arith.constant 6 : i32
      %get3A_834 = arith.index_cast %get3A_833 : i32 to index
      %get3A_835 = arith.constant 48 : index
      %get3A_836 = tpu.vector_load %arg9[%get3A_834, %get3A_835] {strides = array<i32>} : memref<24x128xi32, #tpu.memory_space<vmem>>, vector<16xi32>,
      %shift_right_logical3A_837 = arith.constant 11 : i32
      %shift_right_logical3A_838 = vector.broadcast %shift_right_logical3A_837 : i32 to vector<16xi32>
      %shift_right_logical3A_839 = arith.shrui %get3A_836, %shift_right_logical3A_838 : vector<16xi32>
      %and3A_840 = arith.constant 2047 : i32
      %and3A_841 = vector.broadcast %and3A_840 : i32 to vector<16xi32>
      %and3A_842 = arith.andi %get3A_836, %and3A_841 : vector<16xi32>
      %gather3A_843 = tpu.vector_load_idx %arg8[%shift_right_logical3A_839, %and3A_842] : memref<49x2048xi32, #tpu.memory_space<vmem>>[vector<16xi32>, vector<16xi32>], vector<16xi32>,
      %swap3A_844 = arith.constant 6 : i32
      %swap3A_845 = arith.index_cast %swap3A_844 : i32 to index
      %swap3A_846 = arith.constant 48 : index
      %swap3A_847 = tpu.vector_load %arg9[%swap3A_845, %swap3A_846] {strides = array<i32>} : memref<24x128xi32, #tpu.memory_space<vmem>>, vector<16xi32>,
      tpu.vector_store %arg9[%swap3A_845, %swap3A_846], %gather3A_843 {strides = array<i32>} : memref<24x128xi32, #tpu.memory_space<vmem>>, vector<16xi32>,
      %get3A_848 = arith.constant 6 : i32
      %get3A_849 = arith.index_cast %get3A_848 : i32 to index
      %get3A_850 = arith.constant 64 : index
      %get3A_851 = tpu.vector_load %arg9[%get3A_849, %get3A_850] {strides = array<i32>} : memref<24x128xi32, #tpu.memory_space<vmem>>, vector<16xi32>,
      %shift_right_logical3A_852 = arith.constant 11 : i32
      %shift_right_logical3A_853 = vector.broadcast %shift_right_logical3A_852 : i32 to vector<16xi32>
      %shift_right_logical3A_854 = arith.shrui %get3A_851, %shift_right_logical3A_853 : vector<16xi32>
      %and3A_855 = arith.constant 2047 : i32
      %and3A_856 = vector.broadcast %and3A_855 : i32 to vector<16xi32>
      %and3A_857 = arith.andi %get3A_851, %and3A_856 : vector<16xi32>
      %gather3A_858 = tpu.vector_load_idx %arg8[%shift_right_logical3A_854, %and3A_857] : memref<49x2048xi32, #tpu.memory_space<vmem>>[vector<16xi32>, vector<16xi32>], vector<16xi32>,
      %swap3A_859 = arith.constant 6 : i32
      %swap3A_860 = arith.index_cast %swap3A_859 : i32 to index
      %swap3A_861 = arith.constant 64 : index
      %swap3A_862 = tpu.vector_load %arg9[%swap3A_860, %swap3A_861] {strides = array<i32>} : memref<24x128xi32, #tpu.memory_space<vmem>>, vector<16xi32>,
      tpu.vector_store %arg9[%swap3A_860, %swap3A_861], %gather3A_858 {strides = array<i32>} : memref<24x128xi32, #tpu.memory_space<vmem>>, vector<16xi32>,
      %get3A_863 = arith.constant 6 : i32
      %get3A_864 = arith.index_cast %get3A_863 : i32 to index
      %get3A_865 = arith.constant 80 : index
      %get3A_866 = tpu.vector_load %arg9[%get3A_864, %get3A_865] {strides = array<i32>} : memref<24x128xi32, #tpu.memory_space<vmem>>, vector<16xi32>,
      %shift_right_logical3A_867 = arith.constant 11 : i32
      %shift_right_logical3A_868 = vector.broadcast %shift_right_logical3A_867 : i32 to vector<16xi32>
      %shift_right_logical3A_869 = arith.shrui %get3A_866, %shift_right_logical3A_868 : vector<16xi32>
      %and3A_870 = arith.constant 2047 : i32
      %and3A_871 = vector.broadcast %and3A_870 : i32 to vector<16xi32>
      %and3A_872 = arith.andi %get3A_866, %and3A_871 : vector<16xi32>
      %gather3A_873 = tpu.vector_load_idx %arg8[%shift_right_logical3A_869, %and3A_872] : memref<49x2048xi32, #tpu.memory_space<vmem>>[vector<16xi32>, vector<16xi32>], vector<16xi32>,
      %swap3A_874 = arith.constant 6 : i32
      %swap3A_875 = arith.index_cast %swap3A_874 : i32 to index
      %swap3A_876 = arith.constant 80 : index
      %swap3A_877 = tpu.vector_load %arg9[%swap3A_875, %swap3A_876] {strides = array<i32>} : memref<24x128xi32, #tpu.memory_space<vmem>>, vector<16xi32>,
      tpu.vector_store %arg9[%swap3A_875, %swap3A_876], %gather3A_873 {strides = array<i32>} : memref<24x128xi32, #tpu.memory_space<vmem>>, vector<16xi32>,
      %get3A_878 = arith.constant 6 : i32
      %get3A_879 = arith.index_cast %get3A_878 : i32 to index
      %get3A_880 = arith.constant 96 : index
      %get3A_881 = tpu.vector_load %arg9[%get3A_879, %get3A_880] {strides = array<i32>} : memref<24x128xi32, #tpu.memory_space<vmem>>, vector<16xi32>,
      %shift_right_logical3A_882 = arith.constant 11 : i32
      %shift_right_logical3A_883 = vector.broadcast %shift_right_logical3A_882 : i32 to vector<16xi32>
      %shift_right_logical3A_884 = arith.shrui %get3A_881, %shift_right_logical3A_883 : vector<16xi32>
      %and3A_885 = arith.constant 2047 : i32
      %and3A_886 = vector.broadcast %and3A_885 : i32 to vector<16xi32>
      %and3A_887 = arith.andi %get3A_881, %and3A_886 : vector<16xi32>
      %gather3A_888 = tpu.vector_load_idx %arg8[%shift_right_logical3A_884, %and3A_887] : memref<49x2048xi32, #tpu.memory_space<vmem>>[vector<16xi32>, vector<16xi32>], vector<16xi32>,
      %swap3A_889 = arith.constant 6 : i32
      %swap3A_890 = arith.index_cast %swap3A_889 : i32 to index
      %swap3A_891 = arith.constant 96 : index
      %swap3A_892 = tpu.vector_load %arg9[%swap3A_890, %swap3A_891] {strides = array<i32>} : memref<24x128xi32, #tpu.memory_space<vmem>>, vector<16xi32>,
      tpu.vector_store %arg9[%swap3A_890, %swap3A_891], %gather3A_888 {strides = array<i32>} : memref<24x128xi32, #tpu.memory_space<vmem>>, vector<16xi32>,
      %get3A_893 = arith.constant 6 : i32
      %get3A_894 = arith.index_cast %get3A_893 : i32 to index
      %get3A_895 = arith.constant 112 : index
      %get3A_896 = tpu.vector_load %arg9[%get3A_894, %get3A_895] {strides = array<i32>} : memref<24x128xi32, #tpu.memory_space<vmem>>, vector<16xi32>,
      %shift_right_logical3A_897 = arith.constant 11 : i32
      %shift_right_logical3A_898 = vector.broadcast %shift_right_logical3A_897 : i32 to vector<16xi32>
      %shift_right_logical3A_899 = arith.shrui %get3A_896, %shift_right_logical3A_898 : vector<16xi32>
      %and3A_900 = arith.constant 2047 : i32
      %and3A_901 = vector.broadcast %and3A_900 : i32 to vector<16xi32>
      %and3A_902 = arith.andi %get3A_896, %and3A_901 : vector<16xi32>
      %gather3A_903 = tpu.vector_load_idx %arg8[%shift_right_logical3A_899, %and3A_902] : memref<49x2048xi32, #tpu.memory_space<vmem>>[vector<16xi32>, vector<16xi32>], vector<16xi32>,
      %swap3A_904 = arith.constant 6 : i32
      %swap3A_905 = arith.index_cast %swap3A_904 : i32 to index
      %swap3A_906 = arith.constant 112 : index
      %swap3A_907 = tpu.vector_load %arg9[%swap3A_905, %swap3A_906] {strides = array<i32>} : memref<24x128xi32, #tpu.memory_space<vmem>>, vector<16xi32>,
      tpu.vector_store %arg9[%swap3A_905, %swap3A_906], %gather3A_903 {strides = array<i32>} : memref<24x128xi32, #tpu.memory_space<vmem>>, vector<16xi32>,
      %get3A_908 = arith.constant 7 : i32
      %get3A_909 = arith.index_cast %get3A_908 : i32 to index
      %get3A_910 = arith.constant 0 : index
      %get3A_911 = tpu.vector_load %arg9[%get3A_909, %get3A_910] {strides = array<i32>} : memref<24x128xi32, #tpu.memory_space<vmem>>, vector<16xi32>,
      %shift_right_logical3A_912 = arith.constant 11 : i32
      %shift_right_logical3A_913 = vector.broadcast %shift_right_logical3A_912 : i32 to vector<16xi32>
      %shift_right_logical3A_914 = arith.shrui %get3A_911, %shift_right_logical3A_913 : vector<16xi32>
      %and3A_915 = arith.constant 2047 : i32
      %and3A_916 = vector.broadcast %and3A_915 : i32 to vector<16xi32>
      %and3A_917 = arith.andi %get3A_911, %and3A_916 : vector<16xi32>
      %gather3A_918 = tpu.vector_load_idx %arg8[%shift_right_logical3A_914, %and3A_917] : memref<49x2048xi32, #tpu.memory_space<vmem>>[vector<16xi32>, vector<16xi32>], vector<16xi32>,
      %swap3A_919 = arith.constant 7 : i32
      %swap3A_920 = arith.index_cast %swap3A_919 : i32 to index
      %swap3A_921 = arith.constant 0 : index
      %swap3A_922 = tpu.vector_load %arg9[%swap3A_920, %swap3A_921] {strides = array<i32>} : memref<24x128xi32, #tpu.memory_space<vmem>>, vector<16xi32>,
      tpu.vector_store %arg9[%swap3A_920, %swap3A_921], %gather3A_918 {strides = array<i32>} : memref<24x128xi32, #tpu.memory_space<vmem>>, vector<16xi32>,
      %get3A_923 = arith.constant 7 : i32
      %get3A_924 = arith.index_cast %get3A_923 : i32 to index
      %get3A_925 = arith.constant 16 : index
      %get3A_926 = tpu.vector_load %arg9[%get3A_924, %get3A_925] {strides = array<i32>} : memref<24x128xi32, #tpu.memory_space<vmem>>, vector<16xi32>,
      %shift_right_logical3A_927 = arith.constant 11 : i32
      %shift_right_logical3A_928 = vector.broadcast %shift_right_logical3A_927 : i32 to vector<16xi32>
      %shift_right_logical3A_929 = arith.shrui %get3A_926, %shift_right_logical3A_928 : vector<16xi32>
      %and3A_930 = arith.constant 2047 : i32
      %and3A_931 = vector.broadcast %and3A_930 : i32 to vector<16xi32>
      %and3A_932 = arith.andi %get3A_926, %and3A_931 : vector<16xi32>
      %gather3A_933 = tpu.vector_load_idx %arg8[%shift_right_logical3A_929, %and3A_932] : memref<49x2048xi32, #tpu.memory_space<vmem>>[vector<16xi32>, vector<16xi32>], vector<16xi32>,
      %swap3A_934 = arith.constant 7 : i32
      %swap3A_935 = arith.index_cast %swap3A_934 : i32 to index
      %swap3A_936 = arith.constant 16 : index
      %swap3A_937 = tpu.vector_load %arg9[%swap3A_935, %swap3A_936] {strides = array<i32>} : memref<24x128xi32, #tpu.memory_space<vmem>>, vector<16xi32>,
      tpu.vector_store %arg9[%swap3A_935, %swap3A_936], %gather3A_933 {strides = array<i32>} : memref<24x128xi32, #tpu.memory_space<vmem>>, vector<16xi32>,
      %get3A_938 = arith.constant 7 : i32
      %get3A_939 = arith.index_cast %get3A_938 : i32 to index
      %get3A_940 = arith.constant 32 : index
      %get3A_941 = tpu.vector_load %arg9[%get3A_939, %get3A_940] {strides = array<i32>} : memref<24x128xi32, #tpu.memory_space<vmem>>, vector<16xi32>,
      %shift_right_logical3A_942 = arith.constant 11 : i32
      %shift_right_logical3A_943 = vector.broadcast %shift_right_logical3A_942 : i32 to vector<16xi32>
      %shift_right_logical3A_944 = arith.shrui %get3A_941, %shift_right_logical3A_943 : vector<16xi32>
      %and3A_945 = arith.constant 2047 : i32
      %and3A_946 = vector.broadcast %and3A_945 : i32 to vector<16xi32>
      %and3A_947 = arith.andi %get3A_941, %and3A_946 : vector<16xi32>
      %gather3A_948 = tpu.vector_load_idx %arg8[%shift_right_logical3A_944, %and3A_947] : memref<49x2048xi32, #tpu.memory_space<vmem>>[vector<16xi32>, vector<16xi32>], vector<16xi32>,
      %swap3A_949 = arith.constant 7 : i32
      %swap3A_950 = arith.index_cast %swap3A_949 : i32 to index
      %swap3A_951 = arith.constant 32 : index
      %swap3A_952 = tpu.vector_load %arg9[%swap3A_950, %swap3A_951] {strides = array<i32>} : memref<24x128xi32, #tpu.memory_space<vmem>>, vector<16xi32>,
      tpu.vector_store %arg9[%swap3A_950, %swap3A_951], %gather3A_948 {strides = array<i32>} : memref<24x128xi32, #tpu.memory_space<vmem>>, vector<16xi32>,
      %get3A_953 = arith.constant 7 : i32
      %get3A_954 = arith.index_cast %get3A_953 : i32 to index
      %get3A_955 = arith.constant 48 : index
      %get3A_956 = tpu.vector_load %arg9[%get3A_954, %get3A_955] {strides = array<i32>} : memref<24x128xi32, #tpu.memory_space<vmem>>, vector<16xi32>,
      %shift_right_logical3A_957 = arith.constant 11 : i32
      %shift_right_logical3A_958 = vector.broadcast %shift_right_logical3A_957 : i32 to vector<16xi32>
      %shift_right_logical3A_959 = arith.shrui %get3A_956, %shift_right_logical3A_958 : vector<16xi32>
      %and3A_960 = arith.constant 2047 : i32
      %and3A_961 = vector.broadcast %and3A_960 : i32 to vector<16xi32>
      %and3A_962 = arith.andi %get3A_956, %and3A_961 : vector<16xi32>
      %gather3A_963 = tpu.vector_load_idx %arg8[%shift_right_logical3A_959, %and3A_962] : memref<49x2048xi32, #tpu.memory_space<vmem>>[vector<16xi32>, vector<16xi32>], vector<16xi32>,
      %swap3A_964 = arith.constant 7 : i32
      %swap3A_965 = arith.index_cast %swap3A_964 : i32 to index
      %swap3A_966 = arith.constant 48 : index
      %swap3A_967 = tpu.vector_load %arg9[%swap3A_965, %swap3A_966] {strides = array<i32>} : memref<24x128xi32, #tpu.memory_space<vmem>>, vector<16xi32>,
      tpu.vector_store %arg9[%swap3A_965, %swap3A_966], %gather3A_963 {strides = array<i32>} : memref<24x128xi32, #tpu.memory_space<vmem>>, vector<16xi32>,
      %get3A_968 = arith.constant 7 : i32
      %get3A_969 = arith.index_cast %get3A_968 : i32 to index
      %get3A_970 = arith.constant 64 : index
      %get3A_971 = tpu.vector_load %arg9[%get3A_969, %get3A_970] {strides = array<i32>} : memref<24x128xi32, #tpu.memory_space<vmem>>, vector<16xi32>,
      %shift_right_logical3A_972 = arith.constant 11 : i32
      %shift_right_logical3A_973 = vector.broadcast %shift_right_logical3A_972 : i32 to vector<16xi32>
      %shift_right_logical3A_974 = arith.shrui %get3A_971, %shift_right_logical3A_973 : vector<16xi32>
      %and3A_975 = arith.constant 2047 : i32
      %and3A_976 = vector.broadcast %and3A_975 : i32 to vector<16xi32>
      %and3A_977 = arith.andi %get3A_971, %and3A_976 : vector<16xi32>
      %gather3A_978 = tpu.vector_load_idx %arg8[%shift_right_logical3A_974, %and3A_977] : memref<49x2048xi32, #tpu.memory_space<vmem>>[vector<16xi32>, vector<16xi32>], vector<16xi32>,
      %swap3A_979 = arith.constant 7 : i32
      %swap3A_980 = arith.index_cast %swap3A_979 : i32 to index
      %swap3A_981 = arith.constant 64 : index
      %swap3A_982 = tpu.vector_load %arg9[%swap3A_980, %swap3A_981] {strides = array<i32>} : memref<24x128xi32, #tpu.memory_space<vmem>>, vector<16xi32>,
      tpu.vector_store %arg9[%swap3A_980, %swap3A_981], %gather3A_978 {strides = array<i32>} : memref<24x128xi32, #tpu.memory_space<vmem>>, vector<16xi32>,
      %get3A_983 = arith.constant 7 : i32
      %get3A_984 = arith.index_cast %get3A_983 : i32 to index
      %get3A_985 = arith.constant 80 : index
      %get3A_986 = tpu.vector_load %arg9[%get3A_984, %get3A_985] {strides = array<i32>} : memref<24x128xi32, #tpu.memory_space<vmem>>, vector<16xi32>,
      %shift_right_logical3A_987 = arith.constant 11 : i32
      %shift_right_logical3A_988 = vector.broadcast %shift_right_logical3A_987 : i32 to vector<16xi32>
      %shift_right_logical3A_989 = arith.shrui %get3A_986, %shift_right_logical3A_988 : vector<16xi32>
      %and3A_990 = arith.constant 2047 : i32
      %and3A_991 = vector.broadcast %and3A_990 : i32 to vector<16xi32>
      %and3A_992 = arith.andi %get3A_986, %and3A_991 : vector<16xi32>
      %gather3A_993 = tpu.vector_load_idx %arg8[%shift_right_logical3A_989, %and3A_992] : memref<49x2048xi32, #tpu.memory_space<vmem>>[vector<16xi32>, vector<16xi32>], vector<16xi32>,
      %swap3A_994 = arith.constant 7 : i32
      %swap3A_995 = arith.index_cast %swap3A_994 : i32 to index
      %swap3A_996 = arith.constant 80 : index
      %swap3A_997 = tpu.vector_load %arg9[%swap3A_995, %swap3A_996] {strides = array<i32>} : memref<24x128xi32, #tpu.memory_space<vmem>>, vector<16xi32>,
      tpu.vector_store %arg9[%swap3A_995, %swap3A_996], %gather3A_993 {strides = array<i32>} : memref<24x128xi32, #tpu.memory_space<vmem>>, vector<16xi32>,
      %get3A_998 = arith.constant 7 : i32
      %get3A_999 = arith.index_cast %get3A_998 : i32 to index
      %get3A_1000 = arith.constant 96 : index
      %get3A_1001 = tpu.vector_load %arg9[%get3A_999, %get3A_1000] {strides = array<i32>} : memref<24x128xi32, #tpu.memory_space<vmem>>, vector<16xi32>,
      %shift_right_logical3A_1002 = arith.constant 11 : i32
      %shift_right_logical3A_1003 = vector.broadcast %shift_right_logical3A_1002 : i32 to vector<16xi32>
      %shift_right_logical3A_1004 = arith.shrui %get3A_1001, %shift_right_logical3A_1003 : vector<16xi32>
      %and3A_1005 = arith.constant 2047 : i32
      %and3A_1006 = vector.broadcast %and3A_1005 : i32 to vector<16xi32>
      %and3A_1007 = arith.andi %get3A_1001, %and3A_1006 : vector<16xi32>
      %gather3A_1008 = tpu.vector_load_idx %arg8[%shift_right_logical3A_1004, %and3A_1007] : memref<49x2048xi32, #tpu.memory_space<vmem>>[vector<16xi32>, vector<16xi32>], vector<16xi32>,
      %swap3A_1009 = arith.constant 7 : i32
      %swap3A_1010 = arith.index_cast %swap3A_1009 : i32 to index
      %swap3A_1011 = arith.constant 96 : index
      %swap3A_1012 = tpu.vector_load %arg9[%swap3A_1010, %swap3A_1011] {strides = array<i32>} : memref<24x128xi32, #tpu.memory_space<vmem>>, vector<16xi32>,
      tpu.vector_store %arg9[%swap3A_1010, %swap3A_1011], %gather3A_1008 {strides = array<i32>} : memref<24x128xi32, #tpu.memory_space<vmem>>, vector<16xi32>,
      %get3A_1013 = arith.constant 7 : i32
      %get3A_1014 = arith.index_cast %get3A_1013 : i32 to index
      %get3A_1015 = arith.constant 112 : index
      %get3A_1016 = tpu.vector_load %arg9[%get3A_1014, %get3A_1015] {strides = array<i32>} : memref<24x128xi32, #tpu.memory_space<vmem>>, vector<16xi32>,
      %shift_right_logical3A_1017 = arith.constant 11 : i32
      %shift_right_logical3A_1018 = vector.broadcast %shift_right_logical3A_1017 : i32 to vector<16xi32>
      %shift_right_logical3A_1019 = arith.shrui %get3A_1016, %shift_right_logical3A_1018 : vector<16xi32>
      %and3A_1020 = arith.constant 2047 : i32
      %and3A_1021 = vector.broadcast %and3A_1020 : i32 to vector<16xi32>
      %and3A_1022 = arith.andi %get3A_1016, %and3A_1021 : vector<16xi32>
      %gather3A_1023 = tpu.vector_load_idx %arg8[%shift_right_logical3A_1019, %and3A_1022] : memref<49x2048xi32, #tpu.memory_space<vmem>>[vector<16xi32>, vector<16xi32>], vector<16xi32>,
      %swap3A_1024 = arith.constant 7 : i32
      %swap3A_1025 = arith.index_cast %swap3A_1024 : i32 to index
      %swap3A_1026 = arith.constant 112 : index
      %swap3A_1027 = tpu.vector_load %arg9[%swap3A_1025, %swap3A_1026] {strides = array<i32>} : memref<24x128xi32, #tpu.memory_space<vmem>>, vector<16xi32>,
      tpu.vector_store %arg9[%swap3A_1025, %swap3A_1026], %gather3A_1023 {strides = array<i32>} : memref<24x128xi32, #tpu.memory_space<vmem>>, vector<16xi32>,
      %get3A_1028 = arith.constant 8 : i32
      %get3A_1029 = arith.index_cast %get3A_1028 : i32 to index
      %get3A_1030 = arith.constant 0 : index
      %get3A_1031 = tpu.vector_load %arg9[%get3A_1029, %get3A_1030] {strides = array<i32>} : memref<24x128xi32, #tpu.memory_space<vmem>>, vector<16xi32>,
      %shift_right_logical3A_1032 = arith.constant 11 : i32
      %shift_right_logical3A_1033 = vector.broadcast %shift_right_logical3A_1032 : i32 to vector<16xi32>
      %shift_right_logical3A_1034 = arith.shrui %get3A_1031, %shift_right_logical3A_1033 : vector<16xi32>
      %and3A_1035 = arith.constant 2047 : i32
      %and3A_1036 = vector.broadcast %and3A_1035 : i32 to vector<16xi32>
      %and3A_1037 = arith.andi %get3A_1031, %and3A_1036 : vector<16xi32>
      %gather3A_1038 = tpu.vector_load_idx %arg8[%shift_right_logical3A_1034, %and3A_1037] : memref<49x2048xi32, #tpu.memory_space<vmem>>[vector<16xi32>, vector<16xi32>], vector<16xi32>,
      %swap3A_1039 = arith.constant 8 : i32
      %swap3A_1040 = arith.index_cast %swap3A_1039 : i32 to index
      %swap3A_1041 = arith.constant 0 : index
      %swap3A_1042 = tpu.vector_load %arg9[%swap3A_1040, %swap3A_1041] {strides = array<i32>} : memref<24x128xi32, #tpu.memory_space<vmem>>, vector<16xi32>,
      tpu.vector_store %arg9[%swap3A_1040, %swap3A_1041], %gather3A_1038 {strides = array<i32>} : memref<24x128xi32, #tpu.memory_space<vmem>>, vector<16xi32>,
      %get3A_1043 = arith.constant 8 : i32
      %get3A_1044 = arith.index_cast %get3A_1043 : i32 to index
      %get3A_1045 = arith.constant 16 : index
      %get3A_1046 = tpu.vector_load %arg9[%get3A_1044, %get3A_1045] {strides = array<i32>} : memref<24x128xi32, #tpu.memory_space<vmem>>, vector<16xi32>,
      %shift_right_logical3A_1047 = arith.constant 11 : i32
      %shift_right_logical3A_1048 = vector.broadcast %shift_right_logical3A_1047 : i32 to vector<16xi32>
      %shift_right_logical3A_1049 = arith.shrui %get3A_1046, %shift_right_logical3A_1048 : vector<16xi32>
      %and3A_1050 = arith.constant 2047 : i32
      %and3A_1051 = vector.broadcast %and3A_1050 : i32 to vector<16xi32>
      %and3A_1052 = arith.andi %get3A_1046, %and3A_1051 : vector<16xi32>
      %gather3A_1053 = tpu.vector_load_idx %arg8[%shift_right_logical3A_1049, %and3A_1052] : memref<49x2048xi32, #tpu.memory_space<vmem>>[vector<16xi32>, vector<16xi32>], vector<16xi32>,
      %swap3A_1054 = arith.constant 8 : i32
      %swap3A_1055 = arith.index_cast %swap3A_1054 : i32 to index
      %swap3A_1056 = arith.constant 16 : index
      %swap3A_1057 = tpu.vector_load %arg9[%swap3A_1055, %swap3A_1056] {strides = array<i32>} : memref<24x128xi32, #tpu.memory_space<vmem>>, vector<16xi32>,
      tpu.vector_store %arg9[%swap3A_1055, %swap3A_1056], %gather3A_1053 {strides = array<i32>} : memref<24x128xi32, #tpu.memory_space<vmem>>, vector<16xi32>,
      %get3A_1058 = arith.constant 8 : i32
      %get3A_1059 = arith.index_cast %get3A_1058 : i32 to index
      %get3A_1060 = arith.constant 32 : index
      %get3A_1061 = tpu.vector_load %arg9[%get3A_1059, %get3A_1060] {strides = array<i32>} : memref<24x128xi32, #tpu.memory_space<vmem>>, vector<16xi32>,
      %shift_right_logical3A_1062 = arith.constant 11 : i32
      %shift_right_logical3A_1063 = vector.broadcast %shift_right_logical3A_1062 : i32 to vector<16xi32>
      %shift_right_logical3A_1064 = arith.shrui %get3A_1061, %shift_right_logical3A_1063 : vector<16xi32>
      %and3A_1065 = arith.constant 2047 : i32
      %and3A_1066 = vector.broadcast %and3A_1065 : i32 to vector<16xi32>
      %and3A_1067 = arith.andi %get3A_1061, %and3A_1066 : vector<16xi32>
      %gather3A_1068 = tpu.vector_load_idx %arg8[%shift_right_logical3A_1064, %and3A_1067] : memref<49x2048xi32, #tpu.memory_space<vmem>>[vector<16xi32>, vector<16xi32>], vector<16xi32>,
      %swap3A_1069 = arith.constant 8 : i32
      %swap3A_1070 = arith.index_cast %swap3A_1069 : i32 to index
      %swap3A_1071 = arith.constant 32 : index
      %swap3A_1072 = tpu.vector_load %arg9[%swap3A_1070, %swap3A_1071] {strides = array<i32>} : memref<24x128xi32, #tpu.memory_space<vmem>>, vector<16xi32>,
      tpu.vector_store %arg9[%swap3A_1070, %swap3A_1071], %gather3A_1068 {strides = array<i32>} : memref<24x128xi32, #tpu.memory_space<vmem>>, vector<16xi32>,
      %get3A_1073 = arith.constant 8 : i32
      %get3A_1074 = arith.index_cast %get3A_1073 : i32 to index
      %get3A_1075 = arith.constant 48 : index
      %get3A_1076 = tpu.vector_load %arg9[%get3A_1074, %get3A_1075] {strides = array<i32>} : memref<24x128xi32, #tpu.memory_space<vmem>>, vector<16xi32>,
      %shift_right_logical3A_1077 = arith.constant 11 : i32
      %shift_right_logical3A_1078 = vector.broadcast %shift_right_logical3A_1077 : i32 to vector<16xi32>
      %shift_right_logical3A_1079 = arith.shrui %get3A_1076, %shift_right_logical3A_1078 : vector<16xi32>
      %and3A_1080 = arith.constant 2047 : i32
      %and3A_1081 = vector.broadcast %and3A_1080 : i32 to vector<16xi32>
      %and3A_1082 = arith.andi %get3A_1076, %and3A_1081 : vector<16xi32>
      %gather3A_1083 = tpu.vector_load_idx %arg8[%shift_right_logical3A_1079, %and3A_1082] : memref<49x2048xi32, #tpu.memory_space<vmem>>[vector<16xi32>, vector<16xi32>], vector<16xi32>,
      %swap3A_1084 = arith.constant 8 : i32
      %swap3A_1085 = arith.index_cast %swap3A_1084 : i32 to index
      %swap3A_1086 = arith.constant 48 : index
      %swap3A_1087 = tpu.vector_load %arg9[%swap3A_1085, %swap3A_1086] {strides = array<i32>} : memref<24x128xi32, #tpu.memory_space<vmem>>, vector<16xi32>,
      tpu.vector_store %arg9[%swap3A_1085, %swap3A_1086], %gather3A_1083 {strides = array<i32>} : memref<24x128xi32, #tpu.memory_space<vmem>>, vector<16xi32>,
      %get3A_1088 = arith.constant 8 : i32
      %get3A_1089 = arith.index_cast %get3A_1088 : i32 to index
      %get3A_1090 = arith.constant 64 : index
      %get3A_1091 = tpu.vector_load %arg9[%get3A_1089, %get3A_1090] {strides = array<i32>} : memref<24x128xi32, #tpu.memory_space<vmem>>, vector<16xi32>,
      %shift_right_logical3A_1092 = arith.constant 11 : i32
      %shift_right_logical3A_1093 = vector.broadcast %shift_right_logical3A_1092 : i32 to vector<16xi32>
      %shift_right_logical3A_1094 = arith.shrui %get3A_1091, %shift_right_logical3A_1093 : vector<16xi32>
      %and3A_1095 = arith.constant 2047 : i32
      %and3A_1096 = vector.broadcast %and3A_1095 : i32 to vector<16xi32>
      %and3A_1097 = arith.andi %get3A_1091, %and3A_1096 : vector<16xi32>
      %gather3A_1098 = tpu.vector_load_idx %arg8[%shift_right_logical3A_1094, %and3A_1097] : memref<49x2048xi32, #tpu.memory_space<vmem>>[vector<16xi32>, vector<16xi32>], vector<16xi32>,
      %swap3A_1099 = arith.constant 8 : i32
      %swap3A_1100 = arith.index_cast %swap3A_1099 : i32 to index
      %swap3A_1101 = arith.constant 64 : index
      %swap3A_1102 = tpu.vector_load %arg9[%swap3A_1100, %swap3A_1101] {strides = array<i32>} : memref<24x128xi32, #tpu.memory_space<vmem>>, vector<16xi32>,
      tpu.vector_store %arg9[%swap3A_1100, %swap3A_1101], %gather3A_1098 {strides = array<i32>} : memref<24x128xi32, #tpu.memory_space<vmem>>, vector<16xi32>,
      %get3A_1103 = arith.constant 8 : i32
      %get3A_1104 = arith.index_cast %get3A_1103 : i32 to index
      %get3A_1105 = arith.constant 80 : index
      %get3A_1106 = tpu.vector_load %arg9[%get3A_1104, %get3A_1105] {strides = array<i32>} : memref<24x128xi32, #tpu.memory_space<vmem>>, vector<16xi32>,
      %shift_right_logical3A_1107 = arith.constant 11 : i32
      %shift_right_logical3A_1108 = vector.broadcast %shift_right_logical3A_1107 : i32 to vector<16xi32>
      %shift_right_logical3A_1109 = arith.shrui %get3A_1106, %shift_right_logical3A_1108 : vector<16xi32>
      %and3A_1110 = arith.constant 2047 : i32
      %and3A_1111 = vector.broadcast %and3A_1110 : i32 to vector<16xi32>
      %and3A_1112 = arith.andi %get3A_1106, %and3A_1111 : vector<16xi32>
      %gather3A_1113 = tpu.vector_load_idx %arg8[%shift_right_logical3A_1109, %and3A_1112] : memref<49x2048xi32, #tpu.memory_space<vmem>>[vector<16xi32>, vector<16xi32>], vector<16xi32>,
      %swap3A_1114 = arith.constant 8 : i32
      %swap3A_1115 = arith.index_cast %swap3A_1114 : i32 to index
      %swap3A_1116 = arith.constant 80 : index
      %swap3A_1117 = tpu.vector_load %arg9[%swap3A_1115, %swap3A_1116] {strides = array<i32>} : memref<24x128xi32, #tpu.memory_space<vmem>>, vector<16xi32>,
      tpu.vector_store %arg9[%swap3A_1115, %swap3A_1116], %gather3A_1113 {strides = array<i32>} : memref<24x128xi32, #tpu.memory_space<vmem>>, vector<16xi32>,
      %get3A_1118 = arith.constant 8 : i32
      %get3A_1119 = arith.index_cast %get3A_1118 : i32 to index
      %get3A_1120 = arith.constant 96 : index
      %get3A_1121 = tpu.vector_load %arg9[%get3A_1119, %get3A_1120] {strides = array<i32>} : memref<24x128xi32, #tpu.memory_space<vmem>>, vector<16xi32>,
      %shift_right_logical3A_1122 = arith.constant 11 : i32
      %shift_right_logical3A_1123 = vector.broadcast %shift_right_logical3A_1122 : i32 to vector<16xi32>
      %shift_right_logical3A_1124 = arith.shrui %get3A_1121, %shift_right_logical3A_1123 : vector<16xi32>
      %and3A_1125 = arith.constant 2047 : i32
      %and3A_1126 = vector.broadcast %and3A_1125 : i32 to vector<16xi32>
      %and3A_1127 = arith.andi %get3A_1121, %and3A_1126 : vector<16xi32>
      %gather3A_1128 = tpu.vector_load_idx %arg8[%shift_right_logical3A_1124, %and3A_1127] : memref<49x2048xi32, #tpu.memory_space<vmem>>[vector<16xi32>, vector<16xi32>], vector<16xi32>,
      %swap3A_1129 = arith.constant 8 : i32
      %swap3A_1130 = arith.index_cast %swap3A_1129 : i32 to index
      %swap3A_1131 = arith.constant 96 : index
      %swap3A_1132 = tpu.vector_load %arg9[%swap3A_1130, %swap3A_1131] {strides = array<i32>} : memref<24x128xi32, #tpu.memory_space<vmem>>, vector<16xi32>,
      tpu.vector_store %arg9[%swap3A_1130, %swap3A_1131], %gather3A_1128 {strides = array<i32>} : memref<24x128xi32, #tpu.memory_space<vmem>>, vector<16xi32>,
      %get3A_1133 = arith.constant 8 : i32
      %get3A_1134 = arith.index_cast %get3A_1133 : i32 to index
      %get3A_1135 = arith.constant 112 : index
      %get3A_1136 = tpu.vector_load %arg9[%get3A_1134, %get3A_1135] {strides = array<i32>} : memref<24x128xi32, #tpu.memory_space<vmem>>, vector<16xi32>,
      %shift_right_logical3A_1137 = arith.constant 11 : i32
      %shift_right_logical3A_1138 = vector.broadcast %shift_right_logical3A_1137 : i32 to vector<16xi32>
      %shift_right_logical3A_1139 = arith.shrui %get3A_1136, %shift_right_logical3A_1138 : vector<16xi32>
      %and3A_1140 = arith.constant 2047 : i32
      %and3A_1141 = vector.broadcast %and3A_1140 : i32 to vector<16xi32>
      %and3A_1142 = arith.andi %get3A_1136, %and3A_1141 : vector<16xi32>
      %gather3A_1143 = tpu.vector_load_idx %arg8[%shift_right_logical3A_1139, %and3A_1142] : memref<49x2048xi32, #tpu.memory_space<vmem>>[vector<16xi32>, vector<16xi32>], vector<16xi32>,
      %swap3A_1144 = arith.constant 8 : i32
      %swap3A_1145 = arith.index_cast %swap3A_1144 : i32 to index
      %swap3A_1146 = arith.constant 112 : index
      %swap3A_1147 = tpu.vector_load %arg9[%swap3A_1145, %swap3A_1146] {strides = array<i32>} : memref<24x128xi32, #tpu.memory_space<vmem>>, vector<16xi32>,
      tpu.vector_store %arg9[%swap3A_1145, %swap3A_1146], %gather3A_1143 {strides = array<i32>} : memref<24x128xi32, #tpu.memory_space<vmem>>, vector<16xi32>,
      %get3A_1148 = arith.constant 9 : i32
      %get3A_1149 = arith.index_cast %get3A_1148 : i32 to index
      %get3A_1150 = arith.constant 0 : index
      %get3A_1151 = tpu.vector_load %arg9[%get3A_1149, %get3A_1150] {strides = array<i32>} : memref<24x128xi32, #tpu.memory_space<vmem>>, vector<16xi32>,
      %shift_right_logical3A_1152 = arith.constant 11 : i32
      %shift_right_logical3A_1153 = vector.broadcast %shift_right_logical3A_1152 : i32 to vector<16xi32>
      %shift_right_logical3A_1154 = arith.shrui %get3A_1151, %shift_right_logical3A_1153 : vector<16xi32>
      %and3A_1155 = arith.constant 2047 : i32
      %and3A_1156 = vector.broadcast %and3A_1155 : i32 to vector<16xi32>
      %and3A_1157 = arith.andi %get3A_1151, %and3A_1156 : vector<16xi32>
      %gather3A_1158 = tpu.vector_load_idx %arg8[%shift_right_logical3A_1154, %and3A_1157] : memref<49x2048xi32, #tpu.memory_space<vmem>>[vector<16xi32>, vector<16xi32>], vector<16xi32>,
      %swap3A_1159 = arith.constant 9 : i32
      %swap3A_1160 = arith.index_cast %swap3A_1159 : i32 to index
      %swap3A_1161 = arith.constant 0 : index
      %swap3A_1162 = tpu.vector_load %arg9[%swap3A_1160, %swap3A_1161] {strides = array<i32>} : memref<24x128xi32, #tpu.memory_space<vmem>>, vector<16xi32>,
      tpu.vector_store %arg9[%swap3A_1160, %swap3A_1161], %gather3A_1158 {strides = array<i32>} : memref<24x128xi32, #tpu.memory_space<vmem>>, vector<16xi32>,
      %get3A_1163 = arith.constant 9 : i32
      %get3A_1164 = arith.index_cast %get3A_1163 : i32 to index
      %get3A_1165 = arith.constant 16 : index
      %get3A_1166 = tpu.vector_load %arg9[%get3A_1164, %get3A_1165] {strides = array<i32>} : memref<24x128xi32, #tpu.memory_space<vmem>>, vector<16xi32>,
      %shift_right_logical3A_1167 = arith.constant 11 : i32
      %shift_right_logical3A_1168 = vector.broadcast %shift_right_logical3A_1167 : i32 to vector<16xi32>
      %shift_right_logical3A_1169 = arith.shrui %get3A_1166, %shift_right_logical3A_1168 : vector<16xi32>
      %and3A_1170 = arith.constant 2047 : i32
      %and3A_1171 = vector.broadcast %and3A_1170 : i32 to vector<16xi32>
      %and3A_1172 = arith.andi %get3A_1166, %and3A_1171 : vector<16xi32>
      %gather3A_1173 = tpu.vector_load_idx %arg8[%shift_right_logical3A_1169, %and3A_1172] : memref<49x2048xi32, #tpu.memory_space<vmem>>[vector<16xi32>, vector<16xi32>], vector<16xi32>,
      %swap3A_1174 = arith.constant 9 : i32
      %swap3A_1175 = arith.index_cast %swap3A_1174 : i32 to index
      %swap3A_1176 = arith.constant 16 : index
      %swap3A_1177 = tpu.vector_load %arg9[%swap3A_1175, %swap3A_1176] {strides = array<i32>} : memref<24x128xi32, #tpu.memory_space<vmem>>, vector<16xi32>,
      tpu.vector_store %arg9[%swap3A_1175, %swap3A_1176], %gather3A_1173 {strides = array<i32>} : memref<24x128xi32, #tpu.memory_space<vmem>>, vector<16xi32>,
      %get3A_1178 = arith.constant 9 : i32
      %get3A_1179 = arith.index_cast %get3A_1178 : i32 to index
      %get3A_1180 = arith.constant 32 : index
      %get3A_1181 = tpu.vector_load %arg9[%get3A_1179, %get3A_1180] {strides = array<i32>} : memref<24x128xi32, #tpu.memory_space<vmem>>, vector<16xi32>,
      %shift_right_logical3A_1182 = arith.constant 11 : i32
      %shift_right_logical3A_1183 = vector.broadcast %shift_right_logical3A_1182 : i32 to vector<16xi32>
      %shift_right_logical3A_1184 = arith.shrui %get3A_1181, %shift_right_logical3A_1183 : vector<16xi32>
      %and3A_1185 = arith.constant 2047 : i32
      %and3A_1186 = vector.broadcast %and3A_1185 : i32 to vector<16xi32>
      %and3A_1187 = arith.andi %get3A_1181, %and3A_1186 : vector<16xi32>
      %gather3A_1188 = tpu.vector_load_idx %arg8[%shift_right_logical3A_1184, %and3A_1187] : memref<49x2048xi32, #tpu.memory_space<vmem>>[vector<16xi32>, vector<16xi32>], vector<16xi32>,
      %swap3A_1189 = arith.constant 9 : i32
      %swap3A_1190 = arith.index_cast %swap3A_1189 : i32 to index
      %swap3A_1191 = arith.constant 32 : index
      %swap3A_1192 = tpu.vector_load %arg9[%swap3A_1190, %swap3A_1191] {strides = array<i32>} : memref<24x128xi32, #tpu.memory_space<vmem>>, vector<16xi32>,
      tpu.vector_store %arg9[%swap3A_1190, %swap3A_1191], %gather3A_1188 {strides = array<i32>} : memref<24x128xi32, #tpu.memory_space<vmem>>, vector<16xi32>,
      %get3A_1193 = arith.constant 9 : i32
      %get3A_1194 = arith.index_cast %get3A_1193 : i32 to index
      %get3A_1195 = arith.constant 48 : index
      %get3A_1196 = tpu.vector_load %arg9[%get3A_1194, %get3A_1195] {strides = array<i32>} : memref<24x128xi32, #tpu.memory_space<vmem>>, vector<16xi32>,
      %shift_right_logical3A_1197 = arith.constant 11 : i32
      %shift_right_logical3A_1198 = vector.broadcast %shift_right_logical3A_1197 : i32 to vector<16xi32>
      %shift_right_logical3A_1199 = arith.shrui %get3A_1196, %shift_right_logical3A_1198 : vector<16xi32>
      %and3A_1200 = arith.constant 2047 : i32
      %and3A_1201 = vector.broadcast %and3A_1200 : i32 to vector<16xi32>
      %and3A_1202 = arith.andi %get3A_1196, %and3A_1201 : vector<16xi32>
      %gather3A_1203 = tpu.vector_load_idx %arg8[%shift_right_logical3A_1199, %and3A_1202] : memref<49x2048xi32, #tpu.memory_space<vmem>>[vector<16xi32>, vector<16xi32>], vector<16xi32>,
      %swap3A_1204 = arith.constant 9 : i32
      %swap3A_1205 = arith.index_cast %swap3A_1204 : i32 to index
      %swap3A_1206 = arith.constant 48 : index
      %swap3A_1207 = tpu.vector_load %arg9[%swap3A_1205, %swap3A_1206] {strides = array<i32>} : memref<24x128xi32, #tpu.memory_space<vmem>>, vector<16xi32>,
      tpu.vector_store %arg9[%swap3A_1205, %swap3A_1206], %gather3A_1203 {strides = array<i32>} : memref<24x128xi32, #tpu.memory_space<vmem>>, vector<16xi32>,
      %get3A_1208 = arith.constant 9 : i32
      %get3A_1209 = arith.index_cast %get3A_1208 : i32 to index
      %get3A_1210 = arith.constant 64 : index
      %get3A_1211 = tpu.vector_load %arg9[%get3A_1209, %get3A_1210] {strides = array<i32>} : memref<24x128xi32, #tpu.memory_space<vmem>>, vector<16xi32>,
      %shift_right_logical3A_1212 = arith.constant 11 : i32
      %shift_right_logical3A_1213 = vector.broadcast %shift_right_logical3A_1212 : i32 to vector<16xi32>
      %shift_right_logical3A_1214 = arith.shrui %get3A_1211, %shift_right_logical3A_1213 : vector<16xi32>
      %and3A_1215 = arith.constant 2047 : i32
      %and3A_1216 = vector.broadcast %and3A_1215 : i32 to vector<16xi32>
      %and3A_1217 = arith.andi %get3A_1211, %and3A_1216 : vector<16xi32>
      %gather3A_1218 = tpu.vector_load_idx %arg8[%shift_right_logical3A_1214, %and3A_1217] : memref<49x2048xi32, #tpu.memory_space<vmem>>[vector<16xi32>, vector<16xi32>], vector<16xi32>,
      %swap3A_1219 = arith.constant 9 : i32
      %swap3A_1220 = arith.index_cast %swap3A_1219 : i32 to index
      %swap3A_1221 = arith.constant 64 : index
      %swap3A_1222 = tpu.vector_load %arg9[%swap3A_1220, %swap3A_1221] {strides = array<i32>} : memref<24x128xi32, #tpu.memory_space<vmem>>, vector<16xi32>,
      tpu.vector_store %arg9[%swap3A_1220, %swap3A_1221], %gather3A_1218 {strides = array<i32>} : memref<24x128xi32, #tpu.memory_space<vmem>>, vector<16xi32>,
      %get3A_1223 = arith.constant 9 : i32
      %get3A_1224 = arith.index_cast %get3A_1223 : i32 to index
      %get3A_1225 = arith.constant 80 : index
      %get3A_1226 = tpu.vector_load %arg9[%get3A_1224, %get3A_1225] {strides = array<i32>} : memref<24x128xi32, #tpu.memory_space<vmem>>, vector<16xi32>,
      %shift_right_logical3A_1227 = arith.constant 11 : i32
      %shift_right_logical3A_1228 = vector.broadcast %shift_right_logical3A_1227 : i32 to vector<16xi32>
      %shift_right_logical3A_1229 = arith.shrui %get3A_1226, %shift_right_logical3A_1228 : vector<16xi32>
      %and3A_1230 = arith.constant 2047 : i32
      %and3A_1231 = vector.broadcast %and3A_1230 : i32 to vector<16xi32>
      %and3A_1232 = arith.andi %get3A_1226, %and3A_1231 : vector<16xi32>
      %gather3A_1233 = tpu.vector_load_idx %arg8[%shift_right_logical3A_1229, %and3A_1232] : memref<49x2048xi32, #tpu.memory_space<vmem>>[vector<16xi32>, vector<16xi32>], vector<16xi32>,
      %swap3A_1234 = arith.constant 9 : i32
      %swap3A_1235 = arith.index_cast %swap3A_1234 : i32 to index
      %swap3A_1236 = arith.constant 80 : index
      %swap3A_1237 = tpu.vector_load %arg9[%swap3A_1235, %swap3A_1236] {strides = array<i32>} : memref<24x128xi32, #tpu.memory_space<vmem>>, vector<16xi32>,
      tpu.vector_store %arg9[%swap3A_1235, %swap3A_1236], %gather3A_1233 {strides = array<i32>} : memref<24x128xi32, #tpu.memory_space<vmem>>, vector<16xi32>,
      %get3A_1238 = arith.constant 9 : i32
      %get3A_1239 = arith.index_cast %get3A_1238 : i32 to index
      %get3A_1240 = arith.constant 96 : index
      %get3A_1241 = tpu.vector_load %arg9[%get3A_1239, %get3A_1240] {strides = array<i32>} : memref<24x128xi32, #tpu.memory_space<vmem>>, vector<16xi32>,
      %shift_right_logical3A_1242 = arith.constant 11 : i32
      %shift_right_logical3A_1243 = vector.broadcast %shift_right_logical3A_1242 : i32 to vector<16xi32>
      %shift_right_logical3A_1244 = arith.shrui %get3A_1241, %shift_right_logical3A_1243 : vector<16xi32>
      %and3A_1245 = arith.constant 2047 : i32
      %and3A_1246 = vector.broadcast %and3A_1245 : i32 to vector<16xi32>
      %and3A_1247 = arith.andi %get3A_1241, %and3A_1246 : vector<16xi32>
      %gather3A_1248 = tpu.vector_load_idx %arg8[%shift_right_logical3A_1244, %and3A_1247] : memref<49x2048xi32, #tpu.memory_space<vmem>>[vector<16xi32>, vector<16xi32>], vector<16xi32>,
      %swap3A_1249 = arith.constant 9 : i32
      %swap3A_1250 = arith.index_cast %swap3A_1249 : i32 to index
      %swap3A_1251 = arith.constant 96 : index
      %swap3A_1252 = tpu.vector_load %arg9[%swap3A_1250, %swap3A_1251] {strides = array<i32>} : memref<24x128xi32, #tpu.memory_space<vmem>>, vector<16xi32>,
      tpu.vector_store %arg9[%swap3A_1250, %swap3A_1251], %gather3A_1248 {strides = array<i32>} : memref<24x128xi32, #tpu.memory_space<vmem>>, vector<16xi32>,
      %get3A_1253 = arith.constant 9 : i32
      %get3A_1254 = arith.index_cast %get3A_1253 : i32 to index
      %get3A_1255 = arith.constant 112 : index
      %get3A_1256 = tpu.vector_load %arg9[%get3A_1254, %get3A_1255] {strides = array<i32>} : memref<24x128xi32, #tpu.memory_space<vmem>>, vector<16xi32>,
      %shift_right_logical3A_1257 = arith.constant 11 : i32
      %shift_right_logical3A_1258 = vector.broadcast %shift_right_logical3A_1257 : i32 to vector<16xi32>
      %shift_right_logical3A_1259 = arith.shrui %get3A_1256, %shift_right_logical3A_1258 : vector<16xi32>
      %and3A_1260 = arith.constant 2047 : i32
      %and3A_1261 = vector.broadcast %and3A_1260 : i32 to vector<16xi32>
      %and3A_1262 = arith.andi %get3A_1256, %and3A_1261 : vector<16xi32>
      %gather3A_1263 = tpu.vector_load_idx %arg8[%shift_right_logical3A_1259, %and3A_1262] : memref<49x2048xi32, #tpu.memory_space<vmem>>[vector<16xi32>, vector<16xi32>], vector<16xi32>,
      %swap3A_1264 = arith.constant 9 : i32
      %swap3A_1265 = arith.index_cast %swap3A_1264 : i32 to index
      %swap3A_1266 = arith.constant 112 : index
      %swap3A_1267 = tpu.vector_load %arg9[%swap3A_1265, %swap3A_1266] {strides = array<i32>} : memref<24x128xi32, #tpu.memory_space<vmem>>, vector<16xi32>,
      tpu.vector_store %arg9[%swap3A_1265, %swap3A_1266], %gather3A_1263 {strides = array<i32>} : memref<24x128xi32, #tpu.memory_space<vmem>>, vector<16xi32>,
      %get3A_1268 = arith.constant 10 : i32
      %get3A_1269 = arith.index_cast %get3A_1268 : i32 to index
      %get3A_1270 = arith.constant 0 : index
      %get3A_1271 = tpu.vector_load %arg9[%get3A_1269, %get3A_1270] {strides = array<i32>} : memref<24x128xi32, #tpu.memory_space<vmem>>, vector<16xi32>,
      %shift_right_logical3A_1272 = arith.constant 11 : i32
      %shift_right_logical3A_1273 = vector.broadcast %shift_right_logical3A_1272 : i32 to vector<16xi32>
      %shift_right_logical3A_1274 = arith.shrui %get3A_1271, %shift_right_logical3A_1273 : vector<16xi32>
      %and3A_1275 = arith.constant 2047 : i32
      %and3A_1276 = vector.broadcast %and3A_1275 : i32 to vector<16xi32>
      %and3A_1277 = arith.andi %get3A_1271, %and3A_1276 : vector<16xi32>
      %gather3A_1278 = tpu.vector_load_idx %arg8[%shift_right_logical3A_1274, %and3A_1277] : memref<49x2048xi32, #tpu.memory_space<vmem>>[vector<16xi32>, vector<16xi32>], vector<16xi32>,
      %swap3A_1279 = arith.constant 10 : i32
      %swap3A_1280 = arith.index_cast %swap3A_1279 : i32 to index
      %swap3A_1281 = arith.constant 0 : index
      %swap3A_1282 = tpu.vector_load %arg9[%swap3A_1280, %swap3A_1281] {strides = array<i32>} : memref<24x128xi32, #tpu.memory_space<vmem>>, vector<16xi32>,
      tpu.vector_store %arg9[%swap3A_1280, %swap3A_1281], %gather3A_1278 {strides = array<i32>} : memref<24x128xi32, #tpu.memory_space<vmem>>, vector<16xi32>,
      %get3A_1283 = arith.constant 10 : i32
      %get3A_1284 = arith.index_cast %get3A_1283 : i32 to index
      %get3A_1285 = arith.constant 16 : index
      %get3A_1286 = tpu.vector_load %arg9[%get3A_1284, %get3A_1285] {strides = array<i32>} : memref<24x128xi32, #tpu.memory_space<vmem>>, vector<16xi32>,
      %shift_right_logical3A_1287 = arith.constant 11 : i32
      %shift_right_logical3A_1288 = vector.broadcast %shift_right_logical3A_1287 : i32 to vector<16xi32>
      %shift_right_logical3A_1289 = arith.shrui %get3A_1286, %shift_right_logical3A_1288 : vector<16xi32>
      %and3A_1290 = arith.constant 2047 : i32
      %and3A_1291 = vector.broadcast %and3A_1290 : i32 to vector<16xi32>
      %and3A_1292 = arith.andi %get3A_1286, %and3A_1291 : vector<16xi32>
      %gather3A_1293 = tpu.vector_load_idx %arg8[%shift_right_logical3A_1289, %and3A_1292] : memref<49x2048xi32, #tpu.memory_space<vmem>>[vector<16xi32>, vector<16xi32>], vector<16xi32>,
      %swap3A_1294 = arith.constant 10 : i32
      %swap3A_1295 = arith.index_cast %swap3A_1294 : i32 to index
      %swap3A_1296 = arith.constant 16 : index
      %swap3A_1297 = tpu.vector_load %arg9[%swap3A_1295, %swap3A_1296] {strides = array<i32>} : memref<24x128xi32, #tpu.memory_space<vmem>>, vector<16xi32>,
      tpu.vector_store %arg9[%swap3A_1295, %swap3A_1296], %gather3A_1293 {strides = array<i32>} : memref<24x128xi32, #tpu.memory_space<vmem>>, vector<16xi32>,
      %get3A_1298 = arith.constant 10 : i32
      %get3A_1299 = arith.index_cast %get3A_1298 : i32 to index
      %get3A_1300 = arith.constant 32 : index
      %get3A_1301 = tpu.vector_load %arg9[%get3A_1299, %get3A_1300] {strides = array<i32>} : memref<24x128xi32, #tpu.memory_space<vmem>>, vector<16xi32>,
      %shift_right_logical3A_1302 = arith.constant 11 : i32
      %shift_right_logical3A_1303 = vector.broadcast %shift_right_logical3A_1302 : i32 to vector<16xi32>
      %shift_right_logical3A_1304 = arith.shrui %get3A_1301, %shift_right_logical3A_1303 : vector<16xi32>
      %and3A_1305 = arith.constant 2047 : i32
      %and3A_1306 = vector.broadcast %and3A_1305 : i32 to vector<16xi32>
      %and3A_1307 = arith.andi %get3A_1301, %and3A_1306 : vector<16xi32>
      %gather3A_1308 = tpu.vector_load_idx %arg8[%shift_right_logical3A_1304, %and3A_1307] : memref<49x2048xi32, #tpu.memory_space<vmem>>[vector<16xi32>, vector<16xi32>], vector<16xi32>,
      %swap3A_1309 = arith.constant 10 : i32
      %swap3A_1310 = arith.index_cast %swap3A_1309 : i32 to index
      %swap3A_1311 = arith.constant 32 : index
      %swap3A_1312 = tpu.vector_load %arg9[%swap3A_1310, %swap3A_1311] {strides = array<i32>} : memref<24x128xi32, #tpu.memory_space<vmem>>, vector<16xi32>,
      tpu.vector_store %arg9[%swap3A_1310, %swap3A_1311], %gather3A_1308 {strides = array<i32>} : memref<24x128xi32, #tpu.memory_space<vmem>>, vector<16xi32>,
      %get3A_1313 = arith.constant 10 : i32
      %get3A_1314 = arith.index_cast %get3A_1313 : i32 to index
      %get3A_1315 = arith.constant 48 : index
      %get3A_1316 = tpu.vector_load %arg9[%get3A_1314, %get3A_1315] {strides = array<i32>} : memref<24x128xi32, #tpu.memory_space<vmem>>, vector<16xi32>,
      %shift_right_logical3A_1317 = arith.constant 11 : i32
      %shift_right_logical3A_1318 = vector.broadcast %shift_right_logical3A_1317 : i32 to vector<16xi32>
      %shift_right_logical3A_1319 = arith.shrui %get3A_1316, %shift_right_logical3A_1318 : vector<16xi32>
      %and3A_1320 = arith.constant 2047 : i32
      %and3A_1321 = vector.broadcast %and3A_1320 : i32 to vector<16xi32>
      %and3A_1322 = arith.andi %get3A_1316, %and3A_1321 : vector<16xi32>
      %gather3A_1323 = tpu.vector_load_idx %arg8[%shift_right_logical3A_1319, %and3A_1322] : memref<49x2048xi32, #tpu.memory_space<vmem>>[vector<16xi32>, vector<16xi32>], vector<16xi32>,
      %swap3A_1324 = arith.constant 10 : i32
      %swap3A_1325 = arith.index_cast %swap3A_1324 : i32 to index
      %swap3A_1326 = arith.constant 48 : index
      %swap3A_1327 = tpu.vector_load %arg9[%swap3A_1325, %swap3A_1326] {strides = array<i32>} : memref<24x128xi32, #tpu.memory_space<vmem>>, vector<16xi32>,
      tpu.vector_store %arg9[%swap3A_1325, %swap3A_1326], %gather3A_1323 {strides = array<i32>} : memref<24x128xi32, #tpu.memory_space<vmem>>, vector<16xi32>,
      %get3A_1328 = arith.constant 10 : i32
      %get3A_1329 = arith.index_cast %get3A_1328 : i32 to index
      %get3A_1330 = arith.constant 64 : index
      %get3A_1331 = tpu.vector_load %arg9[%get3A_1329, %get3A_1330] {strides = array<i32>} : memref<24x128xi32, #tpu.memory_space<vmem>>, vector<16xi32>,
      %shift_right_logical3A_1332 = arith.constant 11 : i32
      %shift_right_logical3A_1333 = vector.broadcast %shift_right_logical3A_1332 : i32 to vector<16xi32>
      %shift_right_logical3A_1334 = arith.shrui %get3A_1331, %shift_right_logical3A_1333 : vector<16xi32>
      %and3A_1335 = arith.constant 2047 : i32
      %and3A_1336 = vector.broadcast %and3A_1335 : i32 to vector<16xi32>
      %and3A_1337 = arith.andi %get3A_1331, %and3A_1336 : vector<16xi32>
      %gather3A_1338 = tpu.vector_load_idx %arg8[%shift_right_logical3A_1334, %and3A_1337] : memref<49x2048xi32, #tpu.memory_space<vmem>>[vector<16xi32>, vector<16xi32>], vector<16xi32>,
      %swap3A_1339 = arith.constant 10 : i32
      %swap3A_1340 = arith.index_cast %swap3A_1339 : i32 to index
      %swap3A_1341 = arith.constant 64 : index
      %swap3A_1342 = tpu.vector_load %arg9[%swap3A_1340, %swap3A_1341] {strides = array<i32>} : memref<24x128xi32, #tpu.memory_space<vmem>>, vector<16xi32>,
      tpu.vector_store %arg9[%swap3A_1340, %swap3A_1341], %gather3A_1338 {strides = array<i32>} : memref<24x128xi32, #tpu.memory_space<vmem>>, vector<16xi32>,
      %get3A_1343 = arith.constant 10 : i32
      %get3A_1344 = arith.index_cast %get3A_1343 : i32 to index
      %get3A_1345 = arith.constant 80 : index
      %get3A_1346 = tpu.vector_load %arg9[%get3A_1344, %get3A_1345] {strides = array<i32>} : memref<24x128xi32, #tpu.memory_space<vmem>>, vector<16xi32>,
      %shift_right_logical3A_1347 = arith.constant 11 : i32
      %shift_right_logical3A_1348 = vector.broadcast %shift_right_logical3A_1347 : i32 to vector<16xi32>
      %shift_right_logical3A_1349 = arith.shrui %get3A_1346, %shift_right_logical3A_1348 : vector<16xi32>
      %and3A_1350 = arith.constant 2047 : i32
      %and3A_1351 = vector.broadcast %and3A_1350 : i32 to vector<16xi32>
      %and3A_1352 = arith.andi %get3A_1346, %and3A_1351 : vector<16xi32>
      %gather3A_1353 = tpu.vector_load_idx %arg8[%shift_right_logical3A_1349, %and3A_1352] : memref<49x2048xi32, #tpu.memory_space<vmem>>[vector<16xi32>, vector<16xi32>], vector<16xi32>,
      %swap3A_1354 = arith.constant 10 : i32
      %swap3A_1355 = arith.index_cast %swap3A_1354 : i32 to index
      %swap3A_1356 = arith.constant 80 : index
      %swap3A_1357 = tpu.vector_load %arg9[%swap3A_1355, %swap3A_1356] {strides = array<i32>} : memref<24x128xi32, #tpu.memory_space<vmem>>, vector<16xi32>,
      tpu.vector_store %arg9[%swap3A_1355, %swap3A_1356], %gather3A_1353 {strides = array<i32>} : memref<24x128xi32, #tpu.memory_space<vmem>>, vector<16xi32>,
      %get3A_1358 = arith.constant 10 : i32
      %get3A_1359 = arith.index_cast %get3A_1358 : i32 to index
      %get3A_1360 = arith.constant 96 : index
      %get3A_1361 = tpu.vector_load %arg9[%get3A_1359, %get3A_1360] {strides = array<i32>} : memref<24x128xi32, #tpu.memory_space<vmem>>, vector<16xi32>,
      %shift_right_logical3A_1362 = arith.constant 11 : i32
      %shift_right_logical3A_1363 = vector.broadcast %shift_right_logical3A_1362 : i32 to vector<16xi32>
      %shift_right_logical3A_1364 = arith.shrui %get3A_1361, %shift_right_logical3A_1363 : vector<16xi32>
      %and3A_1365 = arith.constant 2047 : i32
      %and3A_1366 = vector.broadcast %and3A_1365 : i32 to vector<16xi32>
      %and3A_1367 = arith.andi %get3A_1361, %and3A_1366 : vector<16xi32>
      %gather3A_1368 = tpu.vector_load_idx %arg8[%shift_right_logical3A_1364, %and3A_1367] : memref<49x2048xi32, #tpu.memory_space<vmem>>[vector<16xi32>, vector<16xi32>], vector<16xi32>,
      %swap3A_1369 = arith.constant 10 : i32
      %swap3A_1370 = arith.index_cast %swap3A_1369 : i32 to index
      %swap3A_1371 = arith.constant 96 : index
      %swap3A_1372 = tpu.vector_load %arg9[%swap3A_1370, %swap3A_1371] {strides = array<i32>} : memref<24x128xi32, #tpu.memory_space<vmem>>, vector<16xi32>,
      tpu.vector_store %arg9[%swap3A_1370, %swap3A_1371], %gather3A_1368 {strides = array<i32>} : memref<24x128xi32, #tpu.memory_space<vmem>>, vector<16xi32>,
      %get3A_1373 = arith.constant 10 : i32
      %get3A_1374 = arith.index_cast %get3A_1373 : i32 to index
      %get3A_1375 = arith.constant 112 : index
      %get3A_1376 = tpu.vector_load %arg9[%get3A_1374, %get3A_1375] {strides = array<i32>} : memref<24x128xi32, #tpu.memory_space<vmem>>, vector<16xi32>,
      %shift_right_logical3A_1377 = arith.constant 11 : i32
      %shift_right_logical3A_1378 = vector.broadcast %shift_right_logical3A_1377 : i32 to vector<16xi32>
      %shift_right_logical3A_1379 = arith.shrui %get3A_1376, %shift_right_logical3A_1378 : vector<16xi32>
      %and3A_1380 = arith.constant 2047 : i32
      %and3A_1381 = vector.broadcast %and3A_1380 : i32 to vector<16xi32>
      %and3A_1382 = arith.andi %get3A_1376, %and3A_1381 : vector<16xi32>
      %gather3A_1383 = tpu.vector_load_idx %arg8[%shift_right_logical3A_1379, %and3A_1382] : memref<49x2048xi32, #tpu.memory_space<vmem>>[vector<16xi32>, vector<16xi32>], vector<16xi32>,
      %swap3A_1384 = arith.constant 10 : i32
      %swap3A_1385 = arith.index_cast %swap3A_1384 : i32 to index
      %swap3A_1386 = arith.constant 112 : index
      %swap3A_1387 = tpu.vector_load %arg9[%swap3A_1385, %swap3A_1386] {strides = array<i32>} : memref<24x128xi32, #tpu.memory_space<vmem>>, vector<16xi32>,
      tpu.vector_store %arg9[%swap3A_1385, %swap3A_1386], %gather3A_1383 {strides = array<i32>} : memref<24x128xi32, #tpu.memory_space<vmem>>, vector<16xi32>,
      %get3A_1388 = arith.constant 11 : i32
      %get3A_1389 = arith.index_cast %get3A_1388 : i32 to index
      %get3A_1390 = arith.constant 0 : index
      %get3A_1391 = tpu.vector_load %arg9[%get3A_1389, %get3A_1390] {strides = array<i32>} : memref<24x128xi32, #tpu.memory_space<vmem>>, vector<16xi32>,
      %shift_right_logical3A_1392 = arith.constant 11 : i32
      %shift_right_logical3A_1393 = vector.broadcast %shift_right_logical3A_1392 : i32 to vector<16xi32>
      %shift_right_logical3A_1394 = arith.shrui %get3A_1391, %shift_right_logical3A_1393 : vector<16xi32>
      %and3A_1395 = arith.constant 2047 : i32
      %and3A_1396 = vector.broadcast %and3A_1395 : i32 to vector<16xi32>
      %and3A_1397 = arith.andi %get3A_1391, %and3A_1396 : vector<16xi32>
      %gather3A_1398 = tpu.vector_load_idx %arg8[%shift_right_logical3A_1394, %and3A_1397] : memref<49x2048xi32, #tpu.memory_space<vmem>>[vector<16xi32>, vector<16xi32>], vector<16xi32>,
      %swap3A_1399 = arith.constant 11 : i32
      %swap3A_1400 = arith.index_cast %swap3A_1399 : i32 to index
      %swap3A_1401 = arith.constant 0 : index
      %swap3A_1402 = tpu.vector_load %arg9[%swap3A_1400, %swap3A_1401] {strides = array<i32>} : memref<24x128xi32, #tpu.memory_space<vmem>>, vector<16xi32>,
      tpu.vector_store %arg9[%swap3A_1400, %swap3A_1401], %gather3A_1398 {strides = array<i32>} : memref<24x128xi32, #tpu.memory_space<vmem>>, vector<16xi32>,
      %get3A_1403 = arith.constant 11 : i32
      %get3A_1404 = arith.index_cast %get3A_1403 : i32 to index
      %get3A_1405 = arith.constant 16 : index
      %get3A_1406 = tpu.vector_load %arg9[%get3A_1404, %get3A_1405] {strides = array<i32>} : memref<24x128xi32, #tpu.memory_space<vmem>>, vector<16xi32>,
      %shift_right_logical3A_1407 = arith.constant 11 : i32
      %shift_right_logical3A_1408 = vector.broadcast %shift_right_logical3A_1407 : i32 to vector<16xi32>
      %shift_right_logical3A_1409 = arith.shrui %get3A_1406, %shift_right_logical3A_1408 : vector<16xi32>
      %and3A_1410 = arith.constant 2047 : i32
      %and3A_1411 = vector.broadcast %and3A_1410 : i32 to vector<16xi32>
      %and3A_1412 = arith.andi %get3A_1406, %and3A_1411 : vector<16xi32>
      %gather3A_1413 = tpu.vector_load_idx %arg8[%shift_right_logical3A_1409, %and3A_1412] : memref<49x2048xi32, #tpu.memory_space<vmem>>[vector<16xi32>, vector<16xi32>], vector<16xi32>,
      %swap3A_1414 = arith.constant 11 : i32
      %swap3A_1415 = arith.index_cast %swap3A_1414 : i32 to index
      %swap3A_1416 = arith.constant 16 : index
      %swap3A_1417 = tpu.vector_load %arg9[%swap3A_1415, %swap3A_1416] {strides = array<i32>} : memref<24x128xi32, #tpu.memory_space<vmem>>, vector<16xi32>,
      tpu.vector_store %arg9[%swap3A_1415, %swap3A_1416], %gather3A_1413 {strides = array<i32>} : memref<24x128xi32, #tpu.memory_space<vmem>>, vector<16xi32>,
      %get3A_1418 = arith.constant 11 : i32
      %get3A_1419 = arith.index_cast %get3A_1418 : i32 to index
      %get3A_1420 = arith.constant 32 : index
      %get3A_1421 = tpu.vector_load %arg9[%get3A_1419, %get3A_1420] {strides = array<i32>} : memref<24x128xi32, #tpu.memory_space<vmem>>, vector<16xi32>,
      %shift_right_logical3A_1422 = arith.constant 11 : i32
      %shift_right_logical3A_1423 = vector.broadcast %shift_right_logical3A_1422 : i32 to vector<16xi32>
      %shift_right_logical3A_1424 = arith.shrui %get3A_1421, %shift_right_logical3A_1423 : vector<16xi32>
      %and3A_1425 = arith.constant 2047 : i32
      %and3A_1426 = vector.broadcast %and3A_1425 : i32 to vector<16xi32>
      %and3A_1427 = arith.andi %get3A_1421, %and3A_1426 : vector<16xi32>
      %gather3A_1428 = tpu.vector_load_idx %arg8[%shift_right_logical3A_1424, %and3A_1427] : memref<49x2048xi32, #tpu.memory_space<vmem>>[vector<16xi32>, vector<16xi32>], vector<16xi32>,
      %swap3A_1429 = arith.constant 11 : i32
      %swap3A_1430 = arith.index_cast %swap3A_1429 : i32 to index
      %swap3A_1431 = arith.constant 32 : index
      %swap3A_1432 = tpu.vector_load %arg9[%swap3A_1430, %swap3A_1431] {strides = array<i32>} : memref<24x128xi32, #tpu.memory_space<vmem>>, vector<16xi32>,
      tpu.vector_store %arg9[%swap3A_1430, %swap3A_1431], %gather3A_1428 {strides = array<i32>} : memref<24x128xi32, #tpu.memory_space<vmem>>, vector<16xi32>,
      %get3A_1433 = arith.constant 11 : i32
      %get3A_1434 = arith.index_cast %get3A_1433 : i32 to index
      %get3A_1435 = arith.constant 48 : index
      %get3A_1436 = tpu.vector_load %arg9[%get3A_1434, %get3A_1435] {strides = array<i32>} : memref<24x128xi32, #tpu.memory_space<vmem>>, vector<16xi32>,
      %shift_right_logical3A_1437 = arith.constant 11 : i32
      %shift_right_logical3A_1438 = vector.broadcast %shift_right_logical3A_1437 : i32 to vector<16xi32>
      %shift_right_logical3A_1439 = arith.shrui %get3A_1436, %shift_right_logical3A_1438 : vector<16xi32>
      %and3A_1440 = arith.constant 2047 : i32
      %and3A_1441 = vector.broadcast %and3A_1440 : i32 to vector<16xi32>
      %and3A_1442 = arith.andi %get3A_1436, %and3A_1441 : vector<16xi32>
      %gather3A_1443 = tpu.vector_load_idx %arg8[%shift_right_logical3A_1439, %and3A_1442] : memref<49x2048xi32, #tpu.memory_space<vmem>>[vector<16xi32>, vector<16xi32>], vector<16xi32>,
      %swap3A_1444 = arith.constant 11 : i32
      %swap3A_1445 = arith.index_cast %swap3A_1444 : i32 to index
      %swap3A_1446 = arith.constant 48 : index
      %swap3A_1447 = tpu.vector_load %arg9[%swap3A_1445, %swap3A_1446] {strides = array<i32>} : memref<24x128xi32, #tpu.memory_space<vmem>>, vector<16xi32>,
      tpu.vector_store %arg9[%swap3A_1445, %swap3A_1446], %gather3A_1443 {strides = array<i32>} : memref<24x128xi32, #tpu.memory_space<vmem>>, vector<16xi32>,
      %get3A_1448 = arith.constant 11 : i32
      %get3A_1449 = arith.index_cast %get3A_1448 : i32 to index
      %get3A_1450 = arith.constant 64 : index
      %get3A_1451 = tpu.vector_load %arg9[%get3A_1449, %get3A_1450] {strides = array<i32>} : memref<24x128xi32, #tpu.memory_space<vmem>>, vector<16xi32>,
      %shift_right_logical3A_1452 = arith.constant 11 : i32
      %shift_right_logical3A_1453 = vector.broadcast %shift_right_logical3A_1452 : i32 to vector<16xi32>
      %shift_right_logical3A_1454 = arith.shrui %get3A_1451, %shift_right_logical3A_1453 : vector<16xi32>
      %and3A_1455 = arith.constant 2047 : i32
      %and3A_1456 = vector.broadcast %and3A_1455 : i32 to vector<16xi32>
      %and3A_1457 = arith.andi %get3A_1451, %and3A_1456 : vector<16xi32>
      %gather3A_1458 = tpu.vector_load_idx %arg8[%shift_right_logical3A_1454, %and3A_1457] : memref<49x2048xi32, #tpu.memory_space<vmem>>[vector<16xi32>, vector<16xi32>], vector<16xi32>,
      %swap3A_1459 = arith.constant 11 : i32
      %swap3A_1460 = arith.index_cast %swap3A_1459 : i32 to index
      %swap3A_1461 = arith.constant 64 : index
      %swap3A_1462 = tpu.vector_load %arg9[%swap3A_1460, %swap3A_1461] {strides = array<i32>} : memref<24x128xi32, #tpu.memory_space<vmem>>, vector<16xi32>,
      tpu.vector_store %arg9[%swap3A_1460, %swap3A_1461], %gather3A_1458 {strides = array<i32>} : memref<24x128xi32, #tpu.memory_space<vmem>>, vector<16xi32>,
      %get3A_1463 = arith.constant 11 : i32
      %get3A_1464 = arith.index_cast %get3A_1463 : i32 to index
      %get3A_1465 = arith.constant 80 : index
      %get3A_1466 = tpu.vector_load %arg9[%get3A_1464, %get3A_1465] {strides = array<i32>} : memref<24x128xi32, #tpu.memory_space<vmem>>, vector<16xi32>,
      %shift_right_logical3A_1467 = arith.constant 11 : i32
      %shift_right_logical3A_1468 = vector.broadcast %shift_right_logical3A_1467 : i32 to vector<16xi32>
      %shift_right_logical3A_1469 = arith.shrui %get3A_1466, %shift_right_logical3A_1468 : vector<16xi32>
      %and3A_1470 = arith.constant 2047 : i32
      %and3A_1471 = vector.broadcast %and3A_1470 : i32 to vector<16xi32>
      %and3A_1472 = arith.andi %get3A_1466, %and3A_1471 : vector<16xi32>
      %gather3A_1473 = tpu.vector_load_idx %arg8[%shift_right_logical3A_1469, %and3A_1472] : memref<49x2048xi32, #tpu.memory_space<vmem>>[vector<16xi32>, vector<16xi32>], vector<16xi32>,
      %swap3A_1474 = arith.constant 11 : i32
      %swap3A_1475 = arith.index_cast %swap3A_1474 : i32 to index
      %swap3A_1476 = arith.constant 80 : index
      %swap3A_1477 = tpu.vector_load %arg9[%swap3A_1475, %swap3A_1476] {strides = array<i32>} : memref<24x128xi32, #tpu.memory_space<vmem>>, vector<16xi32>,
      tpu.vector_store %arg9[%swap3A_1475, %swap3A_1476], %gather3A_1473 {strides = array<i32>} : memref<24x128xi32, #tpu.memory_space<vmem>>, vector<16xi32>,
      %get3A_1478 = arith.constant 11 : i32
      %get3A_1479 = arith.index_cast %get3A_1478 : i32 to index
      %get3A_1480 = arith.constant 96 : index
      %get3A_1481 = tpu.vector_load %arg9[%get3A_1479, %get3A_1480] {strides = array<i32>} : memref<24x128xi32, #tpu.memory_space<vmem>>, vector<16xi32>,
      %shift_right_logical3A_1482 = arith.constant 11 : i32
      %shift_right_logical3A_1483 = vector.broadcast %shift_right_logical3A_1482 : i32 to vector<16xi32>
      %shift_right_logical3A_1484 = arith.shrui %get3A_1481, %shift_right_logical3A_1483 : vector<16xi32>
      %and3A_1485 = arith.constant 2047 : i32
      %and3A_1486 = vector.broadcast %and3A_1485 : i32 to vector<16xi32>
      %and3A_1487 = arith.andi %get3A_1481, %and3A_1486 : vector<16xi32>
      %gather3A_1488 = tpu.vector_load_idx %arg8[%shift_right_logical3A_1484, %and3A_1487] : memref<49x2048xi32, #tpu.memory_space<vmem>>[vector<16xi32>, vector<16xi32>], vector<16xi32>,
      %swap3A_1489 = arith.constant 11 : i32
      %swap3A_1490 = arith.index_cast %swap3A_1489 : i32 to index
      %swap3A_1491 = arith.constant 96 : index
      %swap3A_1492 = tpu.vector_load %arg9[%swap3A_1490, %swap3A_1491] {strides = array<i32>} : memref<24x128xi32, #tpu.memory_space<vmem>>, vector<16xi32>,
      tpu.vector_store %arg9[%swap3A_1490, %swap3A_1491], %gather3A_1488 {strides = array<i32>} : memref<24x128xi32, #tpu.memory_space<vmem>>, vector<16xi32>,
      %get3A_1493 = arith.constant 11 : i32
      %get3A_1494 = arith.index_cast %get3A_1493 : i32 to index
      %get3A_1495 = arith.constant 112 : index
      %get3A_1496 = tpu.vector_load %arg9[%get3A_1494, %get3A_1495] {strides = array<i32>} : memref<24x128xi32, #tpu.memory_space<vmem>>, vector<16xi32>,
      %shift_right_logical3A_1497 = arith.constant 11 : i32
      %shift_right_logical3A_1498 = vector.broadcast %shift_right_logical3A_1497 : i32 to vector<16xi32>
      %shift_right_logical3A_1499 = arith.shrui %get3A_1496, %shift_right_logical3A_1498 : vector<16xi32>
      %and3A_1500 = arith.constant 2047 : i32
      %and3A_1501 = vector.broadcast %and3A_1500 : i32 to vector<16xi32>
      %and3A_1502 = arith.andi %get3A_1496, %and3A_1501 : vector<16xi32>
      %gather3A_1503 = tpu.vector_load_idx %arg8[%shift_right_logical3A_1499, %and3A_1502] : memref<49x2048xi32, #tpu.memory_space<vmem>>[vector<16xi32>, vector<16xi32>], vector<16xi32>,
      %swap3A_1504 = arith.constant 11 : i32
      %swap3A_1505 = arith.index_cast %swap3A_1504 : i32 to index
      %swap3A_1506 = arith.constant 112 : index
      %swap3A_1507 = tpu.vector_load %arg9[%swap3A_1505, %swap3A_1506] {strides = array<i32>} : memref<24x128xi32, #tpu.memory_space<vmem>>, vector<16xi32>,
      tpu.vector_store %arg9[%swap3A_1505, %swap3A_1506], %gather3A_1503 {strides = array<i32>} : memref<24x128xi32, #tpu.memory_space<vmem>>, vector<16xi32>,
      %get3A_1508 = arith.constant 12 : i32
      %get3A_1509 = arith.index_cast %get3A_1508 : i32 to index
      %get3A_1510 = arith.constant 0 : index
      %get3A_1511 = tpu.vector_load %arg9[%get3A_1509, %get3A_1510] {strides = array<i32>} : memref<24x128xi32, #tpu.memory_space<vmem>>, vector<16xi32>,
      %shift_right_logical3A_1512 = arith.constant 11 : i32
      %shift_right_logical3A_1513 = vector.broadcast %shift_right_logical3A_1512 : i32 to vector<16xi32>
      %shift_right_logical3A_1514 = arith.shrui %get3A_1511, %shift_right_logical3A_1513 : vector<16xi32>
      %and3A_1515 = arith.constant 2047 : i32
      %and3A_1516 = vector.broadcast %and3A_1515 : i32 to vector<16xi32>
      %and3A_1517 = arith.andi %get3A_1511, %and3A_1516 : vector<16xi32>
      %gather3A_1518 = tpu.vector_load_idx %arg8[%shift_right_logical3A_1514, %and3A_1517] : memref<49x2048xi32, #tpu.memory_space<vmem>>[vector<16xi32>, vector<16xi32>], vector<16xi32>,
      %swap3A_1519 = arith.constant 12 : i32
      %swap3A_1520 = arith.index_cast %swap3A_1519 : i32 to index
      %swap3A_1521 = arith.constant 0 : index
      %swap3A_1522 = tpu.vector_load %arg9[%swap3A_1520, %swap3A_1521] {strides = array<i32>} : memref<24x128xi32, #tpu.memory_space<vmem>>, vector<16xi32>,
      tpu.vector_store %arg9[%swap3A_1520, %swap3A_1521], %gather3A_1518 {strides = array<i32>} : memref<24x128xi32, #tpu.memory_space<vmem>>, vector<16xi32>,
      %get3A_1523 = arith.constant 12 : i32
      %get3A_1524 = arith.index_cast %get3A_1523 : i32 to index
      %get3A_1525 = arith.constant 16 : index
      %get3A_1526 = tpu.vector_load %arg9[%get3A_1524, %get3A_1525] {strides = array<i32>} : memref<24x128xi32, #tpu.memory_space<vmem>>, vector<16xi32>,
      %shift_right_logical3A_1527 = arith.constant 11 : i32
      %shift_right_logical3A_1528 = vector.broadcast %shift_right_logical3A_1527 : i32 to vector<16xi32>
      %shift_right_logical3A_1529 = arith.shrui %get3A_1526, %shift_right_logical3A_1528 : vector<16xi32>
      %and3A_1530 = arith.constant 2047 : i32
      %and3A_1531 = vector.broadcast %and3A_1530 : i32 to vector<16xi32>
      %and3A_1532 = arith.andi %get3A_1526, %and3A_1531 : vector<16xi32>
      %gather3A_1533 = tpu.vector_load_idx %arg8[%shift_right_logical3A_1529, %and3A_1532] : memref<49x2048xi32, #tpu.memory_space<vmem>>[vector<16xi32>, vector<16xi32>], vector<16xi32>,
      %swap3A_1534 = arith.constant 12 : i32
      %swap3A_1535 = arith.index_cast %swap3A_1534 : i32 to index
      %swap3A_1536 = arith.constant 16 : index
      %swap3A_1537 = tpu.vector_load %arg9[%swap3A_1535, %swap3A_1536] {strides = array<i32>} : memref<24x128xi32, #tpu.memory_space<vmem>>, vector<16xi32>,
      tpu.vector_store %arg9[%swap3A_1535, %swap3A_1536], %gather3A_1533 {strides = array<i32>} : memref<24x128xi32, #tpu.memory_space<vmem>>, vector<16xi32>,
      %get3A_1538 = arith.constant 12 : i32
      %get3A_1539 = arith.index_cast %get3A_1538 : i32 to index
      %get3A_1540 = arith.constant 32 : index
      %get3A_1541 = tpu.vector_load %arg9[%get3A_1539, %get3A_1540] {strides = array<i32>} : memref<24x128xi32, #tpu.memory_space<vmem>>, vector<16xi32>,
      %shift_right_logical3A_1542 = arith.constant 11 : i32
      %shift_right_logical3A_1543 = vector.broadcast %shift_right_logical3A_1542 : i32 to vector<16xi32>
      %shift_right_logical3A_1544 = arith.shrui %get3A_1541, %shift_right_logical3A_1543 : vector<16xi32>
      %and3A_1545 = arith.constant 2047 : i32
      %and3A_1546 = vector.broadcast %and3A_1545 : i32 to vector<16xi32>
      %and3A_1547 = arith.andi %get3A_1541, %and3A_1546 : vector<16xi32>
      %gather3A_1548 = tpu.vector_load_idx %arg8[%shift_right_logical3A_1544, %and3A_1547] : memref<49x2048xi32, #tpu.memory_space<vmem>>[vector<16xi32>, vector<16xi32>], vector<16xi32>,
      %swap3A_1549 = arith.constant 12 : i32
      %swap3A_1550 = arith.index_cast %swap3A_1549 : i32 to index
      %swap3A_1551 = arith.constant 32 : index
      %swap3A_1552 = tpu.vector_load %arg9[%swap3A_1550, %swap3A_1551] {strides = array<i32>} : memref<24x128xi32, #tpu.memory_space<vmem>>, vector<16xi32>,
      tpu.vector_store %arg9[%swap3A_1550, %swap3A_1551], %gather3A_1548 {strides = array<i32>} : memref<24x128xi32, #tpu.memory_space<vmem>>, vector<16xi32>,
      %get3A_1553 = arith.constant 12 : i32
      %get3A_1554 = arith.index_cast %get3A_1553 : i32 to index
      %get3A_1555 = arith.constant 48 : index
      %get3A_1556 = tpu.vector_load %arg9[%get3A_1554, %get3A_1555] {strides = array<i32>} : memref<24x128xi32, #tpu.memory_space<vmem>>, vector<16xi32>,
      %shift_right_logical3A_1557 = arith.constant 11 : i32
      %shift_right_logical3A_1558 = vector.broadcast %shift_right_logical3A_1557 : i32 to vector<16xi32>
      %shift_right_logical3A_1559 = arith.shrui %get3A_1556, %shift_right_logical3A_1558 : vector<16xi32>
      %and3A_1560 = arith.constant 2047 : i32
      %and3A_1561 = vector.broadcast %and3A_1560 : i32 to vector<16xi32>
      %and3A_1562 = arith.andi %get3A_1556, %and3A_1561 : vector<16xi32>
      %gather3A_1563 = tpu.vector_load_idx %arg8[%shift_right_logical3A_1559, %and3A_1562] : memref<49x2048xi32, #tpu.memory_space<vmem>>[vector<16xi32>, vector<16xi32>], vector<16xi32>,
      %swap3A_1564 = arith.constant 12 : i32
      %swap3A_1565 = arith.index_cast %swap3A_1564 : i32 to index
      %swap3A_1566 = arith.constant 48 : index
      %swap3A_1567 = tpu.vector_load %arg9[%swap3A_1565, %swap3A_1566] {strides = array<i32>} : memref<24x128xi32, #tpu.memory_space<vmem>>, vector<16xi32>,
      tpu.vector_store %arg9[%swap3A_1565, %swap3A_1566], %gather3A_1563 {strides = array<i32>} : memref<24x128xi32, #tpu.memory_space<vmem>>, vector<16xi32>,
      %get3A_1568 = arith.constant 12 : i32
      %get3A_1569 = arith.index_cast %get3A_1568 : i32 to index
      %get3A_1570 = arith.constant 64 : index
      %get3A_1571 = tpu.vector_load %arg9[%get3A_1569, %get3A_1570] {strides = array<i32>} : memref<24x128xi32, #tpu.memory_space<vmem>>, vector<16xi32>,
      %shift_right_logical3A_1572 = arith.constant 11 : i32
      %shift_right_logical3A_1573 = vector.broadcast %shift_right_logical3A_1572 : i32 to vector<16xi32>
      %shift_right_logical3A_1574 = arith.shrui %get3A_1571, %shift_right_logical3A_1573 : vector<16xi32>
      %and3A_1575 = arith.constant 2047 : i32
      %and3A_1576 = vector.broadcast %and3A_1575 : i32 to vector<16xi32>
      %and3A_1577 = arith.andi %get3A_1571, %and3A_1576 : vector<16xi32>
      %gather3A_1578 = tpu.vector_load_idx %arg8[%shift_right_logical3A_1574, %and3A_1577] : memref<49x2048xi32, #tpu.memory_space<vmem>>[vector<16xi32>, vector<16xi32>], vector<16xi32>,
      %swap3A_1579 = arith.constant 12 : i32
      %swap3A_1580 = arith.index_cast %swap3A_1579 : i32 to index
      %swap3A_1581 = arith.constant 64 : index
      %swap3A_1582 = tpu.vector_load %arg9[%swap3A_1580, %swap3A_1581] {strides = array<i32>} : memref<24x128xi32, #tpu.memory_space<vmem>>, vector<16xi32>,
      tpu.vector_store %arg9[%swap3A_1580, %swap3A_1581], %gather3A_1578 {strides = array<i32>} : memref<24x128xi32, #tpu.memory_space<vmem>>, vector<16xi32>,
      %get3A_1583 = arith.constant 12 : i32
      %get3A_1584 = arith.index_cast %get3A_1583 : i32 to index
      %get3A_1585 = arith.constant 80 : index
      %get3A_1586 = tpu.vector_load %arg9[%get3A_1584, %get3A_1585] {strides = array<i32>} : memref<24x128xi32, #tpu.memory_space<vmem>>, vector<16xi32>,
      %shift_right_logical3A_1587 = arith.constant 11 : i32
      %shift_right_logical3A_1588 = vector.broadcast %shift_right_logical3A_1587 : i32 to vector<16xi32>
      %shift_right_logical3A_1589 = arith.shrui %get3A_1586, %shift_right_logical3A_1588 : vector<16xi32>
      %and3A_1590 = arith.constant 2047 : i32
      %and3A_1591 = vector.broadcast %and3A_1590 : i32 to vector<16xi32>
      %and3A_1592 = arith.andi %get3A_1586, %and3A_1591 : vector<16xi32>
      %gather3A_1593 = tpu.vector_load_idx %arg8[%shift_right_logical3A_1589, %and3A_1592] : memref<49x2048xi32, #tpu.memory_space<vmem>>[vector<16xi32>, vector<16xi32>], vector<16xi32>,
      %swap3A_1594 = arith.constant 12 : i32
      %swap3A_1595 = arith.index_cast %swap3A_1594 : i32 to index
      %swap3A_1596 = arith.constant 80 : index
      %swap3A_1597 = tpu.vector_load %arg9[%swap3A_1595, %swap3A_1596] {strides = array<i32>} : memref<24x128xi32, #tpu.memory_space<vmem>>, vector<16xi32>,
      tpu.vector_store %arg9[%swap3A_1595, %swap3A_1596], %gather3A_1593 {strides = array<i32>} : memref<24x128xi32, #tpu.memory_space<vmem>>, vector<16xi32>,
      %get3A_1598 = arith.constant 12 : i32
      %get3A_1599 = arith.index_cast %get3A_1598 : i32 to index
      %get3A_1600 = arith.constant 96 : index
      %get3A_1601 = tpu.vector_load %arg9[%get3A_1599, %get3A_1600] {strides = array<i32>} : memref<24x128xi32, #tpu.memory_space<vmem>>, vector<16xi32>,
      %shift_right_logical3A_1602 = arith.constant 11 : i32
      %shift_right_logical3A_1603 = vector.broadcast %shift_right_logical3A_1602 : i32 to vector<16xi32>
      %shift_right_logical3A_1604 = arith.shrui %get3A_1601, %shift_right_logical3A_1603 : vector<16xi32>
      %and3A_1605 = arith.constant 2047 : i32
      %and3A_1606 = vector.broadcast %and3A_1605 : i32 to vector<16xi32>
      %and3A_1607 = arith.andi %get3A_1601, %and3A_1606 : vector<16xi32>
      %gather3A_1608 = tpu.vector_load_idx %arg8[%shift_right_logical3A_1604, %and3A_1607] : memref<49x2048xi32, #tpu.memory_space<vmem>>[vector<16xi32>, vector<16xi32>], vector<16xi32>,
      %swap3A_1609 = arith.constant 12 : i32
      %swap3A_1610 = arith.index_cast %swap3A_1609 : i32 to index
      %swap3A_1611 = arith.constant 96 : index
      %swap3A_1612 = tpu.vector_load %arg9[%swap3A_1610, %swap3A_1611] {strides = array<i32>} : memref<24x128xi32, #tpu.memory_space<vmem>>, vector<16xi32>,
      tpu.vector_store %arg9[%swap3A_1610, %swap3A_1611], %gather3A_1608 {strides = array<i32>} : memref<24x128xi32, #tpu.memory_space<vmem>>, vector<16xi32>,
      %get3A_1613 = arith.constant 12 : i32
      %get3A_1614 = arith.index_cast %get3A_1613 : i32 to index
      %get3A_1615 = arith.constant 112 : index
      %get3A_1616 = tpu.vector_load %arg9[%get3A_1614, %get3A_1615] {strides = array<i32>} : memref<24x128xi32, #tpu.memory_space<vmem>>, vector<16xi32>,
      %shift_right_logical3A_1617 = arith.constant 11 : i32
      %shift_right_logical3A_1618 = vector.broadcast %shift_right_logical3A_1617 : i32 to vector<16xi32>
      %shift_right_logical3A_1619 = arith.shrui %get3A_1616, %shift_right_logical3A_1618 : vector<16xi32>
      %and3A_1620 = arith.constant 2047 : i32
      %and3A_1621 = vector.broadcast %and3A_1620 : i32 to vector<16xi32>
      %and3A_1622 = arith.andi %get3A_1616, %and3A_1621 : vector<16xi32>
      %gather3A_1623 = tpu.vector_load_idx %arg8[%shift_right_logical3A_1619, %and3A_1622] : memref<49x2048xi32, #tpu.memory_space<vmem>>[vector<16xi32>, vector<16xi32>], vector<16xi32>,
      %swap3A_1624 = arith.constant 12 : i32
      %swap3A_1625 = arith.index_cast %swap3A_1624 : i32 to index
      %swap3A_1626 = arith.constant 112 : index
      %swap3A_1627 = tpu.vector_load %arg9[%swap3A_1625, %swap3A_1626] {strides = array<i32>} : memref<24x128xi32, #tpu.memory_space<vmem>>, vector<16xi32>,
      tpu.vector_store %arg9[%swap3A_1625, %swap3A_1626], %gather3A_1623 {strides = array<i32>} : memref<24x128xi32, #tpu.memory_space<vmem>>, vector<16xi32>,
      %get3A_1628 = arith.constant 13 : i32
      %get3A_1629 = arith.index_cast %get3A_1628 : i32 to index
      %get3A_1630 = arith.constant 0 : index
      %get3A_1631 = tpu.vector_load %arg9[%get3A_1629, %get3A_1630] {strides = array<i32>} : memref<24x128xi32, #tpu.memory_space<vmem>>, vector<16xi32>,
      %shift_right_logical3A_1632 = arith.constant 11 : i32
      %shift_right_logical3A_1633 = vector.broadcast %shift_right_logical3A_1632 : i32 to vector<16xi32>
      %shift_right_logical3A_1634 = arith.shrui %get3A_1631, %shift_right_logical3A_1633 : vector<16xi32>
      %and3A_1635 = arith.constant 2047 : i32
      %and3A_1636 = vector.broadcast %and3A_1635 : i32 to vector<16xi32>
      %and3A_1637 = arith.andi %get3A_1631, %and3A_1636 : vector<16xi32>
      %gather3A_1638 = tpu.vector_load_idx %arg8[%shift_right_logical3A_1634, %and3A_1637] : memref<49x2048xi32, #tpu.memory_space<vmem>>[vector<16xi32>, vector<16xi32>], vector<16xi32>,
      %swap3A_1639 = arith.constant 13 : i32
      %swap3A_1640 = arith.index_cast %swap3A_1639 : i32 to index
      %swap3A_1641 = arith.constant 0 : index
      %swap3A_1642 = tpu.vector_load %arg9[%swap3A_1640, %swap3A_1641] {strides = array<i32>} : memref<24x128xi32, #tpu.memory_space<vmem>>, vector<16xi32>,
      tpu.vector_store %arg9[%swap3A_1640, %swap3A_1641], %gather3A_1638 {strides = array<i32>} : memref<24x128xi32, #tpu.memory_space<vmem>>, vector<16xi32>,
      %get3A_1643 = arith.constant 13 : i32
      %get3A_1644 = arith.index_cast %get3A_1643 : i32 to index
      %get3A_1645 = arith.constant 16 : index
      %get3A_1646 = tpu.vector_load %arg9[%get3A_1644, %get3A_1645] {strides = array<i32>} : memref<24x128xi32, #tpu.memory_space<vmem>>, vector<16xi32>,
      %shift_right_logical3A_1647 = arith.constant 11 : i32
      %shift_right_logical3A_1648 = vector.broadcast %shift_right_logical3A_1647 : i32 to vector<16xi32>
      %shift_right_logical3A_1649 = arith.shrui %get3A_1646, %shift_right_logical3A_1648 : vector<16xi32>
      %and3A_1650 = arith.constant 2047 : i32
      %and3A_1651 = vector.broadcast %and3A_1650 : i32 to vector<16xi32>
      %and3A_1652 = arith.andi %get3A_1646, %and3A_1651 : vector<16xi32>
      %gather3A_1653 = tpu.vector_load_idx %arg8[%shift_right_logical3A_1649, %and3A_1652] : memref<49x2048xi32, #tpu.memory_space<vmem>>[vector<16xi32>, vector<16xi32>], vector<16xi32>,
      %swap3A_1654 = arith.constant 13 : i32
      %swap3A_1655 = arith.index_cast %swap3A_1654 : i32 to index
      %swap3A_1656 = arith.constant 16 : index
      %swap3A_1657 = tpu.vector_load %arg9[%swap3A_1655, %swap3A_1656] {strides = array<i32>} : memref<24x128xi32, #tpu.memory_space<vmem>>, vector<16xi32>,
      tpu.vector_store %arg9[%swap3A_1655, %swap3A_1656], %gather3A_1653 {strides = array<i32>} : memref<24x128xi32, #tpu.memory_space<vmem>>, vector<16xi32>,
      %get3A_1658 = arith.constant 13 : i32
      %get3A_1659 = arith.index_cast %get3A_1658 : i32 to index
      %get3A_1660 = arith.constant 32 : index
      %get3A_1661 = tpu.vector_load %arg9[%get3A_1659, %get3A_1660] {strides = array<i32>} : memref<24x128xi32, #tpu.memory_space<vmem>>, vector<16xi32>,
      %shift_right_logical3A_1662 = arith.constant 11 : i32
      %shift_right_logical3A_1663 = vector.broadcast %shift_right_logical3A_1662 : i32 to vector<16xi32>
      %shift_right_logical3A_1664 = arith.shrui %get3A_1661, %shift_right_logical3A_1663 : vector<16xi32>
      %and3A_1665 = arith.constant 2047 : i32
      %and3A_1666 = vector.broadcast %and3A_1665 : i32 to vector<16xi32>
      %and3A_1667 = arith.andi %get3A_1661, %and3A_1666 : vector<16xi32>
      %gather3A_1668 = tpu.vector_load_idx %arg8[%shift_right_logical3A_1664, %and3A_1667] : memref<49x2048xi32, #tpu.memory_space<vmem>>[vector<16xi32>, vector<16xi32>], vector<16xi32>,
      %swap3A_1669 = arith.constant 13 : i32
      %swap3A_1670 = arith.index_cast %swap3A_1669 : i32 to index
      %swap3A_1671 = arith.constant 32 : index
      %swap3A_1672 = tpu.vector_load %arg9[%swap3A_1670, %swap3A_1671] {strides = array<i32>} : memref<24x128xi32, #tpu.memory_space<vmem>>, vector<16xi32>,
      tpu.vector_store %arg9[%swap3A_1670, %swap3A_1671], %gather3A_1668 {strides = array<i32>} : memref<24x128xi32, #tpu.memory_space<vmem>>, vector<16xi32>,
      %get3A_1673 = arith.constant 13 : i32
      %get3A_1674 = arith.index_cast %get3A_1673 : i32 to index
      %get3A_1675 = arith.constant 48 : index
      %get3A_1676 = tpu.vector_load %arg9[%get3A_1674, %get3A_1675] {strides = array<i32>} : memref<24x128xi32, #tpu.memory_space<vmem>>, vector<16xi32>,
      %shift_right_logical3A_1677 = arith.constant 11 : i32
      %shift_right_logical3A_1678 = vector.broadcast %shift_right_logical3A_1677 : i32 to vector<16xi32>
      %shift_right_logical3A_1679 = arith.shrui %get3A_1676, %shift_right_logical3A_1678 : vector<16xi32>
      %and3A_1680 = arith.constant 2047 : i32
      %and3A_1681 = vector.broadcast %and3A_1680 : i32 to vector<16xi32>
      %and3A_1682 = arith.andi %get3A_1676, %and3A_1681 : vector<16xi32>
      %gather3A_1683 = tpu.vector_load_idx %arg8[%shift_right_logical3A_1679, %and3A_1682] : memref<49x2048xi32, #tpu.memory_space<vmem>>[vector<16xi32>, vector<16xi32>], vector<16xi32>,
      %swap3A_1684 = arith.constant 13 : i32
      %swap3A_1685 = arith.index_cast %swap3A_1684 : i32 to index
      %swap3A_1686 = arith.constant 48 : index
      %swap3A_1687 = tpu.vector_load %arg9[%swap3A_1685, %swap3A_1686] {strides = array<i32>} : memref<24x128xi32, #tpu.memory_space<vmem>>, vector<16xi32>,
      tpu.vector_store %arg9[%swap3A_1685, %swap3A_1686], %gather3A_1683 {strides = array<i32>} : memref<24x128xi32, #tpu.memory_space<vmem>>, vector<16xi32>,
      %get3A_1688 = arith.constant 13 : i32
      %get3A_1689 = arith.index_cast %get3A_1688 : i32 to index
      %get3A_1690 = arith.constant 64 : index
      %get3A_1691 = tpu.vector_load %arg9[%get3A_1689, %get3A_1690] {strides = array<i32>} : memref<24x128xi32, #tpu.memory_space<vmem>>, vector<16xi32>,
      %shift_right_logical3A_1692 = arith.constant 11 : i32
      %shift_right_logical3A_1693 = vector.broadcast %shift_right_logical3A_1692 : i32 to vector<16xi32>
      %shift_right_logical3A_1694 = arith.shrui %get3A_1691, %shift_right_logical3A_1693 : vector<16xi32>
      %and3A_1695 = arith.constant 2047 : i32
      %and3A_1696 = vector.broadcast %and3A_1695 : i32 to vector<16xi32>
      %and3A_1697 = arith.andi %get3A_1691, %and3A_1696 : vector<16xi32>
      %gather3A_1698 = tpu.vector_load_idx %arg8[%shift_right_logical3A_1694, %and3A_1697] : memref<49x2048xi32, #tpu.memory_space<vmem>>[vector<16xi32>, vector<16xi32>], vector<16xi32>,
      %swap3A_1699 = arith.constant 13 : i32
      %swap3A_1700 = arith.index_cast %swap3A_1699 : i32 to index
      %swap3A_1701 = arith.constant 64 : index
      %swap3A_1702 = tpu.vector_load %arg9[%swap3A_1700, %swap3A_1701] {strides = array<i32>} : memref<24x128xi32, #tpu.memory_space<vmem>>, vector<16xi32>,
      tpu.vector_store %arg9[%swap3A_1700, %swap3A_1701], %gather3A_1698 {strides = array<i32>} : memref<24x128xi32, #tpu.memory_space<vmem>>, vector<16xi32>,
      %get3A_1703 = arith.constant 13 : i32
      %get3A_1704 = arith.index_cast %get3A_1703 : i32 to index
      %get3A_1705 = arith.constant 80 : index
      %get3A_1706 = tpu.vector_load %arg9[%get3A_1704, %get3A_1705] {strides = array<i32>} : memref<24x128xi32, #tpu.memory_space<vmem>>, vector<16xi32>,
      %shift_right_logical3A_1707 = arith.constant 11 : i32
      %shift_right_logical3A_1708 = vector.broadcast %shift_right_logical3A_1707 : i32 to vector<16xi32>
      %shift_right_logical3A_1709 = arith.shrui %get3A_1706, %shift_right_logical3A_1708 : vector<16xi32>
      %and3A_1710 = arith.constant 2047 : i32
      %and3A_1711 = vector.broadcast %and3A_1710 : i32 to vector<16xi32>
      %and3A_1712 = arith.andi %get3A_1706, %and3A_1711 : vector<16xi32>
      %gather3A_1713 = tpu.vector_load_idx %arg8[%shift_right_logical3A_1709, %and3A_1712] : memref<49x2048xi32, #tpu.memory_space<vmem>>[vector<16xi32>, vector<16xi32>], vector<16xi32>,
      %swap3A_1714 = arith.constant 13 : i32
      %swap3A_1715 = arith.index_cast %swap3A_1714 : i32 to index
      %swap3A_1716 = arith.constant 80 : index
      %swap3A_1717 = tpu.vector_load %arg9[%swap3A_1715, %swap3A_1716] {strides = array<i32>} : memref<24x128xi32, #tpu.memory_space<vmem>>, vector<16xi32>,
      tpu.vector_store %arg9[%swap3A_1715, %swap3A_1716], %gather3A_1713 {strides = array<i32>} : memref<24x128xi32, #tpu.memory_space<vmem>>, vector<16xi32>,
      %get3A_1718 = arith.constant 13 : i32
      %get3A_1719 = arith.index_cast %get3A_1718 : i32 to index
      %get3A_1720 = arith.constant 96 : index
      %get3A_1721 = tpu.vector_load %arg9[%get3A_1719, %get3A_1720] {strides = array<i32>} : memref<24x128xi32, #tpu.memory_space<vmem>>, vector<16xi32>,
      %shift_right_logical3A_1722 = arith.constant 11 : i32
      %shift_right_logical3A_1723 = vector.broadcast %shift_right_logical3A_1722 : i32 to vector<16xi32>
      %shift_right_logical3A_1724 = arith.shrui %get3A_1721, %shift_right_logical3A_1723 : vector<16xi32>
      %and3A_1725 = arith.constant 2047 : i32
      %and3A_1726 = vector.broadcast %and3A_1725 : i32 to vector<16xi32>
      %and3A_1727 = arith.andi %get3A_1721, %and3A_1726 : vector<16xi32>
      %gather3A_1728 = tpu.vector_load_idx %arg8[%shift_right_logical3A_1724, %and3A_1727] : memref<49x2048xi32, #tpu.memory_space<vmem>>[vector<16xi32>, vector<16xi32>], vector<16xi32>,
      %swap3A_1729 = arith.constant 13 : i32
      %swap3A_1730 = arith.index_cast %swap3A_1729 : i32 to index
      %swap3A_1731 = arith.constant 96 : index
      %swap3A_1732 = tpu.vector_load %arg9[%swap3A_1730, %swap3A_1731] {strides = array<i32>} : memref<24x128xi32, #tpu.memory_space<vmem>>, vector<16xi32>,
      tpu.vector_store %arg9[%swap3A_1730, %swap3A_1731], %gather3A_1728 {strides = array<i32>} : memref<24x128xi32, #tpu.memory_space<vmem>>, vector<16xi32>,
      %get3A_1733 = arith.constant 13 : i32
      %get3A_1734 = arith.index_cast %get3A_1733 : i32 to index
      %get3A_1735 = arith.constant 112 : index
      %get3A_1736 = tpu.vector_load %arg9[%get3A_1734, %get3A_1735] {strides = array<i32>} : memref<24x128xi32, #tpu.memory_space<vmem>>, vector<16xi32>,
      %shift_right_logical3A_1737 = arith.constant 11 : i32
      %shift_right_logical3A_1738 = vector.broadcast %shift_right_logical3A_1737 : i32 to vector<16xi32>
      %shift_right_logical3A_1739 = arith.shrui %get3A_1736, %shift_right_logical3A_1738 : vector<16xi32>
      %and3A_1740 = arith.constant 2047 : i32
      %and3A_1741 = vector.broadcast %and3A_1740 : i32 to vector<16xi32>
      %and3A_1742 = arith.andi %get3A_1736, %and3A_1741 : vector<16xi32>
      %gather3A_1743 = tpu.vector_load_idx %arg8[%shift_right_logical3A_1739, %and3A_1742] : memref<49x2048xi32, #tpu.memory_space<vmem>>[vector<16xi32>, vector<16xi32>], vector<16xi32>,
      %swap3A_1744 = arith.constant 13 : i32
      %swap3A_1745 = arith.index_cast %swap3A_1744 : i32 to index
      %swap3A_1746 = arith.constant 112 : index
      %swap3A_1747 = tpu.vector_load %arg9[%swap3A_1745, %swap3A_1746] {strides = array<i32>} : memref<24x128xi32, #tpu.memory_space<vmem>>, vector<16xi32>,
      tpu.vector_store %arg9[%swap3A_1745, %swap3A_1746], %gather3A_1743 {strides = array<i32>} : memref<24x128xi32, #tpu.memory_space<vmem>>, vector<16xi32>,
      %get3A_1748 = arith.constant 14 : i32
      %get3A_1749 = arith.index_cast %get3A_1748 : i32 to index
      %get3A_1750 = arith.constant 0 : index
      %get3A_1751 = tpu.vector_load %arg9[%get3A_1749, %get3A_1750] {strides = array<i32>} : memref<24x128xi32, #tpu.memory_space<vmem>>, vector<16xi32>,
      %shift_right_logical3A_1752 = arith.constant 11 : i32
      %shift_right_logical3A_1753 = vector.broadcast %shift_right_logical3A_1752 : i32 to vector<16xi32>
      %shift_right_logical3A_1754 = arith.shrui %get3A_1751, %shift_right_logical3A_1753 : vector<16xi32>
      %and3A_1755 = arith.constant 2047 : i32
      %and3A_1756 = vector.broadcast %and3A_1755 : i32 to vector<16xi32>
      %and3A_1757 = arith.andi %get3A_1751, %and3A_1756 : vector<16xi32>
      %gather3A_1758 = tpu.vector_load_idx %arg8[%shift_right_logical3A_1754, %and3A_1757] : memref<49x2048xi32, #tpu.memory_space<vmem>>[vector<16xi32>, vector<16xi32>], vector<16xi32>,
      %swap3A_1759 = arith.constant 14 : i32
      %swap3A_1760 = arith.index_cast %swap3A_1759 : i32 to index
      %swap3A_1761 = arith.constant 0 : index
      %swap3A_1762 = tpu.vector_load %arg9[%swap3A_1760, %swap3A_1761] {strides = array<i32>} : memref<24x128xi32, #tpu.memory_space<vmem>>, vector<16xi32>,
      tpu.vector_store %arg9[%swap3A_1760, %swap3A_1761], %gather3A_1758 {strides = array<i32>} : memref<24x128xi32, #tpu.memory_space<vmem>>, vector<16xi32>,
      %get3A_1763 = arith.constant 14 : i32
      %get3A_1764 = arith.index_cast %get3A_1763 : i32 to index
      %get3A_1765 = arith.constant 16 : index
      %get3A_1766 = tpu.vector_load %arg9[%get3A_1764, %get3A_1765] {strides = array<i32>} : memref<24x128xi32, #tpu.memory_space<vmem>>, vector<16xi32>,
      %shift_right_logical3A_1767 = arith.constant 11 : i32
      %shift_right_logical3A_1768 = vector.broadcast %shift_right_logical3A_1767 : i32 to vector<16xi32>
      %shift_right_logical3A_1769 = arith.shrui %get3A_1766, %shift_right_logical3A_1768 : vector<16xi32>
      %and3A_1770 = arith.constant 2047 : i32
      %and3A_1771 = vector.broadcast %and3A_1770 : i32 to vector<16xi32>
      %and3A_1772 = arith.andi %get3A_1766, %and3A_1771 : vector<16xi32>
      %gather3A_1773 = tpu.vector_load_idx %arg8[%shift_right_logical3A_1769, %and3A_1772] : memref<49x2048xi32, #tpu.memory_space<vmem>>[vector<16xi32>, vector<16xi32>], vector<16xi32>,
      %swap3A_1774 = arith.constant 14 : i32
      %swap3A_1775 = arith.index_cast %swap3A_1774 : i32 to index
      %swap3A_1776 = arith.constant 16 : index
      %swap3A_1777 = tpu.vector_load %arg9[%swap3A_1775, %swap3A_1776] {strides = array<i32>} : memref<24x128xi32, #tpu.memory_space<vmem>>, vector<16xi32>,
      tpu.vector_store %arg9[%swap3A_1775, %swap3A_1776], %gather3A_1773 {strides = array<i32>} : memref<24x128xi32, #tpu.memory_space<vmem>>, vector<16xi32>,
      %get3A_1778 = arith.constant 14 : i32
      %get3A_1779 = arith.index_cast %get3A_1778 : i32 to index
      %get3A_1780 = arith.constant 32 : index
      %get3A_1781 = tpu.vector_load %arg9[%get3A_1779, %get3A_1780] {strides = array<i32>} : memref<24x128xi32, #tpu.memory_space<vmem>>, vector<16xi32>,
      %shift_right_logical3A_1782 = arith.constant 11 : i32
      %shift_right_logical3A_1783 = vector.broadcast %shift_right_logical3A_1782 : i32 to vector<16xi32>
      %shift_right_logical3A_1784 = arith.shrui %get3A_1781, %shift_right_logical3A_1783 : vector<16xi32>
      %and3A_1785 = arith.constant 2047 : i32
      %and3A_1786 = vector.broadcast %and3A_1785 : i32 to vector<16xi32>
      %and3A_1787 = arith.andi %get3A_1781, %and3A_1786 : vector<16xi32>
      %gather3A_1788 = tpu.vector_load_idx %arg8[%shift_right_logical3A_1784, %and3A_1787] : memref<49x2048xi32, #tpu.memory_space<vmem>>[vector<16xi32>, vector<16xi32>], vector<16xi32>,
      %swap3A_1789 = arith.constant 14 : i32
      %swap3A_1790 = arith.index_cast %swap3A_1789 : i32 to index
      %swap3A_1791 = arith.constant 32 : index
      %swap3A_1792 = tpu.vector_load %arg9[%swap3A_1790, %swap3A_1791] {strides = array<i32>} : memref<24x128xi32, #tpu.memory_space<vmem>>, vector<16xi32>,
      tpu.vector_store %arg9[%swap3A_1790, %swap3A_1791], %gather3A_1788 {strides = array<i32>} : memref<24x128xi32, #tpu.memory_space<vmem>>, vector<16xi32>,
      %get3A_1793 = arith.constant 14 : i32
      %get3A_1794 = arith.index_cast %get3A_1793 : i32 to index
      %get3A_1795 = arith.constant 48 : index
      %get3A_1796 = tpu.vector_load %arg9[%get3A_1794, %get3A_1795] {strides = array<i32>} : memref<24x128xi32, #tpu.memory_space<vmem>>, vector<16xi32>,
      %shift_right_logical3A_1797 = arith.constant 11 : i32
      %shift_right_logical3A_1798 = vector.broadcast %shift_right_logical3A_1797 : i32 to vector<16xi32>
      %shift_right_logical3A_1799 = arith.shrui %get3A_1796, %shift_right_logical3A_1798 : vector<16xi32>
      %and3A_1800 = arith.constant 2047 : i32
      %and3A_1801 = vector.broadcast %and3A_1800 : i32 to vector<16xi32>
      %and3A_1802 = arith.andi %get3A_1796, %and3A_1801 : vector<16xi32>
      %gather3A_1803 = tpu.vector_load_idx %arg8[%shift_right_logical3A_1799, %and3A_1802] : memref<49x2048xi32, #tpu.memory_space<vmem>>[vector<16xi32>, vector<16xi32>], vector<16xi32>,
      %swap3A_1804 = arith.constant 14 : i32
      %swap3A_1805 = arith.index_cast %swap3A_1804 : i32 to index
      %swap3A_1806 = arith.constant 48 : index
      %swap3A_1807 = tpu.vector_load %arg9[%swap3A_1805, %swap3A_1806] {strides = array<i32>} : memref<24x128xi32, #tpu.memory_space<vmem>>, vector<16xi32>,
      tpu.vector_store %arg9[%swap3A_1805, %swap3A_1806], %gather3A_1803 {strides = array<i32>} : memref<24x128xi32, #tpu.memory_space<vmem>>, vector<16xi32>,
      %get3A_1808 = arith.constant 14 : i32
      %get3A_1809 = arith.index_cast %get3A_1808 : i32 to index
      %get3A_1810 = arith.constant 64 : index
      %get3A_1811 = tpu.vector_load %arg9[%get3A_1809, %get3A_1810] {strides = array<i32>} : memref<24x128xi32, #tpu.memory_space<vmem>>, vector<16xi32>,
      %shift_right_logical3A_1812 = arith.constant 11 : i32
      %shift_right_logical3A_1813 = vector.broadcast %shift_right_logical3A_1812 : i32 to vector<16xi32>
      %shift_right_logical3A_1814 = arith.shrui %get3A_1811, %shift_right_logical3A_1813 : vector<16xi32>
      %and3A_1815 = arith.constant 2047 : i32
      %and3A_1816 = vector.broadcast %and3A_1815 : i32 to vector<16xi32>
      %and3A_1817 = arith.andi %get3A_1811, %and3A_1816 : vector<16xi32>
      %gather3A_1818 = tpu.vector_load_idx %arg8[%shift_right_logical3A_1814, %and3A_1817] : memref<49x2048xi32, #tpu.memory_space<vmem>>[vector<16xi32>, vector<16xi32>], vector<16xi32>,
      %swap3A_1819 = arith.constant 14 : i32
      %swap3A_1820 = arith.index_cast %swap3A_1819 : i32 to index
      %swap3A_1821 = arith.constant 64 : index
      %swap3A_1822 = tpu.vector_load %arg9[%swap3A_1820, %swap3A_1821] {strides = array<i32>} : memref<24x128xi32, #tpu.memory_space<vmem>>, vector<16xi32>,
      tpu.vector_store %arg9[%swap3A_1820, %swap3A_1821], %gather3A_1818 {strides = array<i32>} : memref<24x128xi32, #tpu.memory_space<vmem>>, vector<16xi32>,
      %get3A_1823 = arith.constant 14 : i32
      %get3A_1824 = arith.index_cast %get3A_1823 : i32 to index
      %get3A_1825 = arith.constant 80 : index
      %get3A_1826 = tpu.vector_load %arg9[%get3A_1824, %get3A_1825] {strides = array<i32>} : memref<24x128xi32, #tpu.memory_space<vmem>>, vector<16xi32>,
      %shift_right_logical3A_1827 = arith.constant 11 : i32
      %shift_right_logical3A_1828 = vector.broadcast %shift_right_logical3A_1827 : i32 to vector<16xi32>
      %shift_right_logical3A_1829 = arith.shrui %get3A_1826, %shift_right_logical3A_1828 : vector<16xi32>
      %and3A_1830 = arith.constant 2047 : i32
      %and3A_1831 = vector.broadcast %and3A_1830 : i32 to vector<16xi32>
      %and3A_1832 = arith.andi %get3A_1826, %and3A_1831 : vector<16xi32>
      %gather3A_1833 = tpu.vector_load_idx %arg8[%shift_right_logical3A_1829, %and3A_1832] : memref<49x2048xi32, #tpu.memory_space<vmem>>[vector<16xi32>, vector<16xi32>], vector<16xi32>,
      %swap3A_1834 = arith.constant 14 : i32
      %swap3A_1835 = arith.index_cast %swap3A_1834 : i32 to index
      %swap3A_1836 = arith.constant 80 : index
      %swap3A_1837 = tpu.vector_load %arg9[%swap3A_1835, %swap3A_1836] {strides = array<i32>} : memref<24x128xi32, #tpu.memory_space<vmem>>, vector<16xi32>,
      tpu.vector_store %arg9[%swap3A_1835, %swap3A_1836], %gather3A_1833 {strides = array<i32>} : memref<24x128xi32, #tpu.memory_space<vmem>>, vector<16xi32>,
      %get3A_1838 = arith.constant 14 : i32
      %get3A_1839 = arith.index_cast %get3A_1838 : i32 to index
      %get3A_1840 = arith.constant 96 : index
      %get3A_1841 = tpu.vector_load %arg9[%get3A_1839, %get3A_1840] {strides = array<i32>} : memref<24x128xi32, #tpu.memory_space<vmem>>, vector<16xi32>,
      %shift_right_logical3A_1842 = arith.constant 11 : i32
      %shift_right_logical3A_1843 = vector.broadcast %shift_right_logical3A_1842 : i32 to vector<16xi32>
      %shift_right_logical3A_1844 = arith.shrui %get3A_1841, %shift_right_logical3A_1843 : vector<16xi32>
      %and3A_1845 = arith.constant 2047 : i32
      %and3A_1846 = vector.broadcast %and3A_1845 : i32 to vector<16xi32>
      %and3A_1847 = arith.andi %get3A_1841, %and3A_1846 : vector<16xi32>
      %gather3A_1848 = tpu.vector_load_idx %arg8[%shift_right_logical3A_1844, %and3A_1847] : memref<49x2048xi32, #tpu.memory_space<vmem>>[vector<16xi32>, vector<16xi32>], vector<16xi32>,
      %swap3A_1849 = arith.constant 14 : i32
      %swap3A_1850 = arith.index_cast %swap3A_1849 : i32 to index
      %swap3A_1851 = arith.constant 96 : index
      %swap3A_1852 = tpu.vector_load %arg9[%swap3A_1850, %swap3A_1851] {strides = array<i32>} : memref<24x128xi32, #tpu.memory_space<vmem>>, vector<16xi32>,
      tpu.vector_store %arg9[%swap3A_1850, %swap3A_1851], %gather3A_1848 {strides = array<i32>} : memref<24x128xi32, #tpu.memory_space<vmem>>, vector<16xi32>,
      %get3A_1853 = arith.constant 14 : i32
      %get3A_1854 = arith.index_cast %get3A_1853 : i32 to index
      %get3A_1855 = arith.constant 112 : index
      %get3A_1856 = tpu.vector_load %arg9[%get3A_1854, %get3A_1855] {strides = array<i32>} : memref<24x128xi32, #tpu.memory_space<vmem>>, vector<16xi32>,
      %shift_right_logical3A_1857 = arith.constant 11 : i32
      %shift_right_logical3A_1858 = vector.broadcast %shift_right_logical3A_1857 : i32 to vector<16xi32>
      %shift_right_logical3A_1859 = arith.shrui %get3A_1856, %shift_right_logical3A_1858 : vector<16xi32>
      %and3A_1860 = arith.constant 2047 : i32
      %and3A_1861 = vector.broadcast %and3A_1860 : i32 to vector<16xi32>
      %and3A_1862 = arith.andi %get3A_1856, %and3A_1861 : vector<16xi32>
      %gather3A_1863 = tpu.vector_load_idx %arg8[%shift_right_logical3A_1859, %and3A_1862] : memref<49x2048xi32, #tpu.memory_space<vmem>>[vector<16xi32>, vector<16xi32>], vector<16xi32>,
      %swap3A_1864 = arith.constant 14 : i32
      %swap3A_1865 = arith.index_cast %swap3A_1864 : i32 to index
      %swap3A_1866 = arith.constant 112 : index
      %swap3A_1867 = tpu.vector_load %arg9[%swap3A_1865, %swap3A_1866] {strides = array<i32>} : memref<24x128xi32, #tpu.memory_space<vmem>>, vector<16xi32>,
      tpu.vector_store %arg9[%swap3A_1865, %swap3A_1866], %gather3A_1863 {strides = array<i32>} : memref<24x128xi32, #tpu.memory_space<vmem>>, vector<16xi32>,
      %get3A_1868 = arith.constant 15 : i32
      %get3A_1869 = arith.index_cast %get3A_1868 : i32 to index
      %get3A_1870 = arith.constant 0 : index
      %get3A_1871 = tpu.vector_load %arg9[%get3A_1869, %get3A_1870] {strides = array<i32>} : memref<24x128xi32, #tpu.memory_space<vmem>>, vector<16xi32>,
      %shift_right_logical3A_1872 = arith.constant 11 : i32
      %shift_right_logical3A_1873 = vector.broadcast %shift_right_logical3A_1872 : i32 to vector<16xi32>
      %shift_right_logical3A_1874 = arith.shrui %get3A_1871, %shift_right_logical3A_1873 : vector<16xi32>
      %and3A_1875 = arith.constant 2047 : i32
      %and3A_1876 = vector.broadcast %and3A_1875 : i32 to vector<16xi32>
      %and3A_1877 = arith.andi %get3A_1871, %and3A_1876 : vector<16xi32>
      %gather3A_1878 = tpu.vector_load_idx %arg8[%shift_right_logical3A_1874, %and3A_1877] : memref<49x2048xi32, #tpu.memory_space<vmem>>[vector<16xi32>, vector<16xi32>], vector<16xi32>,
      %swap3A_1879 = arith.constant 15 : i32
      %swap3A_1880 = arith.index_cast %swap3A_1879 : i32 to index
      %swap3A_1881 = arith.constant 0 : index
      %swap3A_1882 = tpu.vector_load %arg9[%swap3A_1880, %swap3A_1881] {strides = array<i32>} : memref<24x128xi32, #tpu.memory_space<vmem>>, vector<16xi32>,
      tpu.vector_store %arg9[%swap3A_1880, %swap3A_1881], %gather3A_1878 {strides = array<i32>} : memref<24x128xi32, #tpu.memory_space<vmem>>, vector<16xi32>,
      %get3A_1883 = arith.constant 15 : i32
      %get3A_1884 = arith.index_cast %get3A_1883 : i32 to index
      %get3A_1885 = arith.constant 16 : index
      %get3A_1886 = tpu.vector_load %arg9[%get3A_1884, %get3A_1885] {strides = array<i32>} : memref<24x128xi32, #tpu.memory_space<vmem>>, vector<16xi32>,
      %shift_right_logical3A_1887 = arith.constant 11 : i32
      %shift_right_logical3A_1888 = vector.broadcast %shift_right_logical3A_1887 : i32 to vector<16xi32>
      %shift_right_logical3A_1889 = arith.shrui %get3A_1886, %shift_right_logical3A_1888 : vector<16xi32>
      %and3A_1890 = arith.constant 2047 : i32
      %and3A_1891 = vector.broadcast %and3A_1890 : i32 to vector<16xi32>
      %and3A_1892 = arith.andi %get3A_1886, %and3A_1891 : vector<16xi32>
      %gather3A_1893 = tpu.vector_load_idx %arg8[%shift_right_logical3A_1889, %and3A_1892] : memref<49x2048xi32, #tpu.memory_space<vmem>>[vector<16xi32>, vector<16xi32>], vector<16xi32>,
      %swap3A_1894 = arith.constant 15 : i32
      %swap3A_1895 = arith.index_cast %swap3A_1894 : i32 to index
      %swap3A_1896 = arith.constant 16 : index
      %swap3A_1897 = tpu.vector_load %arg9[%swap3A_1895, %swap3A_1896] {strides = array<i32>} : memref<24x128xi32, #tpu.memory_space<vmem>>, vector<16xi32>,
      tpu.vector_store %arg9[%swap3A_1895, %swap3A_1896], %gather3A_1893 {strides = array<i32>} : memref<24x128xi32, #tpu.memory_space<vmem>>, vector<16xi32>,
      %get3A_1898 = arith.constant 15 : i32
      %get3A_1899 = arith.index_cast %get3A_1898 : i32 to index
      %get3A_1900 = arith.constant 32 : index
      %get3A_1901 = tpu.vector_load %arg9[%get3A_1899, %get3A_1900] {strides = array<i32>} : memref<24x128xi32, #tpu.memory_space<vmem>>, vector<16xi32>,
      %shift_right_logical3A_1902 = arith.constant 11 : i32
      %shift_right_logical3A_1903 = vector.broadcast %shift_right_logical3A_1902 : i32 to vector<16xi32>
      %shift_right_logical3A_1904 = arith.shrui %get3A_1901, %shift_right_logical3A_1903 : vector<16xi32>
      %and3A_1905 = arith.constant 2047 : i32
      %and3A_1906 = vector.broadcast %and3A_1905 : i32 to vector<16xi32>
      %and3A_1907 = arith.andi %get3A_1901, %and3A_1906 : vector<16xi32>
      %gather3A_1908 = tpu.vector_load_idx %arg8[%shift_right_logical3A_1904, %and3A_1907] : memref<49x2048xi32, #tpu.memory_space<vmem>>[vector<16xi32>, vector<16xi32>], vector<16xi32>,
      %swap3A_1909 = arith.constant 15 : i32
      %swap3A_1910 = arith.index_cast %swap3A_1909 : i32 to index
      %swap3A_1911 = arith.constant 32 : index
      %swap3A_1912 = tpu.vector_load %arg9[%swap3A_1910, %swap3A_1911] {strides = array<i32>} : memref<24x128xi32, #tpu.memory_space<vmem>>, vector<16xi32>,
      tpu.vector_store %arg9[%swap3A_1910, %swap3A_1911], %gather3A_1908 {strides = array<i32>} : memref<24x128xi32, #tpu.memory_space<vmem>>, vector<16xi32>,
      %get3A_1913 = arith.constant 15 : i32
      %get3A_1914 = arith.index_cast %get3A_1913 : i32 to index
      %get3A_1915 = arith.constant 48 : index
      %get3A_1916 = tpu.vector_load %arg9[%get3A_1914, %get3A_1915] {strides = array<i32>} : memref<24x128xi32, #tpu.memory_space<vmem>>, vector<16xi32>,
      %shift_right_logical3A_1917 = arith.constant 11 : i32
      %shift_right_logical3A_1918 = vector.broadcast %shift_right_logical3A_1917 : i32 to vector<16xi32>
      %shift_right_logical3A_1919 = arith.shrui %get3A_1916, %shift_right_logical3A_1918 : vector<16xi32>
      %and3A_1920 = arith.constant 2047 : i32
      %and3A_1921 = vector.broadcast %and3A_1920 : i32 to vector<16xi32>
      %and3A_1922 = arith.andi %get3A_1916, %and3A_1921 : vector<16xi32>
      %gather3A_1923 = tpu.vector_load_idx %arg8[%shift_right_logical3A_1919, %and3A_1922] : memref<49x2048xi32, #tpu.memory_space<vmem>>[vector<16xi32>, vector<16xi32>], vector<16xi32>,
      %swap3A_1924 = arith.constant 15 : i32
      %swap3A_1925 = arith.index_cast %swap3A_1924 : i32 to index
      %swap3A_1926 = arith.constant 48 : index
      %swap3A_1927 = tpu.vector_load %arg9[%swap3A_1925, %swap3A_1926] {strides = array<i32>} : memref<24x128xi32, #tpu.memory_space<vmem>>, vector<16xi32>,
      tpu.vector_store %arg9[%swap3A_1925, %swap3A_1926], %gather3A_1923 {strides = array<i32>} : memref<24x128xi32, #tpu.memory_space<vmem>>, vector<16xi32>,
      %get3A_1928 = arith.constant 15 : i32
      %get3A_1929 = arith.index_cast %get3A_1928 : i32 to index
      %get3A_1930 = arith.constant 64 : index
      %get3A_1931 = tpu.vector_load %arg9[%get3A_1929, %get3A_1930] {strides = array<i32>} : memref<24x128xi32, #tpu.memory_space<vmem>>, vector<16xi32>,
      %shift_right_logical3A_1932 = arith.constant 11 : i32
      %shift_right_logical3A_1933 = vector.broadcast %shift_right_logical3A_1932 : i32 to vector<16xi32>
      %shift_right_logical3A_1934 = arith.shrui %get3A_1931, %shift_right_logical3A_1933 : vector<16xi32>
      %and3A_1935 = arith.constant 2047 : i32
      %and3A_1936 = vector.broadcast %and3A_1935 : i32 to vector<16xi32>
      %and3A_1937 = arith.andi %get3A_1931, %and3A_1936 : vector<16xi32>
      %gather3A_1938 = tpu.vector_load_idx %arg8[%shift_right_logical3A_1934, %and3A_1937] : memref<49x2048xi32, #tpu.memory_space<vmem>>[vector<16xi32>, vector<16xi32>], vector<16xi32>,
      %swap3A_1939 = arith.constant 15 : i32
      %swap3A_1940 = arith.index_cast %swap3A_1939 : i32 to index
      %swap3A_1941 = arith.constant 64 : index
      %swap3A_1942 = tpu.vector_load %arg9[%swap3A_1940, %swap3A_1941] {strides = array<i32>} : memref<24x128xi32, #tpu.memory_space<vmem>>, vector<16xi32>,
      tpu.vector_store %arg9[%swap3A_1940, %swap3A_1941], %gather3A_1938 {strides = array<i32>} : memref<24x128xi32, #tpu.memory_space<vmem>>, vector<16xi32>,
      %get3A_1943 = arith.constant 15 : i32
      %get3A_1944 = arith.index_cast %get3A_1943 : i32 to index
      %get3A_1945 = arith.constant 80 : index
      %get3A_1946 = tpu.vector_load %arg9[%get3A_1944, %get3A_1945] {strides = array<i32>} : memref<24x128xi32, #tpu.memory_space<vmem>>, vector<16xi32>,
      %shift_right_logical3A_1947 = arith.constant 11 : i32
      %shift_right_logical3A_1948 = vector.broadcast %shift_right_logical3A_1947 : i32 to vector<16xi32>
      %shift_right_logical3A_1949 = arith.shrui %get3A_1946, %shift_right_logical3A_1948 : vector<16xi32>
      %and3A_1950 = arith.constant 2047 : i32
      %and3A_1951 = vector.broadcast %and3A_1950 : i32 to vector<16xi32>
      %and3A_1952 = arith.andi %get3A_1946, %and3A_1951 : vector<16xi32>
      %gather3A_1953 = tpu.vector_load_idx %arg8[%shift_right_logical3A_1949, %and3A_1952] : memref<49x2048xi32, #tpu.memory_space<vmem>>[vector<16xi32>, vector<16xi32>], vector<16xi32>,
      %swap3A_1954 = arith.constant 15 : i32
      %swap3A_1955 = arith.index_cast %swap3A_1954 : i32 to index
      %swap3A_1956 = arith.constant 80 : index
      %swap3A_1957 = tpu.vector_load %arg9[%swap3A_1955, %swap3A_1956] {strides = array<i32>} : memref<24x128xi32, #tpu.memory_space<vmem>>, vector<16xi32>,
      tpu.vector_store %arg9[%swap3A_1955, %swap3A_1956], %gather3A_1953 {strides = array<i32>} : memref<24x128xi32, #tpu.memory_space<vmem>>, vector<16xi32>,
      %get3A_1958 = arith.constant 15 : i32
      %get3A_1959 = arith.index_cast %get3A_1958 : i32 to index
      %get3A_1960 = arith.constant 96 : index
      %get3A_1961 = tpu.vector_load %arg9[%get3A_1959, %get3A_1960] {strides = array<i32>} : memref<24x128xi32, #tpu.memory_space<vmem>>, vector<16xi32>,
      %shift_right_logical3A_1962 = arith.constant 11 : i32
      %shift_right_logical3A_1963 = vector.broadcast %shift_right_logical3A_1962 : i32 to vector<16xi32>
      %shift_right_logical3A_1964 = arith.shrui %get3A_1961, %shift_right_logical3A_1963 : vector<16xi32>
      %and3A_1965 = arith.constant 2047 : i32
      %and3A_1966 = vector.broadcast %and3A_1965 : i32 to vector<16xi32>
      %and3A_1967 = arith.andi %get3A_1961, %and3A_1966 : vector<16xi32>
      %gather3A_1968 = tpu.vector_load_idx %arg8[%shift_right_logical3A_1964, %and3A_1967] : memref<49x2048xi32, #tpu.memory_space<vmem>>[vector<16xi32>, vector<16xi32>], vector<16xi32>,
      %swap3A_1969 = arith.constant 15 : i32
      %swap3A_1970 = arith.index_cast %swap3A_1969 : i32 to index
      %swap3A_1971 = arith.constant 96 : index
      %swap3A_1972 = tpu.vector_load %arg9[%swap3A_1970, %swap3A_1971] {strides = array<i32>} : memref<24x128xi32, #tpu.memory_space<vmem>>, vector<16xi32>,
      tpu.vector_store %arg9[%swap3A_1970, %swap3A_1971], %gather3A_1968 {strides = array<i32>} : memref<24x128xi32, #tpu.memory_space<vmem>>, vector<16xi32>,
      %get3A_1973 = arith.constant 15 : i32
      %get3A_1974 = arith.index_cast %get3A_1973 : i32 to index
      %get3A_1975 = arith.constant 112 : index
      %get3A_1976 = tpu.vector_load %arg9[%get3A_1974, %get3A_1975] {strides = array<i32>} : memref<24x128xi32, #tpu.memory_space<vmem>>, vector<16xi32>,
      %shift_right_logical3A_1977 = arith.constant 11 : i32
      %shift_right_logical3A_1978 = vector.broadcast %shift_right_logical3A_1977 : i32 to vector<16xi32>
      %shift_right_logical3A_1979 = arith.shrui %get3A_1976, %shift_right_logical3A_1978 : vector<16xi32>
      %and3A_1980 = arith.constant 2047 : i32
      %and3A_1981 = vector.broadcast %and3A_1980 : i32 to vector<16xi32>
      %and3A_1982 = arith.andi %get3A_1976, %and3A_1981 : vector<16xi32>
      %gather3A_1983 = tpu.vector_load_idx %arg8[%shift_right_logical3A_1979, %and3A_1982] : memref<49x2048xi32, #tpu.memory_space<vmem>>[vector<16xi32>, vector<16xi32>], vector<16xi32>,
      %swap3A_1984 = arith.constant 15 : i32
      %swap3A_1985 = arith.index_cast %swap3A_1984 : i32 to index
      %swap3A_1986 = arith.constant 112 : index
      %swap3A_1987 = tpu.vector_load %arg9[%swap3A_1985, %swap3A_1986] {strides = array<i32>} : memref<24x128xi32, #tpu.memory_space<vmem>>, vector<16xi32>,
      tpu.vector_store %arg9[%swap3A_1985, %swap3A_1986], %gather3A_1983 {strides = array<i32>} : memref<24x128xi32, #tpu.memory_space<vmem>>, vector<16xi32>,
      %get3A_1988 = arith.constant 16 : i32
      %get3A_1989 = arith.index_cast %get3A_1988 : i32 to index
      %get3A_1990 = arith.constant 0 : index
      %get3A_1991 = tpu.vector_load %arg9[%get3A_1989, %get3A_1990] {strides = array<i32>} : memref<24x128xi32, #tpu.memory_space<vmem>>, vector<16xi32>,
      %shift_right_logical3A_1992 = arith.constant 11 : i32
      %shift_right_logical3A_1993 = vector.broadcast %shift_right_logical3A_1992 : i32 to vector<16xi32>
      %shift_right_logical3A_1994 = arith.shrui %get3A_1991, %shift_right_logical3A_1993 : vector<16xi32>
      %and3A_1995 = arith.constant 2047 : i32
      %and3A_1996 = vector.broadcast %and3A_1995 : i32 to vector<16xi32>
      %and3A_1997 = arith.andi %get3A_1991, %and3A_1996 : vector<16xi32>
      %gather3A_1998 = tpu.vector_load_idx %arg8[%shift_right_logical3A_1994, %and3A_1997] : memref<49x2048xi32, #tpu.memory_space<vmem>>[vector<16xi32>, vector<16xi32>], vector<16xi32>,
      %swap3A_1999 = arith.constant 16 : i32
      %swap3A_2000 = arith.index_cast %swap3A_1999 : i32 to index
      %swap3A_2001 = arith.constant 0 : index
      %swap3A_2002 = tpu.vector_load %arg9[%swap3A_2000, %swap3A_2001] {strides = array<i32>} : memref<24x128xi32, #tpu.memory_space<vmem>>, vector<16xi32>,
      tpu.vector_store %arg9[%swap3A_2000, %swap3A_2001], %gather3A_1998 {strides = array<i32>} : memref<24x128xi32, #tpu.memory_space<vmem>>, vector<16xi32>,
      %get3A_2003 = arith.constant 16 : i32
      %get3A_2004 = arith.index_cast %get3A_2003 : i32 to index
      %get3A_2005 = arith.constant 16 : index
      %get3A_2006 = tpu.vector_load %arg9[%get3A_2004, %get3A_2005] {strides = array<i32>} : memref<24x128xi32, #tpu.memory_space<vmem>>, vector<16xi32>,
      %shift_right_logical3A_2007 = arith.constant 11 : i32
      %shift_right_logical3A_2008 = vector.broadcast %shift_right_logical3A_2007 : i32 to vector<16xi32>
      %shift_right_logical3A_2009 = arith.shrui %get3A_2006, %shift_right_logical3A_2008 : vector<16xi32>
      %and3A_2010 = arith.constant 2047 : i32
      %and3A_2011 = vector.broadcast %and3A_2010 : i32 to vector<16xi32>
      %and3A_2012 = arith.andi %get3A_2006, %and3A_2011 : vector<16xi32>
      %gather3A_2013 = tpu.vector_load_idx %arg8[%shift_right_logical3A_2009, %and3A_2012] : memref<49x2048xi32, #tpu.memory_space<vmem>>[vector<16xi32>, vector<16xi32>], vector<16xi32>,
      %swap3A_2014 = arith.constant 16 : i32
      %swap3A_2015 = arith.index_cast %swap3A_2014 : i32 to index
      %swap3A_2016 = arith.constant 16 : index
      %swap3A_2017 = tpu.vector_load %arg9[%swap3A_2015, %swap3A_2016] {strides = array<i32>} : memref<24x128xi32, #tpu.memory_space<vmem>>, vector<16xi32>,
      tpu.vector_store %arg9[%swap3A_2015, %swap3A_2016], %gather3A_2013 {strides = array<i32>} : memref<24x128xi32, #tpu.memory_space<vmem>>, vector<16xi32>,
      %get3A_2018 = arith.constant 16 : i32
      %get3A_2019 = arith.index_cast %get3A_2018 : i32 to index
      %get3A_2020 = arith.constant 32 : index
      %get3A_2021 = tpu.vector_load %arg9[%get3A_2019, %get3A_2020] {strides = array<i32>} : memref<24x128xi32, #tpu.memory_space<vmem>>, vector<16xi32>,
      %shift_right_logical3A_2022 = arith.constant 11 : i32
      %shift_right_logical3A_2023 = vector.broadcast %shift_right_logical3A_2022 : i32 to vector<16xi32>
      %shift_right_logical3A_2024 = arith.shrui %get3A_2021, %shift_right_logical3A_2023 : vector<16xi32>
      %and3A_2025 = arith.constant 2047 : i32
      %and3A_2026 = vector.broadcast %and3A_2025 : i32 to vector<16xi32>
      %and3A_2027 = arith.andi %get3A_2021, %and3A_2026 : vector<16xi32>
      %gather3A_2028 = tpu.vector_load_idx %arg8[%shift_right_logical3A_2024, %and3A_2027] : memref<49x2048xi32, #tpu.memory_space<vmem>>[vector<16xi32>, vector<16xi32>], vector<16xi32>,
      %swap3A_2029 = arith.constant 16 : i32
      %swap3A_2030 = arith.index_cast %swap3A_2029 : i32 to index
      %swap3A_2031 = arith.constant 32 : index
      %swap3A_2032 = tpu.vector_load %arg9[%swap3A_2030, %swap3A_2031] {strides = array<i32>} : memref<24x128xi32, #tpu.memory_space<vmem>>, vector<16xi32>,
      tpu.vector_store %arg9[%swap3A_2030, %swap3A_2031], %gather3A_2028 {strides = array<i32>} : memref<24x128xi32, #tpu.memory_space<vmem>>, vector<16xi32>,
      %get3A_2033 = arith.constant 16 : i32
      %get3A_2034 = arith.index_cast %get3A_2033 : i32 to index
      %get3A_2035 = arith.constant 48 : index
      %get3A_2036 = tpu.vector_load %arg9[%get3A_2034, %get3A_2035] {strides = array<i32>} : memref<24x128xi32, #tpu.memory_space<vmem>>, vector<16xi32>,
      %shift_right_logical3A_2037 = arith.constant 11 : i32
      %shift_right_logical3A_2038 = vector.broadcast %shift_right_logical3A_2037 : i32 to vector<16xi32>
      %shift_right_logical3A_2039 = arith.shrui %get3A_2036, %shift_right_logical3A_2038 : vector<16xi32>
      %and3A_2040 = arith.constant 2047 : i32
      %and3A_2041 = vector.broadcast %and3A_2040 : i32 to vector<16xi32>
      %and3A_2042 = arith.andi %get3A_2036, %and3A_2041 : vector<16xi32>
      %gather3A_2043 = tpu.vector_load_idx %arg8[%shift_right_logical3A_2039, %and3A_2042] : memref<49x2048xi32, #tpu.memory_space<vmem>>[vector<16xi32>, vector<16xi32>], vector<16xi32>,
      %swap3A_2044 = arith.constant 16 : i32
      %swap3A_2045 = arith.index_cast %swap3A_2044 : i32 to index
      %swap3A_2046 = arith.constant 48 : index
      %swap3A_2047 = tpu.vector_load %arg9[%swap3A_2045, %swap3A_2046] {strides = array<i32>} : memref<24x128xi32, #tpu.memory_space<vmem>>, vector<16xi32>,
      tpu.vector_store %arg9[%swap3A_2045, %swap3A_2046], %gather3A_2043 {strides = array<i32>} : memref<24x128xi32, #tpu.memory_space<vmem>>, vector<16xi32>,
      %get3A_2048 = arith.constant 16 : i32
      %get3A_2049 = arith.index_cast %get3A_2048 : i32 to index
      %get3A_2050 = arith.constant 64 : index
      %get3A_2051 = tpu.vector_load %arg9[%get3A_2049, %get3A_2050] {strides = array<i32>} : memref<24x128xi32, #tpu.memory_space<vmem>>, vector<16xi32>,
      %shift_right_logical3A_2052 = arith.constant 11 : i32
      %shift_right_logical3A_2053 = vector.broadcast %shift_right_logical3A_2052 : i32 to vector<16xi32>
      %shift_right_logical3A_2054 = arith.shrui %get3A_2051, %shift_right_logical3A_2053 : vector<16xi32>
      %and3A_2055 = arith.constant 2047 : i32
      %and3A_2056 = vector.broadcast %and3A_2055 : i32 to vector<16xi32>
      %and3A_2057 = arith.andi %get3A_2051, %and3A_2056 : vector<16xi32>
      %gather3A_2058 = tpu.vector_load_idx %arg8[%shift_right_logical3A_2054, %and3A_2057] : memref<49x2048xi32, #tpu.memory_space<vmem>>[vector<16xi32>, vector<16xi32>], vector<16xi32>,
      %swap3A_2059 = arith.constant 16 : i32
      %swap3A_2060 = arith.index_cast %swap3A_2059 : i32 to index
      %swap3A_2061 = arith.constant 64 : index
      %swap3A_2062 = tpu.vector_load %arg9[%swap3A_2060, %swap3A_2061] {strides = array<i32>} : memref<24x128xi32, #tpu.memory_space<vmem>>, vector<16xi32>,
      tpu.vector_store %arg9[%swap3A_2060, %swap3A_2061], %gather3A_2058 {strides = array<i32>} : memref<24x128xi32, #tpu.memory_space<vmem>>, vector<16xi32>,
      %get3A_2063 = arith.constant 16 : i32
      %get3A_2064 = arith.index_cast %get3A_2063 : i32 to index
      %get3A_2065 = arith.constant 80 : index
      %get3A_2066 = tpu.vector_load %arg9[%get3A_2064, %get3A_2065] {strides = array<i32>} : memref<24x128xi32, #tpu.memory_space<vmem>>, vector<16xi32>,
      %shift_right_logical3A_2067 = arith.constant 11 : i32
      %shift_right_logical3A_2068 = vector.broadcast %shift_right_logical3A_2067 : i32 to vector<16xi32>
      %shift_right_logical3A_2069 = arith.shrui %get3A_2066, %shift_right_logical3A_2068 : vector<16xi32>
      %and3A_2070 = arith.constant 2047 : i32
      %and3A_2071 = vector.broadcast %and3A_2070 : i32 to vector<16xi32>
      %and3A_2072 = arith.andi %get3A_2066, %and3A_2071 : vector<16xi32>
      %gather3A_2073 = tpu.vector_load_idx %arg8[%shift_right_logical3A_2069, %and3A_2072] : memref<49x2048xi32, #tpu.memory_space<vmem>>[vector<16xi32>, vector<16xi32>], vector<16xi32>,
      %swap3A_2074 = arith.constant 16 : i32
      %swap3A_2075 = arith.index_cast %swap3A_2074 : i32 to index
      %swap3A_2076 = arith.constant 80 : index
      %swap3A_2077 = tpu.vector_load %arg9[%swap3A_2075, %swap3A_2076] {strides = array<i32>} : memref<24x128xi32, #tpu.memory_space<vmem>>, vector<16xi32>,
      tpu.vector_store %arg9[%swap3A_2075, %swap3A_2076], %gather3A_2073 {strides = array<i32>} : memref<24x128xi32, #tpu.memory_space<vmem>>, vector<16xi32>,
      %get3A_2078 = arith.constant 16 : i32
      %get3A_2079 = arith.index_cast %get3A_2078 : i32 to index
      %get3A_2080 = arith.constant 96 : index
      %get3A_2081 = tpu.vector_load %arg9[%get3A_2079, %get3A_2080] {strides = array<i32>} : memref<24x128xi32, #tpu.memory_space<vmem>>, vector<16xi32>,
      %shift_right_logical3A_2082 = arith.constant 11 : i32
      %shift_right_logical3A_2083 = vector.broadcast %shift_right_logical3A_2082 : i32 to vector<16xi32>
      %shift_right_logical3A_2084 = arith.shrui %get3A_2081, %shift_right_logical3A_2083 : vector<16xi32>
      %and3A_2085 = arith.constant 2047 : i32
      %and3A_2086 = vector.broadcast %and3A_2085 : i32 to vector<16xi32>
      %and3A_2087 = arith.andi %get3A_2081, %and3A_2086 : vector<16xi32>
      %gather3A_2088 = tpu.vector_load_idx %arg8[%shift_right_logical3A_2084, %and3A_2087] : memref<49x2048xi32, #tpu.memory_space<vmem>>[vector<16xi32>, vector<16xi32>], vector<16xi32>,
      %swap3A_2089 = arith.constant 16 : i32
      %swap3A_2090 = arith.index_cast %swap3A_2089 : i32 to index
      %swap3A_2091 = arith.constant 96 : index
      %swap3A_2092 = tpu.vector_load %arg9[%swap3A_2090, %swap3A_2091] {strides = array<i32>} : memref<24x128xi32, #tpu.memory_space<vmem>>, vector<16xi32>,
      tpu.vector_store %arg9[%swap3A_2090, %swap3A_2091], %gather3A_2088 {strides = array<i32>} : memref<24x128xi32, #tpu.memory_space<vmem>>, vector<16xi32>,
      %get3A_2093 = arith.constant 16 : i32
      %get3A_2094 = arith.index_cast %get3A_2093 : i32 to index
      %get3A_2095 = arith.constant 112 : index
      %get3A_2096 = tpu.vector_load %arg9[%get3A_2094, %get3A_2095] {strides = array<i32>} : memref<24x128xi32, #tpu.memory_space<vmem>>, vector<16xi32>,
      %shift_right_logical3A_2097 = arith.constant 11 : i32
      %shift_right_logical3A_2098 = vector.broadcast %shift_right_logical3A_2097 : i32 to vector<16xi32>
      %shift_right_logical3A_2099 = arith.shrui %get3A_2096, %shift_right_logical3A_2098 : vector<16xi32>
      %and3A_2100 = arith.constant 2047 : i32
      %and3A_2101 = vector.broadcast %and3A_2100 : i32 to vector<16xi32>
      %and3A_2102 = arith.andi %get3A_2096, %and3A_2101 : vector<16xi32>
      %gather3A_2103 = tpu.vector_load_idx %arg8[%shift_right_logical3A_2099, %and3A_2102] : memref<49x2048xi32, #tpu.memory_space<vmem>>[vector<16xi32>, vector<16xi32>], vector<16xi32>,
      %swap3A_2104 = arith.constant 16 : i32
      %swap3A_2105 = arith.index_cast %swap3A_2104 : i32 to index
      %swap3A_2106 = arith.constant 112 : index
      %swap3A_2107 = tpu.vector_load %arg9[%swap3A_2105, %swap3A_2106] {strides = array<i32>} : memref<24x128xi32, #tpu.memory_space<vmem>>, vector<16xi32>,
      tpu.vector_store %arg9[%swap3A_2105, %swap3A_2106], %gather3A_2103 {strides = array<i32>} : memref<24x128xi32, #tpu.memory_space<vmem>>, vector<16xi32>,
      %get3A_2108 = arith.constant 17 : i32
      %get3A_2109 = arith.index_cast %get3A_2108 : i32 to index
      %get3A_2110 = arith.constant 0 : index
      %get3A_2111 = tpu.vector_load %arg9[%get3A_2109, %get3A_2110] {strides = array<i32>} : memref<24x128xi32, #tpu.memory_space<vmem>>, vector<16xi32>,
      %shift_right_logical3A_2112 = arith.constant 11 : i32
      %shift_right_logical3A_2113 = vector.broadcast %shift_right_logical3A_2112 : i32 to vector<16xi32>
      %shift_right_logical3A_2114 = arith.shrui %get3A_2111, %shift_right_logical3A_2113 : vector<16xi32>
      %and3A_2115 = arith.constant 2047 : i32
      %and3A_2116 = vector.broadcast %and3A_2115 : i32 to vector<16xi32>
      %and3A_2117 = arith.andi %get3A_2111, %and3A_2116 : vector<16xi32>
      %gather3A_2118 = tpu.vector_load_idx %arg8[%shift_right_logical3A_2114, %and3A_2117] : memref<49x2048xi32, #tpu.memory_space<vmem>>[vector<16xi32>, vector<16xi32>], vector<16xi32>,
      %swap3A_2119 = arith.constant 17 : i32
      %swap3A_2120 = arith.index_cast %swap3A_2119 : i32 to index
      %swap3A_2121 = arith.constant 0 : index
      %swap3A_2122 = tpu.vector_load %arg9[%swap3A_2120, %swap3A_2121] {strides = array<i32>} : memref<24x128xi32, #tpu.memory_space<vmem>>, vector<16xi32>,
      tpu.vector_store %arg9[%swap3A_2120, %swap3A_2121], %gather3A_2118 {strides = array<i32>} : memref<24x128xi32, #tpu.memory_space<vmem>>, vector<16xi32>,
      %get3A_2123 = arith.constant 17 : i32
      %get3A_2124 = arith.index_cast %get3A_2123 : i32 to index
      %get3A_2125 = arith.constant 16 : index
      %get3A_2126 = tpu.vector_load %arg9[%get3A_2124, %get3A_2125] {strides = array<i32>} : memref<24x128xi32, #tpu.memory_space<vmem>>, vector<16xi32>,
      %shift_right_logical3A_2127 = arith.constant 11 : i32
      %shift_right_logical3A_2128 = vector.broadcast %shift_right_logical3A_2127 : i32 to vector<16xi32>
      %shift_right_logical3A_2129 = arith.shrui %get3A_2126, %shift_right_logical3A_2128 : vector<16xi32>
      %and3A_2130 = arith.constant 2047 : i32
      %and3A_2131 = vector.broadcast %and3A_2130 : i32 to vector<16xi32>
      %and3A_2132 = arith.andi %get3A_2126, %and3A_2131 : vector<16xi32>
      %gather3A_2133 = tpu.vector_load_idx %arg8[%shift_right_logical3A_2129, %and3A_2132] : memref<49x2048xi32, #tpu.memory_space<vmem>>[vector<16xi32>, vector<16xi32>], vector<16xi32>,
      %swap3A_2134 = arith.constant 17 : i32
      %swap3A_2135 = arith.index_cast %swap3A_2134 : i32 to index
      %swap3A_2136 = arith.constant 16 : index
      %swap3A_2137 = tpu.vector_load %arg9[%swap3A_2135, %swap3A_2136] {strides = array<i32>} : memref<24x128xi32, #tpu.memory_space<vmem>>, vector<16xi32>,
      tpu.vector_store %arg9[%swap3A_2135, %swap3A_2136], %gather3A_2133 {strides = array<i32>} : memref<24x128xi32, #tpu.memory_space<vmem>>, vector<16xi32>,
      %get3A_2138 = arith.constant 17 : i32
      %get3A_2139 = arith.index_cast %get3A_2138 : i32 to index
      %get3A_2140 = arith.constant 32 : index
      %get3A_2141 = tpu.vector_load %arg9[%get3A_2139, %get3A_2140] {strides = array<i32>} : memref<24x128xi32, #tpu.memory_space<vmem>>, vector<16xi32>,
      %shift_right_logical3A_2142 = arith.constant 11 : i32
      %shift_right_logical3A_2143 = vector.broadcast %shift_right_logical3A_2142 : i32 to vector<16xi32>
      %shift_right_logical3A_2144 = arith.shrui %get3A_2141, %shift_right_logical3A_2143 : vector<16xi32>
      %and3A_2145 = arith.constant 2047 : i32
      %and3A_2146 = vector.broadcast %and3A_2145 : i32 to vector<16xi32>
      %and3A_2147 = arith.andi %get3A_2141, %and3A_2146 : vector<16xi32>
      %gather3A_2148 = tpu.vector_load_idx %arg8[%shift_right_logical3A_2144, %and3A_2147] : memref<49x2048xi32, #tpu.memory_space<vmem>>[vector<16xi32>, vector<16xi32>], vector<16xi32>,
      %swap3A_2149 = arith.constant 17 : i32
      %swap3A_2150 = arith.index_cast %swap3A_2149 : i32 to index
      %swap3A_2151 = arith.constant 32 : index
      %swap3A_2152 = tpu.vector_load %arg9[%swap3A_2150, %swap3A_2151] {strides = array<i32>} : memref<24x128xi32, #tpu.memory_space<vmem>>, vector<16xi32>,
      tpu.vector_store %arg9[%swap3A_2150, %swap3A_2151], %gather3A_2148 {strides = array<i32>} : memref<24x128xi32, #tpu.memory_space<vmem>>, vector<16xi32>,
      %get3A_2153 = arith.constant 17 : i32
      %get3A_2154 = arith.index_cast %get3A_2153 : i32 to index
      %get3A_2155 = arith.constant 48 : index
      %get3A_2156 = tpu.vector_load %arg9[%get3A_2154, %get3A_2155] {strides = array<i32>} : memref<24x128xi32, #tpu.memory_space<vmem>>, vector<16xi32>,
      %shift_right_logical3A_2157 = arith.constant 11 : i32
      %shift_right_logical3A_2158 = vector.broadcast %shift_right_logical3A_2157 : i32 to vector<16xi32>
      %shift_right_logical3A_2159 = arith.shrui %get3A_2156, %shift_right_logical3A_2158 : vector<16xi32>
      %and3A_2160 = arith.constant 2047 : i32
      %and3A_2161 = vector.broadcast %and3A_2160 : i32 to vector<16xi32>
      %and3A_2162 = arith.andi %get3A_2156, %and3A_2161 : vector<16xi32>
      %gather3A_2163 = tpu.vector_load_idx %arg8[%shift_right_logical3A_2159, %and3A_2162] : memref<49x2048xi32, #tpu.memory_space<vmem>>[vector<16xi32>, vector<16xi32>], vector<16xi32>,
      %swap3A_2164 = arith.constant 17 : i32
      %swap3A_2165 = arith.index_cast %swap3A_2164 : i32 to index
      %swap3A_2166 = arith.constant 48 : index
      %swap3A_2167 = tpu.vector_load %arg9[%swap3A_2165, %swap3A_2166] {strides = array<i32>} : memref<24x128xi32, #tpu.memory_space<vmem>>, vector<16xi32>,
      tpu.vector_store %arg9[%swap3A_2165, %swap3A_2166], %gather3A_2163 {strides = array<i32>} : memref<24x128xi32, #tpu.memory_space<vmem>>, vector<16xi32>,
      %get3A_2168 = arith.constant 17 : i32
      %get3A_2169 = arith.index_cast %get3A_2168 : i32 to index
      %get3A_2170 = arith.constant 64 : index
      %get3A_2171 = tpu.vector_load %arg9[%get3A_2169, %get3A_2170] {strides = array<i32>} : memref<24x128xi32, #tpu.memory_space<vmem>>, vector<16xi32>,
      %shift_right_logical3A_2172 = arith.constant 11 : i32
      %shift_right_logical3A_2173 = vector.broadcast %shift_right_logical3A_2172 : i32 to vector<16xi32>
      %shift_right_logical3A_2174 = arith.shrui %get3A_2171, %shift_right_logical3A_2173 : vector<16xi32>
      %and3A_2175 = arith.constant 2047 : i32
      %and3A_2176 = vector.broadcast %and3A_2175 : i32 to vector<16xi32>
      %and3A_2177 = arith.andi %get3A_2171, %and3A_2176 : vector<16xi32>
      %gather3A_2178 = tpu.vector_load_idx %arg8[%shift_right_logical3A_2174, %and3A_2177] : memref<49x2048xi32, #tpu.memory_space<vmem>>[vector<16xi32>, vector<16xi32>], vector<16xi32>,
      %swap3A_2179 = arith.constant 17 : i32
      %swap3A_2180 = arith.index_cast %swap3A_2179 : i32 to index
      %swap3A_2181 = arith.constant 64 : index
      %swap3A_2182 = tpu.vector_load %arg9[%swap3A_2180, %swap3A_2181] {strides = array<i32>} : memref<24x128xi32, #tpu.memory_space<vmem>>, vector<16xi32>,
      tpu.vector_store %arg9[%swap3A_2180, %swap3A_2181], %gather3A_2178 {strides = array<i32>} : memref<24x128xi32, #tpu.memory_space<vmem>>, vector<16xi32>,
      %get3A_2183 = arith.constant 17 : i32
      %get3A_2184 = arith.index_cast %get3A_2183 : i32 to index
      %get3A_2185 = arith.constant 80 : index
      %get3A_2186 = tpu.vector_load %arg9[%get3A_2184, %get3A_2185] {strides = array<i32>} : memref<24x128xi32, #tpu.memory_space<vmem>>, vector<16xi32>,
      %shift_right_logical3A_2187 = arith.constant 11 : i32
      %shift_right_logical3A_2188 = vector.broadcast %shift_right_logical3A_2187 : i32 to vector<16xi32>
      %shift_right_logical3A_2189 = arith.shrui %get3A_2186, %shift_right_logical3A_2188 : vector<16xi32>
      %and3A_2190 = arith.constant 2047 : i32
      %and3A_2191 = vector.broadcast %and3A_2190 : i32 to vector<16xi32>
      %and3A_2192 = arith.andi %get3A_2186, %and3A_2191 : vector<16xi32>
      %gather3A_2193 = tpu.vector_load_idx %arg8[%shift_right_logical3A_2189, %and3A_2192] : memref<49x2048xi32, #tpu.memory_space<vmem>>[vector<16xi32>, vector<16xi32>], vector<16xi32>,
      %swap3A_2194 = arith.constant 17 : i32
      %swap3A_2195 = arith.index_cast %swap3A_2194 : i32 to index
      %swap3A_2196 = arith.constant 80 : index
      %swap3A_2197 = tpu.vector_load %arg9[%swap3A_2195, %swap3A_2196] {strides = array<i32>} : memref<24x128xi32, #tpu.memory_space<vmem>>, vector<16xi32>,
      tpu.vector_store %arg9[%swap3A_2195, %swap3A_2196], %gather3A_2193 {strides = array<i32>} : memref<24x128xi32, #tpu.memory_space<vmem>>, vector<16xi32>,
      %get3A_2198 = arith.constant 17 : i32
      %get3A_2199 = arith.index_cast %get3A_2198 : i32 to index
      %get3A_2200 = arith.constant 96 : index
      %get3A_2201 = tpu.vector_load %arg9[%get3A_2199, %get3A_2200] {strides = array<i32>} : memref<24x128xi32, #tpu.memory_space<vmem>>, vector<16xi32>,
      %shift_right_logical3A_2202 = arith.constant 11 : i32
      %shift_right_logical3A_2203 = vector.broadcast %shift_right_logical3A_2202 : i32 to vector<16xi32>
      %shift_right_logical3A_2204 = arith.shrui %get3A_2201, %shift_right_logical3A_2203 : vector<16xi32>
      %and3A_2205 = arith.constant 2047 : i32
      %and3A_2206 = vector.broadcast %and3A_2205 : i32 to vector<16xi32>
      %and3A_2207 = arith.andi %get3A_2201, %and3A_2206 : vector<16xi32>
      %gather3A_2208 = tpu.vector_load_idx %arg8[%shift_right_logical3A_2204, %and3A_2207] : memref<49x2048xi32, #tpu.memory_space<vmem>>[vector<16xi32>, vector<16xi32>], vector<16xi32>,
      %swap3A_2209 = arith.constant 17 : i32
      %swap3A_2210 = arith.index_cast %swap3A_2209 : i32 to index
      %swap3A_2211 = arith.constant 96 : index
      %swap3A_2212 = tpu.vector_load %arg9[%swap3A_2210, %swap3A_2211] {strides = array<i32>} : memref<24x128xi32, #tpu.memory_space<vmem>>, vector<16xi32>,
      tpu.vector_store %arg9[%swap3A_2210, %swap3A_2211], %gather3A_2208 {strides = array<i32>} : memref<24x128xi32, #tpu.memory_space<vmem>>, vector<16xi32>,
      %get3A_2213 = arith.constant 17 : i32
      %get3A_2214 = arith.index_cast %get3A_2213 : i32 to index
      %get3A_2215 = arith.constant 112 : index
      %get3A_2216 = tpu.vector_load %arg9[%get3A_2214, %get3A_2215] {strides = array<i32>} : memref<24x128xi32, #tpu.memory_space<vmem>>, vector<16xi32>,
      %shift_right_logical3A_2217 = arith.constant 11 : i32
      %shift_right_logical3A_2218 = vector.broadcast %shift_right_logical3A_2217 : i32 to vector<16xi32>
      %shift_right_logical3A_2219 = arith.shrui %get3A_2216, %shift_right_logical3A_2218 : vector<16xi32>
      %and3A_2220 = arith.constant 2047 : i32
      %and3A_2221 = vector.broadcast %and3A_2220 : i32 to vector<16xi32>
      %and3A_2222 = arith.andi %get3A_2216, %and3A_2221 : vector<16xi32>
      %gather3A_2223 = tpu.vector_load_idx %arg8[%shift_right_logical3A_2219, %and3A_2222] : memref<49x2048xi32, #tpu.memory_space<vmem>>[vector<16xi32>, vector<16xi32>], vector<16xi32>,
      %swap3A_2224 = arith.constant 17 : i32
      %swap3A_2225 = arith.index_cast %swap3A_2224 : i32 to index
      %swap3A_2226 = arith.constant 112 : index
      %swap3A_2227 = tpu.vector_load %arg9[%swap3A_2225, %swap3A_2226] {strides = array<i32>} : memref<24x128xi32, #tpu.memory_space<vmem>>, vector<16xi32>,
      tpu.vector_store %arg9[%swap3A_2225, %swap3A_2226], %gather3A_2223 {strides = array<i32>} : memref<24x128xi32, #tpu.memory_space<vmem>>, vector<16xi32>,
      %get3A_2228 = arith.constant 18 : i32
      %get3A_2229 = arith.index_cast %get3A_2228 : i32 to index
      %get3A_2230 = arith.constant 0 : index
      %get3A_2231 = tpu.vector_load %arg9[%get3A_2229, %get3A_2230] {strides = array<i32>} : memref<24x128xi32, #tpu.memory_space<vmem>>, vector<16xi32>,
      %shift_right_logical3A_2232 = arith.constant 11 : i32
      %shift_right_logical3A_2233 = vector.broadcast %shift_right_logical3A_2232 : i32 to vector<16xi32>
      %shift_right_logical3A_2234 = arith.shrui %get3A_2231, %shift_right_logical3A_2233 : vector<16xi32>
      %and3A_2235 = arith.constant 2047 : i32
      %and3A_2236 = vector.broadcast %and3A_2235 : i32 to vector<16xi32>
      %and3A_2237 = arith.andi %get3A_2231, %and3A_2236 : vector<16xi32>
      %gather3A_2238 = tpu.vector_load_idx %arg8[%shift_right_logical3A_2234, %and3A_2237] : memref<49x2048xi32, #tpu.memory_space<vmem>>[vector<16xi32>, vector<16xi32>], vector<16xi32>,
      %swap3A_2239 = arith.constant 18 : i32
      %swap3A_2240 = arith.index_cast %swap3A_2239 : i32 to index
      %swap3A_2241 = arith.constant 0 : index
      %swap3A_2242 = tpu.vector_load %arg9[%swap3A_2240, %swap3A_2241] {strides = array<i32>} : memref<24x128xi32, #tpu.memory_space<vmem>>, vector<16xi32>,
      tpu.vector_store %arg9[%swap3A_2240, %swap3A_2241], %gather3A_2238 {strides = array<i32>} : memref<24x128xi32, #tpu.memory_space<vmem>>, vector<16xi32>,
      %get3A_2243 = arith.constant 18 : i32
      %get3A_2244 = arith.index_cast %get3A_2243 : i32 to index
      %get3A_2245 = arith.constant 16 : index
      %get3A_2246 = tpu.vector_load %arg9[%get3A_2244, %get3A_2245] {strides = array<i32>} : memref<24x128xi32, #tpu.memory_space<vmem>>, vector<16xi32>,
      %shift_right_logical3A_2247 = arith.constant 11 : i32
      %shift_right_logical3A_2248 = vector.broadcast %shift_right_logical3A_2247 : i32 to vector<16xi32>
      %shift_right_logical3A_2249 = arith.shrui %get3A_2246, %shift_right_logical3A_2248 : vector<16xi32>
      %and3A_2250 = arith.constant 2047 : i32
      %and3A_2251 = vector.broadcast %and3A_2250 : i32 to vector<16xi32>
      %and3A_2252 = arith.andi %get3A_2246, %and3A_2251 : vector<16xi32>
      %gather3A_2253 = tpu.vector_load_idx %arg8[%shift_right_logical3A_2249, %and3A_2252] : memref<49x2048xi32, #tpu.memory_space<vmem>>[vector<16xi32>, vector<16xi32>], vector<16xi32>,
      %swap3A_2254 = arith.constant 18 : i32
      %swap3A_2255 = arith.index_cast %swap3A_2254 : i32 to index
      %swap3A_2256 = arith.constant 16 : index
      %swap3A_2257 = tpu.vector_load %arg9[%swap3A_2255, %swap3A_2256] {strides = array<i32>} : memref<24x128xi32, #tpu.memory_space<vmem>>, vector<16xi32>,
      tpu.vector_store %arg9[%swap3A_2255, %swap3A_2256], %gather3A_2253 {strides = array<i32>} : memref<24x128xi32, #tpu.memory_space<vmem>>, vector<16xi32>,
      %get3A_2258 = arith.constant 18 : i32
      %get3A_2259 = arith.index_cast %get3A_2258 : i32 to index
      %get3A_2260 = arith.constant 32 : index
      %get3A_2261 = tpu.vector_load %arg9[%get3A_2259, %get3A_2260] {strides = array<i32>} : memref<24x128xi32, #tpu.memory_space<vmem>>, vector<16xi32>,
      %shift_right_logical3A_2262 = arith.constant 11 : i32
      %shift_right_logical3A_2263 = vector.broadcast %shift_right_logical3A_2262 : i32 to vector<16xi32>
      %shift_right_logical3A_2264 = arith.shrui %get3A_2261, %shift_right_logical3A_2263 : vector<16xi32>
      %and3A_2265 = arith.constant 2047 : i32
      %and3A_2266 = vector.broadcast %and3A_2265 : i32 to vector<16xi32>
      %and3A_2267 = arith.andi %get3A_2261, %and3A_2266 : vector<16xi32>
      %gather3A_2268 = tpu.vector_load_idx %arg8[%shift_right_logical3A_2264, %and3A_2267] : memref<49x2048xi32, #tpu.memory_space<vmem>>[vector<16xi32>, vector<16xi32>], vector<16xi32>,
      %swap3A_2269 = arith.constant 18 : i32
      %swap3A_2270 = arith.index_cast %swap3A_2269 : i32 to index
      %swap3A_2271 = arith.constant 32 : index
      %swap3A_2272 = tpu.vector_load %arg9[%swap3A_2270, %swap3A_2271] {strides = array<i32>} : memref<24x128xi32, #tpu.memory_space<vmem>>, vector<16xi32>,
      tpu.vector_store %arg9[%swap3A_2270, %swap3A_2271], %gather3A_2268 {strides = array<i32>} : memref<24x128xi32, #tpu.memory_space<vmem>>, vector<16xi32>,
      %get3A_2273 = arith.constant 18 : i32
      %get3A_2274 = arith.index_cast %get3A_2273 : i32 to index
      %get3A_2275 = arith.constant 48 : index
      %get3A_2276 = tpu.vector_load %arg9[%get3A_2274, %get3A_2275] {strides = array<i32>} : memref<24x128xi32, #tpu.memory_space<vmem>>, vector<16xi32>,
      %shift_right_logical3A_2277 = arith.constant 11 : i32
      %shift_right_logical3A_2278 = vector.broadcast %shift_right_logical3A_2277 : i32 to vector<16xi32>
      %shift_right_logical3A_2279 = arith.shrui %get3A_2276, %shift_right_logical3A_2278 : vector<16xi32>
      %and3A_2280 = arith.constant 2047 : i32
      %and3A_2281 = vector.broadcast %and3A_2280 : i32 to vector<16xi32>
      %and3A_2282 = arith.andi %get3A_2276, %and3A_2281 : vector<16xi32>
      %gather3A_2283 = tpu.vector_load_idx %arg8[%shift_right_logical3A_2279, %and3A_2282] : memref<49x2048xi32, #tpu.memory_space<vmem>>[vector<16xi32>, vector<16xi32>], vector<16xi32>,
      %swap3A_2284 = arith.constant 18 : i32
      %swap3A_2285 = arith.index_cast %swap3A_2284 : i32 to index
      %swap3A_2286 = arith.constant 48 : index
      %swap3A_2287 = tpu.vector_load %arg9[%swap3A_2285, %swap3A_2286] {strides = array<i32>} : memref<24x128xi32, #tpu.memory_space<vmem>>, vector<16xi32>,
      tpu.vector_store %arg9[%swap3A_2285, %swap3A_2286], %gather3A_2283 {strides = array<i32>} : memref<24x128xi32, #tpu.memory_space<vmem>>, vector<16xi32>,
      %get3A_2288 = arith.constant 18 : i32
      %get3A_2289 = arith.index_cast %get3A_2288 : i32 to index
      %get3A_2290 = arith.constant 64 : index
      %get3A_2291 = tpu.vector_load %arg9[%get3A_2289, %get3A_2290] {strides = array<i32>} : memref<24x128xi32, #tpu.memory_space<vmem>>, vector<16xi32>,
      %shift_right_logical3A_2292 = arith.constant 11 : i32
      %shift_right_logical3A_2293 = vector.broadcast %shift_right_logical3A_2292 : i32 to vector<16xi32>
      %shift_right_logical3A_2294 = arith.shrui %get3A_2291, %shift_right_logical3A_2293 : vector<16xi32>
      %and3A_2295 = arith.constant 2047 : i32
      %and3A_2296 = vector.broadcast %and3A_2295 : i32 to vector<16xi32>
      %and3A_2297 = arith.andi %get3A_2291, %and3A_2296 : vector<16xi32>
      %gather3A_2298 = tpu.vector_load_idx %arg8[%shift_right_logical3A_2294, %and3A_2297] : memref<49x2048xi32, #tpu.memory_space<vmem>>[vector<16xi32>, vector<16xi32>], vector<16xi32>,
      %swap3A_2299 = arith.constant 18 : i32
      %swap3A_2300 = arith.index_cast %swap3A_2299 : i32 to index
      %swap3A_2301 = arith.constant 64 : index
      %swap3A_2302 = tpu.vector_load %arg9[%swap3A_2300, %swap3A_2301] {strides = array<i32>} : memref<24x128xi32, #tpu.memory_space<vmem>>, vector<16xi32>,
      tpu.vector_store %arg9[%swap3A_2300, %swap3A_2301], %gather3A_2298 {strides = array<i32>} : memref<24x128xi32, #tpu.memory_space<vmem>>, vector<16xi32>,
      %get3A_2303 = arith.constant 18 : i32
      %get3A_2304 = arith.index_cast %get3A_2303 : i32 to index
      %get3A_2305 = arith.constant 80 : index
      %get3A_2306 = tpu.vector_load %arg9[%get3A_2304, %get3A_2305] {strides = array<i32>} : memref<24x128xi32, #tpu.memory_space<vmem>>, vector<16xi32>,
      %shift_right_logical3A_2307 = arith.constant 11 : i32
      %shift_right_logical3A_2308 = vector.broadcast %shift_right_logical3A_2307 : i32 to vector<16xi32>
      %shift_right_logical3A_2309 = arith.shrui %get3A_2306, %shift_right_logical3A_2308 : vector<16xi32>
      %and3A_2310 = arith.constant 2047 : i32
      %and3A_2311 = vector.broadcast %and3A_2310 : i32 to vector<16xi32>
      %and3A_2312 = arith.andi %get3A_2306, %and3A_2311 : vector<16xi32>
      %gather3A_2313 = tpu.vector_load_idx %arg8[%shift_right_logical3A_2309, %and3A_2312] : memref<49x2048xi32, #tpu.memory_space<vmem>>[vector<16xi32>, vector<16xi32>], vector<16xi32>,
      %swap3A_2314 = arith.constant 18 : i32
      %swap3A_2315 = arith.index_cast %swap3A_2314 : i32 to index
      %swap3A_2316 = arith.constant 80 : index
      %swap3A_2317 = tpu.vector_load %arg9[%swap3A_2315, %swap3A_2316] {strides = array<i32>} : memref<24x128xi32, #tpu.memory_space<vmem>>, vector<16xi32>,
      tpu.vector_store %arg9[%swap3A_2315, %swap3A_2316], %gather3A_2313 {strides = array<i32>} : memref<24x128xi32, #tpu.memory_space<vmem>>, vector<16xi32>,
      %get3A_2318 = arith.constant 18 : i32
      %get3A_2319 = arith.index_cast %get3A_2318 : i32 to index
      %get3A_2320 = arith.constant 96 : index
      %get3A_2321 = tpu.vector_load %arg9[%get3A_2319, %get3A_2320] {strides = array<i32>} : memref<24x128xi32, #tpu.memory_space<vmem>>, vector<16xi32>,
      %shift_right_logical3A_2322 = arith.constant 11 : i32
      %shift_right_logical3A_2323 = vector.broadcast %shift_right_logical3A_2322 : i32 to vector<16xi32>
      %shift_right_logical3A_2324 = arith.shrui %get3A_2321, %shift_right_logical3A_2323 : vector<16xi32>
      %and3A_2325 = arith.constant 2047 : i32
      %and3A_2326 = vector.broadcast %and3A_2325 : i32 to vector<16xi32>
      %and3A_2327 = arith.andi %get3A_2321, %and3A_2326 : vector<16xi32>
      %gather3A_2328 = tpu.vector_load_idx %arg8[%shift_right_logical3A_2324, %and3A_2327] : memref<49x2048xi32, #tpu.memory_space<vmem>>[vector<16xi32>, vector<16xi32>], vector<16xi32>,
      %swap3A_2329 = arith.constant 18 : i32
      %swap3A_2330 = arith.index_cast %swap3A_2329 : i32 to index
      %swap3A_2331 = arith.constant 96 : index
      %swap3A_2332 = tpu.vector_load %arg9[%swap3A_2330, %swap3A_2331] {strides = array<i32>} : memref<24x128xi32, #tpu.memory_space<vmem>>, vector<16xi32>,
      tpu.vector_store %arg9[%swap3A_2330, %swap3A_2331], %gather3A_2328 {strides = array<i32>} : memref<24x128xi32, #tpu.memory_space<vmem>>, vector<16xi32>,
      %get3A_2333 = arith.constant 18 : i32
      %get3A_2334 = arith.index_cast %get3A_2333 : i32 to index
      %get3A_2335 = arith.constant 112 : index
      %get3A_2336 = tpu.vector_load %arg9[%get3A_2334, %get3A_2335] {strides = array<i32>} : memref<24x128xi32, #tpu.memory_space<vmem>>, vector<16xi32>,
      %shift_right_logical3A_2337 = arith.constant 11 : i32
      %shift_right_logical3A_2338 = vector.broadcast %shift_right_logical3A_2337 : i32 to vector<16xi32>
      %shift_right_logical3A_2339 = arith.shrui %get3A_2336, %shift_right_logical3A_2338 : vector<16xi32>
      %and3A_2340 = arith.constant 2047 : i32
      %and3A_2341 = vector.broadcast %and3A_2340 : i32 to vector<16xi32>
      %and3A_2342 = arith.andi %get3A_2336, %and3A_2341 : vector<16xi32>
      %gather3A_2343 = tpu.vector_load_idx %arg8[%shift_right_logical3A_2339, %and3A_2342] : memref<49x2048xi32, #tpu.memory_space<vmem>>[vector<16xi32>, vector<16xi32>], vector<16xi32>,
      %swap3A_2344 = arith.constant 18 : i32
      %swap3A_2345 = arith.index_cast %swap3A_2344 : i32 to index
      %swap3A_2346 = arith.constant 112 : index
      %swap3A_2347 = tpu.vector_load %arg9[%swap3A_2345, %swap3A_2346] {strides = array<i32>} : memref<24x128xi32, #tpu.memory_space<vmem>>, vector<16xi32>,
      tpu.vector_store %arg9[%swap3A_2345, %swap3A_2346], %gather3A_2343 {strides = array<i32>} : memref<24x128xi32, #tpu.memory_space<vmem>>, vector<16xi32>,
      %get3A_2348 = arith.constant 19 : i32
      %get3A_2349 = arith.index_cast %get3A_2348 : i32 to index
      %get3A_2350 = arith.constant 0 : index
      %get3A_2351 = tpu.vector_load %arg9[%get3A_2349, %get3A_2350] {strides = array<i32>} : memref<24x128xi32, #tpu.memory_space<vmem>>, vector<16xi32>,
      %shift_right_logical3A_2352 = arith.constant 11 : i32
      %shift_right_logical3A_2353 = vector.broadcast %shift_right_logical3A_2352 : i32 to vector<16xi32>
      %shift_right_logical3A_2354 = arith.shrui %get3A_2351, %shift_right_logical3A_2353 : vector<16xi32>
      %and3A_2355 = arith.constant 2047 : i32
      %and3A_2356 = vector.broadcast %and3A_2355 : i32 to vector<16xi32>
      %and3A_2357 = arith.andi %get3A_2351, %and3A_2356 : vector<16xi32>
      %gather3A_2358 = tpu.vector_load_idx %arg8[%shift_right_logical3A_2354, %and3A_2357] : memref<49x2048xi32, #tpu.memory_space<vmem>>[vector<16xi32>, vector<16xi32>], vector<16xi32>,
      %swap3A_2359 = arith.constant 19 : i32
      %swap3A_2360 = arith.index_cast %swap3A_2359 : i32 to index
      %swap3A_2361 = arith.constant 0 : index
      %swap3A_2362 = tpu.vector_load %arg9[%swap3A_2360, %swap3A_2361] {strides = array<i32>} : memref<24x128xi32, #tpu.memory_space<vmem>>, vector<16xi32>,
      tpu.vector_store %arg9[%swap3A_2360, %swap3A_2361], %gather3A_2358 {strides = array<i32>} : memref<24x128xi32, #tpu.memory_space<vmem>>, vector<16xi32>,
      %get3A_2363 = arith.constant 19 : i32
      %get3A_2364 = arith.index_cast %get3A_2363 : i32 to index
      %get3A_2365 = arith.constant 16 : index
      %get3A_2366 = tpu.vector_load %arg9[%get3A_2364, %get3A_2365] {strides = array<i32>} : memref<24x128xi32, #tpu.memory_space<vmem>>, vector<16xi32>,
      %shift_right_logical3A_2367 = arith.constant 11 : i32
      %shift_right_logical3A_2368 = vector.broadcast %shift_right_logical3A_2367 : i32 to vector<16xi32>
      %shift_right_logical3A_2369 = arith.shrui %get3A_2366, %shift_right_logical3A_2368 : vector<16xi32>
      %and3A_2370 = arith.constant 2047 : i32
      %and3A_2371 = vector.broadcast %and3A_2370 : i32 to vector<16xi32>
      %and3A_2372 = arith.andi %get3A_2366, %and3A_2371 : vector<16xi32>
      %gather3A_2373 = tpu.vector_load_idx %arg8[%shift_right_logical3A_2369, %and3A_2372] : memref<49x2048xi32, #tpu.memory_space<vmem>>[vector<16xi32>, vector<16xi32>], vector<16xi32>,
      %swap3A_2374 = arith.constant 19 : i32
      %swap3A_2375 = arith.index_cast %swap3A_2374 : i32 to index
      %swap3A_2376 = arith.constant 16 : index
      %swap3A_2377 = tpu.vector_load %arg9[%swap3A_2375, %swap3A_2376] {strides = array<i32>} : memref<24x128xi32, #tpu.memory_space<vmem>>, vector<16xi32>,
      tpu.vector_store %arg9[%swap3A_2375, %swap3A_2376], %gather3A_2373 {strides = array<i32>} : memref<24x128xi32, #tpu.memory_space<vmem>>, vector<16xi32>,
      %get3A_2378 = arith.constant 19 : i32
      %get3A_2379 = arith.index_cast %get3A_2378 : i32 to index
      %get3A_2380 = arith.constant 32 : index
      %get3A_2381 = tpu.vector_load %arg9[%get3A_2379, %get3A_2380] {strides = array<i32>} : memref<24x128xi32, #tpu.memory_space<vmem>>, vector<16xi32>,
      %shift_right_logical3A_2382 = arith.constant 11 : i32
      %shift_right_logical3A_2383 = vector.broadcast %shift_right_logical3A_2382 : i32 to vector<16xi32>
      %shift_right_logical3A_2384 = arith.shrui %get3A_2381, %shift_right_logical3A_2383 : vector<16xi32>
      %and3A_2385 = arith.constant 2047 : i32
      %and3A_2386 = vector.broadcast %and3A_2385 : i32 to vector<16xi32>
      %and3A_2387 = arith.andi %get3A_2381, %and3A_2386 : vector<16xi32>
      %gather3A_2388 = tpu.vector_load_idx %arg8[%shift_right_logical3A_2384, %and3A_2387] : memref<49x2048xi32, #tpu.memory_space<vmem>>[vector<16xi32>, vector<16xi32>], vector<16xi32>,
      %swap3A_2389 = arith.constant 19 : i32
      %swap3A_2390 = arith.index_cast %swap3A_2389 : i32 to index
      %swap3A_2391 = arith.constant 32 : index
      %swap3A_2392 = tpu.vector_load %arg9[%swap3A_2390, %swap3A_2391] {strides = array<i32>} : memref<24x128xi32, #tpu.memory_space<vmem>>, vector<16xi32>,
      tpu.vector_store %arg9[%swap3A_2390, %swap3A_2391], %gather3A_2388 {strides = array<i32>} : memref<24x128xi32, #tpu.memory_space<vmem>>, vector<16xi32>,
      %get3A_2393 = arith.constant 19 : i32
      %get3A_2394 = arith.index_cast %get3A_2393 : i32 to index
      %get3A_2395 = arith.constant 48 : index
      %get3A_2396 = tpu.vector_load %arg9[%get3A_2394, %get3A_2395] {strides = array<i32>} : memref<24x128xi32, #tpu.memory_space<vmem>>, vector<16xi32>,
      %shift_right_logical3A_2397 = arith.constant 11 : i32
      %shift_right_logical3A_2398 = vector.broadcast %shift_right_logical3A_2397 : i32 to vector<16xi32>
      %shift_right_logical3A_2399 = arith.shrui %get3A_2396, %shift_right_logical3A_2398 : vector<16xi32>
      %and3A_2400 = arith.constant 2047 : i32
      %and3A_2401 = vector.broadcast %and3A_2400 : i32 to vector<16xi32>
      %and3A_2402 = arith.andi %get3A_2396, %and3A_2401 : vector<16xi32>
      %gather3A_2403 = tpu.vector_load_idx %arg8[%shift_right_logical3A_2399, %and3A_2402] : memref<49x2048xi32, #tpu.memory_space<vmem>>[vector<16xi32>, vector<16xi32>], vector<16xi32>,
      %swap3A_2404 = arith.constant 19 : i32
      %swap3A_2405 = arith.index_cast %swap3A_2404 : i32 to index
      %swap3A_2406 = arith.constant 48 : index
      %swap3A_2407 = tpu.vector_load %arg9[%swap3A_2405, %swap3A_2406] {strides = array<i32>} : memref<24x128xi32, #tpu.memory_space<vmem>>, vector<16xi32>,
      tpu.vector_store %arg9[%swap3A_2405, %swap3A_2406], %gather3A_2403 {strides = array<i32>} : memref<24x128xi32, #tpu.memory_space<vmem>>, vector<16xi32>,
      %get3A_2408 = arith.constant 19 : i32
      %get3A_2409 = arith.index_cast %get3A_2408 : i32 to index
      %get3A_2410 = arith.constant 64 : index
      %get3A_2411 = tpu.vector_load %arg9[%get3A_2409, %get3A_2410] {strides = array<i32>} : memref<24x128xi32, #tpu.memory_space<vmem>>, vector<16xi32>,
      %shift_right_logical3A_2412 = arith.constant 11 : i32
      %shift_right_logical3A_2413 = vector.broadcast %shift_right_logical3A_2412 : i32 to vector<16xi32>
      %shift_right_logical3A_2414 = arith.shrui %get3A_2411, %shift_right_logical3A_2413 : vector<16xi32>
      %and3A_2415 = arith.constant 2047 : i32
      %and3A_2416 = vector.broadcast %and3A_2415 : i32 to vector<16xi32>
      %and3A_2417 = arith.andi %get3A_2411, %and3A_2416 : vector<16xi32>
      %gather3A_2418 = tpu.vector_load_idx %arg8[%shift_right_logical3A_2414, %and3A_2417] : memref<49x2048xi32, #tpu.memory_space<vmem>>[vector<16xi32>, vector<16xi32>], vector<16xi32>,
      %swap3A_2419 = arith.constant 19 : i32
      %swap3A_2420 = arith.index_cast %swap3A_2419 : i32 to index
      %swap3A_2421 = arith.constant 64 : index
      %swap3A_2422 = tpu.vector_load %arg9[%swap3A_2420, %swap3A_2421] {strides = array<i32>} : memref<24x128xi32, #tpu.memory_space<vmem>>, vector<16xi32>,
      tpu.vector_store %arg9[%swap3A_2420, %swap3A_2421], %gather3A_2418 {strides = array<i32>} : memref<24x128xi32, #tpu.memory_space<vmem>>, vector<16xi32>,
      %get3A_2423 = arith.constant 19 : i32
      %get3A_2424 = arith.index_cast %get3A_2423 : i32 to index
      %get3A_2425 = arith.constant 80 : index
      %get3A_2426 = tpu.vector_load %arg9[%get3A_2424, %get3A_2425] {strides = array<i32>} : memref<24x128xi32, #tpu.memory_space<vmem>>, vector<16xi32>,
      %shift_right_logical3A_2427 = arith.constant 11 : i32
      %shift_right_logical3A_2428 = vector.broadcast %shift_right_logical3A_2427 : i32 to vector<16xi32>
      %shift_right_logical3A_2429 = arith.shrui %get3A_2426, %shift_right_logical3A_2428 : vector<16xi32>
      %and3A_2430 = arith.constant 2047 : i32
      %and3A_2431 = vector.broadcast %and3A_2430 : i32 to vector<16xi32>
      %and3A_2432 = arith.andi %get3A_2426, %and3A_2431 : vector<16xi32>
      %gather3A_2433 = tpu.vector_load_idx %arg8[%shift_right_logical3A_2429, %and3A_2432] : memref<49x2048xi32, #tpu.memory_space<vmem>>[vector<16xi32>, vector<16xi32>], vector<16xi32>,
      %swap3A_2434 = arith.constant 19 : i32
      %swap3A_2435 = arith.index_cast %swap3A_2434 : i32 to index
      %swap3A_2436 = arith.constant 80 : index
      %swap3A_2437 = tpu.vector_load %arg9[%swap3A_2435, %swap3A_2436] {strides = array<i32>} : memref<24x128xi32, #tpu.memory_space<vmem>>, vector<16xi32>,
      tpu.vector_store %arg9[%swap3A_2435, %swap3A_2436], %gather3A_2433 {strides = array<i32>} : memref<24x128xi32, #tpu.memory_space<vmem>>, vector<16xi32>,
      %get3A_2438 = arith.constant 19 : i32
      %get3A_2439 = arith.index_cast %get3A_2438 : i32 to index
      %get3A_2440 = arith.constant 96 : index
      %get3A_2441 = tpu.vector_load %arg9[%get3A_2439, %get3A_2440] {strides = array<i32>} : memref<24x128xi32, #tpu.memory_space<vmem>>, vector<16xi32>,
      %shift_right_logical3A_2442 = arith.constant 11 : i32
      %shift_right_logical3A_2443 = vector.broadcast %shift_right_logical3A_2442 : i32 to vector<16xi32>
      %shift_right_logical3A_2444 = arith.shrui %get3A_2441, %shift_right_logical3A_2443 : vector<16xi32>
      %and3A_2445 = arith.constant 2047 : i32
      %and3A_2446 = vector.broadcast %and3A_2445 : i32 to vector<16xi32>
      %and3A_2447 = arith.andi %get3A_2441, %and3A_2446 : vector<16xi32>
      %gather3A_2448 = tpu.vector_load_idx %arg8[%shift_right_logical3A_2444, %and3A_2447] : memref<49x2048xi32, #tpu.memory_space<vmem>>[vector<16xi32>, vector<16xi32>], vector<16xi32>,
      %swap3A_2449 = arith.constant 19 : i32
      %swap3A_2450 = arith.index_cast %swap3A_2449 : i32 to index
      %swap3A_2451 = arith.constant 96 : index
      %swap3A_2452 = tpu.vector_load %arg9[%swap3A_2450, %swap3A_2451] {strides = array<i32>} : memref<24x128xi32, #tpu.memory_space<vmem>>, vector<16xi32>,
      tpu.vector_store %arg9[%swap3A_2450, %swap3A_2451], %gather3A_2448 {strides = array<i32>} : memref<24x128xi32, #tpu.memory_space<vmem>>, vector<16xi32>,
      %get3A_2453 = arith.constant 19 : i32
      %get3A_2454 = arith.index_cast %get3A_2453 : i32 to index
      %get3A_2455 = arith.constant 112 : index
      %get3A_2456 = tpu.vector_load %arg9[%get3A_2454, %get3A_2455] {strides = array<i32>} : memref<24x128xi32, #tpu.memory_space<vmem>>, vector<16xi32>,
      %shift_right_logical3A_2457 = arith.constant 11 : i32
      %shift_right_logical3A_2458 = vector.broadcast %shift_right_logical3A_2457 : i32 to vector<16xi32>
      %shift_right_logical3A_2459 = arith.shrui %get3A_2456, %shift_right_logical3A_2458 : vector<16xi32>
      %and3A_2460 = arith.constant 2047 : i32
      %and3A_2461 = vector.broadcast %and3A_2460 : i32 to vector<16xi32>
      %and3A_2462 = arith.andi %get3A_2456, %and3A_2461 : vector<16xi32>
      %gather3A_2463 = tpu.vector_load_idx %arg8[%shift_right_logical3A_2459, %and3A_2462] : memref<49x2048xi32, #tpu.memory_space<vmem>>[vector<16xi32>, vector<16xi32>], vector<16xi32>,
      %swap3A_2464 = arith.constant 19 : i32
      %swap3A_2465 = arith.index_cast %swap3A_2464 : i32 to index
      %swap3A_2466 = arith.constant 112 : index
      %swap3A_2467 = tpu.vector_load %arg9[%swap3A_2465, %swap3A_2466] {strides = array<i32>} : memref<24x128xi32, #tpu.memory_space<vmem>>, vector<16xi32>,
      tpu.vector_store %arg9[%swap3A_2465, %swap3A_2466], %gather3A_2463 {strides = array<i32>} : memref<24x128xi32, #tpu.memory_space<vmem>>, vector<16xi32>,
      %get3A_2468 = arith.constant 20 : i32
      %get3A_2469 = arith.index_cast %get3A_2468 : i32 to index
      %get3A_2470 = arith.constant 0 : index
      %get3A_2471 = tpu.vector_load %arg9[%get3A_2469, %get3A_2470] {strides = array<i32>} : memref<24x128xi32, #tpu.memory_space<vmem>>, vector<16xi32>,
      %shift_right_logical3A_2472 = arith.constant 11 : i32
      %shift_right_logical3A_2473 = vector.broadcast %shift_right_logical3A_2472 : i32 to vector<16xi32>
      %shift_right_logical3A_2474 = arith.shrui %get3A_2471, %shift_right_logical3A_2473 : vector<16xi32>
      %and3A_2475 = arith.constant 2047 : i32
      %and3A_2476 = vector.broadcast %and3A_2475 : i32 to vector<16xi32>
      %and3A_2477 = arith.andi %get3A_2471, %and3A_2476 : vector<16xi32>
      %gather3A_2478 = tpu.vector_load_idx %arg8[%shift_right_logical3A_2474, %and3A_2477] : memref<49x2048xi32, #tpu.memory_space<vmem>>[vector<16xi32>, vector<16xi32>], vector<16xi32>,
      %swap3A_2479 = arith.constant 20 : i32
      %swap3A_2480 = arith.index_cast %swap3A_2479 : i32 to index
      %swap3A_2481 = arith.constant 0 : index
      %swap3A_2482 = tpu.vector_load %arg9[%swap3A_2480, %swap3A_2481] {strides = array<i32>} : memref<24x128xi32, #tpu.memory_space<vmem>>, vector<16xi32>,
      tpu.vector_store %arg9[%swap3A_2480, %swap3A_2481], %gather3A_2478 {strides = array<i32>} : memref<24x128xi32, #tpu.memory_space<vmem>>, vector<16xi32>,
      %get3A_2483 = arith.constant 20 : i32
      %get3A_2484 = arith.index_cast %get3A_2483 : i32 to index
      %get3A_2485 = arith.constant 16 : index
      %get3A_2486 = tpu.vector_load %arg9[%get3A_2484, %get3A_2485] {strides = array<i32>} : memref<24x128xi32, #tpu.memory_space<vmem>>, vector<16xi32>,
      %shift_right_logical3A_2487 = arith.constant 11 : i32
      %shift_right_logical3A_2488 = vector.broadcast %shift_right_logical3A_2487 : i32 to vector<16xi32>
      %shift_right_logical3A_2489 = arith.shrui %get3A_2486, %shift_right_logical3A_2488 : vector<16xi32>
      %and3A_2490 = arith.constant 2047 : i32
      %and3A_2491 = vector.broadcast %and3A_2490 : i32 to vector<16xi32>
      %and3A_2492 = arith.andi %get3A_2486, %and3A_2491 : vector<16xi32>
      %gather3A_2493 = tpu.vector_load_idx %arg8[%shift_right_logical3A_2489, %and3A_2492] : memref<49x2048xi32, #tpu.memory_space<vmem>>[vector<16xi32>, vector<16xi32>], vector<16xi32>,
      %swap3A_2494 = arith.constant 20 : i32
      %swap3A_2495 = arith.index_cast %swap3A_2494 : i32 to index
      %swap3A_2496 = arith.constant 16 : index
      %swap3A_2497 = tpu.vector_load %arg9[%swap3A_2495, %swap3A_2496] {strides = array<i32>} : memref<24x128xi32, #tpu.memory_space<vmem>>, vector<16xi32>,
      tpu.vector_store %arg9[%swap3A_2495, %swap3A_2496], %gather3A_2493 {strides = array<i32>} : memref<24x128xi32, #tpu.memory_space<vmem>>, vector<16xi32>,
      %get3A_2498 = arith.constant 20 : i32
      %get3A_2499 = arith.index_cast %get3A_2498 : i32 to index
      %get3A_2500 = arith.constant 32 : index
      %get3A_2501 = tpu.vector_load %arg9[%get3A_2499, %get3A_2500] {strides = array<i32>} : memref<24x128xi32, #tpu.memory_space<vmem>>, vector<16xi32>,
      %shift_right_logical3A_2502 = arith.constant 11 : i32
      %shift_right_logical3A_2503 = vector.broadcast %shift_right_logical3A_2502 : i32 to vector<16xi32>
      %shift_right_logical3A_2504 = arith.shrui %get3A_2501, %shift_right_logical3A_2503 : vector<16xi32>
      %and3A_2505 = arith.constant 2047 : i32
      %and3A_2506 = vector.broadcast %and3A_2505 : i32 to vector<16xi32>
      %and3A_2507 = arith.andi %get3A_2501, %and3A_2506 : vector<16xi32>
      %gather3A_2508 = tpu.vector_load_idx %arg8[%shift_right_logical3A_2504, %and3A_2507] : memref<49x2048xi32, #tpu.memory_space<vmem>>[vector<16xi32>, vector<16xi32>], vector<16xi32>,
      %swap3A_2509 = arith.constant 20 : i32
      %swap3A_2510 = arith.index_cast %swap3A_2509 : i32 to index
      %swap3A_2511 = arith.constant 32 : index
      %swap3A_2512 = tpu.vector_load %arg9[%swap3A_2510, %swap3A_2511] {strides = array<i32>} : memref<24x128xi32, #tpu.memory_space<vmem>>, vector<16xi32>,
      tpu.vector_store %arg9[%swap3A_2510, %swap3A_2511], %gather3A_2508 {strides = array<i32>} : memref<24x128xi32, #tpu.memory_space<vmem>>, vector<16xi32>,
      %get3A_2513 = arith.constant 20 : i32
      %get3A_2514 = arith.index_cast %get3A_2513 : i32 to index
      %get3A_2515 = arith.constant 48 : index
      %get3A_2516 = tpu.vector_load %arg9[%get3A_2514, %get3A_2515] {strides = array<i32>} : memref<24x128xi32, #tpu.memory_space<vmem>>, vector<16xi32>,
      %shift_right_logical3A_2517 = arith.constant 11 : i32
      %shift_right_logical3A_2518 = vector.broadcast %shift_right_logical3A_2517 : i32 to vector<16xi32>
      %shift_right_logical3A_2519 = arith.shrui %get3A_2516, %shift_right_logical3A_2518 : vector<16xi32>
      %and3A_2520 = arith.constant 2047 : i32
      %and3A_2521 = vector.broadcast %and3A_2520 : i32 to vector<16xi32>
      %and3A_2522 = arith.andi %get3A_2516, %and3A_2521 : vector<16xi32>
      %gather3A_2523 = tpu.vector_load_idx %arg8[%shift_right_logical3A_2519, %and3A_2522] : memref<49x2048xi32, #tpu.memory_space<vmem>>[vector<16xi32>, vector<16xi32>], vector<16xi32>,
      %swap3A_2524 = arith.constant 20 : i32
      %swap3A_2525 = arith.index_cast %swap3A_2524 : i32 to index
      %swap3A_2526 = arith.constant 48 : index
      %swap3A_2527 = tpu.vector_load %arg9[%swap3A_2525, %swap3A_2526] {strides = array<i32>} : memref<24x128xi32, #tpu.memory_space<vmem>>, vector<16xi32>,
      tpu.vector_store %arg9[%swap3A_2525, %swap3A_2526], %gather3A_2523 {strides = array<i32>} : memref<24x128xi32, #tpu.memory_space<vmem>>, vector<16xi32>,
      %get3A_2528 = arith.constant 20 : i32
      %get3A_2529 = arith.index_cast %get3A_2528 : i32 to index
      %get3A_2530 = arith.constant 64 : index
      %get3A_2531 = tpu.vector_load %arg9[%get3A_2529, %get3A_2530] {strides = array<i32>} : memref<24x128xi32, #tpu.memory_space<vmem>>, vector<16xi32>,
      %shift_right_logical3A_2532 = arith.constant 11 : i32
      %shift_right_logical3A_2533 = vector.broadcast %shift_right_logical3A_2532 : i32 to vector<16xi32>
      %shift_right_logical3A_2534 = arith.shrui %get3A_2531, %shift_right_logical3A_2533 : vector<16xi32>
      %and3A_2535 = arith.constant 2047 : i32
      %and3A_2536 = vector.broadcast %and3A_2535 : i32 to vector<16xi32>
      %and3A_2537 = arith.andi %get3A_2531, %and3A_2536 : vector<16xi32>
      %gather3A_2538 = tpu.vector_load_idx %arg8[%shift_right_logical3A_2534, %and3A_2537] : memref<49x2048xi32, #tpu.memory_space<vmem>>[vector<16xi32>, vector<16xi32>], vector<16xi32>,
      %swap3A_2539 = arith.constant 20 : i32
      %swap3A_2540 = arith.index_cast %swap3A_2539 : i32 to index
      %swap3A_2541 = arith.constant 64 : index
      %swap3A_2542 = tpu.vector_load %arg9[%swap3A_2540, %swap3A_2541] {strides = array<i32>} : memref<24x128xi32, #tpu.memory_space<vmem>>, vector<16xi32>,
      tpu.vector_store %arg9[%swap3A_2540, %swap3A_2541], %gather3A_2538 {strides = array<i32>} : memref<24x128xi32, #tpu.memory_space<vmem>>, vector<16xi32>,
      %get3A_2543 = arith.constant 20 : i32
      %get3A_2544 = arith.index_cast %get3A_2543 : i32 to index
      %get3A_2545 = arith.constant 80 : index
      %get3A_2546 = tpu.vector_load %arg9[%get3A_2544, %get3A_2545] {strides = array<i32>} : memref<24x128xi32, #tpu.memory_space<vmem>>, vector<16xi32>,
      %shift_right_logical3A_2547 = arith.constant 11 : i32
      %shift_right_logical3A_2548 = vector.broadcast %shift_right_logical3A_2547 : i32 to vector<16xi32>
      %shift_right_logical3A_2549 = arith.shrui %get3A_2546, %shift_right_logical3A_2548 : vector<16xi32>
      %and3A_2550 = arith.constant 2047 : i32
      %and3A_2551 = vector.broadcast %and3A_2550 : i32 to vector<16xi32>
      %and3A_2552 = arith.andi %get3A_2546, %and3A_2551 : vector<16xi32>
      %gather3A_2553 = tpu.vector_load_idx %arg8[%shift_right_logical3A_2549, %and3A_2552] : memref<49x2048xi32, #tpu.memory_space<vmem>>[vector<16xi32>, vector<16xi32>], vector<16xi32>,
      %swap3A_2554 = arith.constant 20 : i32
      %swap3A_2555 = arith.index_cast %swap3A_2554 : i32 to index
      %swap3A_2556 = arith.constant 80 : index
      %swap3A_2557 = tpu.vector_load %arg9[%swap3A_2555, %swap3A_2556] {strides = array<i32>} : memref<24x128xi32, #tpu.memory_space<vmem>>, vector<16xi32>,
      tpu.vector_store %arg9[%swap3A_2555, %swap3A_2556], %gather3A_2553 {strides = array<i32>} : memref<24x128xi32, #tpu.memory_space<vmem>>, vector<16xi32>,
      %get3A_2558 = arith.constant 20 : i32
      %get3A_2559 = arith.index_cast %get3A_2558 : i32 to index
      %get3A_2560 = arith.constant 96 : index
      %get3A_2561 = tpu.vector_load %arg9[%get3A_2559, %get3A_2560] {strides = array<i32>} : memref<24x128xi32, #tpu.memory_space<vmem>>, vector<16xi32>,
      %shift_right_logical3A_2562 = arith.constant 11 : i32
      %shift_right_logical3A_2563 = vector.broadcast %shift_right_logical3A_2562 : i32 to vector<16xi32>
      %shift_right_logical3A_2564 = arith.shrui %get3A_2561, %shift_right_logical3A_2563 : vector<16xi32>
      %and3A_2565 = arith.constant 2047 : i32
      %and3A_2566 = vector.broadcast %and3A_2565 : i32 to vector<16xi32>
      %and3A_2567 = arith.andi %get3A_2561, %and3A_2566 : vector<16xi32>
      %gather3A_2568 = tpu.vector_load_idx %arg8[%shift_right_logical3A_2564, %and3A_2567] : memref<49x2048xi32, #tpu.memory_space<vmem>>[vector<16xi32>, vector<16xi32>], vector<16xi32>,
      %swap3A_2569 = arith.constant 20 : i32
      %swap3A_2570 = arith.index_cast %swap3A_2569 : i32 to index
      %swap3A_2571 = arith.constant 96 : index
      %swap3A_2572 = tpu.vector_load %arg9[%swap3A_2570, %swap3A_2571] {strides = array<i32>} : memref<24x128xi32, #tpu.memory_space<vmem>>, vector<16xi32>,
      tpu.vector_store %arg9[%swap3A_2570, %swap3A_2571], %gather3A_2568 {strides = array<i32>} : memref<24x128xi32, #tpu.memory_space<vmem>>, vector<16xi32>,
      %get3A_2573 = arith.constant 20 : i32
      %get3A_2574 = arith.index_cast %get3A_2573 : i32 to index
      %get3A_2575 = arith.constant 112 : index
      %get3A_2576 = tpu.vector_load %arg9[%get3A_2574, %get3A_2575] {strides = array<i32>} : memref<24x128xi32, #tpu.memory_space<vmem>>, vector<16xi32>,
      %shift_right_logical3A_2577 = arith.constant 11 : i32
      %shift_right_logical3A_2578 = vector.broadcast %shift_right_logical3A_2577 : i32 to vector<16xi32>
      %shift_right_logical3A_2579 = arith.shrui %get3A_2576, %shift_right_logical3A_2578 : vector<16xi32>
      %and3A_2580 = arith.constant 2047 : i32
      %and3A_2581 = vector.broadcast %and3A_2580 : i32 to vector<16xi32>
      %and3A_2582 = arith.andi %get3A_2576, %and3A_2581 : vector<16xi32>
      %gather3A_2583 = tpu.vector_load_idx %arg8[%shift_right_logical3A_2579, %and3A_2582] : memref<49x2048xi32, #tpu.memory_space<vmem>>[vector<16xi32>, vector<16xi32>], vector<16xi32>,
      %swap3A_2584 = arith.constant 20 : i32
      %swap3A_2585 = arith.index_cast %swap3A_2584 : i32 to index
      %swap3A_2586 = arith.constant 112 : index
      %swap3A_2587 = tpu.vector_load %arg9[%swap3A_2585, %swap3A_2586] {strides = array<i32>} : memref<24x128xi32, #tpu.memory_space<vmem>>, vector<16xi32>,
      tpu.vector_store %arg9[%swap3A_2585, %swap3A_2586], %gather3A_2583 {strides = array<i32>} : memref<24x128xi32, #tpu.memory_space<vmem>>, vector<16xi32>,
      %get3A_2588 = arith.constant 21 : i32
      %get3A_2589 = arith.index_cast %get3A_2588 : i32 to index
      %get3A_2590 = arith.constant 0 : index
      %get3A_2591 = tpu.vector_load %arg9[%get3A_2589, %get3A_2590] {strides = array<i32>} : memref<24x128xi32, #tpu.memory_space<vmem>>, vector<16xi32>,
      %shift_right_logical3A_2592 = arith.constant 11 : i32
      %shift_right_logical3A_2593 = vector.broadcast %shift_right_logical3A_2592 : i32 to vector<16xi32>
      %shift_right_logical3A_2594 = arith.shrui %get3A_2591, %shift_right_logical3A_2593 : vector<16xi32>
      %and3A_2595 = arith.constant 2047 : i32
      %and3A_2596 = vector.broadcast %and3A_2595 : i32 to vector<16xi32>
      %and3A_2597 = arith.andi %get3A_2591, %and3A_2596 : vector<16xi32>
      %gather3A_2598 = tpu.vector_load_idx %arg8[%shift_right_logical3A_2594, %and3A_2597] : memref<49x2048xi32, #tpu.memory_space<vmem>>[vector<16xi32>, vector<16xi32>], vector<16xi32>,
      %swap3A_2599 = arith.constant 21 : i32
      %swap3A_2600 = arith.index_cast %swap3A_2599 : i32 to index
      %swap3A_2601 = arith.constant 0 : index
      %swap3A_2602 = tpu.vector_load %arg9[%swap3A_2600, %swap3A_2601] {strides = array<i32>} : memref<24x128xi32, #tpu.memory_space<vmem>>, vector<16xi32>,
      tpu.vector_store %arg9[%swap3A_2600, %swap3A_2601], %gather3A_2598 {strides = array<i32>} : memref<24x128xi32, #tpu.memory_space<vmem>>, vector<16xi32>,
      %get3A_2603 = arith.constant 21 : i32
      %get3A_2604 = arith.index_cast %get3A_2603 : i32 to index
      %get3A_2605 = arith.constant 16 : index
      %get3A_2606 = tpu.vector_load %arg9[%get3A_2604, %get3A_2605] {strides = array<i32>} : memref<24x128xi32, #tpu.memory_space<vmem>>, vector<16xi32>,
      %shift_right_logical3A_2607 = arith.constant 11 : i32
      %shift_right_logical3A_2608 = vector.broadcast %shift_right_logical3A_2607 : i32 to vector<16xi32>
      %shift_right_logical3A_2609 = arith.shrui %get3A_2606, %shift_right_logical3A_2608 : vector<16xi32>
      %and3A_2610 = arith.constant 2047 : i32
      %and3A_2611 = vector.broadcast %and3A_2610 : i32 to vector<16xi32>
      %and3A_2612 = arith.andi %get3A_2606, %and3A_2611 : vector<16xi32>
      %gather3A_2613 = tpu.vector_load_idx %arg8[%shift_right_logical3A_2609, %and3A_2612] : memref<49x2048xi32, #tpu.memory_space<vmem>>[vector<16xi32>, vector<16xi32>], vector<16xi32>,
      %swap3A_2614 = arith.constant 21 : i32
      %swap3A_2615 = arith.index_cast %swap3A_2614 : i32 to index
      %swap3A_2616 = arith.constant 16 : index
      %swap3A_2617 = tpu.vector_load %arg9[%swap3A_2615, %swap3A_2616] {strides = array<i32>} : memref<24x128xi32, #tpu.memory_space<vmem>>, vector<16xi32>,
      tpu.vector_store %arg9[%swap3A_2615, %swap3A_2616], %gather3A_2613 {strides = array<i32>} : memref<24x128xi32, #tpu.memory_space<vmem>>, vector<16xi32>,
      %get3A_2618 = arith.constant 21 : i32
      %get3A_2619 = arith.index_cast %get3A_2618 : i32 to index
      %get3A_2620 = arith.constant 32 : index
      %get3A_2621 = tpu.vector_load %arg9[%get3A_2619, %get3A_2620] {strides = array<i32>} : memref<24x128xi32, #tpu.memory_space<vmem>>, vector<16xi32>,
      %shift_right_logical3A_2622 = arith.constant 11 : i32
      %shift_right_logical3A_2623 = vector.broadcast %shift_right_logical3A_2622 : i32 to vector<16xi32>
      %shift_right_logical3A_2624 = arith.shrui %get3A_2621, %shift_right_logical3A_2623 : vector<16xi32>
      %and3A_2625 = arith.constant 2047 : i32
      %and3A_2626 = vector.broadcast %and3A_2625 : i32 to vector<16xi32>
      %and3A_2627 = arith.andi %get3A_2621, %and3A_2626 : vector<16xi32>
      %gather3A_2628 = tpu.vector_load_idx %arg8[%shift_right_logical3A_2624, %and3A_2627] : memref<49x2048xi32, #tpu.memory_space<vmem>>[vector<16xi32>, vector<16xi32>], vector<16xi32>,
      %swap3A_2629 = arith.constant 21 : i32
      %swap3A_2630 = arith.index_cast %swap3A_2629 : i32 to index
      %swap3A_2631 = arith.constant 32 : index
      %swap3A_2632 = tpu.vector_load %arg9[%swap3A_2630, %swap3A_2631] {strides = array<i32>} : memref<24x128xi32, #tpu.memory_space<vmem>>, vector<16xi32>,
      tpu.vector_store %arg9[%swap3A_2630, %swap3A_2631], %gather3A_2628 {strides = array<i32>} : memref<24x128xi32, #tpu.memory_space<vmem>>, vector<16xi32>,
      %get3A_2633 = arith.constant 21 : i32
      %get3A_2634 = arith.index_cast %get3A_2633 : i32 to index
      %get3A_2635 = arith.constant 48 : index
      %get3A_2636 = tpu.vector_load %arg9[%get3A_2634, %get3A_2635] {strides = array<i32>} : memref<24x128xi32, #tpu.memory_space<vmem>>, vector<16xi32>,
      %shift_right_logical3A_2637 = arith.constant 11 : i32
      %shift_right_logical3A_2638 = vector.broadcast %shift_right_logical3A_2637 : i32 to vector<16xi32>
      %shift_right_logical3A_2639 = arith.shrui %get3A_2636, %shift_right_logical3A_2638 : vector<16xi32>
      %and3A_2640 = arith.constant 2047 : i32
      %and3A_2641 = vector.broadcast %and3A_2640 : i32 to vector<16xi32>
      %and3A_2642 = arith.andi %get3A_2636, %and3A_2641 : vector<16xi32>
      %gather3A_2643 = tpu.vector_load_idx %arg8[%shift_right_logical3A_2639, %and3A_2642] : memref<49x2048xi32, #tpu.memory_space<vmem>>[vector<16xi32>, vector<16xi32>], vector<16xi32>,
      %swap3A_2644 = arith.constant 21 : i32
      %swap3A_2645 = arith.index_cast %swap3A_2644 : i32 to index
      %swap3A_2646 = arith.constant 48 : index
      %swap3A_2647 = tpu.vector_load %arg9[%swap3A_2645, %swap3A_2646] {strides = array<i32>} : memref<24x128xi32, #tpu.memory_space<vmem>>, vector<16xi32>,
      tpu.vector_store %arg9[%swap3A_2645, %swap3A_2646], %gather3A_2643 {strides = array<i32>} : memref<24x128xi32, #tpu.memory_space<vmem>>, vector<16xi32>,
      %get3A_2648 = arith.constant 21 : i32
      %get3A_2649 = arith.index_cast %get3A_2648 : i32 to index
      %get3A_2650 = arith.constant 64 : index
      %get3A_2651 = tpu.vector_load %arg9[%get3A_2649, %get3A_2650] {strides = array<i32>} : memref<24x128xi32, #tpu.memory_space<vmem>>, vector<16xi32>,
      %shift_right_logical3A_2652 = arith.constant 11 : i32
      %shift_right_logical3A_2653 = vector.broadcast %shift_right_logical3A_2652 : i32 to vector<16xi32>
      %shift_right_logical3A_2654 = arith.shrui %get3A_2651, %shift_right_logical3A_2653 : vector<16xi32>
      %and3A_2655 = arith.constant 2047 : i32
      %and3A_2656 = vector.broadcast %and3A_2655 : i32 to vector<16xi32>
      %and3A_2657 = arith.andi %get3A_2651, %and3A_2656 : vector<16xi32>
      %gather3A_2658 = tpu.vector_load_idx %arg8[%shift_right_logical3A_2654, %and3A_2657] : memref<49x2048xi32, #tpu.memory_space<vmem>>[vector<16xi32>, vector<16xi32>], vector<16xi32>,
      %swap3A_2659 = arith.constant 21 : i32
      %swap3A_2660 = arith.index_cast %swap3A_2659 : i32 to index
      %swap3A_2661 = arith.constant 64 : index
      %swap3A_2662 = tpu.vector_load %arg9[%swap3A_2660, %swap3A_2661] {strides = array<i32>} : memref<24x128xi32, #tpu.memory_space<vmem>>, vector<16xi32>,
      tpu.vector_store %arg9[%swap3A_2660, %swap3A_2661], %gather3A_2658 {strides = array<i32>} : memref<24x128xi32, #tpu.memory_space<vmem>>, vector<16xi32>,
      %get3A_2663 = arith.constant 21 : i32
      %get3A_2664 = arith.index_cast %get3A_2663 : i32 to index
      %get3A_2665 = arith.constant 80 : index
      %get3A_2666 = tpu.vector_load %arg9[%get3A_2664, %get3A_2665] {strides = array<i32>} : memref<24x128xi32, #tpu.memory_space<vmem>>, vector<16xi32>,
      %shift_right_logical3A_2667 = arith.constant 11 : i32
      %shift_right_logical3A_2668 = vector.broadcast %shift_right_logical3A_2667 : i32 to vector<16xi32>
      %shift_right_logical3A_2669 = arith.shrui %get3A_2666, %shift_right_logical3A_2668 : vector<16xi32>
      %and3A_2670 = arith.constant 2047 : i32
      %and3A_2671 = vector.broadcast %and3A_2670 : i32 to vector<16xi32>
      %and3A_2672 = arith.andi %get3A_2666, %and3A_2671 : vector<16xi32>
      %gather3A_2673 = tpu.vector_load_idx %arg8[%shift_right_logical3A_2669, %and3A_2672] : memref<49x2048xi32, #tpu.memory_space<vmem>>[vector<16xi32>, vector<16xi32>], vector<16xi32>,
      %swap3A_2674 = arith.constant 21 : i32
      %swap3A_2675 = arith.index_cast %swap3A_2674 : i32 to index
      %swap3A_2676 = arith.constant 80 : index
      %swap3A_2677 = tpu.vector_load %arg9[%swap3A_2675, %swap3A_2676] {strides = array<i32>} : memref<24x128xi32, #tpu.memory_space<vmem>>, vector<16xi32>,
      tpu.vector_store %arg9[%swap3A_2675, %swap3A_2676], %gather3A_2673 {strides = array<i32>} : memref<24x128xi32, #tpu.memory_space<vmem>>, vector<16xi32>,
      %get3A_2678 = arith.constant 21 : i32
      %get3A_2679 = arith.index_cast %get3A_2678 : i32 to index
      %get3A_2680 = arith.constant 96 : index
      %get3A_2681 = tpu.vector_load %arg9[%get3A_2679, %get3A_2680] {strides = array<i32>} : memref<24x128xi32, #tpu.memory_space<vmem>>, vector<16xi32>,
      %shift_right_logical3A_2682 = arith.constant 11 : i32
      %shift_right_logical3A_2683 = vector.broadcast %shift_right_logical3A_2682 : i32 to vector<16xi32>
      %shift_right_logical3A_2684 = arith.shrui %get3A_2681, %shift_right_logical3A_2683 : vector<16xi32>
      %and3A_2685 = arith.constant 2047 : i32
      %and3A_2686 = vector.broadcast %and3A_2685 : i32 to vector<16xi32>
      %and3A_2687 = arith.andi %get3A_2681, %and3A_2686 : vector<16xi32>
      %gather3A_2688 = tpu.vector_load_idx %arg8[%shift_right_logical3A_2684, %and3A_2687] : memref<49x2048xi32, #tpu.memory_space<vmem>>[vector<16xi32>, vector<16xi32>], vector<16xi32>,
      %swap3A_2689 = arith.constant 21 : i32
      %swap3A_2690 = arith.index_cast %swap3A_2689 : i32 to index
      %swap3A_2691 = arith.constant 96 : index
      %swap3A_2692 = tpu.vector_load %arg9[%swap3A_2690, %swap3A_2691] {strides = array<i32>} : memref<24x128xi32, #tpu.memory_space<vmem>>, vector<16xi32>,
      tpu.vector_store %arg9[%swap3A_2690, %swap3A_2691], %gather3A_2688 {strides = array<i32>} : memref<24x128xi32, #tpu.memory_space<vmem>>, vector<16xi32>,
      %get3A_2693 = arith.constant 21 : i32
      %get3A_2694 = arith.index_cast %get3A_2693 : i32 to index
      %get3A_2695 = arith.constant 112 : index
      %get3A_2696 = tpu.vector_load %arg9[%get3A_2694, %get3A_2695] {strides = array<i32>} : memref<24x128xi32, #tpu.memory_space<vmem>>, vector<16xi32>,
      %shift_right_logical3A_2697 = arith.constant 11 : i32
      %shift_right_logical3A_2698 = vector.broadcast %shift_right_logical3A_2697 : i32 to vector<16xi32>
      %shift_right_logical3A_2699 = arith.shrui %get3A_2696, %shift_right_logical3A_2698 : vector<16xi32>
      %and3A_2700 = arith.constant 2047 : i32
      %and3A_2701 = vector.broadcast %and3A_2700 : i32 to vector<16xi32>
      %and3A_2702 = arith.andi %get3A_2696, %and3A_2701 : vector<16xi32>
      %gather3A_2703 = tpu.vector_load_idx %arg8[%shift_right_logical3A_2699, %and3A_2702] : memref<49x2048xi32, #tpu.memory_space<vmem>>[vector<16xi32>, vector<16xi32>], vector<16xi32>,
      %swap3A_2704 = arith.constant 21 : i32
      %swap3A_2705 = arith.index_cast %swap3A_2704 : i32 to index
      %swap3A_2706 = arith.constant 112 : index
      %swap3A_2707 = tpu.vector_load %arg9[%swap3A_2705, %swap3A_2706] {strides = array<i32>} : memref<24x128xi32, #tpu.memory_space<vmem>>, vector<16xi32>,
      tpu.vector_store %arg9[%swap3A_2705, %swap3A_2706], %gather3A_2703 {strides = array<i32>} : memref<24x128xi32, #tpu.memory_space<vmem>>, vector<16xi32>,
      %get3A_2708 = arith.constant 22 : i32
      %get3A_2709 = arith.index_cast %get3A_2708 : i32 to index
      %get3A_2710 = arith.constant 0 : index
      %get3A_2711 = tpu.vector_load %arg9[%get3A_2709, %get3A_2710] {strides = array<i32>} : memref<24x128xi32, #tpu.memory_space<vmem>>, vector<16xi32>,
      %shift_right_logical3A_2712 = arith.constant 11 : i32
      %shift_right_logical3A_2713 = vector.broadcast %shift_right_logical3A_2712 : i32 to vector<16xi32>
      %shift_right_logical3A_2714 = arith.shrui %get3A_2711, %shift_right_logical3A_2713 : vector<16xi32>
      %and3A_2715 = arith.constant 2047 : i32
      %and3A_2716 = vector.broadcast %and3A_2715 : i32 to vector<16xi32>
      %and3A_2717 = arith.andi %get3A_2711, %and3A_2716 : vector<16xi32>
      %gather3A_2718 = tpu.vector_load_idx %arg8[%shift_right_logical3A_2714, %and3A_2717] : memref<49x2048xi32, #tpu.memory_space<vmem>>[vector<16xi32>, vector<16xi32>], vector<16xi32>,
      %swap3A_2719 = arith.constant 22 : i32
      %swap3A_2720 = arith.index_cast %swap3A_2719 : i32 to index
      %swap3A_2721 = arith.constant 0 : index
      %swap3A_2722 = tpu.vector_load %arg9[%swap3A_2720, %swap3A_2721] {strides = array<i32>} : memref<24x128xi32, #tpu.memory_space<vmem>>, vector<16xi32>,
      tpu.vector_store %arg9[%swap3A_2720, %swap3A_2721], %gather3A_2718 {strides = array<i32>} : memref<24x128xi32, #tpu.memory_space<vmem>>, vector<16xi32>,
      %get3A_2723 = arith.constant 22 : i32
      %get3A_2724 = arith.index_cast %get3A_2723 : i32 to index
      %get3A_2725 = arith.constant 16 : index
      %get3A_2726 = tpu.vector_load %arg9[%get3A_2724, %get3A_2725] {strides = array<i32>} : memref<24x128xi32, #tpu.memory_space<vmem>>, vector<16xi32>,
      %shift_right_logical3A_2727 = arith.constant 11 : i32
      %shift_right_logical3A_2728 = vector.broadcast %shift_right_logical3A_2727 : i32 to vector<16xi32>
      %shift_right_logical3A_2729 = arith.shrui %get3A_2726, %shift_right_logical3A_2728 : vector<16xi32>
      %and3A_2730 = arith.constant 2047 : i32
      %and3A_2731 = vector.broadcast %and3A_2730 : i32 to vector<16xi32>
      %and3A_2732 = arith.andi %get3A_2726, %and3A_2731 : vector<16xi32>
      %gather3A_2733 = tpu.vector_load_idx %arg8[%shift_right_logical3A_2729, %and3A_2732] : memref<49x2048xi32, #tpu.memory_space<vmem>>[vector<16xi32>, vector<16xi32>], vector<16xi32>,
      %swap3A_2734 = arith.constant 22 : i32
      %swap3A_2735 = arith.index_cast %swap3A_2734 : i32 to index
      %swap3A_2736 = arith.constant 16 : index
      %swap3A_2737 = tpu.vector_load %arg9[%swap3A_2735, %swap3A_2736] {strides = array<i32>} : memref<24x128xi32, #tpu.memory_space<vmem>>, vector<16xi32>,
      tpu.vector_store %arg9[%swap3A_2735, %swap3A_2736], %gather3A_2733 {strides = array<i32>} : memref<24x128xi32, #tpu.memory_space<vmem>>, vector<16xi32>,
      %get3A_2738 = arith.constant 22 : i32
      %get3A_2739 = arith.index_cast %get3A_2738 : i32 to index
      %get3A_2740 = arith.constant 32 : index
      %get3A_2741 = tpu.vector_load %arg9[%get3A_2739, %get3A_2740] {strides = array<i32>} : memref<24x128xi32, #tpu.memory_space<vmem>>, vector<16xi32>,
      %shift_right_logical3A_2742 = arith.constant 11 : i32
      %shift_right_logical3A_2743 = vector.broadcast %shift_right_logical3A_2742 : i32 to vector<16xi32>
      %shift_right_logical3A_2744 = arith.shrui %get3A_2741, %shift_right_logical3A_2743 : vector<16xi32>
      %and3A_2745 = arith.constant 2047 : i32
      %and3A_2746 = vector.broadcast %and3A_2745 : i32 to vector<16xi32>
      %and3A_2747 = arith.andi %get3A_2741, %and3A_2746 : vector<16xi32>
      %gather3A_2748 = tpu.vector_load_idx %arg8[%shift_right_logical3A_2744, %and3A_2747] : memref<49x2048xi32, #tpu.memory_space<vmem>>[vector<16xi32>, vector<16xi32>], vector<16xi32>,
      %swap3A_2749 = arith.constant 22 : i32
      %swap3A_2750 = arith.index_cast %swap3A_2749 : i32 to index
      %swap3A_2751 = arith.constant 32 : index
      %swap3A_2752 = tpu.vector_load %arg9[%swap3A_2750, %swap3A_2751] {strides = array<i32>} : memref<24x128xi32, #tpu.memory_space<vmem>>, vector<16xi32>,
      tpu.vector_store %arg9[%swap3A_2750, %swap3A_2751], %gather3A_2748 {strides = array<i32>} : memref<24x128xi32, #tpu.memory_space<vmem>>, vector<16xi32>,
      %get3A_2753 = arith.constant 22 : i32
      %get3A_2754 = arith.index_cast %get3A_2753 : i32 to index
      %get3A_2755 = arith.constant 48 : index
      %get3A_2756 = tpu.vector_load %arg9[%get3A_2754, %get3A_2755] {strides = array<i32>} : memref<24x128xi32, #tpu.memory_space<vmem>>, vector<16xi32>,
      %shift_right_logical3A_2757 = arith.constant 11 : i32
      %shift_right_logical3A_2758 = vector.broadcast %shift_right_logical3A_2757 : i32 to vector<16xi32>
      %shift_right_logical3A_2759 = arith.shrui %get3A_2756, %shift_right_logical3A_2758 : vector<16xi32>
      %and3A_2760 = arith.constant 2047 : i32
      %and3A_2761 = vector.broadcast %and3A_2760 : i32 to vector<16xi32>
      %and3A_2762 = arith.andi %get3A_2756, %and3A_2761 : vector<16xi32>
      %gather3A_2763 = tpu.vector_load_idx %arg8[%shift_right_logical3A_2759, %and3A_2762] : memref<49x2048xi32, #tpu.memory_space<vmem>>[vector<16xi32>, vector<16xi32>], vector<16xi32>,
      %swap3A_2764 = arith.constant 22 : i32
      %swap3A_2765 = arith.index_cast %swap3A_2764 : i32 to index
      %swap3A_2766 = arith.constant 48 : index
      %swap3A_2767 = tpu.vector_load %arg9[%swap3A_2765, %swap3A_2766] {strides = array<i32>} : memref<24x128xi32, #tpu.memory_space<vmem>>, vector<16xi32>,
      tpu.vector_store %arg9[%swap3A_2765, %swap3A_2766], %gather3A_2763 {strides = array<i32>} : memref<24x128xi32, #tpu.memory_space<vmem>>, vector<16xi32>,
      %get3A_2768 = arith.constant 22 : i32
      %get3A_2769 = arith.index_cast %get3A_2768 : i32 to index
      %get3A_2770 = arith.constant 64 : index
      %get3A_2771 = tpu.vector_load %arg9[%get3A_2769, %get3A_2770] {strides = array<i32>} : memref<24x128xi32, #tpu.memory_space<vmem>>, vector<16xi32>,
      %shift_right_logical3A_2772 = arith.constant 11 : i32
      %shift_right_logical3A_2773 = vector.broadcast %shift_right_logical3A_2772 : i32 to vector<16xi32>
      %shift_right_logical3A_2774 = arith.shrui %get3A_2771, %shift_right_logical3A_2773 : vector<16xi32>
      %and3A_2775 = arith.constant 2047 : i32
      %and3A_2776 = vector.broadcast %and3A_2775 : i32 to vector<16xi32>
      %and3A_2777 = arith.andi %get3A_2771, %and3A_2776 : vector<16xi32>
      %gather3A_2778 = tpu.vector_load_idx %arg8[%shift_right_logical3A_2774, %and3A_2777] : memref<49x2048xi32, #tpu.memory_space<vmem>>[vector<16xi32>, vector<16xi32>], vector<16xi32>,
      %swap3A_2779 = arith.constant 22 : i32
      %swap3A_2780 = arith.index_cast %swap3A_2779 : i32 to index
      %swap3A_2781 = arith.constant 64 : index
      %swap3A_2782 = tpu.vector_load %arg9[%swap3A_2780, %swap3A_2781] {strides = array<i32>} : memref<24x128xi32, #tpu.memory_space<vmem>>, vector<16xi32>,
      tpu.vector_store %arg9[%swap3A_2780, %swap3A_2781], %gather3A_2778 {strides = array<i32>} : memref<24x128xi32, #tpu.memory_space<vmem>>, vector<16xi32>,
      %get3A_2783 = arith.constant 22 : i32
      %get3A_2784 = arith.index_cast %get3A_2783 : i32 to index
      %get3A_2785 = arith.constant 80 : index
      %get3A_2786 = tpu.vector_load %arg9[%get3A_2784, %get3A_2785] {strides = array<i32>} : memref<24x128xi32, #tpu.memory_space<vmem>>, vector<16xi32>,
      %shift_right_logical3A_2787 = arith.constant 11 : i32
      %shift_right_logical3A_2788 = vector.broadcast %shift_right_logical3A_2787 : i32 to vector<16xi32>
      %shift_right_logical3A_2789 = arith.shrui %get3A_2786, %shift_right_logical3A_2788 : vector<16xi32>
      %and3A_2790 = arith.constant 2047 : i32
      %and3A_2791 = vector.broadcast %and3A_2790 : i32 to vector<16xi32>
      %and3A_2792 = arith.andi %get3A_2786, %and3A_2791 : vector<16xi32>
      %gather3A_2793 = tpu.vector_load_idx %arg8[%shift_right_logical3A_2789, %and3A_2792] : memref<49x2048xi32, #tpu.memory_space<vmem>>[vector<16xi32>, vector<16xi32>], vector<16xi32>,
      %swap3A_2794 = arith.constant 22 : i32
      %swap3A_2795 = arith.index_cast %swap3A_2794 : i32 to index
      %swap3A_2796 = arith.constant 80 : index
      %swap3A_2797 = tpu.vector_load %arg9[%swap3A_2795, %swap3A_2796] {strides = array<i32>} : memref<24x128xi32, #tpu.memory_space<vmem>>, vector<16xi32>,
      tpu.vector_store %arg9[%swap3A_2795, %swap3A_2796], %gather3A_2793 {strides = array<i32>} : memref<24x128xi32, #tpu.memory_space<vmem>>, vector<16xi32>,
      %get3A_2798 = arith.constant 22 : i32
      %get3A_2799 = arith.index_cast %get3A_2798 : i32 to index
      %get3A_2800 = arith.constant 96 : index
      %get3A_2801 = tpu.vector_load %arg9[%get3A_2799, %get3A_2800] {strides = array<i32>} : memref<24x128xi32, #tpu.memory_space<vmem>>, vector<16xi32>,
      %shift_right_logical3A_2802 = arith.constant 11 : i32
      %shift_right_logical3A_2803 = vector.broadcast %shift_right_logical3A_2802 : i32 to vector<16xi32>
      %shift_right_logical3A_2804 = arith.shrui %get3A_2801, %shift_right_logical3A_2803 : vector<16xi32>
      %and3A_2805 = arith.constant 2047 : i32
      %and3A_2806 = vector.broadcast %and3A_2805 : i32 to vector<16xi32>
      %and3A_2807 = arith.andi %get3A_2801, %and3A_2806 : vector<16xi32>
      %gather3A_2808 = tpu.vector_load_idx %arg8[%shift_right_logical3A_2804, %and3A_2807] : memref<49x2048xi32, #tpu.memory_space<vmem>>[vector<16xi32>, vector<16xi32>], vector<16xi32>,
      %swap3A_2809 = arith.constant 22 : i32
      %swap3A_2810 = arith.index_cast %swap3A_2809 : i32 to index
      %swap3A_2811 = arith.constant 96 : index
      %swap3A_2812 = tpu.vector_load %arg9[%swap3A_2810, %swap3A_2811] {strides = array<i32>} : memref<24x128xi32, #tpu.memory_space<vmem>>, vector<16xi32>,
      tpu.vector_store %arg9[%swap3A_2810, %swap3A_2811], %gather3A_2808 {strides = array<i32>} : memref<24x128xi32, #tpu.memory_space<vmem>>, vector<16xi32>,
      %get3A_2813 = arith.constant 22 : i32
      %get3A_2814 = arith.index_cast %get3A_2813 : i32 to index
      %get3A_2815 = arith.constant 112 : index
      %get3A_2816 = tpu.vector_load %arg9[%get3A_2814, %get3A_2815] {strides = array<i32>} : memref<24x128xi32, #tpu.memory_space<vmem>>, vector<16xi32>,
      %shift_right_logical3A_2817 = arith.constant 11 : i32
      %shift_right_logical3A_2818 = vector.broadcast %shift_right_logical3A_2817 : i32 to vector<16xi32>
      %shift_right_logical3A_2819 = arith.shrui %get3A_2816, %shift_right_logical3A_2818 : vector<16xi32>
      %and3A_2820 = arith.constant 2047 : i32
      %and3A_2821 = vector.broadcast %and3A_2820 : i32 to vector<16xi32>
      %and3A_2822 = arith.andi %get3A_2816, %and3A_2821 : vector<16xi32>
      %gather3A_2823 = tpu.vector_load_idx %arg8[%shift_right_logical3A_2819, %and3A_2822] : memref<49x2048xi32, #tpu.memory_space<vmem>>[vector<16xi32>, vector<16xi32>], vector<16xi32>,
      %swap3A_2824 = arith.constant 22 : i32
      %swap3A_2825 = arith.index_cast %swap3A_2824 : i32 to index
      %swap3A_2826 = arith.constant 112 : index
      %swap3A_2827 = tpu.vector_load %arg9[%swap3A_2825, %swap3A_2826] {strides = array<i32>} : memref<24x128xi32, #tpu.memory_space<vmem>>, vector<16xi32>,
      tpu.vector_store %arg9[%swap3A_2825, %swap3A_2826], %gather3A_2823 {strides = array<i32>} : memref<24x128xi32, #tpu.memory_space<vmem>>, vector<16xi32>,
      %get3A_2828 = arith.constant 23 : i32
      %get3A_2829 = arith.index_cast %get3A_2828 : i32 to index
      %get3A_2830 = arith.constant 0 : index
      %get3A_2831 = tpu.vector_load %arg9[%get3A_2829, %get3A_2830] {strides = array<i32>} : memref<24x128xi32, #tpu.memory_space<vmem>>, vector<16xi32>,
      %shift_right_logical3A_2832 = arith.constant 11 : i32
      %shift_right_logical3A_2833 = vector.broadcast %shift_right_logical3A_2832 : i32 to vector<16xi32>
      %shift_right_logical3A_2834 = arith.shrui %get3A_2831, %shift_right_logical3A_2833 : vector<16xi32>
      %and3A_2835 = arith.constant 2047 : i32
      %and3A_2836 = vector.broadcast %and3A_2835 : i32 to vector<16xi32>
      %and3A_2837 = arith.andi %get3A_2831, %and3A_2836 : vector<16xi32>
      %gather3A_2838 = tpu.vector_load_idx %arg8[%shift_right_logical3A_2834, %and3A_2837] : memref<49x2048xi32, #tpu.memory_space<vmem>>[vector<16xi32>, vector<16xi32>], vector<16xi32>,
      %swap3A_2839 = arith.constant 23 : i32
      %swap3A_2840 = arith.index_cast %swap3A_2839 : i32 to index
      %swap3A_2841 = arith.constant 0 : index
      %swap3A_2842 = tpu.vector_load %arg9[%swap3A_2840, %swap3A_2841] {strides = array<i32>} : memref<24x128xi32, #tpu.memory_space<vmem>>, vector<16xi32>,
      tpu.vector_store %arg9[%swap3A_2840, %swap3A_2841], %gather3A_2838 {strides = array<i32>} : memref<24x128xi32, #tpu.memory_space<vmem>>, vector<16xi32>,
      %get3A_2843 = arith.constant 23 : i32
      %get3A_2844 = arith.index_cast %get3A_2843 : i32 to index
      %get3A_2845 = arith.constant 16 : index
      %get3A_2846 = tpu.vector_load %arg9[%get3A_2844, %get3A_2845] {strides = array<i32>} : memref<24x128xi32, #tpu.memory_space<vmem>>, vector<16xi32>,
      %shift_right_logical3A_2847 = arith.constant 11 : i32
      %shift_right_logical3A_2848 = vector.broadcast %shift_right_logical3A_2847 : i32 to vector<16xi32>
      %shift_right_logical3A_2849 = arith.shrui %get3A_2846, %shift_right_logical3A_2848 : vector<16xi32>
      %and3A_2850 = arith.constant 2047 : i32
      %and3A_2851 = vector.broadcast %and3A_2850 : i32 to vector<16xi32>
      %and3A_2852 = arith.andi %get3A_2846, %and3A_2851 : vector<16xi32>
      %gather3A_2853 = tpu.vector_load_idx %arg8[%shift_right_logical3A_2849, %and3A_2852] : memref<49x2048xi32, #tpu.memory_space<vmem>>[vector<16xi32>, vector<16xi32>], vector<16xi32>,
      %swap3A_2854 = arith.constant 23 : i32
      %swap3A_2855 = arith.index_cast %swap3A_2854 : i32 to index
      %swap3A_2856 = arith.constant 16 : index
      %swap3A_2857 = tpu.vector_load %arg9[%swap3A_2855, %swap3A_2856] {strides = array<i32>} : memref<24x128xi32, #tpu.memory_space<vmem>>, vector<16xi32>,
      tpu.vector_store %arg9[%swap3A_2855, %swap3A_2856], %gather3A_2853 {strides = array<i32>} : memref<24x128xi32, #tpu.memory_space<vmem>>, vector<16xi32>,
      %get3A_2858 = arith.constant 23 : i32
      %get3A_2859 = arith.index_cast %get3A_2858 : i32 to index
      %get3A_2860 = arith.constant 32 : index
      %get3A_2861 = tpu.vector_load %arg9[%get3A_2859, %get3A_2860] {strides = array<i32>} : memref<24x128xi32, #tpu.memory_space<vmem>>, vector<16xi32>,
      %shift_right_logical3A_2862 = arith.constant 11 : i32
      %shift_right_logical3A_2863 = vector.broadcast %shift_right_logical3A_2862 : i32 to vector<16xi32>
      %shift_right_logical3A_2864 = arith.shrui %get3A_2861, %shift_right_logical3A_2863 : vector<16xi32>
      %and3A_2865 = arith.constant 2047 : i32
      %and3A_2866 = vector.broadcast %and3A_2865 : i32 to vector<16xi32>
      %and3A_2867 = arith.andi %get3A_2861, %and3A_2866 : vector<16xi32>
      %gather3A_2868 = tpu.vector_load_idx %arg8[%shift_right_logical3A_2864, %and3A_2867] : memref<49x2048xi32, #tpu.memory_space<vmem>>[vector<16xi32>, vector<16xi32>], vector<16xi32>,
      %swap3A_2869 = arith.constant 23 : i32
      %swap3A_2870 = arith.index_cast %swap3A_2869 : i32 to index
      %swap3A_2871 = arith.constant 32 : index
      %swap3A_2872 = tpu.vector_load %arg9[%swap3A_2870, %swap3A_2871] {strides = array<i32>} : memref<24x128xi32, #tpu.memory_space<vmem>>, vector<16xi32>,
      tpu.vector_store %arg9[%swap3A_2870, %swap3A_2871], %gather3A_2868 {strides = array<i32>} : memref<24x128xi32, #tpu.memory_space<vmem>>, vector<16xi32>,
      %get3A_2873 = arith.constant 23 : i32
      %get3A_2874 = arith.index_cast %get3A_2873 : i32 to index
      %get3A_2875 = arith.constant 48 : index
      %get3A_2876 = tpu.vector_load %arg9[%get3A_2874, %get3A_2875] {strides = array<i32>} : memref<24x128xi32, #tpu.memory_space<vmem>>, vector<16xi32>,
      %shift_right_logical3A_2877 = arith.constant 11 : i32
      %shift_right_logical3A_2878 = vector.broadcast %shift_right_logical3A_2877 : i32 to vector<16xi32>
      %shift_right_logical3A_2879 = arith.shrui %get3A_2876, %shift_right_logical3A_2878 : vector<16xi32>
      %and3A_2880 = arith.constant 2047 : i32
      %and3A_2881 = vector.broadcast %and3A_2880 : i32 to vector<16xi32>
      %and3A_2882 = arith.andi %get3A_2876, %and3A_2881 : vector<16xi32>
      %gather3A_2883 = tpu.vector_load_idx %arg8[%shift_right_logical3A_2879, %and3A_2882] : memref<49x2048xi32, #tpu.memory_space<vmem>>[vector<16xi32>, vector<16xi32>], vector<16xi32>,
      %swap3A_2884 = arith.constant 23 : i32
      %swap3A_2885 = arith.index_cast %swap3A_2884 : i32 to index
      %swap3A_2886 = arith.constant 48 : index
      %swap3A_2887 = tpu.vector_load %arg9[%swap3A_2885, %swap3A_2886] {strides = array<i32>} : memref<24x128xi32, #tpu.memory_space<vmem>>, vector<16xi32>,
      tpu.vector_store %arg9[%swap3A_2885, %swap3A_2886], %gather3A_2883 {strides = array<i32>} : memref<24x128xi32, #tpu.memory_space<vmem>>, vector<16xi32>,
      %get3A_2888 = arith.constant 23 : i32
      %get3A_2889 = arith.index_cast %get3A_2888 : i32 to index
      %get3A_2890 = arith.constant 64 : index
      %get3A_2891 = tpu.vector_load %arg9[%get3A_2889, %get3A_2890] {strides = array<i32>} : memref<24x128xi32, #tpu.memory_space<vmem>>, vector<16xi32>,
      %shift_right_logical3A_2892 = arith.constant 11 : i32
      %shift_right_logical3A_2893 = vector.broadcast %shift_right_logical3A_2892 : i32 to vector<16xi32>
      %shift_right_logical3A_2894 = arith.shrui %get3A_2891, %shift_right_logical3A_2893 : vector<16xi32>
      %and3A_2895 = arith.constant 2047 : i32
      %and3A_2896 = vector.broadcast %and3A_2895 : i32 to vector<16xi32>
      %and3A_2897 = arith.andi %get3A_2891, %and3A_2896 : vector<16xi32>
      %gather3A_2898 = tpu.vector_load_idx %arg8[%shift_right_logical3A_2894, %and3A_2897] : memref<49x2048xi32, #tpu.memory_space<vmem>>[vector<16xi32>, vector<16xi32>], vector<16xi32>,
      %swap3A_2899 = arith.constant 23 : i32
      %swap3A_2900 = arith.index_cast %swap3A_2899 : i32 to index
      %swap3A_2901 = arith.constant 64 : index
      %swap3A_2902 = tpu.vector_load %arg9[%swap3A_2900, %swap3A_2901] {strides = array<i32>} : memref<24x128xi32, #tpu.memory_space<vmem>>, vector<16xi32>,
      tpu.vector_store %arg9[%swap3A_2900, %swap3A_2901], %gather3A_2898 {strides = array<i32>} : memref<24x128xi32, #tpu.memory_space<vmem>>, vector<16xi32>,
      %get3A_2903 = arith.constant 23 : i32
      %get3A_2904 = arith.index_cast %get3A_2903 : i32 to index
      %get3A_2905 = arith.constant 80 : index
      %get3A_2906 = tpu.vector_load %arg9[%get3A_2904, %get3A_2905] {strides = array<i32>} : memref<24x128xi32, #tpu.memory_space<vmem>>, vector<16xi32>,
      %shift_right_logical3A_2907 = arith.constant 11 : i32
      %shift_right_logical3A_2908 = vector.broadcast %shift_right_logical3A_2907 : i32 to vector<16xi32>
      %shift_right_logical3A_2909 = arith.shrui %get3A_2906, %shift_right_logical3A_2908 : vector<16xi32>
      %and3A_2910 = arith.constant 2047 : i32
      %and3A_2911 = vector.broadcast %and3A_2910 : i32 to vector<16xi32>
      %and3A_2912 = arith.andi %get3A_2906, %and3A_2911 : vector<16xi32>
      %gather3A_2913 = tpu.vector_load_idx %arg8[%shift_right_logical3A_2909, %and3A_2912] : memref<49x2048xi32, #tpu.memory_space<vmem>>[vector<16xi32>, vector<16xi32>], vector<16xi32>,
      %swap3A_2914 = arith.constant 23 : i32
      %swap3A_2915 = arith.index_cast %swap3A_2914 : i32 to index
      %swap3A_2916 = arith.constant 80 : index
      %swap3A_2917 = tpu.vector_load %arg9[%swap3A_2915, %swap3A_2916] {strides = array<i32>} : memref<24x128xi32, #tpu.memory_space<vmem>>, vector<16xi32>,
      tpu.vector_store %arg9[%swap3A_2915, %swap3A_2916], %gather3A_2913 {strides = array<i32>} : memref<24x128xi32, #tpu.memory_space<vmem>>, vector<16xi32>,
      %get3A_2918 = arith.constant 23 : i32
      %get3A_2919 = arith.index_cast %get3A_2918 : i32 to index
      %get3A_2920 = arith.constant 96 : index
      %get3A_2921 = tpu.vector_load %arg9[%get3A_2919, %get3A_2920] {strides = array<i32>} : memref<24x128xi32, #tpu.memory_space<vmem>>, vector<16xi32>,
      %shift_right_logical3A_2922 = arith.constant 11 : i32
      %shift_right_logical3A_2923 = vector.broadcast %shift_right_logical3A_2922 : i32 to vector<16xi32>
      %shift_right_logical3A_2924 = arith.shrui %get3A_2921, %shift_right_logical3A_2923 : vector<16xi32>
      %and3A_2925 = arith.constant 2047 : i32
      %and3A_2926 = vector.broadcast %and3A_2925 : i32 to vector<16xi32>
      %and3A_2927 = arith.andi %get3A_2921, %and3A_2926 : vector<16xi32>
      %gather3A_2928 = tpu.vector_load_idx %arg8[%shift_right_logical3A_2924, %and3A_2927] : memref<49x2048xi32, #tpu.memory_space<vmem>>[vector<16xi32>, vector<16xi32>], vector<16xi32>,
      %swap3A_2929 = arith.constant 23 : i32
      %swap3A_2930 = arith.index_cast %swap3A_2929 : i32 to index
      %swap3A_2931 = arith.constant 96 : index
      %swap3A_2932 = tpu.vector_load %arg9[%swap3A_2930, %swap3A_2931] {strides = array<i32>} : memref<24x128xi32, #tpu.memory_space<vmem>>, vector<16xi32>,
      tpu.vector_store %arg9[%swap3A_2930, %swap3A_2931], %gather3A_2928 {strides = array<i32>} : memref<24x128xi32, #tpu.memory_space<vmem>>, vector<16xi32>,
      %get3A_2933 = arith.constant 23 : i32
      %get3A_2934 = arith.index_cast %get3A_2933 : i32 to index
      %get3A_2935 = arith.constant 112 : index
      %get3A_2936 = tpu.vector_load %arg9[%get3A_2934, %get3A_2935] {strides = array<i32>} : memref<24x128xi32, #tpu.memory_space<vmem>>, vector<16xi32>,
      %shift_right_logical3A_2937 = arith.constant 11 : i32
      %shift_right_logical3A_2938 = vector.broadcast %shift_right_logical3A_2937 : i32 to vector<16xi32>
      %shift_right_logical3A_2939 = arith.shrui %get3A_2936, %shift_right_logical3A_2938 : vector<16xi32>
      %and3A_2940 = arith.constant 2047 : i32
      %and3A_2941 = vector.broadcast %and3A_2940 : i32 to vector<16xi32>
      %and3A_2942 = arith.andi %get3A_2936, %and3A_2941 : vector<16xi32>
      %gather3A_2943 = tpu.vector_load_idx %arg8[%shift_right_logical3A_2939, %and3A_2942] : memref<49x2048xi32, #tpu.memory_space<vmem>>[vector<16xi32>, vector<16xi32>], vector<16xi32>,
      %swap3A_2944 = arith.constant 23 : i32
      %swap3A_2945 = arith.index_cast %swap3A_2944 : i32 to index
      %swap3A_2946 = arith.constant 112 : index
      %swap3A_2947 = tpu.vector_load %arg9[%swap3A_2945, %swap3A_2946] {strides = array<i32>} : memref<24x128xi32, #tpu.memory_space<vmem>>, vector<16xi32>,
      tpu.vector_store %arg9[%swap3A_2945, %swap3A_2946], %gather3A_2943 {strides = array<i32>} : memref<24x128xi32, #tpu.memory_space<vmem>>, vector<16xi32>,
      "tpu.region"() ({
        %run_scoped3A = tpu.sem_alloc : memref<!tpu.dma_semaphore, #tpu.memory_space<semaphore_mem>>
        %dma_start3A_2948 = arith.constant 0 : i32
        %dma_start3A_2949 = arith.constant 0 : i32
        %dma_start3A_2950 = tpu.memref_slice %arg6[%add3A_16, %dma_start3A_2948, %dma_start3A_2949] : memref<256x24x128xi32, #tpu.memory_space<hbm>> -> memref<1x24x128xi32, #tpu.memory_space<hbm>>
        %dma_start3A_2951 = tpu.memref_squeeze %dma_start3A_2950 : memref<1x24x128xi32, #tpu.memory_space<hbm>> -> memref<24x128xi32, #tpu.memory_space<hbm>>
        %dma_start3A_2952 = arith.constant 0 : i32
        %dma_start3A_2953 = arith.constant 0 : i32
        %dma_start3A_2954 = tpu.memref_slice %arg6[%add3A_16, %dma_start3A_2952, %dma_start3A_2953] : memref<256x24x128xi32, #tpu.memory_space<hbm>> -> memref<1x24x128xi32, #tpu.memory_space<hbm>>
        %dma_start3A_2955 = tpu.memref_squeeze %dma_start3A_2954 : memref<1x24x128xi32, #tpu.memory_space<hbm>> -> memref<24x128xi32, #tpu.memory_space<hbm>>
        tpu.enqueue_dma source(%arg9 : memref<24x128xi32, #tpu.memory_space<vmem>>) target(%dma_start3A_2955 : memref<24x128xi32, #tpu.memory_space<hbm>>) target_semaphore(%run_scoped3A : memref<!tpu.dma_semaphore, #tpu.memory_space<semaphore_mem>>)
        %dma_wait3A_2956 = arith.constant 0 : i32
        %dma_wait3A_2957 = arith.constant 0 : i32
        %dma_wait3A_2958 = tpu.memref_slice %arg6[%add3A_16, %dma_wait3A_2956, %dma_wait3A_2957] : memref<256x24x128xi32, #tpu.memory_space<hbm>> -> memref<1x24x128xi32, #tpu.memory_space<hbm>>
        %dma_wait3A_2959 = tpu.memref_squeeze %dma_wait3A_2958 : memref<1x24x128xi32, #tpu.memory_space<hbm>> -> memref<24x128xi32, #tpu.memory_space<hbm>>
        %dma_wait3A_2960 = arith.constant 0 : i32
        %dma_wait3A_2961 = arith.constant 0 : i32
        %dma_wait3A_2962 = tpu.memref_slice %arg6[%add3A_16, %dma_wait3A_2960, %dma_wait3A_2961] : memref<256x24x128xi32, #tpu.memory_space<hbm>> -> memref<1x24x128xi32, #tpu.memory_space<hbm>>
        %dma_wait3A_2963 = tpu.memref_squeeze %dma_wait3A_2962 : memref<1x24x128xi32, #tpu.memory_space<hbm>> -> memref<24x128xi32, #tpu.memory_space<hbm>>
        tpu.wait_dma2 semaphore(%run_scoped3A : memref<!tpu.dma_semaphore, #tpu.memory_space<semaphore_mem>>) src(%arg9 : memref<24x128xi32, #tpu.memory_space<vmem>>) dst(%dma_wait3A_2963 : memref<24x128xi32, #tpu.memory_space<hbm>>)
        tpu.yield
      }) : () -> ()
    }
    %scan3A_8 = arith.constant 8 : i32
    %dma_wait3A = arith.constant 0 : i32
    %dma_wait3A_9 = arith.constant 0 : i32
    %dma_wait3A_10 = tpu.memref_slice %arg5[%dma_wait3A, %dma_wait3A_9] : memref<100000x128xf32, #tpu.memory_space<hbm>> -> memref<100000x128xf32, #tpu.memory_space<hbm>>
    tpu.wait_indirect_dma semaphore(%arg12 : memref<!tpu.dma_semaphore, #tpu.memory_space<semaphore_mem>>) src(%dma_wait3A_10 : memref<100000x128xf32, #tpu.memory_space<hbm>>) dst(%arg11 : memref<8x128xf32, #tpu.memory_space<vmem>>)
    "tpu.region"() ({
      %run_scoped3A = tpu.sem_alloc : memref<!tpu.dma_semaphore, #tpu.memory_space<semaphore_mem>>
      %dma_start3A_11 = arith.constant 0 : i32
      %dma_start3A_12 = tpu.memref_slice %arg7[%mul3A_2, %dma_start3A_11] : memref<256x128xf32, #tpu.memory_space<hbm>> -> memref<8x128xf32, #tpu.memory_space<hbm>>
      %dma_start3A_13 = arith.constant 0 : i32
      %dma_start3A_14 = tpu.memref_slice %arg7[%mul3A_2, %dma_start3A_13] : memref<256x128xf32, #tpu.memory_space<hbm>> -> memref<8x128xf32, #tpu.memory_space<hbm>>
      tpu.enqueue_dma source(%arg11 : memref<8x128xf32, #tpu.memory_space<vmem>>) target(%dma_start3A_14 : memref<8x128xf32, #tpu.memory_space<hbm>>) target_semaphore(%run_scoped3A : memref<!tpu.dma_semaphore, #tpu.memory_space<semaphore_mem>>)
      %dma_wait3A_15 = arith.constant 0 : i32
      %dma_wait3A_16 = tpu.memref_slice %arg7[%mul3A_2, %dma_wait3A_15] : memref<256x128xf32, #tpu.memory_space<hbm>> -> memref<8x128xf32, #tpu.memory_space<hbm>>
      %dma_wait3A_17 = arith.constant 0 : i32
      %dma_wait3A_18 = tpu.memref_slice %arg7[%mul3A_2, %dma_wait3A_17] : memref<256x128xf32, #tpu.memory_space<hbm>> -> memref<8x128xf32, #tpu.memory_space<hbm>>
      tpu.wait_dma2 semaphore(%run_scoped3A : memref<!tpu.dma_semaphore, #tpu.memory_space<semaphore_mem>>) src(%arg11 : memref<8x128xf32, #tpu.memory_space<vmem>>) dst(%dma_wait3A_18 : memref<8x128xf32, #tpu.memory_space<hbm>>)
      tpu.yield
    }) : () -> ()
    return
  }
}

module attributes {stable_mosaic.version = 14 : i64} {
  func.func @_mm_body(%arg0: i32, %arg1: memref<512x128xbf16, #tpu.memory_space<vmem>>, %arg2: memref<2048x128xf32, #tpu.memory_space<vmem>>, %arg3: memref<1x256x2048xi32, #tpu.memory_space<vmem>>, %arg4: memref<2048x128xf32, #tpu.memory_space<vmem>>) attributes {dimension_semantics = [#tpu.dimension_semantics<arbitrary>], iteration_bounds = array<i64: 49>, scalar_prefetch = 0 : i64, scratch_operands = 0 : i64, tpu.core_type = #tpu.core_type<tc>, window_params = [{pipeline_mode = #tpu.pipeline_mode<synchronous>, transform_indices = @transform_0, window_bounds = array<i64: 512, 128>}, {transform_indices = @transform_1, window_bounds = array<i64: 2048, 128>}, {transform_indices = @transform_2, window_bounds = array<i64: 1, 256, 2048>}, {transform_indices = @transform_3, window_bounds = array<i64: 2048, 128>}]} {
    %get3A = arith.constant 0 : index
    %get3A_0 = arith.constant 0 : index
    %get3A_1 = vector.load %arg2[%get3A, %get3A_0] : memref<2048x128xf32, #tpu.memory_space<vmem>>, vector<2048x128xf32>
    %get3A_2 = arith.constant 0 : index
    %get3A_3 = arith.constant 0 : index
    %get3A_4 = vector.load %arg1[%get3A_2, %get3A_3] : memref<512x128xbf16, #tpu.memory_space<vmem>>, vector<512x128xbf16>
    %convert_element_type3A = arith.truncf %get3A_1 : vector<2048x128xf32> to vector<2048x128xbf16>
    %dot_general3A = arith.constant dense<0.000000e+00> : vector<512x2048xf32>
    %dot_general3A_5 = tpu.matmul %get3A_4, %convert_element_type3A, %dot_general3A {dimension_numbers = #tpu.dot_dimension_numbers<[1], [1], [0], [0], [0, 0, 1, 0], [], []>, transpose_lhs_hint = false} : vector<512x128xbf16>, vector<2048x128xbf16>, vector<512x2048xf32> -> vector<512x2048xf32>
    %slice3A = vector.extract_strided_slice %dot_general3A_5 {offsets = [0, 0], sizes = [256, 2048], strides = [1, 1]} : vector<512x2048xf32> to vector<256x2048xf32>
    %bitcast_convert_type3A = tpu.bitcast %slice3A : vector<256x2048xf32> -> vector<256x2048xi32>
    %add3A = arith.constant 32767 : i32
    %add3A_6 = vector.broadcast %add3A : i32 to vector<256x2048xi32>
    %add3A_7 = arith.addi %bitcast_convert_type3A, %add3A_6 : vector<256x2048xi32>
    %shift_right_logical3A = arith.constant 16 : i32
    %shift_right_logical3A_8 = vector.broadcast %shift_right_logical3A : i32 to vector<256x2048xi32>
    %shift_right_logical3A_9 = arith.shrui %bitcast_convert_type3A, %shift_right_logical3A_8 : vector<256x2048xi32>
    %and3A = arith.constant 1 : i32
    %and3A_10 = vector.broadcast %and3A : i32 to vector<256x2048xi32>
    %and3A_11 = arith.andi %shift_right_logical3A_9, %and3A_10 : vector<256x2048xi32>
    %add3A_12 = arith.addi %add3A_7, %and3A_11 : vector<256x2048xi32>
    %and3A_13 = arith.constant -65536 : i32
    %and3A_14 = vector.broadcast %and3A_13 : i32 to vector<256x2048xi32>
    %and3A_15 = arith.andi %add3A_12, %and3A_14 : vector<256x2048xi32>
    %slice3A_16 = vector.extract_strided_slice %dot_general3A_5 {offsets = [256, 0], sizes = [256, 2048], strides = [1, 1]} : vector<512x2048xf32> to vector<256x2048xf32>
    %bitcast_convert_type3A_17 = tpu.bitcast %slice3A_16 : vector<256x2048xf32> -> vector<256x2048xi32>
    %add3A_18 = arith.constant 32767 : i32
    %add3A_19 = vector.broadcast %add3A_18 : i32 to vector<256x2048xi32>
    %add3A_20 = arith.addi %bitcast_convert_type3A_17, %add3A_19 : vector<256x2048xi32>
    %shift_right_logical3A_21 = arith.constant 16 : i32
    %shift_right_logical3A_22 = vector.broadcast %shift_right_logical3A_21 : i32 to vector<256x2048xi32>
    %shift_right_logical3A_23 = arith.shrui %bitcast_convert_type3A_17, %shift_right_logical3A_22 : vector<256x2048xi32>
    %and3A_24 = arith.constant 1 : i32
    %and3A_25 = vector.broadcast %and3A_24 : i32 to vector<256x2048xi32>
    %and3A_26 = arith.andi %shift_right_logical3A_23, %and3A_25 : vector<256x2048xi32>
    %add3A_27 = arith.addi %add3A_20, %and3A_26 : vector<256x2048xi32>
    %and3A_28 = arith.constant -65536 : i32
    %and3A_29 = vector.broadcast %and3A_28 : i32 to vector<256x2048xi32>
    %and3A_30 = arith.andi %add3A_27, %and3A_29 : vector<256x2048xi32>
    %shift_right_logical3A_31 = arith.constant 16 : i32
    %shift_right_logical3A_32 = vector.broadcast %shift_right_logical3A_31 : i32 to vector<256x2048xi32>
    %shift_right_logical3A_33 = arith.shrui %and3A_15, %shift_right_logical3A_32 : vector<256x2048xi32>
    %or3A = arith.ori %shift_right_logical3A_33, %and3A_30 : vector<256x2048xi32>
    %bitcast_convert_type3A_34 = tpu.bitcast %or3A : vector<256x2048xi32> -> vector<256x2048xi32>
    %swap3A = arith.constant 0 : index
    %swap3A_35 = arith.constant 0 : index
    %swap3A_36 = arith.constant 0 : index
    %swap3A_37 = vector.load %arg3[%swap3A, %swap3A_35, %swap3A_36] : memref<1x256x2048xi32, #tpu.memory_space<vmem>>, vector<1x256x2048xi32>
    %swap3A_38 = vector.shape_cast %swap3A_37 : vector<1x256x2048xi32> to vector<256x2048xi32>
    %swap3A_39 = vector.shape_cast %bitcast_convert_type3A_34 : vector<256x2048xi32> to vector<1x256x2048xi32>
    tpu.vector_store %arg3[%swap3A, %swap3A_35, %swap3A_36], %swap3A_39 {strides = array<i32>} : memref<1x256x2048xi32, #tpu.memory_space<vmem>>, vector<1x256x2048xi32>,
    %swap3A_40 = arith.constant 0 : index
    %swap3A_41 = arith.constant 0 : index
    %swap3A_42 = vector.load %arg4[%swap3A_40, %swap3A_41] : memref<2048x128xf32, #tpu.memory_space<vmem>>, vector<2048x128xf32>
    tpu.vector_store %arg4[%swap3A_40, %swap3A_41], %get3A_1 {strides = array<i32>} : memref<2048x128xf32, #tpu.memory_space<vmem>>, vector<2048x128xf32>,
    return
  }
  func.func @transform_0(%arg0: i32) -> (i32, i32) {
    %c0_i32 = arith.constant 0 : i32
    %c0_i32_0 = arith.constant 0 : i32
    %c0_i32_1 = arith.constant 0 : i32
    return %c0_i32, %c0_i32_0 : i32, i32
  }
  func.func @transform_1(%arg0: i32) -> (i32, i32) {
    %c0_i32 = arith.constant 0 : i32
    %c0_i32_0 = arith.constant 0 : i32
    return %arg0, %c0_i32 : i32, i32
  }
  func.func @transform_2(%arg0: i32) -> (i32, i32, i32) {
    %c0_i32 = arith.constant 0 : i32
    %c0_i32_0 = arith.constant 0 : i32
    %c0_i32_1 = arith.constant 0 : i32
    return %arg0, %c0_i32, %c0_i32_0 : i32, i32, i32
  }
  func.func @transform_3(%arg0: i32) -> (i32, i32) {
    %c0_i32 = arith.constant 0 : i32
    %c0_i32_0 = arith.constant 0 : i32
    return %arg0, %c0_i32 : i32, i32
  }
}

module attributes {stable_mosaic.version = 14 : i64} {
  func.func @_upd_body(%arg0: memref<256xi32, #tpu.memory_space<smem>>, %arg1: memref<256xi32, #tpu.memory_space<smem>>, %arg2: memref<100000x128xf32, #tpu.memory_space<hbm>>, %arg3: memref<256x128xf32, #tpu.memory_space<vmem>>, %arg4: memref<256x128xf32, #tpu.memory_space<vmem>>, %arg5: memref<100000x128xf32, #tpu.memory_space<hbm>>, %arg6: memref<256x128xf32, #tpu.memory_space<vmem>>, %arg7: memref<!tpu.dma_semaphore, #tpu.memory_space<semaphore_mem>>) attributes {dimension_semantics = [], scalar_prefetch = 0 : i64, scratch_operands = 2 : i64, tpu.core_type = #tpu.core_type<tc>} {
    %get3A = arith.constant 0 : index
    %get3A_0 = arith.constant 0 : index
    %get3A_1 = vector.load %arg3[%get3A, %get3A_0] : memref<256x128xf32, #tpu.memory_space<vmem>>, vector<256x128xf32>
    %mul3A = arith.constant 5.000000e-01 : f32
    %mul3A_2 = vector.broadcast %mul3A : f32 to vector<256x128xf32>
    %mul3A_3 = arith.mulf %get3A_1, %mul3A_2 : vector<256x128xf32>
    %get3A_4 = arith.constant 0 : index
    %get3A_5 = arith.constant 0 : index
    %get3A_6 = vector.load %arg4[%get3A_4, %get3A_5] : memref<256x128xf32, #tpu.memory_space<vmem>>, vector<256x128xf32>
    %mul3A_7 = arith.constant 5.000000e-01 : f32
    %mul3A_8 = vector.broadcast %mul3A_7 : f32 to vector<256x128xf32>
    %mul3A_9 = arith.mulf %get3A_6, %mul3A_8 : vector<256x128xf32>
    %add3A = arith.addf %mul3A_3, %mul3A_9 : vector<256x128xf32>
    %mul3A_10 = arith.mulf %add3A, %add3A : vector<256x128xf32>
    %reduce_sum3A = arith.constant dense<0.000000e+00> : vector<256xf32>
    %reduce_sum3A_11 = vector.multi_reduction <add>, %mul3A_10, %reduce_sum3A [1] : vector<256x128xf32> to vector<256xf32>
    %broadcast_in_dim3A = vector.shape_cast %reduce_sum3A_11 : vector<256xf32> to vector<256x1xf32>
    %sqrt3A = math.sqrt %broadcast_in_dim3A : vector<256x1xf32>
    %max3A = arith.constant 9.99999996E-13 : f32
    %max3A_12 = vector.broadcast %max3A : f32 to vector<256x1xf32>
    %max3A_13 = arith.maximumf %sqrt3A, %max3A_12 : vector<256x1xf32>
    %div3A = vector.broadcast %max3A_13 : vector<256x1xf32> to vector<256x128xf32>
    %div3A_14 = arith.divf %add3A, %div3A : vector<256x128xf32>
    %swap3A = arith.constant 0 : index
    %swap3A_15 = arith.constant 0 : index
    %swap3A_16 = vector.load %arg6[%swap3A, %swap3A_15] : memref<256x128xf32, #tpu.memory_space<vmem>>, vector<256x128xf32>
    tpu.vector_store %arg6[%swap3A, %swap3A_15], %div3A_14 {strides = array<i32>} : memref<256x128xf32, #tpu.memory_space<vmem>>, vector<256x128xf32>,
    %scan3A = arith.constant 0 : i32
    %scan3A_17 = arith.constant 256 : i32
    %scan3A_18 = arith.addi %scan3A, %scan3A_17 : i32
    %scan3A_19 = arith.constant 1 : i32
    scf.for %scan3A_25 = %scan3A to %scan3A_18 step %scan3A_19  : i32 {
      %get3A_26 = arith.index_cast %scan3A_25 : i32 to index
      %get3A_27 = memref.load %arg1[%get3A_26] : memref<256xi32, #tpu.memory_space<smem>>
      %get3A_28 = arith.index_cast %scan3A_25 : i32 to index
      %get3A_29 = memref.load %arg0[%get3A_28] : memref<256xi32, #tpu.memory_space<smem>>
      %dma_start3A = arith.constant 0 : i32
      %dma_start3A_30 = tpu.memref_slice %arg5[%get3A_29, %dma_start3A] : memref<100000x128xf32, #tpu.memory_space<hbm>> -> memref<1x128xf32, #tpu.memory_space<hbm>>
      %dma_start3A_31 = arith.constant 0 : i32
      %dma_start3A_32 = tpu.memref_slice %arg6[%get3A_27, %dma_start3A_31] : memref<256x128xf32, #tpu.memory_space<vmem>> -> memref<1x128xf32, #tpu.memory_space<vmem>>
      tpu.enqueue_dma source(%dma_start3A_32 : memref<1x128xf32, #tpu.memory_space<vmem>>) target(%dma_start3A_30 : memref<1x128xf32, #tpu.memory_space<hbm>>) target_semaphore(%arg7 : memref<!tpu.dma_semaphore, #tpu.memory_space<semaphore_mem>>)
    }
    %scan3A_20 = arith.constant 256 : i32
    %scan3A_21 = arith.constant 0 : i32
    %scan3A_22 = arith.constant 256 : i32
    %scan3A_23 = arith.addi %scan3A_21, %scan3A_22 : i32
    %scan3A_24 = arith.constant 1 : i32
    scf.for %scan3A_25 = %scan3A_21 to %scan3A_23 step %scan3A_24  : i32 {
      %dma_wait3A = arith.constant 0 : i32
      %dma_wait3A_26 = arith.constant 0 : i32
      %dma_wait3A_27 = tpu.memref_slice %arg5[%dma_wait3A, %dma_wait3A_26] : memref<100000x128xf32, #tpu.memory_space<hbm>> -> memref<1x128xf32, #tpu.memory_space<hbm>>
      %dma_wait3A_28 = arith.constant 0 : i32
      %dma_wait3A_29 = arith.constant 0 : i32
      %dma_wait3A_30 = tpu.memref_slice %arg6[%dma_wait3A_28, %dma_wait3A_29] : memref<256x128xf32, #tpu.memory_space<vmem>> -> memref<1x128xf32, #tpu.memory_space<vmem>>
      tpu.wait_dma2 semaphore(%arg7 : memref<!tpu.dma_semaphore, #tpu.memory_space<semaphore_mem>>) src(%dma_wait3A_30 : memref<1x128xf32, #tpu.memory_space<vmem>>) dst(%dma_wait3A_27 : memref<1x128xf32, #tpu.memory_space<hbm>>)
    }
    return
  }
}

</mosaic_0001>

<sc_bundles>
// kernel: kernel.5.cloned.1.call-start
scs
__scs_entry_jumppad:
0x0: {  	(pc) =	sbr.rel $0x88, $3  }
0x1: {  	(tag) =	ssettag $0x0;
	lr =	simm.s32 $0x1  }
0x2: {  	[smem:$0x3F9C] =	sst lr;
	_ =	strace $0xD0000000  }
0x3: {  	_ = 	snop  }
0x4: {  	_ = 	snop  }
0x5: {  	_ = 	snop  }
0x6: {  	_ = 	snop  }
0x7: {  	_ = 	snop  }
__scs_overlays_trampoline_lowered:
0x8: {  	[smem:$0x3FAB] =	sst s0  }
0x9: {  	[smem:$0x3FAC] =	sst s1  }
0xa: {  	[smem:$0x3FAD] =	sst s2  }
0xb: {  	[smem:$0x3FAE] =	sst s3  }
0xc: {  	[smem:$0x3FAF] =	sst s4  }
0xd: {  	[smem:$0x3FB0] =	sst s5  }
0xe: {  	[smem:$0x3FB1] =	sst s6  }
0xf: {  	[smem:$0x3FB2] =	sst s7  }
0x10: {  	[smem:$0x3FB3] =	sst s8  }
0x11: {  	[smem:$0x3FB4] =	sst s9;
	s0 =	simm.s32 @!p0 $0x0  }
0x12: {  	s1 =	sld [smem:$0x3F9A];
	s0 =	simm.s32 @p0 $0x1  }
0x13: {  	[smem:$0x3FB5] =	sst s0;
	s0 =	simm.s32 @!p1 $0x0  }
0x14: {  	s2 =	sld [smem:$0x3F99];
	s0 =	simm.s32 @p1 $0x1  }
0x15: {  	[smem:$0x3FB6] =	sst s0;
	s0 =	simm.s32 @!p2 $0x0  }
0x16: {  	s3 =	sld [smem:$0x3FDB];
	s0 =	simm.s32 @p2 $0x1  }
0x17: {  	s4 =	simm.s32 $0x1BF5;
	[smem:$0x3FB8] =	sst s0  }
0x18: {  	s0 =	sld [smem:$0x3F9B];
	_ =	swait.ge [sflag:s4], $0x0  }
0x19: {  	s7 =	sld [smem:$0x3F9C]  }
0x1a: {  	s8 =	sadd.s32 $0xFFFFE003, lr  }
0x1b: {  	s9 =	sadd.s32 $0xFFFFFEF7, lr;
	s5 =	simm.s32 $0xFFFFFFFF;
	p2 =	slt.u32 s8, $0xFFFFF086  }
0x1c: {  	p1 =	slt.u32 s9, $0xF7A;
	s5 =	simm.s32 @!p2 $0x0  }
0x1d: {  	s5 =	simm.s32 @p1 $0x1;
	p0 =	seq.s32 s7, s2  }
0x1e: {  	s7 =	smul.u32 @!p0 $0xF7A, s2;
	p2 =	seq.s32 @!p0 s5, $0x0  }
0x1f: {  	s9 =	smul.u32 $0xF7A, s1;
	s8 =	simm.s32 @!p0 $0x1BF5;
	p2 =	por !p2, p0  }
0x20: {  	[sflag:s8] =	ssyncset.s32 @!p0 $0xFFFFF086;
	s6 =	sadd.s32 @!p0 s3, s7;
	s7 =	simm.s32 @!p0 $0x108  }
0x21: {  	s3 =	sadd.s32 s3, s9;
	s6 =	sadd.s32 @!p0 $0x88, s6;
	s7 =	simm.s32 @p2 $0x1082  }
0x22: {  	[simem:s7], [sflag:s8] =	dma.local @!p0 [hbm:s6], $0xF7A  }
0x23: {  	s9 =	sor.u32 $0xD0000000, s2;
	s6 =	simm.s32 $0x108;
	_ =	swait.ge @!p0 [sflag:s8], $0x0  }
0x24: {  	s3 =	sadd.s32 $0x88, s3;
	s6 =	simm.s32 @!p1 $0x1082;
	[sflag:s4] =	ssyncset.s32 $0xFFFFF086  }
0x25: {  	[simem:s6], [sflag:s4] =	dma.local [hbm:s3], $0xF7A  }
0x26: {  	[smem:$0x3F9C] =	sst s1;
	(tag) =	ssettag s2;
	_ =	strace s9  }
0x27: {  	s1 =	sld [smem:$0x3FAC]  }
0x28: {  	s2 =	sld [smem:$0x3FAD]  }
0x29: {  	s4 =	sld [smem:$0x3FAF]  }
0x2a: {  	p0 =	seq.s32 s5, $0x0;
	s5 =	sld [smem:$0x3FB0]  }
0x2b: {  	s6 =	sld [smem:$0x3FB1]  }
0x2c: {  	s7 =	sld [smem:$0x3FB2]  }
0x2d: {  	s3 =	simm.s32 $0x108;
	s8 =	sld [smem:$0x3FB3]  }
0x2e: {  	s3 =	simm.s32 @!p0 $0x1082;
	s9 =	sld [smem:$0x3FB4]  }
0x2f: {  	lr =	sadd.s32 s0, s3;
	s0 =	sld [smem:$0x3FAB]  }
0x30: {  	s3 =	sld [smem:$0x3FAE]  }
0x31: {  	[smem:$0x3FB7] =	sst s10  }
0x32: {  	s10 =	sld [smem:$0x3FB5];
	_ =	sdelay $0x3  }
0x33: {  	p0 =	seq.s32 s10, $0x1;
	s10 =	sld [smem:$0x3FB7];
	_ =	sdelay $0x3  }
0x34: {  	[smem:$0x3FB7] =	sst s10  }
0x35: {  	s10 =	sld [smem:$0x3FB6];
	_ =	sdelay $0x3  }
0x36: {  	p1 =	seq.s32 s10, $0x1;
	s10 =	sld [smem:$0x3FB7];
	_ =	sdelay $0x3  }
0x37: {  	[smem:$0x3FB7] =	sst s10  }
0x38: {  	s10 =	sld [smem:$0x3FB8]  }
0x39: {  	_ = 	snop;
	(pc) =	sbr.ind lr, $3  }
0x3a: {  	_ = 	snop  }
0x3b: {  	_ = 	snop  }
0x3c: {  	p2 =	seq.s32 s10, $0x1;
	s10 =	sld [smem:$0x3FB7]  }
0x3d: {  	_ =	shalt  }
0x3e: {  	_ =	shalt  }
0x3f: {  	_ =	shalt  }
0x40: {  	_ =	shalt  }
0x41: {  	_ =	shalt  }
0x42: {  	_ =	shalt  }
0x43: {  	_ =	shalt  }
0x44: {  	_ =	shalt  }
0x45: {  	_ =	shalt  }
0x46: {  	_ =	shalt  }
0x47: {  	_ =	shalt  }
0x48: {  	_ =	shalt  }
0x49: {  	_ =	shalt  }
0x4a: {  	_ =	shalt  }
0x4b: {  	_ =	shalt  }
0x4c: {  	_ =	shalt  }
0x4d: {  	_ =	shalt  }
0x4e: {  	_ =	shalt  }
0x4f: {  	_ =	shalt  }
0x50: {  	_ =	shalt  }
0x51: {  	_ =	shalt  }
0x52: {  	_ =	shalt  }
0x53: {  	_ =	shalt  }
0x54: {  	_ =	shalt  }
0x55: {  	_ =	shalt  }
0x56: {  	_ =	shalt  }
0x57: {  	_ =	shalt  }
0x58: {  	_ =	shalt  }
0x59: {  	_ =	shalt  }
0x5a: {  	_ =	shalt  }
0x5b: {  	_ =	shalt  }
0x5c: {  	_ =	shalt  }
0x5d: {  	_ =	shalt  }
0x5e: {  	_ =	shalt  }
0x5f: {  	_ =	shalt  }
0x60: {  	_ =	shalt  }
0x61: {  	_ =	shalt  }
0x62: {  	_ =	shalt  }
0x63: {  	_ =	shalt  }
0x64: {  	_ =	shalt  }
0x65: {  	_ =	shalt  }
0x66: {  	_ =	shalt  }
0x67: {  	_ =	shalt  }
0x68: {  	_ =	shalt  }
0x69: {  	_ =	shalt  }
0x6a: {  	_ =	shalt  }
0x6b: {  	_ =	shalt  }
0x6c: {  	_ =	shalt  }
0x6d: {  	_ =	shalt  }
0x6e: {  	_ =	shalt  }
0x6f: {  	_ =	shalt  }
0x70: {  	_ =	shalt  }
0x71: {  	_ =	shalt  }
0x72: {  	_ =	shalt  }
0x73: {  	_ =	shalt  }
0x74: {  	_ =	shalt  }
0x75: {  	_ =	shalt  }
0x76: {  	_ =	shalt  }
0x77: {  	_ =	shalt  }
0x78: {  	_ =	shalt  }
0x79: {  	_ =	shalt  }
0x7a: {  	_ =	shalt  }
0x7b: {  	_ =	shalt  }
0x7c: {  	_ =	shalt  }
0x7d: {  	_ =	shalt  }
0x7e: {  	_ =	shalt  }
0x7f: {  	_ =	shalt  }
0x80: {  	_ =	shalt  }
0x81: {  	_ =	shalt  }
0x82: {  	_ =	shalt  }
0x83: {  	_ =	shalt  }
0x84: {  	_ =	shalt  }
0x85: {  	_ =	shalt  }
0x86: {  	_ =	shalt  }
0x87: {  	_ =	shalt  }
.Lfunc_end0:
.L_simem_size_0:
called_computation_lowered:
.L_overlay_start_0:
0x88: {  	s2 =	sld [smem:$0x3FD9]  }
0x89: {  	s3 =	sld [smem:$0x3FFE];
	_ =	sdelay $0x1  }
0x8a: {  	s1 =	srdreg.scid  }
0x8b: {  	s0 =	sand.u32 $0x1, s1  }
0x8c: {  	s17 =	sshll.u32 s0, $0xA;
	s2 =	sadd.s32 s3, s2  }
0x8d: {  	s2 =	sadd.s32 s2, s17  }
0x8e: {  	[smem:$0x3FC3] =	sst s2  }
0x8f: {  	_ = 	snop  }
0x90: {  	s2 =	sld [smem:$0x3FC7]  }
0x91: {  	s18 =	sld [smem:$0x3FC6];
	(tm) =	ssettm $0x1  }
0x92: {  	s4 =	sld [smem:$0x3FFB];
	_ =	sdelay $0x3  }
0x93: {  	_ =	strace s4  }
0x94: {  	s4 =	sld [smem:$0x3FFC];
	_ =	sdelay $0x3  }
0x95: {  	_ =	strace s4  }
0x96: {  	s4 =	sld [smem:$0x3FFD];
	_ =	sdelay $0x3  }
0x97: {  	_ =	strace s4  }
0x98: {  	_ =	strace $0x8FFFFFFF  }
0x99: {  	s19 =	sld [smem:$0x3FDB];
	_ =	sdelay $0x1  }
0x9a: {  	s5 =	simm.s32 $_scs_section_size  }
0x9b: {  	s6 =	simm.s32 $_size__tile_overlayer_lowered;
	s7 =	simm.s32 $_tile_overlayer_lowered  }
0x9c: {  	s22 =	simm.s32 $0x1BFF;
	s21 =	sshll.u32 s7, $0x1;
	s4 =	sadd.s32 s5, s19  }
0x9d: {  	s8 =	simm.s32 $0x0;
	s20 =	sshll.u32 s6, $0x1;
	s6 =	sadd.s32 s21, s4  }
0x9e: {  	[timem:s8], [sflag:s22] =	dma.local [hbm:s6], s20  }
0x9f: {  	_ =	swait.ge [sflag:s22], s20  }
0xa0: {  	s5 =	ssub.s32 $0x0, s20;
	[sflag:s22] =	ssyncset.done $0x0  }
0xa1: {  	[sflag:s22] =	ssyncadd.s32 s5;
	_ =	sdelay $0x1  }
0xa2: {  	s23 =	simm.s32 $0x1B8B  }
0xa3: {  	_ =	swait.ge [sflag:s23], $0x1  }
0xa4: {  	[sflag:s23] =	ssyncset.done $0x0  }
0xa5: {  	s25 =	simm.s32 $0x1B8E;
	s24 =	sld [smem:$0x3FFE];
	[sflag:s23] =	ssyncadd.s32 $0xFFFFFFFF  }
0xa6: {  	s26 =	simm.s32 $execute0_lowered;
	[smem:$0x3FD2] =	sst s25  }
0xa7: {  	s6 =	sshll.u32 s26, $0x1;
	_ =	strace $0x80000046;
	[dreg:$0x1] =	wrdreg $0xFFFFFFFF  }
0xa8: {  	s28 =	simm.s32 $_size_execute0_lowered;
	s4 =	sadd.s32 s4, s6;
	[dreg:$0x0] =	wrdreg $0x0  }
0xa9: {  	s6 =	sshll.u32 s28, $0x1;
	[dreg:$0x2] =	wrdreg s4  }
0xaa: {  	[dreg:$0x3] =	wrdreg s6  }
0xab: {  	[dreg:$0x4] =	wrdreg $0xC0  }
0xac: {  	_ =	task [dreg:s8], $0x5FFFF  }
0xad: {  	[dreg:$0x1] =	wrdreg $0xFFFFFFFF  }
0xae: {  	[dreg:$0x0] =	wrdreg $0x60  }
0xaf: {  	[dreg:$0x2] =	wrdreg s24  }
0xb0: {  	[dreg:$0x3] =	wrdreg s2  }
0xb1: {  	[dreg:$0x4] =	wrdreg s18  }
0xb2: {  	[dreg:$0x5] =	wrdreg $0x9  }
0xb3: {  	_ =	task.clear_ibuf [dreg:s8], $0x6FFFF;
	_ =	strace $0x90000046  }
0xb4: {  	s29 =	simm.s32 $0x9;
	_ =	strace $0x80000048  }
0xb5: {  	_ =	swait.ge [sflag:s29], $0x1  }
0xb6: {  	[sflag:s29] =	ssyncadd.s32 $0xFFFFFFFF  }
0xb7: {  	_ =	strace $0x90000048  }
0xb8: {  	_ =	sfence  }
0xb9: {  	s30 =	sld [smem:$0x0];
	_ =	sdelay $0x2  }
0xba: {  	s31 =	sshll.u32 s1, $0xD;
	s1 =	sshrl.u32 s1, $0x2  }
0xbb: {  	s3 =	sand.u32 $0x4000, s31;
	s1 =	sadd.s32 s1, s30  }
0xbc: {  	s0 =	sor.u32 s3, s0;
	s1 =	sshll.u32 s1, $0x11  }
0xbd: {  	s0 =	sor.u32 s1, s0  }
0xbe: {  	s0 =	sadd.s32 $0x8F2B, s0  }
0xbf: {  	[sflag:s0] =	ssyncadd.remote.s32 $0x1  }
0xc0: {  	_ =	sfence.sel $0xFFFF  }
0xc1: {  	[dreg:$0x0] =	wrdreg $0xFFFFFFFF;
	(pc) =	sbr.abs _section_cstart, $3  }
0xc2: {  	[dreg:$0x1] =	wrdreg $0xFFFFFFFF  }
0xc3: {  	_ =	task.clear_ibuf [dreg:s8], $0x2FFFF;
	_ =	strace $0x9FFFFFFF  }
0xc4: {  	(tm) =	ssettm $0x7FFFFFFF  }
0xc5: {  	_ =	shalt  }
tec
execute0_lowered:
.L_overlay_start_1:
0x0: {  	(tag) =	ssettag $0x1  }
0x1: {  	s0 =	rddreg [dreg:$0x0]  }
0x2: {  	s1 =	rddreg [dreg:$0x1];
	s2 =	simm.s32 $0x0;
	s3 =	srdreg.scid  }
0x3: {  	s6 =	stileid.u32;
	s14 =	simm.s32 $0x3;
	s19 =	simm.s32 $0x1CC80  }
0x4: {  	s17 =	simm.s32 $0x80;
	s18 =	simm.s32 $0x80000;
	s24 =	simm.s32 $0x19400  }
0x5: {  	s28 =	simm.s32 $0x1A000;
	s29 =	simm.s32 $0x1A400;
	s30 =	simm.s32 $0x1A800  }
0x6: {  	s31 =	simm.s32 $0x1AC00;
	s15 =	simm.s32 $0x1BC00;
	s13 =	simm.s32 $0x1C000  }
0x7: {  	s16 =	simm.s32 $0x2;
	s11 =	simm.s32 $0x0;
	[smem:$0x7FF] =	sst s2  }
0x8: {  	s4 =	sadd.s32 $0x19200, s0;
	s3 =	sand.u32 $0x1, s3;
	s5 =	sadd.s32 $0x1200, s0  }
0x9: {  	s7 =	sshll.u32 s6, $0x4;
	s6 =	sadd.s32 $0x329200, s0;
	s8 =	sshll.u32 s3, $0x3  }
0xa: {  	_ =	strace $0x80000047;
	s3 =	ssub.s32 $0x2, s3;
	s7 =	sor.u32 s8, s7  }
0xb: {  	s9 =	sshrl.u32 s3, $0x1;
	s8 =	sshll.u32 s7, $0x4;
	s10 =	sshrl.u32 s7, $0x3  }
0xc: {  	s3 =	ssub.s32 s3, s9;
	s9 =	sshll.u32 s7, $0x8;
	s8 =	sadd.s32 s8, s0  }
0xd: {  	s1 =	sadd.s32 s1, s10;
	s10 =	sadd.s32 $0x19600, s0;
	s26 =	smax.u32 s3, $0x1  }
0xe: {  	s0 =	simm.s32 $0x1B000;
	s3 =	simm.s32 $0x1B400;
	[dreg:$0x4] =	wrdreg s1  }
0xf: {  	s25 =	sadd.s32 $0x341200, s8;
	[dreg:$0x6] =	wrdreg s26;
	s26 =	simm.s32 $0x19C00  }
0x10: {  	s1 =	simm.s32 $0x1B800;
	[dreg:$0x5] =	wrdreg s25;
	s25 =	simm.s32 $0x19800  }
.LBB2_1:
0x11: {  	[dreg:$0x7] =	wrdreg s11  }
0x12: {  	s8 =	rddreg [dreg:$0x4];
	s22 =	simm.s32 $0x1CC00  }
0x13: {  	[tilespmem:s22], [sflag:$0x3] =	stream.linear.gather [hbm4b:s8+s2], $0x8, $0x38;
	[tilespmem:$0x1D080] =	vst v63  }
0x14: {  	_ =	swait.ge [sflag:s14], $0x8  }
0x15: {  	[sflag:s14] =	ssyncset.done $0x0  }
0x16: {  	[sflag:s14] =	ssyncadd.s32 $0xFFFFFFF8  }
0x17: {  	s12 =	simm.s32 $0x8;
	s23 =	rddreg [dreg:$0x2]  }
0x18: {  	[tilespmem:s19], [sflag:$0x1] =	stream.indirect.gather [hbm4b:s23+s12], $0x80, s22, s12, $0xb8;
	[tilespmem:$0x1D080] =	vst v63  }
0x19: {  	s12 =	simm.s32 $0x0  }
.LBB2_2:
0x1a: {  	s8 =	sshll.u32 s12, $0x4  }
0x1b: {  	s8 =	sadd.s32 s9, s8  }
0x1c: {  	s19 =	simm.s32 $0x0;
	s11 =	sadd.s32 s4, s8  }
0x1d: {  	[tilespmem:s19], [sflag:$0x2] =	stream.strided.gather [hbm4b:s11+s17], $0x400, s18, s17, $0x38;
	[tilespmem:$0x1D080] =	vst v63  }
0x1e: {  	s20 =	simm.s32 $0x400;
	s21 =	sadd.s32 $0x80, s11  }
0x1f: {  	[tilespmem:s20], [sflag:$0x2] =	stream.strided.gather [hbm4b:s21+s17], $0x400, s18, s17, $0x38;
	[tilespmem:$0x1D080] =	vst v63  }
0x20: {  	s23 =	simm.s32 $0x800;
	s22 =	sadd.s32 $0x100, s11  }
0x21: {  	[tilespmem:s23], [sflag:$0x2] =	stream.strided.gather [hbm4b:s22+s17], $0x400, s18, s17, $0x38;
	[tilespmem:$0x1D080] =	vst v63  }
0x22: {  	s20 =	sadd.s32 $0x180, s11;
	s21 =	simm.s32 $0xC00  }
0x23: {  	[tilespmem:s21], [sflag:$0x2] =	stream.strided.gather [hbm4b:s20+s17], $0x400, s18, s17, $0x38;
	[tilespmem:$0x1D080] =	vst v63  }
0x24: {  	s22 =	sadd.s32 $0x200, s11;
	s23 =	simm.s32 $0x1000  }
0x25: {  	[tilespmem:s23], [sflag:$0x2] =	stream.strided.gather [hbm4b:s22+s17], $0x400, s18, s17, $0x38;
	[tilespmem:$0x1D080] =	vst v63  }
0x26: {  	s20 =	sadd.s32 $0x280, s11;
	s21 =	simm.s32 $0x1400  }
0x27: {  	[tilespmem:s21], [sflag:$0x2] =	stream.strided.gather [hbm4b:s20+s17], $0x400, s18, s17, $0x38;
	[tilespmem:$0x1D080] =	vst v63  }
0x28: {  	s19 =	simm.s32 $0x10000;
	s22 =	sadd.s32 $0x300, s11;
	s23 =	simm.s32 $0x1800  }
0x29: {  	[tilespmem:s23], [sflag:$0x2] =	stream.strided.gather [hbm4b:s22+s17], $0x400, s18, s17, $0x38;
	[tilespmem:$0x1D080] =	vst v63  }
0x2a: {  	s21 =	sadd.s32 $0x380, s11;
	s20 =	sadd.s32 $0x80000, s11;
	s22 =	simm.s32 $0x1C00  }
.LBB2_3:
0x2b: {  	[tilespmem:s22], [sflag:$0x2] =	stream.strided.gather [hbm4b:s21+s17], $0x400, s18, s17, $0x38;
	[tilespmem:$0x1D080] =	vst v63  }
0x2c: {  	s22 =	sshra.s32 s19, $0x2;
	p0 =	seq.s32 s19, $0x50000;
	s19 =	sadd.s32 $0x10000, s19  }
0x2d: {  	[tilespmem:s22], [sflag:$0x2] =	stream.strided.gather [hbm4b:s20+s17], $0x400, s18, s17, $0x38;
	[tilespmem:$0x1D080] =	vst v63  }
0x2e: {  	s21 =	sadd.s32 $0x80, s20;
	s23 =	sadd.s32 $0x400, s22  }
0x2f: {  	[tilespmem:s23], [sflag:$0x2] =	stream.strided.gather [hbm4b:s21+s17], $0x400, s18, s17, $0x38;
	[tilespmem:$0x1D080] =	vst v63  }
0x30: {  	s21 =	sadd.s32 $0x100, s20;
	s23 =	sadd.s32 $0x800, s22  }
0x31: {  	[tilespmem:s23], [sflag:$0x2] =	stream.strided.gather [hbm4b:s21+s17], $0x400, s18, s17, $0x38;
	[tilespmem:$0x1D080] =	vst v63  }
0x32: {  	s21 =	sadd.s32 $0x180, s20;
	s23 =	sadd.s32 $0xC00, s22  }
0x33: {  	[tilespmem:s23], [sflag:$0x2] =	stream.strided.gather [hbm4b:s21+s17], $0x400, s18, s17, $0x38;
	[tilespmem:$0x1D080] =	vst v63  }
0x34: {  	s21 =	sadd.s32 $0x200, s20;
	s23 =	sadd.s32 $0x1000, s22  }
0x35: {  	[tilespmem:s23], [sflag:$0x2] =	stream.strided.gather [hbm4b:s21+s17], $0x400, s18, s17, $0x38;
	[tilespmem:$0x1D080] =	vst v63  }
.Ltmp0:
0x36: {  	s21 =	sadd.s32 $0x280, s20;
	s23 =	sadd.s32 $0x1400, s22;
	(pc) =	sbr.rel @!p0 .LBB2_3-.Ltmp0, $4  }
0x37: {  	[tilespmem:s23], [sflag:$0x2] =	stream.strided.gather [hbm4b:s21+s17], $0x400, s18, s17, $0x38;
	[tilespmem:$0x1D080] =	vst v63  }
0x38: {  	s21 =	sadd.s32 $0x300, s20;
	s23 =	sadd.s32 $0x1800, s22  }
0x39: {  	[tilespmem:s23], [sflag:$0x2] =	stream.strided.gather [hbm4b:s21+s17], $0x400, s18, s17, $0x38;
	[tilespmem:$0x1D080] =	vst v63  }
0x3a: {  	s22 =	sadd.s32 $0x1C00, s22;
	s21 =	sadd.s32 $0x380, s20;
	s20 =	sadd.s32 $0x80000, s20  }
0x3b: {  	[tilespmem:s22], [sflag:$0x2] =	stream.strided.gather [hbm4b:s21+s17], $0x400, s18, s17, $0x38;
	[tilespmem:$0x1D080] =	vst v63  }
0x3c: {  	s11 =	sadd.s32 $0x300000, s11;
	s19 =	simm.s32 $0x0;
	s20 =	simm.s32 $0x18000  }
0x3d: {  	[tilespmem:s20], [sflag:$0x2] =	stream.linear.gather [hbm4b:s11+s19], $0x80, $0x38;
	[tilespmem:$0x1D080] =	vst v63  }
0x3e: {  	s23 =	simm.s32 $0x18400;
	s22 =	sadd.s32 $0x80, s11  }
0x3f: {  	[tilespmem:s23], [sflag:$0x2] =	stream.linear.gather [hbm4b:s22+s19], $0x80, $0x38;
	[tilespmem:$0x1D080] =	vst v63  }
0x40: {  	s22 =	sadd.s32 $0x100, s11;
	s23 =	simm.s32 $0x18800  }
0x41: {  	[tilespmem:s23], [sflag:$0x2] =	stream.linear.gather [hbm4b:s22+s19], $0x80, $0x38;
	[tilespmem:$0x1D080] =	vst v63  }
0x42: {  	s22 =	sadd.s32 $0x180, s11;
	s23 =	simm.s32 $0x18C00  }
0x43: {  	[tilespmem:s23], [sflag:$0x2] =	stream.linear.gather [hbm4b:s22+s19], $0x80, $0x38;
	[tilespmem:$0x1D080] =	vst v63  }
0x44: {  	s22 =	sadd.s32 $0x200, s11;
	s23 =	simm.s32 $0x19000  }
0x45: {  	[tilespmem:s23], [sflag:$0x2] =	stream.linear.gather [hbm4b:s22+s19], $0x80, $0x38;
	[tilespmem:$0x1D080] =	vst v63  }
0x46: {  	s22 =	sadd.s32 $0x280, s11  }
0x47: {  	[tilespmem:s24], [sflag:$0x2] =	stream.linear.gather [hbm4b:s22+s19], $0x80, $0x38;
	[tilespmem:$0x1D080] =	vst v63  }
0x48: {  	s23 =	sadd.s32 $0x300, s11  }
0x49: {  	[tilespmem:s25], [sflag:$0x2] =	stream.linear.gather [hbm4b:s23+s19], $0x80, $0x38;
	[tilespmem:$0x1D080] =	vst v63  }
0x4a: {  	s11 =	sadd.s32 $0x380, s11  }
0x4b: {  	[tilespmem:s26], [sflag:$0x2] =	stream.linear.gather [hbm4b:s11+s19], $0x80, $0x38;
	[tilespmem:$0x1D080] =	vst v63  }
0x4c: {  	s8 =	sadd.s32 s8, s10;
	s19 =	simm.s32 $0x2000  }
0x4d: {  	[tilespmem:s19], [sflag:$0x2] =	stream.strided.gather [hbm4b:s8+s17], $0x400, s18, s17, $0x38;
	[tilespmem:$0x1D080] =	vst v63  }
0x4e: {  	s21 =	simm.s32 $0x2400;
	s20 =	sadd.s32 $0x80, s8  }
0x4f: {  	[tilespmem:s21], [sflag:$0x2] =	stream.strided.gather [hbm4b:s20+s17], $0x400, s18, s17, $0x38;
	[tilespmem:$0x1D080] =	vst v63  }
0x50: {  	s22 =	sadd.s32 $0x100, s8;
	s23 =	simm.s32 $0x2800  }
0x51: {  	[tilespmem:s23], [sflag:$0x2] =	stream.strided.gather [hbm4b:s22+s17], $0x400, s18, s17, $0x38;
	[tilespmem:$0x1D080] =	vst v63  }
0x52: {  	s20 =	sadd.s32 $0x180, s8;
	s21 =	simm.s32 $0x2C00  }
0x53: {  	[tilespmem:s21], [sflag:$0x2] =	stream.strided.gather [hbm4b:s20+s17], $0x400, s18, s17, $0x38;
	[tilespmem:$0x1D080] =	vst v63  }
0x54: {  	s22 =	sadd.s32 $0x200, s8;
	s23 =	simm.s32 $0x3000  }
0x55: {  	[tilespmem:s23], [sflag:$0x2] =	stream.strided.gather [hbm4b:s22+s17], $0x400, s18, s17, $0x38;
	[tilespmem:$0x1D080] =	vst v63  }
0x56: {  	s11 =	simm.s32 $0x4000;
	s20 =	sadd.s32 $0x280, s8;
	s21 =	simm.s32 $0x3400  }
0x57: {  	[tilespmem:s21], [sflag:$0x2] =	stream.strided.gather [hbm4b:s20+s17], $0x400, s18, s17, $0x38;
	[tilespmem:$0x1D080] =	vst v63  }
0x58: {  	s19 =	sadd.s32 $0x80000, s8;
	s22 =	sadd.s32 $0x300, s8;
	s23 =	simm.s32 $0x3800  }
0x59: {  	[tilespmem:s23], [sflag:$0x2] =	stream.strided.gather [hbm4b:s22+s17], $0x400, s18, s17, $0x38;
	[tilespmem:$0x1D080] =	vst v63  }
0x5a: {  	s20 =	simm.s32 $0x20000;
	s21 =	sadd.s32 $0x380, s8;
	s22 =	simm.s32 $0x3C00  }
.LBB2_5:
0x5b: {  	[tilespmem:s22], [sflag:$0x2] =	stream.strided.gather [hbm4b:s21+s17], $0x400, s18, s17, $0x38;
	[tilespmem:$0x1D080] =	vst v63  }
0x5c: {  	s22 =	smov.u32 s11;
	s11 =	smov.u32 s20  }
0x5d: {  	s23 =	sadd.s32 $0x10000, s20;
	s11 =	sshra.s32 s11, $0x2;
	s21 =	sadd.s32 $0x2000, s22  }
0x5e: {  	[tilespmem:s21], [sflag:$0x2] =	stream.strided.gather [hbm4b:s19+s17], $0x400, s18, s17, $0x38;
	[tilespmem:$0x1D080] =	vst v63  }
0x5f: {  	p0 =	seq.s32 s20, $0x50000;
	s20 =	sadd.s32 $0x80, s19;
	s21 =	sadd.s32 $0x2400, s22  }
0x60: {  	[tilespmem:s21], [sflag:$0x2] =	stream.strided.gather [hbm4b:s20+s17], $0x400, s18, s17, $0x38;
	[tilespmem:$0x1D080] =	vst v63  }
0x61: {  	s20 =	sadd.s32 $0x100, s19;
	s21 =	sadd.s32 $0x2800, s22  }
0x62: {  	[tilespmem:s21], [sflag:$0x2] =	stream.strided.gather [hbm4b:s20+s17], $0x400, s18, s17, $0x38;
	[tilespmem:$0x1D080] =	vst v63  }
0x63: {  	s20 =	sadd.s32 $0x180, s19;
	s21 =	sadd.s32 $0x2C00, s22  }
0x64: {  	[tilespmem:s21], [sflag:$0x2] =	stream.strided.gather [hbm4b:s20+s17], $0x400, s18, s17, $0x38;
	[tilespmem:$0x1D080] =	vst v63  }
0x65: {  	s20 =	sadd.s32 $0x200, s19;
	s21 =	sadd.s32 $0x3000, s22  }
0x66: {  	[tilespmem:s21], [sflag:$0x2] =	stream.strided.gather [hbm4b:s20+s17], $0x400, s18, s17, $0x38;
	[tilespmem:$0x1D080] =	vst v63  }
.Ltmp1:
0x67: {  	s20 =	sadd.s32 $0x280, s19;
	s21 =	sadd.s32 $0x3400, s22;
	(pc) =	sbr.rel @!p0 .LBB2_5-.Ltmp1, $4  }
0x68: {  	[tilespmem:s21], [sflag:$0x2] =	stream.strided.gather [hbm4b:s20+s17], $0x400, s18, s17, $0x38;
	[tilespmem:$0x1D080] =	vst v63  }
0x69: {  	s20 =	sadd.s32 $0x300, s19;
	s21 =	sadd.s32 $0x3800, s22;
	s22 =	sadd.s32 $0x3C00, s22  }
0x6a: {  	[tilespmem:s21], [sflag:$0x2] =	stream.strided.gather [hbm4b:s20+s17], $0x400, s18, s17, $0x38;
	[tilespmem:$0x1D080] =	vst v63  }
0x6b: {  	s21 =	sadd.s32 $0x380, s19;
	s19 =	sadd.s32 $0x80000, s19;
	s20 =	smov.u32 s23  }
0x6c: {  	[tilespmem:s22], [sflag:$0x2] =	stream.strided.gather [hbm4b:s21+s17], $0x400, s18, s17, $0x38;
	[tilespmem:$0x1D080] =	vst v63  }
0x6d: {  	s20 =	sadd.s32 $0x2000, s11  }
0x6e: {  	[tilespmem:s20], [sflag:$0x2] =	stream.strided.gather [hbm4b:s19+s17], $0x400, s18, s17, $0x38;
	[tilespmem:$0x1D080] =	vst v63  }
0x6f: {  	s22 =	sadd.s32 $0x80, s19;
	s23 =	sadd.s32 $0x2400, s11  }
0x70: {  	[tilespmem:s23], [sflag:$0x2] =	stream.strided.gather [hbm4b:s22+s17], $0x400, s18, s17, $0x38;
	[tilespmem:$0x1D080] =	vst v63  }
0x71: {  	s22 =	sadd.s32 $0x100, s19;
	s23 =	sadd.s32 $0x2800, s11  }
0x72: {  	[tilespmem:s23], [sflag:$0x2] =	stream.strided.gather [hbm4b:s22+s17], $0x400, s18, s17, $0x38;
	[tilespmem:$0x1D080] =	vst v63  }
0x73: {  	s22 =	sadd.s32 $0x180, s19;
	s23 =	sadd.s32 $0x2C00, s11  }
0x74: {  	[tilespmem:s23], [sflag:$0x2] =	stream.strided.gather [hbm4b:s22+s17], $0x400, s18, s17, $0x38;
	[tilespmem:$0x1D080] =	vst v63  }
0x75: {  	s22 =	sadd.s32 $0x200, s19;
	s23 =	sadd.s32 $0x3000, s11  }
0x76: {  	[tilespmem:s23], [sflag:$0x2] =	stream.strided.gather [hbm4b:s22+s17], $0x400, s18, s17, $0x38;
	[tilespmem:$0x1D080] =	vst v63  }
0x77: {  	s22 =	sadd.s32 $0x280, s19;
	s23 =	sadd.s32 $0x3400, s11  }
0x78: {  	[tilespmem:s23], [sflag:$0x2] =	stream.strided.gather [hbm4b:s22+s17], $0x400, s18, s17, $0x38;
	[tilespmem:$0x1D080] =	vst v63  }
0x79: {  	s22 =	sadd.s32 $0x300, s19;
	s23 =	sadd.s32 $0x3800, s11  }
0x7a: {  	[tilespmem:s23], [sflag:$0x2] =	stream.strided.gather [hbm4b:s22+s17], $0x400, s18, s17, $0x38;
	[tilespmem:$0x1D080] =	vst v63  }
0x7b: {  	s22 =	sadd.s32 $0x380, s19;
	s23 =	sadd.s32 $0x3C00, s11  }
0x7c: {  	[tilespmem:s23], [sflag:$0x2] =	stream.strided.gather [hbm4b:s22+s17], $0x400, s18, s17, $0x38;
	[tilespmem:$0x1D080] =	vst v63  }
0x7d: {  	s8 =	sadd.s32 $0x300000, s8  }
0x7e: {  	[tilespmem:s28], [sflag:$0x2] =	stream.linear.gather [hbm4b:s8+s2], $0x80, $0x38;
	[tilespmem:$0x1D080] =	vst v63  }
0x7f: {  	s20 =	sadd.s32 $0x80, s8  }
0x80: {  	[tilespmem:s29], [sflag:$0x2] =	stream.linear.gather [hbm4b:s20+s2], $0x80, $0x38;
	[tilespmem:$0x1D080] =	vst v63  }
0x81: {  	s21 =	sadd.s32 $0x100, s8  }
0x82: {  	[tilespmem:s30], [sflag:$0x2] =	stream.linear.gather [hbm4b:s21+s2], $0x80, $0x38;
	[tilespmem:$0x1D080] =	vst v63  }
0x83: {  	s22 =	sadd.s32 $0x180, s8  }
0x84: {  	[tilespmem:s31], [sflag:$0x2] =	stream.linear.gather [hbm4b:s22+s2], $0x80, $0x38;
	[tilespmem:$0x1D080] =	vst v63  }
0x85: {  	s23 =	sadd.s32 $0x200, s8  }
0x86: {  	[tilespmem:s0], [sflag:$0x2] =	stream.linear.gather [hbm4b:s23+s2], $0x80, $0x38;
	[tilespmem:$0x1D080] =	vst v63  }
0x87: {  	s19 =	sadd.s32 $0x280, s8  }
0x88: {  	[tilespmem:s3], [sflag:$0x2] =	stream.linear.gather [hbm4b:s19+s2], $0x80, $0x38;
	[tilespmem:$0x1D080] =	vst v63  }
0x89: {  	s20 =	sadd.s32 $0x300, s8;
	s21 =	sor.u32 s7, s12  }
0x8a: {  	[tilespmem:s1], [sflag:$0x2] =	stream.linear.gather [hbm4b:s20+s2], $0x80, $0x38;
	[tilespmem:$0x1D080] =	vst v63  }
0x8b: {  	s22 =	sadd.s32 $0x380, s8;
	s23 =	smul.u32 $0x180, s21  }
0x8c: {  	[tilespmem:s15], [sflag:$0x2] =	stream.linear.gather [hbm4b:s22+s2], $0x80, $0x38;
	[tilespmem:$0x1D080] =	vst v63  }
0x8d: {  	s11 =	sadd.s32 s5, s23  }
0x8e: {  	[tilespmem:s13], [sflag:$0x3] =	stream.linear.gather [hbm4b:s11+s2], $0xC00, $0x38;
	[tilespmem:$0x1D080] =	vst v63  }
0x8f: {  	_ =	swait.ge [sflag:s14], $0xC00  }
0x90: {  	[sflag:s14] =	ssyncset.done $0x0  }
0x91: {  	[sflag:s14] =	ssyncadd.s32 $0xFFFFF400  }
0x92: {  	_ =	swait.ge [sflag:s16], $0xC400  }
0x93: {  	[sflag:s16] =	ssyncset.done $0x0  }
0x94: {  	[sflag:s16] =	ssyncadd.s32 $0xFFFF3C00  }
0x95: {  	_ =	swait.ge [sflag:s16], $0xC400  }
0x96: {  	[sflag:s16] =	ssyncset.done $0x0  }
0x97: {  	[sflag:s16] =	ssyncadd.s32 $0xFFFF3C00  }
0x98: {  	v0 =	vld [tilespmem:$0x1C000];
	_ =	sdelay $0x4  }
0x99: {  	v1 =	vshll.u32 v0, $0x3  }
0x9a: {  	v3 =	vld [tilespmem:$0x1C010];
	v2 =	vshrl.u32 v0, $0x4;
	v0 =	vand.u32 $0xFFFFC07F, v0;
	v1 =	vand.u32 $0x3C00, v1  }
0x9b: {  	v2 =	vand.u32 $0x380, v2;
	v0 =	vor.u32 v1, v0  }
0x9c: {  	v0 =	vor.u32 v2, v0;
	_ =	sdelay $0x2  }
0x9d: {  	v14 =	vshll.u32 v3, $0x3  }
0x9e: {  	v4 =	vld [tilespmem:$0x1C020];
	v15 =	vshrl.u32 v3, $0x4;
	v3 =	vand.u32 $0xFFFFC07F, v3;
	v1 =	vand.u32 $0x3C00, v14  }
0x9f: {  	v2 =	vand.u32 $0x380, v15;
	v1 =	vor.u32 v1, v3;
	v0 =	vld.idx.msk [tilespmem:v0+s2+$0x0], $0xffff  }
0xa0: {  	v1 =	vor.u32 v2, v1;
	_ =	sdelay $0x2  }
0xa1: {  	v16 =	vshll.u32 v4, $0x3  }
0xa2: {  	v20 =	vld [tilespmem:$0x1C030];
	v18 =	vshrl.u32 v4, $0x4;
	v19 =	vand.u32 $0xFFFFC07F, v4;
	v17 =	vand.u32 $0x3C00, v16;
	[tilespmem:$0x1C000] =	vst v0  }
0xa3: {  	v2 =	vand.u32 $0x380, v18;
	v0 =	vor.u32 v17, v19;
	v1 =	vld.idx.msk [tilespmem:v1+s2+$0x0], $0xffff  }
0xa4: {  	v0 =	vor.u32 v2, v0;
	_ =	sdelay $0x2  }
0xa5: {  	v21 =	vshll.u32 v20, $0x3  }
0xa6: {  	v25 =	vld [tilespmem:$0x1C040];
	v23 =	vshrl.u32 v20, $0x4;
	v24 =	vand.u32 $0xFFFFC07F, v20;
	v22 =	vand.u32 $0x3C00, v21;
	[tilespmem:$0x1C010] =	vst v1  }
0xa7: {  	v2 =	vand.u32 $0x380, v23;
	v1 =	vor.u32 v22, v24;
	v0 =	vld.idx.msk [tilespmem:v0+s2+$0x0], $0xffff  }
0xa8: {  	v1 =	vor.u32 v2, v1;
	_ =	sdelay $0x2  }
0xa9: {  	v26 =	vshll.u32 v25, $0x3  }
0xaa: {  	v30 =	vld [tilespmem:$0x1C050];
	v28 =	vshrl.u32 v25, $0x4;
	v29 =	vand.u32 $0xFFFFC07F, v25;
	v27 =	vand.u32 $0x3C00, v26;
	[tilespmem:$0x1C020] =	vst v0  }
0xab: {  	v2 =	vand.u32 $0x380, v28;
	v0 =	vor.u32 v27, v29;
	v1 =	vld.idx.msk [tilespmem:v1+s2+$0x0], $0xffff  }
0xac: {  	v0 =	vor.u32 v2, v0;
	_ =	sdelay $0x2  }
0xad: {  	v31 =	vshll.u32 v30, $0x3  }
0xae: {  	v35 =	vld [tilespmem:$0x1C060];
	v33 =	vshrl.u32 v30, $0x4;
	v34 =	vand.u32 $0xFFFFC07F, v30;
	v32 =	vand.u32 $0x3C00, v31;
	[tilespmem:$0x1C030] =	vst v1  }
0xaf: {  	v2 =	vand.u32 $0x380, v33;
	v1 =	vor.u32 v32, v34;
	v0 =	vld.idx.msk [tilespmem:v0+s2+$0x0], $0xffff  }
0xb0: {  	v1 =	vor.u32 v2, v1;
	_ =	sdelay $0x2  }
0xb1: {  	v36 =	vshll.u32 v35, $0x3  }
0xb2: {  	v40 =	vld [tilespmem:$0x1C070];
	v38 =	vshrl.u32 v35, $0x4;
	v39 =	vand.u32 $0xFFFFC07F, v35;
	v37 =	vand.u32 $0x3C00, v36;
	[tilespmem:$0x1C040] =	vst v0  }
0xb3: {  	v2 =	vand.u32 $0x380, v38;
	v0 =	vor.u32 v37, v39;
	v1 =	vld.idx.msk [tilespmem:v1+s2+$0x0], $0xffff  }
0xb4: {  	v0 =	vor.u32 v2, v0;
	_ =	sdelay $0x2  }
0xb5: {  	v41 =	vshll.u32 v40, $0x3  }
0xb6: {  	v45 =	vld [tilespmem:$0x1C080];
	v43 =	vshrl.u32 v40, $0x4;
	v44 =	vand.u32 $0xFFFFC07F, v40;
	v42 =	vand.u32 $0x3C00, v41;
	[tilespmem:$0x1C050] =	vst v1  }
0xb7: {  	v2 =	vand.u32 $0x380, v43;
	v1 =	vor.u32 v42, v44;
	v0 =	vld.idx.msk [tilespmem:v0+s2+$0x0], $0xffff  }
0xb8: {  	v1 =	vor.u32 v2, v1;
	_ =	sdelay $0x2  }
0xb9: {  	v46 =	vshll.u32 v45, $0x3  }
0xba: {  	v50 =	vld [tilespmem:$0x1C090];
	v48 =	vshrl.u32 v45, $0x4;
	v49 =	vand.u32 $0xFFFFC07F, v45;
	v47 =	vand.u32 $0x3C00, v46;
	[tilespmem:$0x1C060] =	vst v0  }
0xbb: {  	v2 =	vand.u32 $0x380, v48;
	v0 =	vor.u32 v47, v49;
	v1 =	vld.idx.msk [tilespmem:v1+s2+$0x0], $0xffff  }
0xbc: {  	v0 =	vor.u32 v2, v0;
	_ =	sdelay $0x2  }
0xbd: {  	v51 =	vshll.u32 v50, $0x3  }
0xbe: {  	v55 =	vld [tilespmem:$0x1C0A0];
	v53 =	vshrl.u32 v50, $0x4;
	v54 =	vand.u32 $0xFFFFC07F, v50;
	v52 =	vand.u32 $0x3C00, v51;
	[tilespmem:$0x1C070] =	vst v1  }
0xbf: {  	v2 =	vand.u32 $0x380, v53;
	v1 =	vor.u32 v52, v54;
	v0 =	vld.idx.msk [tilespmem:v0+s2+$0x0], $0xffff  }
0xc0: {  	v1 =	vor.u32 v2, v1;
	_ =	sdelay $0x2  }
0xc1: {  	v56 =	vshll.u32 v55, $0x3  }
0xc2: {  	v60 =	vld [tilespmem:$0x1C0B0];
	v58 =	vshrl.u32 v55, $0x4;
	v59 =	vand.u32 $0xFFFFC07F, v55;
	v57 =	vand.u32 $0x3C00, v56;
	[tilespmem:$0x1C080] =	vst v0  }
0xc3: {  	v2 =	vand.u32 $0x380, v58;
	v0 =	vor.u32 v57, v59;
	v1 =	vld.idx.msk [tilespmem:v1+s2+$0x0], $0xffff  }
0xc4: {  	v0 =	vor.u32 v2, v0;
	_ =	sdelay $0x2  }
0xc5: {  	v61 =	vshll.u32 v60, $0x3  }
0xc6: {  	v9 =	vld [tilespmem:$0x1C0C0];
	v63 =	vshrl.u32 v60, $0x4;
	v8 =	vand.u32 $0xFFFFC07F, v60;
	v62 =	vand.u32 $0x3C00, v61;
	[tilespmem:$0x1C090] =	vst v1  }
0xc7: {  	v2 =	vand.u32 $0x380, v63;
	v1 =	vor.u32 v62, v8;
	v0 =	vld.idx.msk [tilespmem:v0+s2+$0x0], $0xffff  }
0xc8: {  	v1 =	vor.u32 v2, v1;
	_ =	sdelay $0x2  }
0xc9: {  	v10 =	vshll.u32 v9, $0x3  }
0xca: {  	v12 =	vshrl.u32 v9, $0x4;
	v13 =	vand.u32 $0xFFFFC07F, v9;
	v11 =	vand.u32 $0x3C00, v10;
	v14 =	vld [tilespmem:$0x1C0D0];
	[tilespmem:$0x1C0A0] =	vst v0  }
0xcb: {  	v2 =	vand.u32 $0x380, v12;
	v0 =	vor.u32 v11, v13;
	v1 =	vld.idx.msk [tilespmem:v1+s2+$0x0], $0xffff  }
0xcc: {  	v0 =	vor.u32 v2, v0;
	_ =	sdelay $0x2  }
0xcd: {  	v15 =	vshll.u32 v14, $0x3  }
0xce: {  	v18 =	vand.u32 $0xFFFFC07F, v14;
	v16 =	vand.u32 $0x3C00, v15;
	v17 =	vshrl.u32 v14, $0x4;
	v19 =	vld [tilespmem:$0x1C0E0];
	[tilespmem:$0x1C0B0] =	vst v1  }
0xcf: {  	v2 =	vand.u32 $0x380, v17;
	v1 =	vor.u32 v16, v18;
	v0 =	vld.idx.msk [tilespmem:v0+s2+$0x0], $0xffff  }
0xd0: {  	v1 =	vor.u32 v2, v1;
	_ =	sdelay $0x2  }
0xd1: {  	v20 =	vshll.u32 v19, $0x3  }
0xd2: {  	v23 =	vand.u32 $0xFFFFC07F, v19;
	v21 =	vand.u32 $0x3C00, v20;
	v22 =	vshrl.u32 v19, $0x4;
	v24 =	vld [tilespmem:$0x1C0F0];
	[tilespmem:$0x1C0C0] =	vst v0  }
0xd3: {  	v2 =	vand.u32 $0x380, v22;
	v0 =	vor.u32 v21, v23;
	v1 =	vld.idx.msk [tilespmem:v1+s2+$0x0], $0xffff  }
0xd4: {  	v0 =	vor.u32 v2, v0;
	_ =	sdelay $0x2  }
0xd5: {  	v25 =	vshll.u32 v24, $0x3  }
0xd6: {  	v28 =	vand.u32 $0xFFFFC07F, v24;
	v26 =	vand.u32 $0x3C00, v25;
	v27 =	vshrl.u32 v24, $0x4;
	v29 =	vld [tilespmem:$0x1C100];
	[tilespmem:$0x1C0D0] =	vst v1  }
0xd7: {  	v2 =	vand.u32 $0x380, v27;
	v1 =	vor.u32 v26, v28;
	v0 =	vld.idx.msk [tilespmem:v0+s2+$0x0], $0xffff  }
0xd8: {  	v1 =	vor.u32 v2, v1;
	_ =	sdelay $0x2  }
0xd9: {  	v30 =	vshll.u32 v29, $0x3  }
0xda: {  	v33 =	vand.u32 $0xFFFFC07F, v29;
	v31 =	vand.u32 $0x3C00, v30;
	v32 =	vshrl.u32 v29, $0x4;
	v34 =	vld [tilespmem:$0x1C110];
	[tilespmem:$0x1C0E0] =	vst v0  }
0xdb: {  	v2 =	vand.u32 $0x380, v32;
	v0 =	vor.u32 v31, v33;
	v1 =	vld.idx.msk [tilespmem:v1+s2+$0x0], $0xffff  }
0xdc: {  	v0 =	vor.u32 v2, v0;
	_ =	sdelay $0x2  }
0xdd: {  	v35 =	vshll.u32 v34, $0x3  }
0xde: {  	v38 =	vand.u32 $0xFFFFC07F, v34;
	v36 =	vand.u32 $0x3C00, v35;
	v37 =	vshrl.u32 v34, $0x4;
	v39 =	vld [tilespmem:$0x1C120];
	[tilespmem:$0x1C0F0] =	vst v1  }
0xdf: {  	v2 =	vand.u32 $0x380, v37;
	v1 =	vor.u32 v36, v38;
	v0 =	vld.idx.msk [tilespmem:v0+s2+$0x0], $0xffff  }
0xe0: {  	v1 =	vor.u32 v2, v1;
	_ =	sdelay $0x2  }
0xe1: {  	v40 =	vshll.u32 v39, $0x3  }
0xe2: {  	v43 =	vand.u32 $0xFFFFC07F, v39;
	v41 =	vand.u32 $0x3C00, v40;
	v42 =	vshrl.u32 v39, $0x4;
	v44 =	vld [tilespmem:$0x1C130];
	[tilespmem:$0x1C100] =	vst v0  }
0xe3: {  	v2 =	vand.u32 $0x380, v42;
	v0 =	vor.u32 v41, v43;
	v1 =	vld.idx.msk [tilespmem:v1+s2+$0x0], $0xffff  }
0xe4: {  	v0 =	vor.u32 v2, v0;
	_ =	sdelay $0x2  }
0xe5: {  	v45 =	vshll.u32 v44, $0x3  }
0xe6: {  	v48 =	vand.u32 $0xFFFFC07F, v44;
	v46 =	vand.u32 $0x3C00, v45;
	v47 =	vshrl.u32 v44, $0x4;
	v49 =	vld [tilespmem:$0x1C140];
	[tilespmem:$0x1C110] =	vst v1  }
0xe7: {  	v2 =	vand.u32 $0x380, v47;
	v1 =	vor.u32 v46, v48;
	v0 =	vld.idx.msk [tilespmem:v0+s2+$0x0], $0xffff  }
0xe8: {  	v1 =	vor.u32 v2, v1;
	_ =	sdelay $0x2  }
0xe9: {  	v50 =	vshll.u32 v49, $0x3  }
0xea: {  	v53 =	vand.u32 $0xFFFFC07F, v49;
	v51 =	vand.u32 $0x3C00, v50;
	v52 =	vshrl.u32 v49, $0x4;
	v54 =	vld [tilespmem:$0x1C150];
	[tilespmem:$0x1C120] =	vst v0  }
0xeb: {  	v2 =	vand.u32 $0x380, v52;
	v0 =	vor.u32 v51, v53;
	v1 =	vld.idx.msk [tilespmem:v1+s2+$0x0], $0xffff  }
0xec: {  	v0 =	vor.u32 v2, v0;
	_ =	sdelay $0x2  }
0xed: {  	v55 =	vshll.u32 v54, $0x3  }
0xee: {  	v58 =	vand.u32 $0xFFFFC07F, v54;
	v56 =	vand.u32 $0x3C00, v55;
	v57 =	vshrl.u32 v54, $0x4;
	v59 =	vld [tilespmem:$0x1C160];
	[tilespmem:$0x1C130] =	vst v1  }
0xef: {  	v2 =	vand.u32 $0x380, v57;
	v1 =	vor.u32 v56, v58;
	v0 =	vld.idx.msk [tilespmem:v0+s2+$0x0], $0xffff  }
0xf0: {  	v1 =	vor.u32 v2, v1;
	_ =	sdelay $0x2  }
0xf1: {  	v60 =	vshll.u32 v59, $0x3  }
0xf2: {  	v63 =	vand.u32 $0xFFFFC07F, v59;
	v61 =	vand.u32 $0x3C00, v60;
	v62 =	vshrl.u32 v59, $0x4;
	v8 =	vld [tilespmem:$0x1C170];
	[tilespmem:$0x1C140] =	vst v0  }
0xf3: {  	v2 =	vand.u32 $0x380, v62;
	v0 =	vor.u32 v61, v63;
	v1 =	vld.idx.msk [tilespmem:v1+s2+$0x0], $0xffff  }
0xf4: {  	v0 =	vor.u32 v2, v0;
	_ =	sdelay $0x2  }
0xf5: {  	v9 =	vshll.u32 v8, $0x3  }
0xf6: {  	v12 =	vand.u32 $0xFFFFC07F, v8;
	v10 =	vand.u32 $0x3C00, v9;
	v11 =	vshrl.u32 v8, $0x4;
	v13 =	vld [tilespmem:$0x1C180];
	[tilespmem:$0x1C150] =	vst v1  }
0xf7: {  	v2 =	vand.u32 $0x380, v11;
	v1 =	vor.u32 v10, v12;
	v0 =	vld.idx.msk [tilespmem:v0+s2+$0x0], $0xffff  }
0xf8: {  	v1 =	vor.u32 v2, v1;
	_ =	sdelay $0x2  }
0xf9: {  	v14 =	vshll.u32 v13, $0x3  }
0xfa: {  	v17 =	vand.u32 $0xFFFFC07F, v13;
	v15 =	vand.u32 $0x3C00, v14;
	v16 =	vshrl.u32 v13, $0x4;
	v18 =	vld [tilespmem:$0x1C190];
	[tilespmem:$0x1C160] =	vst v0  }
0xfb: {  	v2 =	vand.u32 $0x380, v16;
	v0 =	vor.u32 v15, v17;
	v1 =	vld.idx.msk [tilespmem:v1+s2+$0x0], $0xffff  }
0xfc: {  	v0 =	vor.u32 v2, v0;
	_ =	sdelay $0x2  }
0xfd: {  	v19 =	vshll.u32 v18, $0x3  }
0xfe: {  	v22 =	vand.u32 $0xFFFFC07F, v18;
	v20 =	vand.u32 $0x3C00, v19;
	v21 =	vshrl.u32 v18, $0x4;
	v23 =	vld [tilespmem:$0x1C1A0];
	[tilespmem:$0x1C170] =	vst v1  }
0xff: {  	v2 =	vand.u32 $0x380, v21;
	v1 =	vor.u32 v20, v22;
	v0 =	vld.idx.msk [tilespmem:v0+s2+$0x0], $0xffff  }
0x100: {  	v1 =	vor.u32 v2, v1;
	_ =	sdelay $0x2  }
0x101: {  	v24 =	vshll.u32 v23, $0x3  }
0x102: {  	v27 =	vand.u32 $0xFFFFC07F, v23;
	v25 =	vand.u32 $0x3C00, v24;
	v26 =	vshrl.u32 v23, $0x4;
	[tilespmem:$0x1C180] =	vst v0  }
0x103: {  	v2 =	vand.u32 $0x380, v26;
	v0 =	vor.u32 v25, v27;
	v1 =	vld.idx.msk [tilespmem:v1+s2+$0x0], $0xffff  }
0x104: {  	v0 =	vor.u32 v2, v0;
	_ =	sdelay $0x3  }
0x105: {  	[tilespmem:$0x1C190] =	vst v1  }
0x106: {  	v0 =	vld.idx.msk [tilespmem:v0+s2+$0x0], $0xffff  }
0x107: {  	v28 =	vld [tilespmem:$0x1C1B0];
	_ =	sdelay $0x4  }
0x108: {  	v29 =	vshll.u32 v28, $0x3  }
0x109: {  	v31 =	vld [tilespmem:$0x1C1C0];
	v30 =	vshrl.u32 v28, $0x4;
	v1 =	vand.u32 $0xFFFFC07F, v28;
	v2 =	vand.u32 $0x3C00, v29  }
0x10a: {  	v3 =	vand.u32 $0x380, v30;
	v1 =	vor.u32 v2, v1  }
0x10b: {  	v1 =	vor.u32 v3, v1;
	_ =	sdelay $0x2  }
0x10c: {  	v32 =	vshll.u32 v31, $0x3  }
0x10d: {  	v36 =	vld [tilespmem:$0x1C1D0];
	[tilespmem:$0x1C1A0] =	vst v0;
	v34 =	vshrl.u32 v31, $0x4;
	v35 =	vand.u32 $0xFFFFC07F, v31;
	v33 =	vand.u32 $0x3C00, v32  }
0x10e: {  	v2 =	vand.u32 $0x380, v34;
	v0 =	vor.u32 v33, v35;
	v1 =	vld.idx.msk [tilespmem:v1+s2+$0x0], $0xffff  }
0x10f: {  	v0 =	vor.u32 v2, v0;
	_ =	sdelay $0x2  }
0x110: {  	v37 =	vshll.u32 v36, $0x3  }
0x111: {  	v41 =	vld [tilespmem:$0x1C1E0];
	v39 =	vshrl.u32 v36, $0x4;
	v40 =	vand.u32 $0xFFFFC07F, v36;
	v38 =	vand.u32 $0x3C00, v37;
	[tilespmem:$0x1C1B0] =	vst v1  }
0x112: {  	v2 =	vand.u32 $0x380, v39;
	v1 =	vor.u32 v38, v40;
	v0 =	vld.idx.msk [tilespmem:v0+s2+$0x0], $0xffff  }
0x113: {  	v1 =	vor.u32 v2, v1;
	_ =	sdelay $0x2  }
0x114: {  	v42 =	vshll.u32 v41, $0x3  }
0x115: {  	v46 =	vld [tilespmem:$0x1C1F0];
	v44 =	vshrl.u32 v41, $0x4;
	v45 =	vand.u32 $0xFFFFC07F, v41;
	v43 =	vand.u32 $0x3C00, v42;
	[tilespmem:$0x1C1C0] =	vst v0  }
0x116: {  	v2 =	vand.u32 $0x380, v44;
	v0 =	vor.u32 v43, v45;
	v1 =	vld.idx.msk [tilespmem:v1+s2+$0x0], $0xffff  }
0x117: {  	v0 =	vor.u32 v2, v0;
	_ =	sdelay $0x2  }
0x118: {  	v47 =	vshll.u32 v46, $0x3  }
0x119: {  	v51 =	vld [tilespmem:$0x1C200];
	v49 =	vshrl.u32 v46, $0x4;
	v50 =	vand.u32 $0xFFFFC07F, v46;
	v48 =	vand.u32 $0x3C00, v47;
	[tilespmem:$0x1C1D0] =	vst v1  }
0x11a: {  	v2 =	vand.u32 $0x380, v49;
	v1 =	vor.u32 v48, v50;
	v0 =	vld.idx.msk [tilespmem:v0+s2+$0x0], $0xffff  }
0x11b: {  	v1 =	vor.u32 v2, v1;
	_ =	sdelay $0x2  }
0x11c: {  	v52 =	vshll.u32 v51, $0x3  }
0x11d: {  	v56 =	vld [tilespmem:$0x1C210];
	v54 =	vshrl.u32 v51, $0x4;
	v55 =	vand.u32 $0xFFFFC07F, v51;
	v53 =	vand.u32 $0x3C00, v52;
	[tilespmem:$0x1C1E0] =	vst v0  }
0x11e: {  	v2 =	vand.u32 $0x380, v54;
	v0 =	vor.u32 v53, v55;
	v1 =	vld.idx.msk [tilespmem:v1+s2+$0x0], $0xffff  }
0x11f: {  	v0 =	vor.u32 v2, v0;
	_ =	sdelay $0x2  }
0x120: {  	v57 =	vshll.u32 v56, $0x3  }
0x121: {  	v61 =	vld [tilespmem:$0x1C220];
	v59 =	vshrl.u32 v56, $0x4;
	v60 =	vand.u32 $0xFFFFC07F, v56;
	v58 =	vand.u32 $0x3C00, v57;
	[tilespmem:$0x1C1F0] =	vst v1  }
0x122: {  	v2 =	vand.u32 $0x380, v59;
	v1 =	vor.u32 v58, v60;
	v0 =	vld.idx.msk [tilespmem:v0+s2+$0x0], $0xffff  }
0x123: {  	v1 =	vor.u32 v2, v1;
	_ =	sdelay $0x2  }
0x124: {  	v62 =	vshll.u32 v61, $0x3  }
0x125: {  	v10 =	vld [tilespmem:$0x1C230];
	v8 =	vshrl.u32 v61, $0x4;
	v9 =	vand.u32 $0xFFFFC07F, v61;
	v63 =	vand.u32 $0x3C00, v62;
	[tilespmem:$0x1C200] =	vst v0  }
0x126: {  	v2 =	vand.u32 $0x380, v8;
	v0 =	vor.u32 v63, v9;
	v1 =	vld.idx.msk [tilespmem:v1+s2+$0x0], $0xffff  }
0x127: {  	v0 =	vor.u32 v2, v0;
	_ =	sdelay $0x2  }
0x128: {  	v11 =	vshll.u32 v10, $0x3  }
0x129: {  	v15 =	vld [tilespmem:$0x1C240];
	v13 =	vshrl.u32 v10, $0x4;
	v14 =	vand.u32 $0xFFFFC07F, v10;
	v12 =	vand.u32 $0x3C00, v11;
	[tilespmem:$0x1C210] =	vst v1  }
0x12a: {  	v2 =	vand.u32 $0x380, v13;
	v1 =	vor.u32 v12, v14;
	v0 =	vld.idx.msk [tilespmem:v0+s2+$0x0], $0xffff  }
0x12b: {  	v1 =	vor.u32 v2, v1;
	_ =	sdelay $0x2  }
0x12c: {  	v16 =	vshll.u32 v15, $0x3  }
0x12d: {  	v20 =	vld [tilespmem:$0x1C250];
	v18 =	vshrl.u32 v15, $0x4;
	v19 =	vand.u32 $0xFFFFC07F, v15;
	v17 =	vand.u32 $0x3C00, v16;
	[tilespmem:$0x1C220] =	vst v0  }
0x12e: {  	v2 =	vand.u32 $0x380, v18;
	v0 =	vor.u32 v17, v19;
	v1 =	vld.idx.msk [tilespmem:v1+s2+$0x0], $0xffff  }
0x12f: {  	v0 =	vor.u32 v2, v0;
	_ =	sdelay $0x2  }
0x130: {  	v21 =	vshll.u32 v20, $0x3  }
0x131: {  	v25 =	vld [tilespmem:$0x1C260];
	v23 =	vshrl.u32 v20, $0x4;
	v24 =	vand.u32 $0xFFFFC07F, v20;
	v22 =	vand.u32 $0x3C00, v21;
	[tilespmem:$0x1C230] =	vst v1  }
0x132: {  	v2 =	vand.u32 $0x380, v23;
	v1 =	vor.u32 v22, v24;
	v0 =	vld.idx.msk [tilespmem:v0+s2+$0x0], $0xffff  }
0x133: {  	v1 =	vor.u32 v2, v1;
	_ =	sdelay $0x2  }
0x134: {  	v26 =	vshll.u32 v25, $0x3  }
0x135: {  	v28 =	vshrl.u32 v25, $0x4;
	v27 =	vand.u32 $0x3C00, v26;
	v29 =	vand.u32 $0xFFFFC07F, v25;
	v30 =	vld [tilespmem:$0x1C270];
	[tilespmem:$0x1C240] =	vst v0  }
0x136: {  	v2 =	vand.u32 $0x380, v28;
	v0 =	vor.u32 v27, v29;
	v1 =	vld.idx.msk [tilespmem:v1+s2+$0x0], $0xffff  }
0x137: {  	v0 =	vor.u32 v2, v0;
	_ =	sdelay $0x2  }
0x138: {  	v31 =	vshll.u32 v30, $0x3  }
0x139: {  	v35 =	vld [tilespmem:$0x1C280];
	v33 =	vshrl.u32 v30, $0x4;
	v34 =	vand.u32 $0xFFFFC07F, v30;
	v32 =	vand.u32 $0x3C00, v31;
	[tilespmem:$0x1C250] =	vst v1  }
0x13a: {  	v2 =	vand.u32 $0x380, v33;
	v1 =	vor.u32 v32, v34;
	v0 =	vld.idx.msk [tilespmem:v0+s2+$0x0], $0xffff  }
0x13b: {  	v1 =	vor.u32 v2, v1;
	_ =	sdelay $0x2  }
0x13c: {  	v36 =	vshll.u32 v35, $0x3  }
0x13d: {  	v39 =	vand.u32 $0xFFFFC07F, v35;
	v37 =	vand.u32 $0x3C00, v36;
	v38 =	vshrl.u32 v35, $0x4;
	v40 =	vld [tilespmem:$0x1C290];
	[tilespmem:$0x1C260] =	vst v0  }
0x13e: {  	v2 =	vand.u32 $0x380, v38;
	v0 =	vor.u32 v37, v39;
	v1 =	vld.idx.msk [tilespmem:v1+s2+$0x0], $0xffff  }
0x13f: {  	v0 =	vor.u32 v2, v0;
	_ =	sdelay $0x2  }
0x140: {  	v41 =	vshll.u32 v40, $0x3  }
0x141: {  	v44 =	vand.u32 $0xFFFFC07F, v40;
	v42 =	vand.u32 $0x3C00, v41;
	v43 =	vshrl.u32 v40, $0x4;
	v45 =	vld [tilespmem:$0x1C2A0];
	[tilespmem:$0x1C270] =	vst v1  }
0x142: {  	v2 =	vand.u32 $0x380, v43;
	v1 =	vor.u32 v42, v44;
	v0 =	vld.idx.msk [tilespmem:v0+s2+$0x0], $0xffff  }
0x143: {  	v1 =	vor.u32 v2, v1;
	_ =	sdelay $0x2  }
0x144: {  	v46 =	vshll.u32 v45, $0x3  }
0x145: {  	v49 =	vand.u32 $0xFFFFC07F, v45;
	v47 =	vand.u32 $0x3C00, v46;
	v48 =	vshrl.u32 v45, $0x4;
	v50 =	vld [tilespmem:$0x1C2B0];
	[tilespmem:$0x1C280] =	vst v0  }
0x146: {  	v2 =	vand.u32 $0x380, v48;
	v0 =	vor.u32 v47, v49;
	v1 =	vld.idx.msk [tilespmem:v1+s2+$0x0], $0xffff  }
0x147: {  	v0 =	vor.u32 v2, v0;
	_ =	sdelay $0x2  }
0x148: {  	v51 =	vshll.u32 v50, $0x3  }
0x149: {  	v54 =	vand.u32 $0xFFFFC07F, v50;
	v52 =	vand.u32 $0x3C00, v51;
	v53 =	vshrl.u32 v50, $0x4;
	v55 =	vld [tilespmem:$0x1C2C0];
	[tilespmem:$0x1C290] =	vst v1  }
0x14a: {  	v2 =	vand.u32 $0x380, v53;
	v1 =	vor.u32 v52, v54;
	v0 =	vld.idx.msk [tilespmem:v0+s2+$0x0], $0xffff  }
0x14b: {  	v1 =	vor.u32 v2, v1;
	_ =	sdelay $0x2  }
0x14c: {  	v56 =	vshll.u32 v55, $0x3  }
0x14d: {  	v59 =	vand.u32 $0xFFFFC07F, v55;
	v57 =	vand.u32 $0x3C00, v56;
	v58 =	vshrl.u32 v55, $0x4;
	v60 =	vld [tilespmem:$0x1C2D0];
	[tilespmem:$0x1C2A0] =	vst v0  }
0x14e: {  	v2 =	vand.u32 $0x380, v58;
	v0 =	vor.u32 v57, v59;
	v1 =	vld.idx.msk [tilespmem:v1+s2+$0x0], $0xffff  }
0x14f: {  	v0 =	vor.u32 v2, v0;
	_ =	sdelay $0x2  }
0x150: {  	v61 =	vshll.u32 v60, $0x3  }
0x151: {  	v8 =	vand.u32 $0xFFFFC07F, v60;
	v62 =	vand.u32 $0x3C00, v61;
	v63 =	vshrl.u32 v60, $0x4;
	v9 =	vld [tilespmem:$0x1C2E0];
	[tilespmem:$0x1C2B0] =	vst v1  }
0x152: {  	v2 =	vand.u32 $0x380, v63;
	v1 =	vor.u32 v62, v8;
	v0 =	vld.idx.msk [tilespmem:v0+s2+$0x0], $0xffff  }
0x153: {  	v1 =	vor.u32 v2, v1;
	_ =	sdelay $0x2  }
0x154: {  	v10 =	vshll.u32 v9, $0x3  }
0x155: {  	v13 =	vand.u32 $0xFFFFC07F, v9;
	v11 =	vand.u32 $0x3C00, v10;
	v12 =	vshrl.u32 v9, $0x4;
	v14 =	vld [tilespmem:$0x1C2F0];
	[tilespmem:$0x1C2C0] =	vst v0  }
0x156: {  	v2 =	vand.u32 $0x380, v12;
	v0 =	vor.u32 v11, v13;
	v1 =	vld.idx.msk [tilespmem:v1+s2+$0x0], $0xffff  }
0x157: {  	v0 =	vor.u32 v2, v0;
	_ =	sdelay $0x2  }
0x158: {  	v15 =	vshll.u32 v14, $0x3  }
0x159: {  	v18 =	vand.u32 $0xFFFFC07F, v14;
	v16 =	vand.u32 $0x3C00, v15;
	v17 =	vshrl.u32 v14, $0x4;
	v19 =	vld [tilespmem:$0x1C300];
	[tilespmem:$0x1C2D0] =	vst v1  }
0x15a: {  	v2 =	vand.u32 $0x380, v17;
	v1 =	vor.u32 v16, v18;
	v0 =	vld.idx.msk [tilespmem:v0+s2+$0x0], $0xffff  }
0x15b: {  	v1 =	vor.u32 v2, v1;
	_ =	sdelay $0x2  }
0x15c: {  	v20 =	vshll.u32 v19, $0x3  }
0x15d: {  	v23 =	vand.u32 $0xFFFFC07F, v19;
	v21 =	vand.u32 $0x3C00, v20;
	v22 =	vshrl.u32 v19, $0x4;
	v24 =	vld [tilespmem:$0x1C310];
	[tilespmem:$0x1C2E0] =	vst v0  }
0x15e: {  	v2 =	vand.u32 $0x380, v22;
	v0 =	vor.u32 v21, v23;
	v1 =	vld.idx.msk [tilespmem:v1+s2+$0x0], $0xffff  }
0x15f: {  	v0 =	vor.u32 v2, v0;
	_ =	sdelay $0x2  }
0x160: {  	v25 =	vshll.u32 v24, $0x3  }
0x161: {  	v28 =	vand.u32 $0xFFFFC07F, v24;
	v26 =	vand.u32 $0x3C00, v25;
	v27 =	vshrl.u32 v24, $0x4;
	v29 =	vld [tilespmem:$0x1C320];
	[tilespmem:$0x1C2F0] =	vst v1  }
0x162: {  	v2 =	vand.u32 $0x380, v27;
	v1 =	vor.u32 v26, v28;
	v0 =	vld.idx.msk [tilespmem:v0+s2+$0x0], $0xffff  }
0x163: {  	v1 =	vor.u32 v2, v1;
	_ =	sdelay $0x2  }
0x164: {  	v30 =	vshll.u32 v29, $0x3  }
0x165: {  	v33 =	vand.u32 $0xFFFFC07F, v29;
	v31 =	vand.u32 $0x3C00, v30;
	v32 =	vshrl.u32 v29, $0x4;
	v34 =	vld [tilespmem:$0x1C330];
	[tilespmem:$0x1C300] =	vst v0  }
0x166: {  	v2 =	vand.u32 $0x380, v32;
	v0 =	vor.u32 v31, v33;
	v1 =	vld.idx.msk [tilespmem:v1+s2+$0x0], $0xffff  }
0x167: {  	v0 =	vor.u32 v2, v0;
	_ =	sdelay $0x2  }
0x168: {  	v35 =	vshll.u32 v34, $0x3  }
0x169: {  	v38 =	vand.u32 $0xFFFFC07F, v34;
	v36 =	vand.u32 $0x3C00, v35;
	v37 =	vshrl.u32 v34, $0x4;
	v39 =	vld [tilespmem:$0x1C340];
	[tilespmem:$0x1C310] =	vst v1  }
0x16a: {  	v2 =	vand.u32 $0x380, v37;
	v1 =	vor.u32 v36, v38;
	v0 =	vld.idx.msk [tilespmem:v0+s2+$0x0], $0xffff  }
0x16b: {  	v1 =	vor.u32 v2, v1;
	_ =	sdelay $0x2  }
0x16c: {  	v40 =	vshll.u32 v39, $0x3  }
0x16d: {  	v43 =	vand.u32 $0xFFFFC07F, v39;
	v41 =	vand.u32 $0x3C00, v40;
	v42 =	vshrl.u32 v39, $0x4;
	v44 =	vld [tilespmem:$0x1C350];
	[tilespmem:$0x1C320] =	vst v0  }
0x16e: {  	v2 =	vand.u32 $0x380, v42;
	v0 =	vor.u32 v41, v43;
	v1 =	vld.idx.msk [tilespmem:v1+s2+$0x0], $0xffff  }
0x16f: {  	v0 =	vor.u32 v2, v0;
	_ =	sdelay $0x2  }
0x170: {  	v45 =	vshll.u32 v44, $0x3  }
0x171: {  	v48 =	vand.u32 $0xFFFFC07F, v44;
	v46 =	vand.u32 $0x3C00, v45;
	v47 =	vshrl.u32 v44, $0x4;
	v49 =	vld [tilespmem:$0x1C360];
	[tilespmem:$0x1C330] =	vst v1  }
0x172: {  	v2 =	vand.u32 $0x380, v47;
	v1 =	vor.u32 v46, v48;
	v0 =	vld.idx.msk [tilespmem:v0+s2+$0x0], $0xffff  }
0x173: {  	v1 =	vor.u32 v2, v1;
	_ =	sdelay $0x2  }
0x174: {  	v50 =	vshll.u32 v49, $0x3  }
0x175: {  	v53 =	vand.u32 $0xFFFFC07F, v49;
	v51 =	vand.u32 $0x3C00, v50;
	v52 =	vshrl.u32 v49, $0x4;
	v54 =	vld [tilespmem:$0x1C370];
	[tilespmem:$0x1C340] =	vst v0  }
0x176: {  	v2 =	vand.u32 $0x380, v52;
	v0 =	vor.u32 v51, v53;
	v1 =	vld.idx.msk [tilespmem:v1+s2+$0x0], $0xffff  }
0x177: {  	v0 =	vor.u32 v2, v0;
	_ =	sdelay $0x2  }
0x178: {  	v55 =	vshll.u32 v54, $0x3  }
0x179: {  	v58 =	vand.u32 $0xFFFFC07F, v54;
	v56 =	vand.u32 $0x3C00, v55;
	v57 =	vshrl.u32 v54, $0x4;
	v59 =	vld [tilespmem:$0x1C380];
	[tilespmem:$0x1C350] =	vst v1  }
0x17a: {  	v2 =	vand.u32 $0x380, v57;
	v1 =	vor.u32 v56, v58;
	v0 =	vld.idx.msk [tilespmem:v0+s2+$0x0], $0xffff  }
0x17b: {  	v1 =	vor.u32 v2, v1;
	_ =	sdelay $0x2  }
0x17c: {  	v60 =	vshll.u32 v59, $0x3  }
0x17d: {  	v63 =	vand.u32 $0xFFFFC07F, v59;
	v61 =	vand.u32 $0x3C00, v60;
	v62 =	vshrl.u32 v59, $0x4;
	v8 =	vld [tilespmem:$0x1C390];
	[tilespmem:$0x1C360] =	vst v0  }
0x17e: {  	v2 =	vand.u32 $0x380, v62;
	v0 =	vor.u32 v61, v63;
	v1 =	vld.idx.msk [tilespmem:v1+s2+$0x0], $0xffff  }
0x17f: {  	v0 =	vor.u32 v2, v0;
	_ =	sdelay $0x2  }
0x180: {  	v9 =	vshll.u32 v8, $0x3  }
0x181: {  	v12 =	vand.u32 $0xFFFFC07F, v8;
	v10 =	vand.u32 $0x3C00, v9;
	v11 =	vshrl.u32 v8, $0x4;
	v13 =	vld [tilespmem:$0x1C3A0];
	[tilespmem:$0x1C370] =	vst v1  }
0x182: {  	v2 =	vand.u32 $0x380, v11;
	v1 =	vor.u32 v10, v12;
	v0 =	vld.idx.msk [tilespmem:v0+s2+$0x0], $0xffff  }
0x183: {  	v1 =	vor.u32 v2, v1;
	_ =	sdelay $0x2  }
0x184: {  	v14 =	vshll.u32 v13, $0x3  }
0x185: {  	v17 =	vand.u32 $0xFFFFC07F, v13;
	v15 =	vand.u32 $0x3C00, v14;
	v16 =	vshrl.u32 v13, $0x4;
	v18 =	vld [tilespmem:$0x1C3B0];
	[tilespmem:$0x1C380] =	vst v0  }
0x186: {  	v2 =	vand.u32 $0x380, v16;
	v0 =	vor.u32 v15, v17;
	v1 =	vld.idx.msk [tilespmem:v1+s2+$0x0], $0xffff  }
0x187: {  	v0 =	vor.u32 v2, v0;
	_ =	sdelay $0x2  }
0x188: {  	v19 =	vshll.u32 v18, $0x3  }
0x189: {  	v22 =	vand.u32 $0xFFFFC07F, v18;
	v20 =	vand.u32 $0x3C00, v19;
	v21 =	vshrl.u32 v18, $0x4;
	v23 =	vld [tilespmem:$0x1C3C0];
	[tilespmem:$0x1C390] =	vst v1  }
0x18a: {  	v2 =	vand.u32 $0x380, v21;
	v1 =	vor.u32 v20, v22;
	v0 =	vld.idx.msk [tilespmem:v0+s2+$0x0], $0xffff  }
0x18b: {  	v1 =	vor.u32 v2, v1;
	_ =	sdelay $0x2  }
0x18c: {  	v24 =	vshll.u32 v23, $0x3  }
0x18d: {  	v27 =	vand.u32 $0xFFFFC07F, v23;
	v25 =	vand.u32 $0x3C00, v24;
	v26 =	vshrl.u32 v23, $0x4;
	v28 =	vld [tilespmem:$0x1C3D0];
	[tilespmem:$0x1C3A0] =	vst v0  }
0x18e: {  	v2 =	vand.u32 $0x380, v26;
	v0 =	vor.u32 v25, v27;
	v1 =	vld.idx.msk [tilespmem:v1+s2+$0x0], $0xffff  }
0x18f: {  	v0 =	vor.u32 v2, v0;
	_ =	sdelay $0x2  }
0x190: {  	v29 =	vshll.u32 v28, $0x3  }
0x191: {  	v32 =	vand.u32 $0xFFFFC07F, v28;
	v30 =	vand.u32 $0x3C00, v29;
	v31 =	vshrl.u32 v28, $0x4;
	v33 =	vld [tilespmem:$0x1C3E0];
	[tilespmem:$0x1C3B0] =	vst v1  }
0x192: {  	v2 =	vand.u32 $0x380, v31;
	v1 =	vor.u32 v30, v32;
	v0 =	vld.idx.msk [tilespmem:v0+s2+$0x0], $0xffff  }
0x193: {  	v1 =	vor.u32 v2, v1;
	_ =	sdelay $0x2  }
0x194: {  	v34 =	vshll.u32 v33, $0x3  }
0x195: {  	v37 =	vand.u32 $0xFFFFC07F, v33;
	v35 =	vand.u32 $0x3C00, v34;
	v36 =	vshrl.u32 v33, $0x4;
	v38 =	vld [tilespmem:$0x1C3F0];
	[tilespmem:$0x1C3C0] =	vst v0  }
0x196: {  	v2 =	vand.u32 $0x380, v36;
	v0 =	vor.u32 v35, v37;
	v1 =	vld.idx.msk [tilespmem:v1+s2+$0x0], $0xffff  }
0x197: {  	v0 =	vor.u32 v2, v0;
	_ =	sdelay $0x2  }
0x198: {  	v39 =	vshll.u32 v38, $0x3  }
0x199: {  	v42 =	vand.u32 $0xFFFFC07F, v38;
	v40 =	vand.u32 $0x3C00, v39;
	v41 =	vshrl.u32 v38, $0x4;
	v43 =	vld [tilespmem:$0x1C400];
	[tilespmem:$0x1C3D0] =	vst v1  }
0x19a: {  	v2 =	vand.u32 $0x380, v41;
	v1 =	vor.u32 v40, v42;
	v0 =	vld.idx.msk [tilespmem:v0+s2+$0x0], $0xffff  }
0x19b: {  	v1 =	vor.u32 v2, v1;
	_ =	sdelay $0x2  }
0x19c: {  	v44 =	vshll.u32 v43, $0x3  }
0x19d: {  	v47 =	vand.u32 $0xFFFFC07F, v43;
	v45 =	vand.u32 $0x3C00, v44;
	v46 =	vshrl.u32 v43, $0x4;
	v48 =	vld [tilespmem:$0x1C410];
	[tilespmem:$0x1C3E0] =	vst v0  }
0x19e: {  	v2 =	vand.u32 $0x380, v46;
	v0 =	vor.u32 v45, v47;
	v1 =	vld.idx.msk [tilespmem:v1+s2+$0x0], $0xffff  }
0x19f: {  	v0 =	vor.u32 v2, v0;
	_ =	sdelay $0x2  }
0x1a0: {  	v49 =	vshll.u32 v48, $0x3  }
0x1a1: {  	v52 =	vand.u32 $0xFFFFC07F, v48;
	v50 =	vand.u32 $0x3C00, v49;
	v51 =	vshrl.u32 v48, $0x4;
	v53 =	vld [tilespmem:$0x1C420];
	[tilespmem:$0x1C3F0] =	vst v1  }
0x1a2: {  	v2 =	vand.u32 $0x380, v51;
	v1 =	vor.u32 v50, v52;
	v0 =	vld.idx.msk [tilespmem:v0+s2+$0x0], $0xffff  }
0x1a3: {  	v1 =	vor.u32 v2, v1;
	_ =	sdelay $0x2  }
0x1a4: {  	v54 =	vshll.u32 v53, $0x3  }
0x1a5: {  	v57 =	vand.u32 $0xFFFFC07F, v53;
	v55 =	vand.u32 $0x3C00, v54;
	v56 =	vshrl.u32 v53, $0x4;
	v58 =	vld [tilespmem:$0x1C430];
	[tilespmem:$0x1C400] =	vst v0  }
0x1a6: {  	v2 =	vand.u32 $0x380, v56;
	v0 =	vor.u32 v55, v57;
	v1 =	vld.idx.msk [tilespmem:v1+s2+$0x0], $0xffff  }
0x1a7: {  	v0 =	vor.u32 v2, v0;
	_ =	sdelay $0x2  }
0x1a8: {  	v59 =	vshll.u32 v58, $0x3  }
0x1a9: {  	v62 =	vand.u32 $0xFFFFC07F, v58;
	v60 =	vand.u32 $0x3C00, v59;
	v61 =	vshrl.u32 v58, $0x4;
	v63 =	vld [tilespmem:$0x1C440];
	[tilespmem:$0x1C410] =	vst v1  }
0x1aa: {  	v2 =	vand.u32 $0x380, v61;
	v1 =	vor.u32 v60, v62;
	v0 =	vld.idx.msk [tilespmem:v0+s2+$0x0], $0xffff  }
0x1ab: {  	v1 =	vor.u32 v2, v1;
	_ =	sdelay $0x2  }
0x1ac: {  	v7 =	vshll.u32 v63, $0x3  }
0x1ad: {  	v11 =	vld [tilespmem:$0x1C450];
	v9 =	vshrl.u32 v63, $0x4;
	v8 =	vand.u32 $0x3C00, v7;
	v10 =	vand.u32 $0xFFFFC07F, v63;
	[tilespmem:$0x1C420] =	vst v0  }
0x1ae: {  	v2 =	vand.u32 $0x380, v9;
	v0 =	vor.u32 v8, v10;
	v1 =	vld.idx.msk [tilespmem:v1+s2+$0x0], $0xffff  }
0x1af: {  	v0 =	vor.u32 v2, v0;
	_ =	sdelay $0x2  }
0x1b0: {  	v12 =	vshll.u32 v11, $0x3  }
0x1b1: {  	v14 =	vshrl.u32 v11, $0x4;
	v13 =	vand.u32 $0x3C00, v12;
	v16 =	vld [tilespmem:$0x1C460];
	v15 =	vand.u32 $0xFFFFC07F, v11;
	[tilespmem:$0x1C430] =	vst v1  }
0x1b2: {  	v2 =	vand.u32 $0x380, v14;
	v1 =	vor.u32 v13, v15;
	v0 =	vld.idx.msk [tilespmem:v0+s2+$0x0], $0xffff  }
0x1b3: {  	v1 =	vor.u32 v2, v1;
	_ =	sdelay $0x2  }
0x1b4: {  	v17 =	vshll.u32 v16, $0x3  }
0x1b5: {  	v19 =	vshrl.u32 v16, $0x4;
	v18 =	vand.u32 $0x3C00, v17;
	v21 =	vld [tilespmem:$0x1C470];
	v20 =	vand.u32 $0xFFFFC07F, v16;
	[tilespmem:$0x1C440] =	vst v0  }
0x1b6: {  	v2 =	vand.u32 $0x380, v19;
	v0 =	vor.u32 v18, v20;
	v1 =	vld.idx.msk [tilespmem:v1+s2+$0x0], $0xffff  }
0x1b7: {  	v0 =	vor.u32 v2, v0;
	_ =	sdelay $0x2  }
0x1b8: {  	v22 =	vshll.u32 v21, $0x3  }
0x1b9: {  	v24 =	vshrl.u32 v21, $0x4;
	v23 =	vand.u32 $0x3C00, v22;
	v26 =	vld [tilespmem:$0x1C480];
	v25 =	vand.u32 $0xFFFFC07F, v21;
	[tilespmem:$0x1C450] =	vst v1  }
0x1ba: {  	v2 =	vand.u32 $0x380, v24;
	v1 =	vor.u32 v23, v25;
	v0 =	vld.idx.msk [tilespmem:v0+s2+$0x0], $0xffff  }
0x1bb: {  	v1 =	vor.u32 v2, v1;
	_ =	sdelay $0x2  }
0x1bc: {  	v27 =	vshll.u32 v26, $0x3  }
0x1bd: {  	v29 =	vshrl.u32 v26, $0x4;
	v28 =	vand.u32 $0x3C00, v27;
	v31 =	vld [tilespmem:$0x1C490];
	v30 =	vand.u32 $0xFFFFC07F, v26;
	[tilespmem:$0x1C460] =	vst v0  }
0x1be: {  	v2 =	vand.u32 $0x380, v29;
	v0 =	vor.u32 v28, v30;
	v1 =	vld.idx.msk [tilespmem:v1+s2+$0x0], $0xffff  }
0x1bf: {  	v0 =	vor.u32 v2, v0;
	_ =	sdelay $0x2  }
0x1c0: {  	v32 =	vshll.u32 v31, $0x3  }
0x1c1: {  	v34 =	vshrl.u32 v31, $0x4;
	v33 =	vand.u32 $0x3C00, v32;
	v36 =	vld [tilespmem:$0x1C4A0];
	v35 =	vand.u32 $0xFFFFC07F, v31;
	[tilespmem:$0x1C470] =	vst v1  }
0x1c2: {  	v2 =	vand.u32 $0x380, v34;
	v1 =	vor.u32 v33, v35;
	v0 =	vld.idx.msk [tilespmem:v0+s2+$0x0], $0xffff  }
0x1c3: {  	v1 =	vor.u32 v2, v1;
	_ =	sdelay $0x2  }
0x1c4: {  	v37 =	vshll.u32 v36, $0x3  }
0x1c5: {  	v39 =	vshrl.u32 v36, $0x4;
	v38 =	vand.u32 $0x3C00, v37;
	v41 =	vld [tilespmem:$0x1C4B0];
	v40 =	vand.u32 $0xFFFFC07F, v36;
	[tilespmem:$0x1C480] =	vst v0  }
0x1c6: {  	v2 =	vand.u32 $0x380, v39;
	v0 =	vor.u32 v38, v40;
	v1 =	vld.idx.msk [tilespmem:v1+s2+$0x0], $0xffff  }
0x1c7: {  	v0 =	vor.u32 v2, v0;
	_ =	sdelay $0x2  }
0x1c8: {  	v42 =	vshll.u32 v41, $0x3  }
0x1c9: {  	v44 =	vshrl.u32 v41, $0x4;
	v43 =	vand.u32 $0x3C00, v42;
	v46 =	vld [tilespmem:$0x1C4C0];
	v45 =	vand.u32 $0xFFFFC07F, v41;
	[tilespmem:$0x1C490] =	vst v1  }
0x1ca: {  	v2 =	vand.u32 $0x380, v44;
	v1 =	vor.u32 v43, v45;
	v0 =	vld.idx.msk [tilespmem:v0+s2+$0x0], $0xffff  }
0x1cb: {  	v1 =	vor.u32 v2, v1;
	_ =	sdelay $0x2  }
0x1cc: {  	v47 =	vshll.u32 v46, $0x3  }
0x1cd: {  	v49 =	vshrl.u32 v46, $0x4;
	v48 =	vand.u32 $0x3C00, v47;
	v51 =	vld [tilespmem:$0x1C4D0];
	v50 =	vand.u32 $0xFFFFC07F, v46;
	[tilespmem:$0x1C4A0] =	vst v0  }
0x1ce: {  	v2 =	vand.u32 $0x380, v49;
	v0 =	vor.u32 v48, v50;
	v1 =	vld.idx.msk [tilespmem:v1+s2+$0x0], $0xffff  }
0x1cf: {  	v0 =	vor.u32 v2, v0;
	_ =	sdelay $0x2  }
0x1d0: {  	v52 =	vshll.u32 v51, $0x3  }
0x1d1: {  	v54 =	vshrl.u32 v51, $0x4;
	v53 =	vand.u32 $0x3C00, v52;
	v56 =	vld [tilespmem:$0x1C4E0];
	v55 =	vand.u32 $0xFFFFC07F, v51;
	[tilespmem:$0x1C4B0] =	vst v1  }
0x1d2: {  	v2 =	vand.u32 $0x380, v54;
	v1 =	vor.u32 v53, v55;
	v0 =	vld.idx.msk [tilespmem:v0+s2+$0x0], $0xffff  }
0x1d3: {  	v1 =	vor.u32 v2, v1;
	_ =	sdelay $0x2  }
0x1d4: {  	v57 =	vshll.u32 v56, $0x3  }
0x1d5: {  	v59 =	vshrl.u32 v56, $0x4;
	v58 =	vand.u32 $0x3C00, v57;
	v61 =	vld [tilespmem:$0x1C4F0];
	v60 =	vand.u32 $0xFFFFC07F, v56;
	[tilespmem:$0x1C4C0] =	vst v0  }
0x1d6: {  	v2 =	vand.u32 $0x380, v59;
	v0 =	vor.u32 v58, v60;
	v1 =	vld.idx.msk [tilespmem:v1+s2+$0x0], $0xffff  }
0x1d7: {  	v0 =	vor.u32 v2, v0;
	_ =	sdelay $0x2  }
0x1d8: {  	v62 =	vshll.u32 v61, $0x3  }
0x1d9: {  	v63 =	vand.u32 $0x3C00, v62;
	v9 =	vand.u32 $0xFFFFC07F, v61;
	v8 =	vshrl.u32 v61, $0x4;
	v10 =	vld [tilespmem:$0x1C500];
	[tilespmem:$0x1C4D0] =	vst v1  }
0x1da: {  	v2 =	vand.u32 $0x380, v8;
	v1 =	vor.u32 v63, v9;
	v0 =	vld.idx.msk [tilespmem:v0+s2+$0x0], $0xffff  }
0x1db: {  	v1 =	vor.u32 v2, v1;
	_ =	sdelay $0x2  }
0x1dc: {  	v11 =	vshll.u32 v10, $0x3  }
0x1dd: {  	v14 =	vand.u32 $0xFFFFC07F, v10;
	v12 =	vand.u32 $0x3C00, v11;
	v13 =	vshrl.u32 v10, $0x4;
	v15 =	vld [tilespmem:$0x1C510];
	[tilespmem:$0x1C4E0] =	vst v0  }
0x1de: {  	v2 =	vand.u32 $0x380, v13;
	v0 =	vor.u32 v12, v14;
	v1 =	vld.idx.msk [tilespmem:v1+s2+$0x0], $0xffff  }
0x1df: {  	v0 =	vor.u32 v2, v0;
	_ =	sdelay $0x2  }
0x1e0: {  	v16 =	vshll.u32 v15, $0x3  }
0x1e1: {  	v19 =	vand.u32 $0xFFFFC07F, v15;
	v17 =	vand.u32 $0x3C00, v16;
	v18 =	vshrl.u32 v15, $0x4;
	v20 =	vld [tilespmem:$0x1C520];
	[tilespmem:$0x1C4F0] =	vst v1  }
0x1e2: {  	v2 =	vand.u32 $0x380, v18;
	v1 =	vor.u32 v17, v19;
	v0 =	vld.idx.msk [tilespmem:v0+s2+$0x0], $0xffff  }
0x1e3: {  	v1 =	vor.u32 v2, v1;
	_ =	sdelay $0x2  }
0x1e4: {  	v21 =	vshll.u32 v20, $0x3  }
0x1e5: {  	v24 =	vand.u32 $0xFFFFC07F, v20;
	v22 =	vand.u32 $0x3C00, v21;
	v23 =	vshrl.u32 v20, $0x4;
	v25 =	vld [tilespmem:$0x1C530];
	[tilespmem:$0x1C500] =	vst v0  }
0x1e6: {  	v2 =	vand.u32 $0x380, v23;
	v0 =	vor.u32 v22, v24;
	v1 =	vld.idx.msk [tilespmem:v1+s2+$0x0], $0xffff  }
0x1e7: {  	v0 =	vor.u32 v2, v0;
	_ =	sdelay $0x2  }
0x1e8: {  	v26 =	vshll.u32 v25, $0x3  }
0x1e9: {  	v29 =	vand.u32 $0xFFFFC07F, v25;
	v27 =	vand.u32 $0x3C00, v26;
	v28 =	vshrl.u32 v25, $0x4;
	v30 =	vld [tilespmem:$0x1C540];
	[tilespmem:$0x1C510] =	vst v1  }
0x1ea: {  	v2 =	vand.u32 $0x380, v28;
	v1 =	vor.u32 v27, v29;
	v0 =	vld.idx.msk [tilespmem:v0+s2+$0x0], $0xffff  }
0x1eb: {  	v1 =	vor.u32 v2, v1;
	_ =	sdelay $0x2  }
0x1ec: {  	v31 =	vshll.u32 v30, $0x3  }
0x1ed: {  	v34 =	vand.u32 $0xFFFFC07F, v30;
	v32 =	vand.u32 $0x3C00, v31;
	v33 =	vshrl.u32 v30, $0x4;
	v35 =	vld [tilespmem:$0x1C550];
	[tilespmem:$0x1C520] =	vst v0  }
0x1ee: {  	v2 =	vand.u32 $0x380, v33;
	v0 =	vor.u32 v32, v34;
	v1 =	vld.idx.msk [tilespmem:v1+s2+$0x0], $0xffff  }
0x1ef: {  	v0 =	vor.u32 v2, v0;
	_ =	sdelay $0x2  }
0x1f0: {  	v36 =	vshll.u32 v35, $0x3  }
0x1f1: {  	v39 =	vand.u32 $0xFFFFC07F, v35;
	v37 =	vand.u32 $0x3C00, v36;
	v38 =	vshrl.u32 v35, $0x4;
	v40 =	vld [tilespmem:$0x1C560];
	[tilespmem:$0x1C530] =	vst v1  }
0x1f2: {  	v2 =	vand.u32 $0x380, v38;
	v1 =	vor.u32 v37, v39;
	v0 =	vld.idx.msk [tilespmem:v0+s2+$0x0], $0xffff  }
0x1f3: {  	v1 =	vor.u32 v2, v1;
	_ =	sdelay $0x2  }
0x1f4: {  	v41 =	vshll.u32 v40, $0x3  }
0x1f5: {  	v44 =	vand.u32 $0xFFFFC07F, v40;
	v42 =	vand.u32 $0x3C00, v41;
	v43 =	vshrl.u32 v40, $0x4;
	v45 =	vld [tilespmem:$0x1C570];
	[tilespmem:$0x1C540] =	vst v0  }
0x1f6: {  	v2 =	vand.u32 $0x380, v43;
	v0 =	vor.u32 v42, v44;
	v1 =	vld.idx.msk [tilespmem:v1+s2+$0x0], $0xffff  }
0x1f7: {  	v0 =	vor.u32 v2, v0;
	_ =	sdelay $0x2  }
0x1f8: {  	v46 =	vshll.u32 v45, $0x3  }
0x1f9: {  	v49 =	vand.u32 $0xFFFFC07F, v45;
	v47 =	vand.u32 $0x3C00, v46;
	v48 =	vshrl.u32 v45, $0x4;
	v50 =	vld [tilespmem:$0x1C580];
	[tilespmem:$0x1C550] =	vst v1  }
0x1fa: {  	v2 =	vand.u32 $0x380, v48;
	v1 =	vor.u32 v47, v49;
	v0 =	vld.idx.msk [tilespmem:v0+s2+$0x0], $0xffff  }
0x1fb: {  	v1 =	vor.u32 v2, v1;
	_ =	sdelay $0x2  }
0x1fc: {  	v51 =	vshll.u32 v50, $0x3  }
0x1fd: {  	v54 =	vand.u32 $0xFFFFC07F, v50;
	v52 =	vand.u32 $0x3C00, v51;
	v53 =	vshrl.u32 v50, $0x4;
	v55 =	vld [tilespmem:$0x1C590];
	[tilespmem:$0x1C560] =	vst v0  }
0x1fe: {  	v2 =	vand.u32 $0x380, v53;
	v0 =	vor.u32 v52, v54;
	v1 =	vld.idx.msk [tilespmem:v1+s2+$0x0], $0xffff  }
0x1ff: {  	v0 =	vor.u32 v2, v0;
	_ =	sdelay $0x2  }
0x200: {  	v56 =	vshll.u32 v55, $0x3  }
0x201: {  	v59 =	vand.u32 $0xFFFFC07F, v55;
	v57 =	vand.u32 $0x3C00, v56;
	v58 =	vshrl.u32 v55, $0x4;
	v60 =	vld [tilespmem:$0x1C5A0];
	[tilespmem:$0x1C570] =	vst v1  }
0x202: {  	v2 =	vand.u32 $0x380, v58;
	v1 =	vor.u32 v57, v59;
	v0 =	vld.idx.msk [tilespmem:v0+s2+$0x0], $0xffff  }
0x203: {  	v1 =	vor.u32 v2, v1;
	_ =	sdelay $0x2  }
0x204: {  	v61 =	vshll.u32 v60, $0x3  }
0x205: {  	v8 =	vand.u32 $0xFFFFC07F, v60;
	v62 =	vand.u32 $0x3C00, v61;
	v63 =	vshrl.u32 v60, $0x4;
	v9 =	vld [tilespmem:$0x1C5B0];
	[tilespmem:$0x1C580] =	vst v0  }
0x206: {  	v2 =	vand.u32 $0x380, v63;
	v0 =	vor.u32 v62, v8;
	v1 =	vld.idx.msk [tilespmem:v1+s2+$0x0], $0xffff  }
0x207: {  	v0 =	vor.u32 v2, v0;
	_ =	sdelay $0x2  }
0x208: {  	v10 =	vshll.u32 v9, $0x3  }
0x209: {  	v13 =	vand.u32 $0xFFFFC07F, v9;
	v11 =	vand.u32 $0x3C00, v10;
	v12 =	vshrl.u32 v9, $0x4;
	v14 =	vld [tilespmem:$0x1C5C0];
	[tilespmem:$0x1C590] =	vst v1  }
0x20a: {  	v2 =	vand.u32 $0x380, v12;
	v1 =	vor.u32 v11, v13;
	v0 =	vld.idx.msk [tilespmem:v0+s2+$0x0], $0xffff  }
0x20b: {  	v1 =	vor.u32 v2, v1;
	_ =	sdelay $0x2  }
0x20c: {  	v15 =	vshll.u32 v14, $0x3  }
0x20d: {  	v18 =	vand.u32 $0xFFFFC07F, v14;
	v16 =	vand.u32 $0x3C00, v15;
	v17 =	vshrl.u32 v14, $0x4;
	v19 =	vld [tilespmem:$0x1C5D0];
	[tilespmem:$0x1C5A0] =	vst v0  }
0x20e: {  	v2 =	vand.u32 $0x380, v17;
	v0 =	vor.u32 v16, v18;
	v1 =	vld.idx.msk [tilespmem:v1+s2+$0x0], $0xffff  }
0x20f: {  	v0 =	vor.u32 v2, v0;
	_ =	sdelay $0x2  }
0x210: {  	v20 =	vshll.u32 v19, $0x3  }
0x211: {  	v23 =	vand.u32 $0xFFFFC07F, v19;
	v21 =	vand.u32 $0x3C00, v20;
	v22 =	vshrl.u32 v19, $0x4;
	v24 =	vld [tilespmem:$0x1C5E0];
	[tilespmem:$0x1C5B0] =	vst v1  }
0x212: {  	v2 =	vand.u32 $0x380, v22;
	v1 =	vor.u32 v21, v23;
	v0 =	vld.idx.msk [tilespmem:v0+s2+$0x0], $0xffff  }
0x213: {  	v1 =	vor.u32 v2, v1;
	_ =	sdelay $0x2  }
0x214: {  	v25 =	vshll.u32 v24, $0x3  }
0x215: {  	v28 =	vand.u32 $0xFFFFC07F, v24;
	v26 =	vand.u32 $0x3C00, v25;
	v27 =	vshrl.u32 v24, $0x4;
	v29 =	vld [tilespmem:$0x1C5F0];
	[tilespmem:$0x1C5C0] =	vst v0  }
0x216: {  	v2 =	vand.u32 $0x380, v27;
	v0 =	vor.u32 v26, v28;
	v1 =	vld.idx.msk [tilespmem:v1+s2+$0x0], $0xffff  }
0x217: {  	v0 =	vor.u32 v2, v0;
	_ =	sdelay $0x2  }
0x218: {  	v30 =	vshll.u32 v29, $0x3  }
0x219: {  	v33 =	vand.u32 $0xFFFFC07F, v29;
	v31 =	vand.u32 $0x3C00, v30;
	v32 =	vshrl.u32 v29, $0x4;
	v34 =	vld [tilespmem:$0x1C600];
	[tilespmem:$0x1C5D0] =	vst v1  }
0x21a: {  	v2 =	vand.u32 $0x380, v32;
	v1 =	vor.u32 v31, v33;
	v0 =	vld.idx.msk [tilespmem:v0+s2+$0x0], $0xffff  }
0x21b: {  	v1 =	vor.u32 v2, v1;
	_ =	sdelay $0x2  }
0x21c: {  	v35 =	vshll.u32 v34, $0x3  }
0x21d: {  	v38 =	vand.u32 $0xFFFFC07F, v34;
	v36 =	vand.u32 $0x3C00, v35;
	v37 =	vshrl.u32 v34, $0x4;
	v39 =	vld [tilespmem:$0x1C610];
	[tilespmem:$0x1C5E0] =	vst v0  }
0x21e: {  	v2 =	vand.u32 $0x380, v37;
	v0 =	vor.u32 v36, v38;
	v1 =	vld.idx.msk [tilespmem:v1+s2+$0x0], $0xffff  }
0x21f: {  	v0 =	vor.u32 v2, v0;
	_ =	sdelay $0x2  }
0x220: {  	v40 =	vshll.u32 v39, $0x3  }
0x221: {  	v43 =	vand.u32 $0xFFFFC07F, v39;
	v41 =	vand.u32 $0x3C00, v40;
	v42 =	vshrl.u32 v39, $0x4;
	v44 =	vld [tilespmem:$0x1C620];
	[tilespmem:$0x1C5F0] =	vst v1  }
0x222: {  	v2 =	vand.u32 $0x380, v42;
	v1 =	vor.u32 v41, v43;
	v0 =	vld.idx.msk [tilespmem:v0+s2+$0x0], $0xffff  }
0x223: {  	v1 =	vor.u32 v2, v1;
	_ =	sdelay $0x2  }
0x224: {  	v45 =	vshll.u32 v44, $0x3  }
0x225: {  	v48 =	vand.u32 $0xFFFFC07F, v44;
	v46 =	vand.u32 $0x3C00, v45;
	v47 =	vshrl.u32 v44, $0x4;
	v49 =	vld [tilespmem:$0x1C630];
	[tilespmem:$0x1C600] =	vst v0  }
0x226: {  	v2 =	vand.u32 $0x380, v47;
	v0 =	vor.u32 v46, v48;
	v1 =	vld.idx.msk [tilespmem:v1+s2+$0x0], $0xffff  }
0x227: {  	v0 =	vor.u32 v2, v0;
	_ =	sdelay $0x2  }
0x228: {  	v50 =	vshll.u32 v49, $0x3  }
0x229: {  	v53 =	vand.u32 $0xFFFFC07F, v49;
	v51 =	vand.u32 $0x3C00, v50;
	v52 =	vshrl.u32 v49, $0x4;
	v54 =	vld [tilespmem:$0x1C640];
	[tilespmem:$0x1C610] =	vst v1  }
0x22a: {  	v2 =	vand.u32 $0x380, v52;
	v1 =	vor.u32 v51, v53;
	v0 =	vld.idx.msk [tilespmem:v0+s2+$0x0], $0xffff  }
0x22b: {  	v1 =	vor.u32 v2, v1;
	_ =	sdelay $0x2  }
0x22c: {  	v55 =	vshll.u32 v54, $0x3  }
0x22d: {  	v58 =	vand.u32 $0xFFFFC07F, v54;
	v56 =	vand.u32 $0x3C00, v55;
	v57 =	vshrl.u32 v54, $0x4;
	v59 =	vld [tilespmem:$0x1C650];
	[tilespmem:$0x1C620] =	vst v0  }
0x22e: {  	v2 =	vand.u32 $0x380, v57;
	v0 =	vor.u32 v56, v58;
	v1 =	vld.idx.msk [tilespmem:v1+s2+$0x0], $0xffff  }
0x22f: {  	v0 =	vor.u32 v2, v0;
	_ =	sdelay $0x2  }
0x230: {  	v60 =	vshll.u32 v59, $0x3  }
0x231: {  	v63 =	vand.u32 $0xFFFFC07F, v59;
	v61 =	vand.u32 $0x3C00, v60;
	v62 =	vshrl.u32 v59, $0x4;
	v8 =	vld [tilespmem:$0x1C660];
	[tilespmem:$0x1C630] =	vst v1  }
0x232: {  	v2 =	vand.u32 $0x380, v62;
	v1 =	vor.u32 v61, v63;
	v0 =	vld.idx.msk [tilespmem:v0+s2+$0x0], $0xffff  }
0x233: {  	v1 =	vor.u32 v2, v1;
	_ =	sdelay $0x2  }
0x234: {  	v9 =	vshll.u32 v8, $0x3  }
0x235: {  	v12 =	vand.u32 $0xFFFFC07F, v8;
	v10 =	vand.u32 $0x3C00, v9;
	v11 =	vshrl.u32 v8, $0x4;
	v13 =	vld [tilespmem:$0x1C670];
	[tilespmem:$0x1C640] =	vst v0  }
0x236: {  	v2 =	vand.u32 $0x380, v11;
	v0 =	vor.u32 v10, v12;
	v1 =	vld.idx.msk [tilespmem:v1+s2+$0x0], $0xffff  }
0x237: {  	v0 =	vor.u32 v2, v0;
	_ =	sdelay $0x2  }
0x238: {  	v14 =	vshll.u32 v13, $0x3  }
0x239: {  	v17 =	vand.u32 $0xFFFFC07F, v13;
	v15 =	vand.u32 $0x3C00, v14;
	v16 =	vshrl.u32 v13, $0x4;
	v18 =	vld [tilespmem:$0x1C680];
	[tilespmem:$0x1C650] =	vst v1  }
0x23a: {  	v2 =	vand.u32 $0x380, v16;
	v1 =	vor.u32 v15, v17;
	v0 =	vld.idx.msk [tilespmem:v0+s2+$0x0], $0xffff  }
0x23b: {  	v1 =	vor.u32 v2, v1;
	_ =	sdelay $0x2  }
0x23c: {  	v19 =	vshll.u32 v18, $0x3  }
0x23d: {  	v22 =	vand.u32 $0xFFFFC07F, v18;
	v20 =	vand.u32 $0x3C00, v19;
	v21 =	vshrl.u32 v18, $0x4;
	v23 =	vld [tilespmem:$0x1C690];
	[tilespmem:$0x1C660] =	vst v0  }
0x23e: {  	v2 =	vand.u32 $0x380, v21;
	v0 =	vor.u32 v20, v22;
	v1 =	vld.idx.msk [tilespmem:v1+s2+$0x0], $0xffff  }
0x23f: {  	v0 =	vor.u32 v2, v0;
	_ =	sdelay $0x2  }
0x240: {  	v24 =	vshll.u32 v23, $0x3  }
0x241: {  	v27 =	vand.u32 $0xFFFFC07F, v23;
	v25 =	vand.u32 $0x3C00, v24;
	v26 =	vshrl.u32 v23, $0x4;
	v28 =	vld [tilespmem:$0x1C6A0];
	[tilespmem:$0x1C670] =	vst v1  }
0x242: {  	v2 =	vand.u32 $0x380, v26;
	v1 =	vor.u32 v25, v27;
	v0 =	vld.idx.msk [tilespmem:v0+s2+$0x0], $0xffff  }
0x243: {  	v1 =	vor.u32 v2, v1;
	_ =	sdelay $0x2  }
0x244: {  	v29 =	vshll.u32 v28, $0x3  }
0x245: {  	v32 =	vand.u32 $0xFFFFC07F, v28;
	v30 =	vand.u32 $0x3C00, v29;
	v31 =	vshrl.u32 v28, $0x4;
	v33 =	vld [tilespmem:$0x1C6B0];
	[tilespmem:$0x1C680] =	vst v0  }
0x246: {  	v2 =	vand.u32 $0x380, v31;
	v0 =	vor.u32 v30, v32;
	v1 =	vld.idx.msk [tilespmem:v1+s2+$0x0], $0xffff  }
0x247: {  	v0 =	vor.u32 v2, v0;
	_ =	sdelay $0x2  }
0x248: {  	v34 =	vshll.u32 v33, $0x3  }
0x249: {  	v37 =	vand.u32 $0xFFFFC07F, v33;
	v35 =	vand.u32 $0x3C00, v34;
	v36 =	vshrl.u32 v33, $0x4;
	v38 =	vld [tilespmem:$0x1C6C0];
	[tilespmem:$0x1C690] =	vst v1  }
0x24a: {  	v2 =	vand.u32 $0x380, v36;
	v1 =	vor.u32 v35, v37;
	v0 =	vld.idx.msk [tilespmem:v0+s2+$0x0], $0xffff  }
0x24b: {  	v1 =	vor.u32 v2, v1;
	_ =	sdelay $0x2  }
0x24c: {  	v39 =	vshll.u32 v38, $0x3  }
0x24d: {  	v42 =	vand.u32 $0xFFFFC07F, v38;
	v40 =	vand.u32 $0x3C00, v39;
	v41 =	vshrl.u32 v38, $0x4;
	v43 =	vld [tilespmem:$0x1C6D0];
	[tilespmem:$0x1C6A0] =	vst v0  }
0x24e: {  	v2 =	vand.u32 $0x380, v41;
	v0 =	vor.u32 v40, v42;
	v1 =	vld.idx.msk [tilespmem:v1+s2+$0x0], $0xffff  }
0x24f: {  	v0 =	vor.u32 v2, v0;
	_ =	sdelay $0x2  }
0x250: {  	v44 =	vshll.u32 v43, $0x3  }
0x251: {  	v47 =	vand.u32 $0xFFFFC07F, v43;
	v45 =	vand.u32 $0x3C00, v44;
	v46 =	vshrl.u32 v43, $0x4;
	v48 =	vld [tilespmem:$0x1C6E0];
	[tilespmem:$0x1C6B0] =	vst v1  }
0x252: {  	v2 =	vand.u32 $0x380, v46;
	v1 =	vor.u32 v45, v47;
	v0 =	vld.idx.msk [tilespmem:v0+s2+$0x0], $0xffff  }
0x253: {  	v1 =	vor.u32 v2, v1;
	_ =	sdelay $0x2  }
0x254: {  	v49 =	vshll.u32 v48, $0x3  }
0x255: {  	v52 =	vand.u32 $0xFFFFC07F, v48;
	v50 =	vand.u32 $0x3C00, v49;
	v51 =	vshrl.u32 v48, $0x4;
	v53 =	vld [tilespmem:$0x1C6F0];
	[tilespmem:$0x1C6C0] =	vst v0  }
0x256: {  	v2 =	vand.u32 $0x380, v51;
	v0 =	vor.u32 v50, v52;
	v1 =	vld.idx.msk [tilespmem:v1+s2+$0x0], $0xffff  }
0x257: {  	v0 =	vor.u32 v2, v0;
	_ =	sdelay $0x2  }
0x258: {  	v54 =	vshll.u32 v53, $0x3  }
0x259: {  	v57 =	vand.u32 $0xFFFFC07F, v53;
	v55 =	vand.u32 $0x3C00, v54;
	v56 =	vshrl.u32 v53, $0x4;
	v58 =	vld [tilespmem:$0x1C700];
	[tilespmem:$0x1C6D0] =	vst v1  }
0x25a: {  	v2 =	vand.u32 $0x380, v56;
	v1 =	vor.u32 v55, v57;
	v0 =	vld.idx.msk [tilespmem:v0+s2+$0x0], $0xffff  }
0x25b: {  	v1 =	vor.u32 v2, v1;
	_ =	sdelay $0x2  }
0x25c: {  	v59 =	vshll.u32 v58, $0x3  }
0x25d: {  	v62 =	vand.u32 $0xFFFFC07F, v58;
	v60 =	vand.u32 $0x3C00, v59;
	v61 =	vshrl.u32 v58, $0x4;
	v63 =	vld [tilespmem:$0x1C710];
	[tilespmem:$0x1C6E0] =	vst v0  }
0x25e: {  	v2 =	vand.u32 $0x380, v61;
	v0 =	vor.u32 v60, v62;
	v1 =	vld.idx.msk [tilespmem:v1+s2+$0x0], $0xffff  }
0x25f: {  	v0 =	vor.u32 v2, v0;
	_ =	sdelay $0x2  }
0x260: {  	v7 =	vshll.u32 v63, $0x3  }
0x261: {  	v11 =	vld [tilespmem:$0x1C720];
	v9 =	vshrl.u32 v63, $0x4;
	v8 =	vand.u32 $0x3C00, v7;
	v10 =	vand.u32 $0xFFFFC07F, v63;
	[tilespmem:$0x1C6F0] =	vst v1  }
0x262: {  	v2 =	vand.u32 $0x380, v9;
	v1 =	vor.u32 v8, v10;
	v0 =	vld.idx.msk [tilespmem:v0+s2+$0x0], $0xffff  }
0x263: {  	v1 =	vor.u32 v2, v1;
	_ =	sdelay $0x2  }
0x264: {  	v12 =	vshll.u32 v11, $0x3  }
0x265: {  	v14 =	vshrl.u32 v11, $0x4;
	v13 =	vand.u32 $0x3C00, v12;
	v16 =	vld [tilespmem:$0x1C730];
	v15 =	vand.u32 $0xFFFFC07F, v11;
	[tilespmem:$0x1C700] =	vst v0  }
0x266: {  	v2 =	vand.u32 $0x380, v14;
	v0 =	vor.u32 v13, v15;
	v1 =	vld.idx.msk [tilespmem:v1+s2+$0x0], $0xffff  }
0x267: {  	v0 =	vor.u32 v2, v0;
	_ =	sdelay $0x2  }
0x268: {  	v17 =	vshll.u32 v16, $0x3  }
0x269: {  	v19 =	vshrl.u32 v16, $0x4;
	v18 =	vand.u32 $0x3C00, v17;
	v21 =	vld [tilespmem:$0x1C740];
	v20 =	vand.u32 $0xFFFFC07F, v16;
	[tilespmem:$0x1C710] =	vst v1  }
0x26a: {  	v2 =	vand.u32 $0x380, v19;
	v1 =	vor.u32 v18, v20;
	v0 =	vld.idx.msk [tilespmem:v0+s2+$0x0], $0xffff  }
0x26b: {  	v1 =	vor.u32 v2, v1;
	_ =	sdelay $0x2  }
0x26c: {  	v22 =	vshll.u32 v21, $0x3  }
0x26d: {  	v24 =	vshrl.u32 v21, $0x4;
	v23 =	vand.u32 $0x3C00, v22;
	v26 =	vld [tilespmem:$0x1C750];
	v25 =	vand.u32 $0xFFFFC07F, v21;
	[tilespmem:$0x1C720] =	vst v0  }
0x26e: {  	v2 =	vand.u32 $0x380, v24;
	v0 =	vor.u32 v23, v25;
	v1 =	vld.idx.msk [tilespmem:v1+s2+$0x0], $0xffff  }
0x26f: {  	v0 =	vor.u32 v2, v0;
	_ =	sdelay $0x2  }
0x270: {  	v27 =	vshll.u32 v26, $0x3  }
0x271: {  	v29 =	vshrl.u32 v26, $0x4;
	v28 =	vand.u32 $0x3C00, v27;
	v31 =	vld [tilespmem:$0x1C760];
	v30 =	vand.u32 $0xFFFFC07F, v26;
	[tilespmem:$0x1C730] =	vst v1  }
0x272: {  	v2 =	vand.u32 $0x380, v29;
	v1 =	vor.u32 v28, v30;
	v0 =	vld.idx.msk [tilespmem:v0+s2+$0x0], $0xffff  }
0x273: {  	v1 =	vor.u32 v2, v1;
	_ =	sdelay $0x2  }
0x274: {  	v32 =	vshll.u32 v31, $0x3  }
0x275: {  	v34 =	vshrl.u32 v31, $0x4;
	v33 =	vand.u32 $0x3C00, v32;
	v36 =	vld [tilespmem:$0x1C770];
	v35 =	vand.u32 $0xFFFFC07F, v31;
	[tilespmem:$0x1C740] =	vst v0  }
0x276: {  	v2 =	vand.u32 $0x380, v34;
	v0 =	vor.u32 v33, v35;
	v1 =	vld.idx.msk [tilespmem:v1+s2+$0x0], $0xffff  }
0x277: {  	v0 =	vor.u32 v2, v0;
	_ =	sdelay $0x2  }
0x278: {  	v37 =	vshll.u32 v36, $0x3  }
0x279: {  	v39 =	vshrl.u32 v36, $0x4;
	v38 =	vand.u32 $0x3C00, v37;
	v41 =	vld [tilespmem:$0x1C780];
	v40 =	vand.u32 $0xFFFFC07F, v36;
	[tilespmem:$0x1C750] =	vst v1  }
0x27a: {  	v2 =	vand.u32 $0x380, v39;
	v1 =	vor.u32 v38, v40;
	v0 =	vld.idx.msk [tilespmem:v0+s2+$0x0], $0xffff  }
0x27b: {  	v1 =	vor.u32 v2, v1;
	_ =	sdelay $0x2  }
0x27c: {  	v42 =	vshll.u32 v41, $0x3  }
0x27d: {  	v44 =	vshrl.u32 v41, $0x4;
	v43 =	vand.u32 $0x3C00, v42;
	v46 =	vld [tilespmem:$0x1C790];
	v45 =	vand.u32 $0xFFFFC07F, v41;
	[tilespmem:$0x1C760] =	vst v0  }
0x27e: {  	v2 =	vand.u32 $0x380, v44;
	v0 =	vor.u32 v43, v45;
	v1 =	vld.idx.msk [tilespmem:v1+s2+$0x0], $0xffff  }
0x27f: {  	v0 =	vor.u32 v2, v0;
	_ =	sdelay $0x2  }
0x280: {  	v47 =	vshll.u32 v46, $0x3  }
0x281: {  	v49 =	vshrl.u32 v46, $0x4;
	v48 =	vand.u32 $0x3C00, v47;
	v51 =	vld [tilespmem:$0x1C7A0];
	v50 =	vand.u32 $0xFFFFC07F, v46;
	[tilespmem:$0x1C770] =	vst v1  }
0x282: {  	v2 =	vand.u32 $0x380, v49;
	v1 =	vor.u32 v48, v50;
	v0 =	vld.idx.msk [tilespmem:v0+s2+$0x0], $0xffff  }
0x283: {  	v1 =	vor.u32 v2, v1;
	_ =	sdelay $0x2  }
0x284: {  	v52 =	vshll.u32 v51, $0x3  }
0x285: {  	v54 =	vshrl.u32 v51, $0x4;
	v53 =	vand.u32 $0x3C00, v52;
	v56 =	vld [tilespmem:$0x1C7B0];
	v55 =	vand.u32 $0xFFFFC07F, v51;
	[tilespmem:$0x1C780] =	vst v0  }
0x286: {  	v2 =	vand.u32 $0x380, v54;
	v0 =	vor.u32 v53, v55;
	v1 =	vld.idx.msk [tilespmem:v1+s2+$0x0], $0xffff  }
0x287: {  	v0 =	vor.u32 v2, v0;
	_ =	sdelay $0x2  }
0x288: {  	v57 =	vshll.u32 v56, $0x3  }
0x289: {  	v59 =	vshrl.u32 v56, $0x4;
	v58 =	vand.u32 $0x3C00, v57;
	v61 =	vld [tilespmem:$0x1C7C0];
	v60 =	vand.u32 $0xFFFFC07F, v56;
	[tilespmem:$0x1C790] =	vst v1  }
0x28a: {  	v2 =	vand.u32 $0x380, v59;
	v1 =	vor.u32 v58, v60;
	v0 =	vld.idx.msk [tilespmem:v0+s2+$0x0], $0xffff  }
0x28b: {  	v1 =	vor.u32 v2, v1;
	_ =	sdelay $0x2  }
0x28c: {  	v62 =	vshll.u32 v61, $0x3  }
0x28d: {  	v63 =	vand.u32 $0x3C00, v62;
	v9 =	vand.u32 $0xFFFFC07F, v61;
	v8 =	vshrl.u32 v61, $0x4;
	v10 =	vld [tilespmem:$0x1C7D0];
	[tilespmem:$0x1C7A0] =	vst v0  }
0x28e: {  	v2 =	vand.u32 $0x380, v8;
	v0 =	vor.u32 v63, v9;
	v1 =	vld.idx.msk [tilespmem:v1+s2+$0x0], $0xffff  }
0x28f: {  	v0 =	vor.u32 v2, v0;
	_ =	sdelay $0x2  }
0x290: {  	v11 =	vshll.u32 v10, $0x3  }
0x291: {  	v14 =	vand.u32 $0xFFFFC07F, v10;
	v12 =	vand.u32 $0x3C00, v11;
	v13 =	vshrl.u32 v10, $0x4;
	v15 =	vld [tilespmem:$0x1C7E0];
	[tilespmem:$0x1C7B0] =	vst v1  }
0x292: {  	v2 =	vand.u32 $0x380, v13;
	v1 =	vor.u32 v12, v14;
	v0 =	vld.idx.msk [tilespmem:v0+s2+$0x0], $0xffff  }
0x293: {  	v1 =	vor.u32 v2, v1;
	_ =	sdelay $0x2  }
0x294: {  	v16 =	vshll.u32 v15, $0x3  }
0x295: {  	v19 =	vand.u32 $0xFFFFC07F, v15;
	v17 =	vand.u32 $0x3C00, v16;
	v18 =	vshrl.u32 v15, $0x4;
	v20 =	vld [tilespmem:$0x1C7F0];
	[tilespmem:$0x1C7C0] =	vst v0  }
0x296: {  	v2 =	vand.u32 $0x380, v18;
	v0 =	vor.u32 v17, v19;
	v1 =	vld.idx.msk [tilespmem:v1+s2+$0x0], $0xffff  }
0x297: {  	v0 =	vor.u32 v2, v0;
	_ =	sdelay $0x2  }
0x298: {  	v21 =	vshll.u32 v20, $0x3  }
0x299: {  	v24 =	vand.u32 $0xFFFFC07F, v20;
	v22 =	vand.u32 $0x3C00, v21;
	v23 =	vshrl.u32 v20, $0x4;
	v25 =	vld [tilespmem:$0x1C800];
	[tilespmem:$0x1C7D0] =	vst v1  }
0x29a: {  	v2 =	vand.u32 $0x380, v23;
	v1 =	vor.u32 v22, v24;
	v0 =	vld.idx.msk [tilespmem:v0+s2+$0x0], $0xffff  }
0x29b: {  	v1 =	vor.u32 v2, v1;
	_ =	sdelay $0x2  }
0x29c: {  	v26 =	vshll.u32 v25, $0x3  }
0x29d: {  	v29 =	vand.u32 $0xFFFFC07F, v25;
	v27 =	vand.u32 $0x3C00, v26;
	v28 =	vshrl.u32 v25, $0x4;
	v30 =	vld [tilespmem:$0x1C810];
	[tilespmem:$0x1C7E0] =	vst v0  }
0x29e: {  	v2 =	vand.u32 $0x380, v28;
	v0 =	vor.u32 v27, v29;
	v1 =	vld.idx.msk [tilespmem:v1+s2+$0x0], $0xffff  }
0x29f: {  	v0 =	vor.u32 v2, v0;
	_ =	sdelay $0x2  }
0x2a0: {  	v31 =	vshll.u32 v30, $0x3  }
0x2a1: {  	v34 =	vand.u32 $0xFFFFC07F, v30;
	v32 =	vand.u32 $0x3C00, v31;
	v33 =	vshrl.u32 v30, $0x4;
	v35 =	vld [tilespmem:$0x1C820];
	[tilespmem:$0x1C7F0] =	vst v1  }
0x2a2: {  	v2 =	vand.u32 $0x380, v33;
	v1 =	vor.u32 v32, v34;
	v0 =	vld.idx.msk [tilespmem:v0+s2+$0x0], $0xffff  }
0x2a3: {  	v1 =	vor.u32 v2, v1;
	_ =	sdelay $0x2  }
0x2a4: {  	v36 =	vshll.u32 v35, $0x3  }
0x2a5: {  	v39 =	vand.u32 $0xFFFFC07F, v35;
	v37 =	vand.u32 $0x3C00, v36;
	v38 =	vshrl.u32 v35, $0x4;
	v40 =	vld [tilespmem:$0x1C830];
	[tilespmem:$0x1C800] =	vst v0  }
0x2a6: {  	v2 =	vand.u32 $0x380, v38;
	v0 =	vor.u32 v37, v39;
	v1 =	vld.idx.msk [tilespmem:v1+s2+$0x0], $0xffff  }
0x2a7: {  	v0 =	vor.u32 v2, v0;
	_ =	sdelay $0x2  }
0x2a8: {  	v41 =	vshll.u32 v40, $0x3  }
0x2a9: {  	v44 =	vand.u32 $0xFFFFC07F, v40;
	v42 =	vand.u32 $0x3C00, v41;
	v43 =	vshrl.u32 v40, $0x4;
	v45 =	vld [tilespmem:$0x1C840];
	[tilespmem:$0x1C810] =	vst v1  }
0x2aa: {  	v2 =	vand.u32 $0x380, v43;
	v1 =	vor.u32 v42, v44;
	v0 =	vld.idx.msk [tilespmem:v0+s2+$0x0], $0xffff  }
0x2ab: {  	v1 =	vor.u32 v2, v1;
	_ =	sdelay $0x2  }
0x2ac: {  	v46 =	vshll.u32 v45, $0x3  }
0x2ad: {  	v49 =	vand.u32 $0xFFFFC07F, v45;
	v47 =	vand.u32 $0x3C00, v46;
	v48 =	vshrl.u32 v45, $0x4;
	v50 =	vld [tilespmem:$0x1C850];
	[tilespmem:$0x1C820] =	vst v0  }
0x2ae: {  	v2 =	vand.u32 $0x380, v48;
	v0 =	vor.u32 v47, v49;
	v1 =	vld.idx.msk [tilespmem:v1+s2+$0x0], $0xffff  }
0x2af: {  	v0 =	vor.u32 v2, v0;
	_ =	sdelay $0x2  }
0x2b0: {  	v51 =	vshll.u32 v50, $0x3  }
0x2b1: {  	v54 =	vand.u32 $0xFFFFC07F, v50;
	v52 =	vand.u32 $0x3C00, v51;
	v53 =	vshrl.u32 v50, $0x4;
	v55 =	vld [tilespmem:$0x1C860];
	[tilespmem:$0x1C830] =	vst v1  }
0x2b2: {  	v2 =	vand.u32 $0x380, v53;
	v1 =	vor.u32 v52, v54;
	v0 =	vld.idx.msk [tilespmem:v0+s2+$0x0], $0xffff  }
0x2b3: {  	v1 =	vor.u32 v2, v1;
	_ =	sdelay $0x2  }
0x2b4: {  	v56 =	vshll.u32 v55, $0x3  }
0x2b5: {  	v59 =	vand.u32 $0xFFFFC07F, v55;
	v57 =	vand.u32 $0x3C00, v56;
	v58 =	vshrl.u32 v55, $0x4;
	v60 =	vld [tilespmem:$0x1C870];
	[tilespmem:$0x1C840] =	vst v0  }
0x2b6: {  	v2 =	vand.u32 $0x380, v58;
	v0 =	vor.u32 v57, v59;
	v1 =	vld.idx.msk [tilespmem:v1+s2+$0x0], $0xffff  }
0x2b7: {  	v0 =	vor.u32 v2, v0;
	_ =	sdelay $0x2  }
0x2b8: {  	v61 =	vshll.u32 v60, $0x3  }
0x2b9: {  	v8 =	vand.u32 $0xFFFFC07F, v60;
	v62 =	vand.u32 $0x3C00, v61;
	v63 =	vshrl.u32 v60, $0x4;
	v9 =	vld [tilespmem:$0x1C880];
	[tilespmem:$0x1C850] =	vst v1  }
0x2ba: {  	v2 =	vand.u32 $0x380, v63;
	v1 =	vor.u32 v62, v8;
	v0 =	vld.idx.msk [tilespmem:v0+s2+$0x0], $0xffff  }
0x2bb: {  	v1 =	vor.u32 v2, v1;
	_ =	sdelay $0x2  }
0x2bc: {  	v10 =	vshll.u32 v9, $0x3  }
0x2bd: {  	v13 =	vand.u32 $0xFFFFC07F, v9;
	v11 =	vand.u32 $0x3C00, v10;
	v12 =	vshrl.u32 v9, $0x4;
	v14 =	vld [tilespmem:$0x1C890];
	[tilespmem:$0x1C860] =	vst v0  }
0x2be: {  	v2 =	vand.u32 $0x380, v12;
	v0 =	vor.u32 v11, v13;
	v1 =	vld.idx.msk [tilespmem:v1+s2+$0x0], $0xffff  }
0x2bf: {  	v0 =	vor.u32 v2, v0;
	_ =	sdelay $0x2  }
0x2c0: {  	v15 =	vshll.u32 v14, $0x3  }
0x2c1: {  	v18 =	vand.u32 $0xFFFFC07F, v14;
	v16 =	vand.u32 $0x3C00, v15;
	v17 =	vshrl.u32 v14, $0x4;
	v19 =	vld [tilespmem:$0x1C8A0];
	[tilespmem:$0x1C870] =	vst v1  }
0x2c2: {  	v2 =	vand.u32 $0x380, v17;
	v1 =	vor.u32 v16, v18;
	v0 =	vld.idx.msk [tilespmem:v0+s2+$0x0], $0xffff  }
0x2c3: {  	v1 =	vor.u32 v2, v1;
	_ =	sdelay $0x2  }
0x2c4: {  	v20 =	vshll.u32 v19, $0x3  }
0x2c5: {  	v23 =	vand.u32 $0xFFFFC07F, v19;
	v21 =	vand.u32 $0x3C00, v20;
	v22 =	vshrl.u32 v19, $0x4;
	v24 =	vld [tilespmem:$0x1C8B0];
	[tilespmem:$0x1C880] =	vst v0  }
0x2c6: {  	v2 =	vand.u32 $0x380, v22;
	v0 =	vor.u32 v21, v23;
	v1 =	vld.idx.msk [tilespmem:v1+s2+$0x0], $0xffff  }
0x2c7: {  	v0 =	vor.u32 v2, v0;
	_ =	sdelay $0x2  }
0x2c8: {  	v25 =	vshll.u32 v24, $0x3  }
0x2c9: {  	v28 =	vand.u32 $0xFFFFC07F, v24;
	v26 =	vand.u32 $0x3C00, v25;
	v27 =	vshrl.u32 v24, $0x4;
	v29 =	vld [tilespmem:$0x1C8C0];
	[tilespmem:$0x1C890] =	vst v1  }
0x2ca: {  	v2 =	vand.u32 $0x380, v27;
	v1 =	vor.u32 v26, v28;
	v0 =	vld.idx.msk [tilespmem:v0+s2+$0x0], $0xffff  }
0x2cb: {  	v1 =	vor.u32 v2, v1;
	_ =	sdelay $0x2  }
0x2cc: {  	v30 =	vshll.u32 v29, $0x3  }
0x2cd: {  	v33 =	vand.u32 $0xFFFFC07F, v29;
	v31 =	vand.u32 $0x3C00, v30;
	v32 =	vshrl.u32 v29, $0x4;
	v34 =	vld [tilespmem:$0x1C8D0];
	[tilespmem:$0x1C8A0] =	vst v0  }
0x2ce: {  	v2 =	vand.u32 $0x380, v32;
	v0 =	vor.u32 v31, v33;
	v1 =	vld.idx.msk [tilespmem:v1+s2+$0x0], $0xffff  }
0x2cf: {  	v0 =	vor.u32 v2, v0;
	_ =	sdelay $0x2  }
0x2d0: {  	v35 =	vshll.u32 v34, $0x3  }
0x2d1: {  	v38 =	vand.u32 $0xFFFFC07F, v34;
	v36 =	vand.u32 $0x3C00, v35;
	v37 =	vshrl.u32 v34, $0x4;
	v39 =	vld [tilespmem:$0x1C8E0];
	[tilespmem:$0x1C8B0] =	vst v1  }
0x2d2: {  	v2 =	vand.u32 $0x380, v37;
	v1 =	vor.u32 v36, v38;
	v0 =	vld.idx.msk [tilespmem:v0+s2+$0x0], $0xffff  }
0x2d3: {  	v1 =	vor.u32 v2, v1;
	_ =	sdelay $0x2  }
0x2d4: {  	v40 =	vshll.u32 v39, $0x3  }
0x2d5: {  	v43 =	vand.u32 $0xFFFFC07F, v39;
	v41 =	vand.u32 $0x3C00, v40;
	v42 =	vshrl.u32 v39, $0x4;
	v44 =	vld [tilespmem:$0x1C8F0];
	[tilespmem:$0x1C8C0] =	vst v0  }
0x2d6: {  	v2 =	vand.u32 $0x380, v42;
	v0 =	vor.u32 v41, v43;
	v1 =	vld.idx.msk [tilespmem:v1+s2+$0x0], $0xffff  }
0x2d7: {  	v0 =	vor.u32 v2, v0;
	_ =	sdelay $0x2  }
0x2d8: {  	v45 =	vshll.u32 v44, $0x3  }
0x2d9: {  	v48 =	vand.u32 $0xFFFFC07F, v44;
	v46 =	vand.u32 $0x3C00, v45;
	v47 =	vshrl.u32 v44, $0x4;
	v49 =	vld [tilespmem:$0x1C900];
	[tilespmem:$0x1C8D0] =	vst v1  }
0x2da: {  	v2 =	vand.u32 $0x380, v47;
	v1 =	vor.u32 v46, v48;
	v0 =	vld.idx.msk [tilespmem:v0+s2+$0x0], $0xffff  }
0x2db: {  	v1 =	vor.u32 v2, v1;
	_ =	sdelay $0x2  }
0x2dc: {  	v50 =	vshll.u32 v49, $0x3  }
0x2dd: {  	v53 =	vand.u32 $0xFFFFC07F, v49;
	v51 =	vand.u32 $0x3C00, v50;
	v52 =	vshrl.u32 v49, $0x4;
	v54 =	vld [tilespmem:$0x1C910];
	[tilespmem:$0x1C8E0] =	vst v0  }
0x2de: {  	v2 =	vand.u32 $0x380, v52;
	v0 =	vor.u32 v51, v53;
	v1 =	vld.idx.msk [tilespmem:v1+s2+$0x0], $0xffff  }
0x2df: {  	v0 =	vor.u32 v2, v0;
	_ =	sdelay $0x2  }
0x2e0: {  	v55 =	vshll.u32 v54, $0x3  }
0x2e1: {  	v58 =	vand.u32 $0xFFFFC07F, v54;
	v56 =	vand.u32 $0x3C00, v55;
	v57 =	vshrl.u32 v54, $0x4;
	v59 =	vld [tilespmem:$0x1C920];
	[tilespmem:$0x1C8F0] =	vst v1  }
0x2e2: {  	v2 =	vand.u32 $0x380, v57;
	v1 =	vor.u32 v56, v58;
	v0 =	vld.idx.msk [tilespmem:v0+s2+$0x0], $0xffff  }
0x2e3: {  	v1 =	vor.u32 v2, v1;
	_ =	sdelay $0x2  }
0x2e4: {  	v60 =	vshll.u32 v59, $0x3  }
0x2e5: {  	v63 =	vand.u32 $0xFFFFC07F, v59;
	v61 =	vand.u32 $0x3C00, v60;
	v62 =	vshrl.u32 v59, $0x4;
	v8 =	vld [tilespmem:$0x1C930];
	[tilespmem:$0x1C900] =	vst v0  }
0x2e6: {  	v2 =	vand.u32 $0x380, v62;
	v0 =	vor.u32 v61, v63;
	v1 =	vld.idx.msk [tilespmem:v1+s2+$0x0], $0xffff  }
0x2e7: {  	v0 =	vor.u32 v2, v0;
	_ =	sdelay $0x2  }
0x2e8: {  	v9 =	vshll.u32 v8, $0x3  }
0x2e9: {  	v12 =	vand.u32 $0xFFFFC07F, v8;
	v10 =	vand.u32 $0x3C00, v9;
	v11 =	vshrl.u32 v8, $0x4;
	v13 =	vld [tilespmem:$0x1C940];
	[tilespmem:$0x1C910] =	vst v1  }
0x2ea: {  	v2 =	vand.u32 $0x380, v11;
	v1 =	vor.u32 v10, v12;
	v0 =	vld.idx.msk [tilespmem:v0+s2+$0x0], $0xffff  }
0x2eb: {  	v1 =	vor.u32 v2, v1;
	_ =	sdelay $0x2  }
0x2ec: {  	v14 =	vshll.u32 v13, $0x3  }
0x2ed: {  	v17 =	vand.u32 $0xFFFFC07F, v13;
	v15 =	vand.u32 $0x3C00, v14;
	v16 =	vshrl.u32 v13, $0x4;
	v18 =	vld [tilespmem:$0x1C950];
	[tilespmem:$0x1C920] =	vst v0  }
0x2ee: {  	v2 =	vand.u32 $0x380, v16;
	v0 =	vor.u32 v15, v17;
	v1 =	vld.idx.msk [tilespmem:v1+s2+$0x0], $0xffff  }
0x2ef: {  	v0 =	vor.u32 v2, v0;
	_ =	sdelay $0x2  }
0x2f0: {  	v19 =	vshll.u32 v18, $0x3  }
0x2f1: {  	v22 =	vand.u32 $0xFFFFC07F, v18;
	v20 =	vand.u32 $0x3C00, v19;
	v21 =	vshrl.u32 v18, $0x4;
	v23 =	vld [tilespmem:$0x1C960];
	[tilespmem:$0x1C930] =	vst v1  }
0x2f2: {  	v2 =	vand.u32 $0x380, v21;
	v1 =	vor.u32 v20, v22;
	v0 =	vld.idx.msk [tilespmem:v0+s2+$0x0], $0xffff  }
0x2f3: {  	v1 =	vor.u32 v2, v1;
	_ =	sdelay $0x2  }
0x2f4: {  	v24 =	vshll.u32 v23, $0x3  }
0x2f5: {  	v27 =	vand.u32 $0xFFFFC07F, v23;
	v25 =	vand.u32 $0x3C00, v24;
	v26 =	vshrl.u32 v23, $0x4;
	v28 =	vld [tilespmem:$0x1C970];
	[tilespmem:$0x1C940] =	vst v0  }
0x2f6: {  	v2 =	vand.u32 $0x380, v26;
	v0 =	vor.u32 v25, v27;
	v1 =	vld.idx.msk [tilespmem:v1+s2+$0x0], $0xffff  }
0x2f7: {  	v0 =	vor.u32 v2, v0;
	_ =	sdelay $0x2  }
0x2f8: {  	v29 =	vshll.u32 v28, $0x3  }
0x2f9: {  	v32 =	vand.u32 $0xFFFFC07F, v28;
	v30 =	vand.u32 $0x3C00, v29;
	v31 =	vshrl.u32 v28, $0x4;
	v33 =	vld [tilespmem:$0x1C980];
	[tilespmem:$0x1C950] =	vst v1  }
0x2fa: {  	v2 =	vand.u32 $0x380, v31;
	v1 =	vor.u32 v30, v32;
	v0 =	vld.idx.msk [tilespmem:v0+s2+$0x0], $0xffff  }
0x2fb: {  	v1 =	vor.u32 v2, v1;
	_ =	sdelay $0x2  }
0x2fc: {  	v34 =	vshll.u32 v33, $0x3  }
0x2fd: {  	v37 =	vand.u32 $0xFFFFC07F, v33;
	v35 =	vand.u32 $0x3C00, v34;
	v36 =	vshrl.u32 v33, $0x4;
	v38 =	vld [tilespmem:$0x1C990];
	[tilespmem:$0x1C960] =	vst v0  }
0x2fe: {  	v2 =	vand.u32 $0x380, v36;
	v0 =	vor.u32 v35, v37;
	v1 =	vld.idx.msk [tilespmem:v1+s2+$0x0], $0xffff  }
0x2ff: {  	v0 =	vor.u32 v2, v0;
	_ =	sdelay $0x2  }
0x300: {  	v39 =	vshll.u32 v38, $0x3  }
0x301: {  	v42 =	vand.u32 $0xFFFFC07F, v38;
	v40 =	vand.u32 $0x3C00, v39;
	v41 =	vshrl.u32 v38, $0x4;
	v43 =	vld [tilespmem:$0x1C9A0];
	[tilespmem:$0x1C970] =	vst v1  }
0x302: {  	v2 =	vand.u32 $0x380, v41;
	v1 =	vor.u32 v40, v42;
	v0 =	vld.idx.msk [tilespmem:v0+s2+$0x0], $0xffff  }
0x303: {  	v1 =	vor.u32 v2, v1;
	_ =	sdelay $0x2  }
0x304: {  	v44 =	vshll.u32 v43, $0x3  }
0x305: {  	v47 =	vand.u32 $0xFFFFC07F, v43;
	v45 =	vand.u32 $0x3C00, v44;
	v46 =	vshrl.u32 v43, $0x4;
	v48 =	vld [tilespmem:$0x1C9B0];
	[tilespmem:$0x1C980] =	vst v0  }
0x306: {  	v2 =	vand.u32 $0x380, v46;
	v0 =	vor.u32 v45, v47;
	v1 =	vld.idx.msk [tilespmem:v1+s2+$0x0], $0xffff  }
0x307: {  	v0 =	vor.u32 v2, v0;
	_ =	sdelay $0x2  }
0x308: {  	v49 =	vshll.u32 v48, $0x3  }
0x309: {  	v52 =	vand.u32 $0xFFFFC07F, v48;
	v50 =	vand.u32 $0x3C00, v49;
	v51 =	vshrl.u32 v48, $0x4;
	v53 =	vld [tilespmem:$0x1C9C0];
	[tilespmem:$0x1C990] =	vst v1  }
0x30a: {  	v2 =	vand.u32 $0x380, v51;
	v1 =	vor.u32 v50, v52;
	v0 =	vld.idx.msk [tilespmem:v0+s2+$0x0], $0xffff  }
0x30b: {  	v1 =	vor.u32 v2, v1;
	_ =	sdelay $0x2  }
0x30c: {  	v54 =	vshll.u32 v53, $0x3  }
0x30d: {  	v57 =	vand.u32 $0xFFFFC07F, v53;
	v55 =	vand.u32 $0x3C00, v54;
	v56 =	vshrl.u32 v53, $0x4;
	v58 =	vld [tilespmem:$0x1C9D0];
	[tilespmem:$0x1C9A0] =	vst v0  }
0x30e: {  	v2 =	vand.u32 $0x380, v56;
	v0 =	vor.u32 v55, v57;
	v1 =	vld.idx.msk [tilespmem:v1+s2+$0x0], $0xffff  }
0x30f: {  	v0 =	vor.u32 v2, v0;
	_ =	sdelay $0x2  }
0x310: {  	v59 =	vshll.u32 v58, $0x3  }
0x311: {  	v62 =	vand.u32 $0xFFFFC07F, v58;
	v60 =	vand.u32 $0x3C00, v59;
	v61 =	vshrl.u32 v58, $0x4;
	v63 =	vld [tilespmem:$0x1C9E0];
	[tilespmem:$0x1C9B0] =	vst v1  }
0x312: {  	v2 =	vand.u32 $0x380, v61;
	v1 =	vor.u32 v60, v62;
	v0 =	vld.idx.msk [tilespmem:v0+s2+$0x0], $0xffff  }
0x313: {  	v1 =	vor.u32 v2, v1;
	_ =	sdelay $0x2  }
0x314: {  	v7 =	vshll.u32 v63, $0x3  }
0x315: {  	v11 =	vld [tilespmem:$0x1C9F0];
	v9 =	vshrl.u32 v63, $0x4;
	v8 =	vand.u32 $0x3C00, v7;
	v10 =	vand.u32 $0xFFFFC07F, v63;
	[tilespmem:$0x1C9C0] =	vst v0  }
0x316: {  	v2 =	vand.u32 $0x380, v9;
	v0 =	vor.u32 v8, v10;
	v1 =	vld.idx.msk [tilespmem:v1+s2+$0x0], $0xffff  }
0x317: {  	v0 =	vor.u32 v2, v0;
	_ =	sdelay $0x2  }
0x318: {  	v12 =	vshll.u32 v11, $0x3  }
0x319: {  	v14 =	vshrl.u32 v11, $0x4;
	v13 =	vand.u32 $0x3C00, v12;
	v16 =	vld [tilespmem:$0x1CA00];
	v15 =	vand.u32 $0xFFFFC07F, v11;
	[tilespmem:$0x1C9D0] =	vst v1  }
0x31a: {  	v2 =	vand.u32 $0x380, v14;
	v1 =	vor.u32 v13, v15;
	v0 =	vld.idx.msk [tilespmem:v0+s2+$0x0], $0xffff  }
0x31b: {  	v1 =	vor.u32 v2, v1;
	_ =	sdelay $0x2  }
0x31c: {  	v17 =	vshll.u32 v16, $0x3  }
0x31d: {  	v19 =	vshrl.u32 v16, $0x4;
	v18 =	vand.u32 $0x3C00, v17;
	v21 =	vld [tilespmem:$0x1CA10];
	v20 =	vand.u32 $0xFFFFC07F, v16;
	[tilespmem:$0x1C9E0] =	vst v0  }
0x31e: {  	v2 =	vand.u32 $0x380, v19;
	v0 =	vor.u32 v18, v20;
	v1 =	vld.idx.msk [tilespmem:v1+s2+$0x0], $0xffff  }
0x31f: {  	v0 =	vor.u32 v2, v0;
	_ =	sdelay $0x2  }
0x320: {  	v22 =	vshll.u32 v21, $0x3  }
0x321: {  	v24 =	vshrl.u32 v21, $0x4;
	v23 =	vand.u32 $0x3C00, v22;
	v26 =	vld [tilespmem:$0x1CA20];
	v25 =	vand.u32 $0xFFFFC07F, v21;
	[tilespmem:$0x1C9F0] =	vst v1  }
0x322: {  	v2 =	vand.u32 $0x380, v24;
	v1 =	vor.u32 v23, v25;
	v0 =	vld.idx.msk [tilespmem:v0+s2+$0x0], $0xffff  }
0x323: {  	v1 =	vor.u32 v2, v1;
	_ =	sdelay $0x2  }
0x324: {  	v27 =	vshll.u32 v26, $0x3  }
0x325: {  	v29 =	vshrl.u32 v26, $0x4;
	v28 =	vand.u32 $0x3C00, v27;
	v31 =	vld [tilespmem:$0x1CA30];
	v30 =	vand.u32 $0xFFFFC07F, v26;
	[tilespmem:$0x1CA00] =	vst v0  }
0x326: {  	v2 =	vand.u32 $0x380, v29;
	v0 =	vor.u32 v28, v30;
	v1 =	vld.idx.msk [tilespmem:v1+s2+$0x0], $0xffff  }
0x327: {  	v0 =	vor.u32 v2, v0;
	_ =	sdelay $0x2  }
0x328: {  	v32 =	vshll.u32 v31, $0x3  }
0x329: {  	v34 =	vshrl.u32 v31, $0x4;
	v33 =	vand.u32 $0x3C00, v32;
	v36 =	vld [tilespmem:$0x1CA40];
	v35 =	vand.u32 $0xFFFFC07F, v31;
	[tilespmem:$0x1CA10] =	vst v1  }
0x32a: {  	v2 =	vand.u32 $0x380, v34;
	v1 =	vor.u32 v33, v35;
	v0 =	vld.idx.msk [tilespmem:v0+s2+$0x0], $0xffff  }
0x32b: {  	v1 =	vor.u32 v2, v1;
	_ =	sdelay $0x2  }
0x32c: {  	v37 =	vshll.u32 v36, $0x3  }
0x32d: {  	v39 =	vshrl.u32 v36, $0x4;
	v38 =	vand.u32 $0x3C00, v37;
	v41 =	vld [tilespmem:$0x1CA50];
	v40 =	vand.u32 $0xFFFFC07F, v36;
	[tilespmem:$0x1CA20] =	vst v0  }
0x32e: {  	v2 =	vand.u32 $0x380, v39;
	v0 =	vor.u32 v38, v40;
	v1 =	vld.idx.msk [tilespmem:v1+s2+$0x0], $0xffff  }
0x32f: {  	v0 =	vor.u32 v2, v0;
	_ =	sdelay $0x2  }
0x330: {  	v42 =	vshll.u32 v41, $0x3  }
0x331: {  	v44 =	vshrl.u32 v41, $0x4;
	v43 =	vand.u32 $0x3C00, v42;
	v46 =	vld [tilespmem:$0x1CA60];
	v45 =	vand.u32 $0xFFFFC07F, v41;
	[tilespmem:$0x1CA30] =	vst v1  }
0x332: {  	v2 =	vand.u32 $0x380, v44;
	v1 =	vor.u32 v43, v45;
	v0 =	vld.idx.msk [tilespmem:v0+s2+$0x0], $0xffff  }
0x333: {  	v1 =	vor.u32 v2, v1;
	_ =	sdelay $0x2  }
0x334: {  	v47 =	vshll.u32 v46, $0x3  }
0x335: {  	v49 =	vshrl.u32 v46, $0x4;
	v48 =	vand.u32 $0x3C00, v47;
	v51 =	vld [tilespmem:$0x1CA70];
	v50 =	vand.u32 $0xFFFFC07F, v46;
	[tilespmem:$0x1CA40] =	vst v0  }
0x336: {  	v2 =	vand.u32 $0x380, v49;
	v0 =	vor.u32 v48, v50;
	v1 =	vld.idx.msk [tilespmem:v1+s2+$0x0], $0xffff  }
0x337: {  	v0 =	vor.u32 v2, v0;
	_ =	sdelay $0x2  }
0x338: {  	v52 =	vshll.u32 v51, $0x3  }
0x339: {  	v54 =	vshrl.u32 v51, $0x4;
	v53 =	vand.u32 $0x3C00, v52;
	v56 =	vld [tilespmem:$0x1CA80];
	v55 =	vand.u32 $0xFFFFC07F, v51;
	[tilespmem:$0x1CA50] =	vst v1  }
0x33a: {  	v2 =	vand.u32 $0x380, v54;
	v1 =	vor.u32 v53, v55;
	v0 =	vld.idx.msk [tilespmem:v0+s2+$0x0], $0xffff  }
0x33b: {  	v1 =	vor.u32 v2, v1;
	_ =	sdelay $0x2  }
0x33c: {  	v57 =	vshll.u32 v56, $0x3  }
0x33d: {  	v59 =	vshrl.u32 v56, $0x4;
	v58 =	vand.u32 $0x3C00, v57;
	v61 =	vld [tilespmem:$0x1CA90];
	v60 =	vand.u32 $0xFFFFC07F, v56;
	[tilespmem:$0x1CA60] =	vst v0  }
0x33e: {  	v2 =	vand.u32 $0x380, v59;
	v0 =	vor.u32 v58, v60;
	v1 =	vld.idx.msk [tilespmem:v1+s2+$0x0], $0xffff  }
0x33f: {  	v0 =	vor.u32 v2, v0;
	_ =	sdelay $0x2  }
0x340: {  	v62 =	vshll.u32 v61, $0x3  }
0x341: {  	v63 =	vand.u32 $0x3C00, v62;
	v9 =	vand.u32 $0xFFFFC07F, v61;
	v8 =	vshrl.u32 v61, $0x4;
	v10 =	vld [tilespmem:$0x1CAA0];
	[tilespmem:$0x1CA70] =	vst v1  }
0x342: {  	v2 =	vand.u32 $0x380, v8;
	v1 =	vor.u32 v63, v9;
	v0 =	vld.idx.msk [tilespmem:v0+s2+$0x0], $0xffff  }
0x343: {  	v1 =	vor.u32 v2, v1;
	_ =	sdelay $0x2  }
0x344: {  	v11 =	vshll.u32 v10, $0x3  }
0x345: {  	v14 =	vand.u32 $0xFFFFC07F, v10;
	v12 =	vand.u32 $0x3C00, v11;
	v13 =	vshrl.u32 v10, $0x4;
	v15 =	vld [tilespmem:$0x1CAB0];
	[tilespmem:$0x1CA80] =	vst v0  }
0x346: {  	v2 =	vand.u32 $0x380, v13;
	v0 =	vor.u32 v12, v14;
	v1 =	vld.idx.msk [tilespmem:v1+s2+$0x0], $0xffff  }
0x347: {  	v0 =	vor.u32 v2, v0;
	_ =	sdelay $0x2  }
0x348: {  	v16 =	vshll.u32 v15, $0x3  }
0x349: {  	v19 =	vand.u32 $0xFFFFC07F, v15;
	v17 =	vand.u32 $0x3C00, v16;
	v18 =	vshrl.u32 v15, $0x4;
	v20 =	vld [tilespmem:$0x1CAC0];
	[tilespmem:$0x1CA90] =	vst v1  }
0x34a: {  	v2 =	vand.u32 $0x380, v18;
	v1 =	vor.u32 v17, v19;
	v0 =	vld.idx.msk [tilespmem:v0+s2+$0x0], $0xffff  }
0x34b: {  	v1 =	vor.u32 v2, v1;
	_ =	sdelay $0x2  }
0x34c: {  	v21 =	vshll.u32 v20, $0x3  }
0x34d: {  	v24 =	vand.u32 $0xFFFFC07F, v20;
	v22 =	vand.u32 $0x3C00, v21;
	v23 =	vshrl.u32 v20, $0x4;
	v25 =	vld [tilespmem:$0x1CAD0];
	[tilespmem:$0x1CAA0] =	vst v0  }
0x34e: {  	v2 =	vand.u32 $0x380, v23;
	v0 =	vor.u32 v22, v24;
	v1 =	vld.idx.msk [tilespmem:v1+s2+$0x0], $0xffff  }
0x34f: {  	v0 =	vor.u32 v2, v0;
	_ =	sdelay $0x2  }
0x350: {  	v26 =	vshll.u32 v25, $0x3  }
0x351: {  	v29 =	vand.u32 $0xFFFFC07F, v25;
	v27 =	vand.u32 $0x3C00, v26;
	v28 =	vshrl.u32 v25, $0x4;
	v30 =	vld [tilespmem:$0x1CAE0];
	[tilespmem:$0x1CAB0] =	vst v1  }
0x352: {  	v2 =	vand.u32 $0x380, v28;
	v1 =	vor.u32 v27, v29;
	v0 =	vld.idx.msk [tilespmem:v0+s2+$0x0], $0xffff  }
0x353: {  	v1 =	vor.u32 v2, v1;
	_ =	sdelay $0x2  }
0x354: {  	v31 =	vshll.u32 v30, $0x3  }
0x355: {  	v34 =	vand.u32 $0xFFFFC07F, v30;
	v32 =	vand.u32 $0x3C00, v31;
	v33 =	vshrl.u32 v30, $0x4;
	v35 =	vld [tilespmem:$0x1CAF0];
	[tilespmem:$0x1CAC0] =	vst v0  }
0x356: {  	v2 =	vand.u32 $0x380, v33;
	v0 =	vor.u32 v32, v34;
	v1 =	vld.idx.msk [tilespmem:v1+s2+$0x0], $0xffff  }
0x357: {  	v0 =	vor.u32 v2, v0;
	_ =	sdelay $0x2  }
0x358: {  	v36 =	vshll.u32 v35, $0x3  }
0x359: {  	v39 =	vand.u32 $0xFFFFC07F, v35;
	v37 =	vand.u32 $0x3C00, v36;
	v38 =	vshrl.u32 v35, $0x4;
	v40 =	vld [tilespmem:$0x1CB00];
	[tilespmem:$0x1CAD0] =	vst v1  }
0x35a: {  	v2 =	vand.u32 $0x380, v38;
	v1 =	vor.u32 v37, v39;
	v0 =	vld.idx.msk [tilespmem:v0+s2+$0x0], $0xffff  }
0x35b: {  	v1 =	vor.u32 v2, v1;
	_ =	sdelay $0x2  }
0x35c: {  	v41 =	vshll.u32 v40, $0x3  }
0x35d: {  	v44 =	vand.u32 $0xFFFFC07F, v40;
	v42 =	vand.u32 $0x3C00, v41;
	v43 =	vshrl.u32 v40, $0x4;
	v45 =	vld [tilespmem:$0x1CB10];
	[tilespmem:$0x1CAE0] =	vst v0  }
0x35e: {  	v2 =	vand.u32 $0x380, v43;
	v0 =	vor.u32 v42, v44;
	v1 =	vld.idx.msk [tilespmem:v1+s2+$0x0], $0xffff  }
0x35f: {  	v0 =	vor.u32 v2, v0;
	_ =	sdelay $0x2  }
0x360: {  	v46 =	vshll.u32 v45, $0x3  }
0x361: {  	v49 =	vand.u32 $0xFFFFC07F, v45;
	v47 =	vand.u32 $0x3C00, v46;
	v48 =	vshrl.u32 v45, $0x4;
	v50 =	vld [tilespmem:$0x1CB20];
	[tilespmem:$0x1CAF0] =	vst v1  }
0x362: {  	v2 =	vand.u32 $0x380, v48;
	v1 =	vor.u32 v47, v49;
	v0 =	vld.idx.msk [tilespmem:v0+s2+$0x0], $0xffff  }
0x363: {  	v1 =	vor.u32 v2, v1;
	_ =	sdelay $0x2  }
0x364: {  	v51 =	vshll.u32 v50, $0x3  }
0x365: {  	v54 =	vand.u32 $0xFFFFC07F, v50;
	v52 =	vand.u32 $0x3C00, v51;
	v53 =	vshrl.u32 v50, $0x4;
	v55 =	vld [tilespmem:$0x1CB30];
	[tilespmem:$0x1CB00] =	vst v0  }
0x366: {  	v2 =	vand.u32 $0x380, v53;
	v0 =	vor.u32 v52, v54;
	v1 =	vld.idx.msk [tilespmem:v1+s2+$0x0], $0xffff  }
0x367: {  	v0 =	vor.u32 v2, v0;
	_ =	sdelay $0x2  }
0x368: {  	v56 =	vshll.u32 v55, $0x3  }
0x369: {  	v59 =	vand.u32 $0xFFFFC07F, v55;
	v57 =	vand.u32 $0x3C00, v56;
	v58 =	vshrl.u32 v55, $0x4;
	v60 =	vld [tilespmem:$0x1CB40];
	[tilespmem:$0x1CB10] =	vst v1  }
0x36a: {  	v2 =	vand.u32 $0x380, v58;
	v1 =	vor.u32 v57, v59;
	v0 =	vld.idx.msk [tilespmem:v0+s2+$0x0], $0xffff  }
0x36b: {  	v1 =	vor.u32 v2, v1;
	_ =	sdelay $0x2  }
0x36c: {  	v61 =	vshll.u32 v60, $0x3  }
0x36d: {  	v8 =	vand.u32 $0xFFFFC07F, v60;
	v62 =	vand.u32 $0x3C00, v61;
	v63 =	vshrl.u32 v60, $0x4;
	v9 =	vld [tilespmem:$0x1CB50];
	[tilespmem:$0x1CB20] =	vst v0  }
0x36e: {  	v2 =	vand.u32 $0x380, v63;
	v0 =	vor.u32 v62, v8;
	v1 =	vld.idx.msk [tilespmem:v1+s2+$0x0], $0xffff  }
0x36f: {  	v0 =	vor.u32 v2, v0;
	_ =	sdelay $0x2  }
0x370: {  	v10 =	vshll.u32 v9, $0x3  }
0x371: {  	v13 =	vand.u32 $0xFFFFC07F, v9;
	v11 =	vand.u32 $0x3C00, v10;
	v12 =	vshrl.u32 v9, $0x4;
	v14 =	vld [tilespmem:$0x1CB60];
	[tilespmem:$0x1CB30] =	vst v1  }
0x372: {  	v2 =	vand.u32 $0x380, v12;
	v1 =	vor.u32 v11, v13;
	v0 =	vld.idx.msk [tilespmem:v0+s2+$0x0], $0xffff  }
0x373: {  	v1 =	vor.u32 v2, v1;
	_ =	sdelay $0x2  }
0x374: {  	v15 =	vshll.u32 v14, $0x3  }
0x375: {  	v18 =	vand.u32 $0xFFFFC07F, v14;
	v16 =	vand.u32 $0x3C00, v15;
	v17 =	vshrl.u32 v14, $0x4;
	v19 =	vld [tilespmem:$0x1CB70];
	[tilespmem:$0x1CB40] =	vst v0  }
0x376: {  	v2 =	vand.u32 $0x380, v17;
	v0 =	vor.u32 v16, v18;
	v1 =	vld.idx.msk [tilespmem:v1+s2+$0x0], $0xffff  }
0x377: {  	v0 =	vor.u32 v2, v0;
	_ =	sdelay $0x2  }
0x378: {  	v20 =	vshll.u32 v19, $0x3  }
0x379: {  	v23 =	vand.u32 $0xFFFFC07F, v19;
	v21 =	vand.u32 $0x3C00, v20;
	v22 =	vshrl.u32 v19, $0x4;
	v24 =	vld [tilespmem:$0x1CB80];
	[tilespmem:$0x1CB50] =	vst v1  }
0x37a: {  	v2 =	vand.u32 $0x380, v22;
	v1 =	vor.u32 v21, v23;
	v0 =	vld.idx.msk [tilespmem:v0+s2+$0x0], $0xffff  }
0x37b: {  	v1 =	vor.u32 v2, v1;
	_ =	sdelay $0x2  }
0x37c: {  	v25 =	vshll.u32 v24, $0x3  }
0x37d: {  	v28 =	vand.u32 $0xFFFFC07F, v24;
	v26 =	vand.u32 $0x3C00, v25;
	v27 =	vshrl.u32 v24, $0x4;
	v29 =	vld [tilespmem:$0x1CB90];
	[tilespmem:$0x1CB60] =	vst v0  }
0x37e: {  	v2 =	vand.u32 $0x380, v27;
	v0 =	vor.u32 v26, v28;
	v1 =	vld.idx.msk [tilespmem:v1+s2+$0x0], $0xffff  }
0x37f: {  	v0 =	vor.u32 v2, v0;
	_ =	sdelay $0x2  }
0x380: {  	v30 =	vshll.u32 v29, $0x3  }
0x381: {  	v33 =	vand.u32 $0xFFFFC07F, v29;
	v31 =	vand.u32 $0x3C00, v30;
	v32 =	vshrl.u32 v29, $0x4;
	v34 =	vld [tilespmem:$0x1CBA0];
	[tilespmem:$0x1CB70] =	vst v1  }
0x382: {  	v2 =	vand.u32 $0x380, v32;
	v1 =	vor.u32 v31, v33;
	v0 =	vld.idx.msk [tilespmem:v0+s2+$0x0], $0xffff  }
0x383: {  	v1 =	vor.u32 v2, v1;
	_ =	sdelay $0x2  }
0x384: {  	v35 =	vshll.u32 v34, $0x3  }
0x385: {  	v38 =	vand.u32 $0xFFFFC07F, v34;
	v36 =	vand.u32 $0x3C00, v35;
	v37 =	vshrl.u32 v34, $0x4;
	v39 =	vld [tilespmem:$0x1CBB0];
	[tilespmem:$0x1CB80] =	vst v0  }
0x386: {  	v2 =	vand.u32 $0x380, v37;
	v0 =	vor.u32 v36, v38;
	v1 =	vld.idx.msk [tilespmem:v1+s2+$0x0], $0xffff  }
0x387: {  	v0 =	vor.u32 v2, v0;
	_ =	sdelay $0x2  }
0x388: {  	v40 =	vshll.u32 v39, $0x3  }
0x389: {  	v43 =	vand.u32 $0xFFFFC07F, v39;
	v41 =	vand.u32 $0x3C00, v40;
	v42 =	vshrl.u32 v39, $0x4;
	v44 =	vld [tilespmem:$0x1CBC0];
	[tilespmem:$0x1CB90] =	vst v1  }
0x38a: {  	v2 =	vand.u32 $0x380, v42;
	v1 =	vor.u32 v41, v43;
	v0 =	vld.idx.msk [tilespmem:v0+s2+$0x0], $0xffff  }
0x38b: {  	v1 =	vor.u32 v2, v1;
	_ =	sdelay $0x2  }
0x38c: {  	v45 =	vshll.u32 v44, $0x3  }
0x38d: {  	v48 =	vand.u32 $0xFFFFC07F, v44;
	v46 =	vand.u32 $0x3C00, v45;
	v47 =	vshrl.u32 v44, $0x4;
	v49 =	vld [tilespmem:$0x1CBD0];
	[tilespmem:$0x1CBA0] =	vst v0  }
0x38e: {  	v2 =	vand.u32 $0x380, v47;
	v0 =	vor.u32 v46, v48;
	v1 =	vld.idx.msk [tilespmem:v1+s2+$0x0], $0xffff  }
0x38f: {  	v0 =	vor.u32 v2, v0;
	_ =	sdelay $0x2  }
0x390: {  	v50 =	vshll.u32 v49, $0x3  }
0x391: {  	v53 =	vand.u32 $0xFFFFC07F, v49;
	v51 =	vand.u32 $0x3C00, v50;
	v52 =	vshrl.u32 v49, $0x4;
	v54 =	vld [tilespmem:$0x1CBE0];
	[tilespmem:$0x1CBB0] =	vst v1  }
0x392: {  	v2 =	vand.u32 $0x380, v52;
	v1 =	vor.u32 v51, v53;
	v0 =	vld.idx.msk [tilespmem:v0+s2+$0x0], $0xffff  }
0x393: {  	v1 =	vor.u32 v2, v1;
	_ =	sdelay $0x2  }
0x394: {  	v55 =	vshll.u32 v54, $0x3  }
0x395: {  	v58 =	vand.u32 $0xFFFFC07F, v54;
	v56 =	vand.u32 $0x3C00, v55;
	v57 =	vshrl.u32 v54, $0x4;
	v59 =	vld [tilespmem:$0x1CBF0];
	[tilespmem:$0x1CBC0] =	vst v0  }
0x396: {  	v2 =	vand.u32 $0x380, v57;
	v0 =	vor.u32 v56, v58;
	v1 =	vld.idx.msk [tilespmem:v1+s2+$0x0], $0xffff  }
0x397: {  	v0 =	vor.u32 v2, v0;
	_ =	sdelay $0x2  }
0x398: {  	v60 =	vshll.u32 v59, $0x3  }
0x399: {  	v63 =	vand.u32 $0xFFFFC07F, v59;
	v61 =	vand.u32 $0x3C00, v60;
	v62 =	vshrl.u32 v59, $0x4;
	[tilespmem:$0x1CBD0] =	vst v1  }
0x39a: {  	v2 =	vand.u32 $0x380, v62;
	v1 =	vor.u32 v61, v63;
	v0 =	vld.idx.msk [tilespmem:v0+s2+$0x0], $0xffff  }
0x39b: {  	v1 =	vor.u32 v2, v1;
	_ =	sdelay $0x3  }
0x39c: {  	[tilespmem:$0x1CBE0] =	vst v0  }
0x39d: {  	v0 =	vld.idx.msk [tilespmem:v1+s2+$0x0], $0xffff;
	_ =	sdelay $0x2  }
0x39e: {  	s12 =	sadd.s32 $0x1, s12  }
0x39f: {  	p0 =	seq.s32 s12, $0x8  }
.Ltmp2:
0x3a0: {  	s8 =	sadd.s32 s6, s23;
	[tilespmem:$0x1CBF0] =	vst v0;
	(pc) =	sbr.rel @!p0 .LBB2_2-.Ltmp2, $4  }
0x3a1: {  	[hbm4b:s8+s2] =	stream.linear.scatter [tilespmem:s13], [sflag:$0x3], $0xC00, $0x38;
	[tilespmem:$0x1D080] =	vst v63  }
0x3a2: {  	_ =	swait.ge [sflag:s14], $0xC00  }
0x3a3: {  	[sflag:s14] =	ssyncset.done $0x0  }
0x3a4: {  	[sflag:s14] =	ssyncadd.s32 $0xFFFFF400  }
0x3a5: {  	s8 =	simm.s32 $0x1  }
0x3a6: {  	_ =	swait.ge [sflag:s8], $0x400  }
0x3a7: {  	[sflag:s8] =	ssyncset.done $0x0  }
0x3a8: {  	s19 =	simm.s32 $0x1CC80;
	s22 =	rddreg [dreg:$0x5];
	[sflag:s8] =	ssyncadd.s32 $0xFFFFFC00  }
0x3a9: {  	[hbm4b:s22+s2] =	stream.linear.scatter [tilespmem:s19], [sflag:$0x3], $0x400, $0x38;
	[tilespmem:$0x1D080] =	vst v63  }
0x3aa: {  	_ =	swait.ge [sflag:s14], $0x400  }
0x3ab: {  	s11 =	rddreg [dreg:$0x7]  }
0x3ac: {  	s23 =	rddreg [dreg:$0x6];
	s11 =	sadd.s32 $0x1, s11  }
0x3ad: {  	p0 =	sne.s32 s11, s23  }
.Ltmp3:
0x3ae: {  	_ = 	snop;
	(pc) =	sbr.rel @p0 .LBB2_1-.Ltmp3, $3  }
0x3af: {  	_ =	sdelay $0x1  }
0x3b0: {  	[sflag:s14] =	ssyncset.done $0x0  }
0x3b1: {  	[sflag:s14] =	ssyncadd.s32 $0xFFFFFC00  }
0x3b2: {  	_ =	sfence.sel $0x180000  }
0x3b3: {  	[bflag:$0x0] =	sbarrier.arrive $0xFFFF  }
0x3b4: {  	_ =	strace $0x90000047  }
0x3b5: {  	s0 =	stileid.u32;
	[bflag:$0x2] =	sbarrier.arrive $0xFFFF  }
0x3b6: {  	p0 =	sne.s32 s0, $0x0;
	s0 =	rddreg [dreg:$0x3]  }
0x3b7: {  	s0 =	sadd.s32 @!p0 $0x100000, s0  }
0x3b8: {  	[sflag:s0] =	ssyncadd.tile.s32 @!p0 $0x1;
	_ =	shalt  }
.Lfunc_end2:
_tile_overlayer_lowered:
.L_overlay_start_2:
0x3b9: {  	(tag) =	ssettag $0x2  }
0x3ba: {  	s0 =	rddreg [dreg:$0x0];
	s2 =	stileid.u32  }
0x3bb: {  	s1 =	rddreg [dreg:$0x1];
	p0 =	sne.s32 s2, $0x0  }
0x3bc: {  	s3 =	rddreg [dreg:$0x2];
	[bflag:$0x3] =	sbarrier.arrive $0xFFFF;
	s2 =	simm.s32 @!p0 $0x1C03  }
0x3bd: {  	[timem:s3], [sflag:s2] =	dma.local @!p0 [hbm:s0], s1  }
0x3be: {  	s0 =	simm.s32 @!p0 $0x3  }
0x3bf: {  	_ =	swait.ge @!p0 [sflag:s0], s1  }
0x3c0: {  	s1 =	ssub.s32 @!p0 $0x0, s1;
	[sflag:s0] =	ssyncset.done @!p0 $0x0  }
0x3c1: {  	[sflag:s0] =	ssyncadd.s32 @!p0 s1  }
0x3c2: {  	[bflag:$0x3] =	sbarrier.arrive $0xFFFF  }
0x3c3: {  	_ =	shalt  }

</sc_bundles>
